<compile_context>
chip_gen: v7x
topology: tpu7x:2x2x1
jax: 0.10.2.dev20260603
libtpu: 0.0.44.dev20260713+nightly
codegen_flags: <defaults>
</compile_context>

<pallas_src>
import functools

import jax
import jax.numpy as jnp
from jax import lax
from jax.experimental import pallas as pl
from jax.experimental.pallas import tpu as pltpu
from jax.experimental.pallas import tpu_sc as plsc

L = 16
B = 4
N = 4096
NSLAB = 16
SLAB = N // NSLAB
SC_ = SLAB // L
NWB = 8
QS = N // NWB
QC = QS // L
HOFF = 3 * N
BOFF = 4 * N
STRIDE = 4 * N + NSLAB * L
INF = 3.0e38

_MESH = plsc.VectorSubcoreMesh(core_axis_name="c", subcore_axis_name="s")


def _treemax(v):
    t = [v[l] for l in range(L)]
    while len(t) > 1:
        t = [jnp.maximum(t[i], t[i + 1]) for i in range(0, len(t), 2)]
    return t[0]


def _treemin(v):
    t = [v[l] for l in range(L)]
    while len(t) > 1:
        t = [jnp.minimum(t[i], t[i + 1]) for i in range(0, len(t), 2)]
    return t[0]


def _nn_pass(qv, dv, k):

    def _qchunk(qc, acc):
        qo = (qc * NWB + k) * L
        xq = qv[pl.ds(qo, L)]
        yq = qv[pl.ds(N + qo, L)]
        zq = qv[pl.ds(2 * N + qo, L)]
        nq = qv[pl.ds(HOFF + qo, L)]
        aq = xq * -2.0
        bq = yq * -2.0
        cq = zq * -2.0
        xq_min = _treemin(xq)
        xq_max = _treemax(xq)
        yq_min = yq[0]
        yq_max = yq[L - 1]
        s = qo // SLAB
        base_s = s * SC_

        def _chunk(j, rm):
            do = j * L
            xd = dv[pl.ds(do, L)]
            yd = dv[pl.ds(N + do, L)]
            zd = dv[pl.ds(2 * N + do, L)]
            hc = dv[pl.ds(HOFF + do, L)]
            t = [hc[l] + aq * xd[l] + bq * yd[l] + cq * zd[l]
                 for l in range(L)]
            while len(t) > 1:
                t = [jnp.minimum(t[i], t[i + 1]) for i in range(0, len(t), 2)]
            return jnp.minimum(rm, t[0])

        @plsc.parallel_loop(base_s, base_s + SC_, unroll=8,
                            carry=jnp.full((L,), INF, jnp.float32))
        def rm(j, r):
            return _chunk(j, r)

        ub = _treemax(rm + nq)

        nl = jnp.zeros((), jnp.int32)
        nr = jnp.zeros((), jnp.int32)
        for t in range(NSLAB):
            bc = dv[pl.ds(BOFF + t * L, L)]
            xlo_t = bc[0]
            xhi_t = bc[1]
            gl = xq_min - xhi_t
            gr = xlo_t - xq_max
            nl = nl + jnp.where((gl > 0.0) & (gl * gl > ub), 1, 0)
            nr = nr + jnp.where((gr > 0.0) & (gr * gr > ub), 1, 0)

        @plsc.parallel_loop(nl * SC_, base_s, unroll=4, carry=rm)
        def rm2(j, r):
            return _chunk(j, r)

        @plsc.parallel_loop(base_s + SC_, (NSLAB - nr) * SC_, unroll=4,
                            carry=rm2)
        def rm3(j, r):
            return _chunk(j, r)

        return acc + rm3 + nq

    return lax.fori_loop(0, QC, _qchunk, jnp.zeros((L,), jnp.float32))


@functools.partial(
    pl.kernel,
    out_type=jax.ShapeDtypeStruct((2 * L * NWB * B,), jnp.float32),
    mesh=_MESH,
    scratch_types=[
        pltpu.VMEM((STRIDE,), jnp.float32),
        pltpu.VMEM((STRIDE,), jnp.float32),
        pltpu.VMEM((2 * L,), jnp.float32),
    ],
)
def _cd_kernel(p1_hbm, p2_hbm, out_hbm, p1v, p2v, obuf):
    cid = lax.axis_index("c")
    sid = lax.axis_index("s")
    b = cid * 2 + sid // NWB
    k = sid % NWB

    pltpu.sync_copy(p1_hbm.at[pl.ds(b * STRIDE, STRIDE)], p1v)
    pltpu.sync_copy(p2_hbm.at[pl.ds(b * STRIDE, STRIDE)], p2v)

    d1vec = _nn_pass(p1v, p2v, k)
    d2vec = _nn_pass(p2v, p1v, k)

    obuf[pl.ds(0, L)] = d1vec
    obuf[pl.ds(L, L)] = d2vec
    gwid = cid * 16 + sid
    pltpu.sync_copy(obuf, out_hbm.at[pl.ds(gwid * 2 * L, 2 * L)])


def _prep(p):
    ix = jnp.argsort(p[:, :, 0], axis=1)
    ps = jnp.take_along_axis(p, ix[:, :, None], axis=1)
    xs = ps[:, :, 0]
    xlo = xs[:, ::SLAB]
    xhi = xs[:, SLAB - 1::SLAB]
    psl = ps.reshape(B, NSLAB, SLAB, 3)
    iy = jnp.argsort(psl[:, :, :, 1], axis=2)
    psl = jnp.take_along_axis(psl, iy[:, :, :, None], axis=2)
    pp = psl.reshape(B, N, 3)
    coords = jnp.transpose(pp, (0, 2, 1)).reshape(B, 3 * N)
    norms = jnp.sum(pp * pp, axis=2)
    bounds = jnp.zeros((B, NSLAB, L), jnp.float32)
    bounds = bounds.at[:, :, 0].set(xlo).at[:, :, 1].set(xhi)
    packed = jnp.concatenate(
        [coords, norms, bounds.reshape(B, NSLAB * L)], axis=1)
    return packed.reshape(B * STRIDE)


def kernel(p1, p2):
    out = _cd_kernel(_prep(p1), _prep(p2))
    return jnp.sum(out) * (1.0 / (B * N))

# --- scband reference (transcript-rebuilt; emitter-appended) ---
"""Pipeline reference for scband-ppro-cd-loss-88038239634155 (READ-ONLY COPY).

The authoritative reference and input builder live on the scoring server;
editing this copy changes nothing except your own understanding.
"""

import jax, jax.numpy as jnp
import numpy as np


def setup_inputs(seed: int = 0) -> dict:
    key = jax.random.key(seed)
    k1, k2 = jax.random.split(key)
    p1 = jax.random.normal(k1, (4, 4096, 3), dtype=jnp.float32)
    p2 = jax.random.normal(k2, (4, 4096, 3), dtype=jnp.float32)
    return {"p1": p1, "p2": p2}


def _chamfer(p1, p2):
    # pairwise squared distances [B, N, M]
    diff = p1[:, :, None, :] - p2[:, None, :, :]
    dist = jnp.sum(diff * diff, axis=-1)
    d1 = jnp.min(dist, axis=2)  # for each point in p1, nearest in p2 (squared)
    d2 = jnp.min(dist, axis=1)  # for each point in p2, nearest in p1 (squared)
    idx1 = jnp.argmin(dist, axis=2)
    idx2 = jnp.argmin(dist, axis=1)
    return d1, d2, idx1, idx2


def reference(p1, p2):
    d1, d2, _, _ = _chamfer(p1, p2)
    return jnp.mean(d1) + jnp.mean(d2)

if __name__ == "__main__":
    import jax
    _d = setup_inputs()
    print(jax.jit(kernel)(*tuple(_d.values())))

</pallas_src>

<mosaic_0001>
#map = affine_map<(d0, d1) -> (0)>
module attributes {stable_mosaic.version = 14 : i64} {
  func.func @_cd_kernel(%arg0: i32, %arg1: i32, %arg2: memref<66560xf32, #tpu.memory_space<hbm>>, %arg3: memref<66560xf32, #tpu.memory_space<hbm>>, %arg4: memref<1024xf32, #tpu.memory_space<hbm>>, %arg5: memref<16640xf32, #tpu.memory_space<vmem>>, %arg6: memref<16640xf32, #tpu.memory_space<vmem>>, %arg7: memref<32xf32, #tpu.memory_space<vmem>>) attributes {dimension_semantics = [#tpu.dimension_semantics<core_parallel>, #tpu.dimension_semantics<subcore_parallel>], iteration_bounds = array<i64: 2, 16>, scalar_prefetch = 0 : i64, scratch_operands = 3 : i64, tpu.core_type = #tpu.core_type<sc_vector_subcore>, window_params = [{transform_indices = #map}, {transform_indices = #map}, {transform_indices = #map}]} {
    %mul3A = arith.constant 2 : i32
    %mul3A_0 = arith.muli %arg0, %mul3A : i32
    %jit3A = arith.constant 8 : i32
    %div3A = arith.divsi %arg1, %jit3A : i32
    %sign3A = arith.constant 0 : i32
    %sign3A_1 = arith.cmpi sgt, %arg1, %sign3A : i32
    %sign3A_2 = arith.extui %sign3A_1 : i1 to i32
    %sign3A_3 = arith.constant 0 : i32
    %sign3A_4 = arith.cmpi slt, %arg1, %sign3A_3 : i32
    %sign3A_5 = arith.extui %sign3A_4 : i1 to i32
    %sign3A_6 = arith.subi %sign3A_2, %sign3A_5 : i32
    %sign3A_7 = arith.constant 0 : i32
    %sign3A_8 = arith.cmpi sgt, %jit3A, %sign3A_7 : i32
    %sign3A_9 = arith.extui %sign3A_8 : i1 to i32
    %sign3A_10 = arith.constant 0 : i32
    %sign3A_11 = arith.cmpi slt, %jit3A, %sign3A_10 : i32
    %sign3A_12 = arith.extui %sign3A_11 : i1 to i32
    %sign3A_13 = arith.subi %sign3A_9, %sign3A_12 : i32
    %ne3A = arith.cmpi ne, %sign3A_6, %sign3A_13 : i32
    %rem3A = arith.remsi %arg1, %jit3A : i32
    %ne3A_14 = arith.constant 0 : i32
    %ne3A_15 = arith.cmpi ne, %rem3A, %ne3A_14 : i32
    %and3A = arith.andi %ne3A, %ne3A_15 : i1
    %sub3A = arith.constant 1 : i32
    %sub3A_16 = arith.subi %div3A, %sub3A : i32
    %select_n3A = arith.select %and3A, %sub3A_16, %div3A : i32
    %add3A = arith.addi %mul3A_0, %select_n3A : i32
    %jit3A_17 = arith.constant 8 : i32
    %eq3A = arith.constant 0 : i32
    %eq3A_18 = arith.cmpi eq, %jit3A_17, %eq3A : i32
    %jit3A_19 = arith.constant 1 : i32
    %select_n3A_20 = arith.select %eq3A_18, %jit3A_19, %jit3A_17 : i32
    %rem3A_21 = arith.remsi %arg1, %select_n3A_20 : i32
    %ne3A_22 = arith.constant 0 : i32
    %ne3A_23 = arith.cmpi ne, %rem3A_21, %ne3A_22 : i32
    %lt3A = arith.constant 0 : i32
    %lt3A_24 = arith.cmpi slt, %rem3A_21, %lt3A : i32
    %lt3A_25 = arith.constant 0 : i32
    %lt3A_26 = arith.cmpi slt, %select_n3A_20, %lt3A_25 : i32
    %ne3A_27 = arith.xori %lt3A_24, %lt3A_26 : i1
    %and3A_28 = arith.andi %ne3A_27, %ne3A_23 : i1
    %add3A_29 = arith.addi %rem3A_21, %select_n3A_20 : i32
    %select_n3A_30 = arith.select %and3A_28, %add3A_29, %rem3A_21 : i32
    %mul3A_31 = arith.constant 16640 : i32
    %mul3A_32 = arith.muli %add3A, %mul3A_31 : i32
    "tpu.region"() ({
      %run_scoped3A = tpu.sem_alloc : memref<!tpu.dma_semaphore, #tpu.memory_space<semaphore_mem>>
      %dma_start3A = tpu.memref_slice %arg2[%mul3A_32] : memref<66560xf32, #tpu.memory_space<hbm>> -> memref<16640xf32, #tpu.memory_space<hbm>>
      %dma_start3A_63 = tpu.memref_slice %arg2[%mul3A_32] : memref<66560xf32, #tpu.memory_space<hbm>> -> memref<16640xf32, #tpu.memory_space<hbm>>
      tpu.enqueue_dma source(%dma_start3A_63 : memref<16640xf32, #tpu.memory_space<hbm>>) target(%arg5 : memref<16640xf32, #tpu.memory_space<vmem>>) target_semaphore(%run_scoped3A : memref<!tpu.dma_semaphore, #tpu.memory_space<semaphore_mem>>)
      %dma_wait3A = tpu.memref_slice %arg2[%mul3A_32] : memref<66560xf32, #tpu.memory_space<hbm>> -> memref<16640xf32, #tpu.memory_space<hbm>>
      %dma_wait3A_64 = tpu.memref_slice %arg2[%mul3A_32] : memref<66560xf32, #tpu.memory_space<hbm>> -> memref<16640xf32, #tpu.memory_space<hbm>>
      tpu.wait_dma2 semaphore(%run_scoped3A : memref<!tpu.dma_semaphore, #tpu.memory_space<semaphore_mem>>) src(%dma_wait3A_64 : memref<16640xf32, #tpu.memory_space<hbm>>) dst(%arg5 : memref<16640xf32, #tpu.memory_space<vmem>>)
      tpu.yield
    }) : () -> ()
    %mul3A_33 = arith.constant 16640 : i32
    %mul3A_34 = arith.muli %add3A, %mul3A_33 : i32
    "tpu.region"() ({
      %run_scoped3A = tpu.sem_alloc : memref<!tpu.dma_semaphore, #tpu.memory_space<semaphore_mem>>
      %dma_start3A = tpu.memref_slice %arg3[%mul3A_34] : memref<66560xf32, #tpu.memory_space<hbm>> -> memref<16640xf32, #tpu.memory_space<hbm>>
      %dma_start3A_63 = tpu.memref_slice %arg3[%mul3A_34] : memref<66560xf32, #tpu.memory_space<hbm>> -> memref<16640xf32, #tpu.memory_space<hbm>>
      tpu.enqueue_dma source(%dma_start3A_63 : memref<16640xf32, #tpu.memory_space<hbm>>) target(%arg6 : memref<16640xf32, #tpu.memory_space<vmem>>) target_semaphore(%run_scoped3A : memref<!tpu.dma_semaphore, #tpu.memory_space<semaphore_mem>>)
      %dma_wait3A = tpu.memref_slice %arg3[%mul3A_34] : memref<66560xf32, #tpu.memory_space<hbm>> -> memref<16640xf32, #tpu.memory_space<hbm>>
      %dma_wait3A_64 = tpu.memref_slice %arg3[%mul3A_34] : memref<66560xf32, #tpu.memory_space<hbm>> -> memref<16640xf32, #tpu.memory_space<hbm>>
      tpu.wait_dma2 semaphore(%run_scoped3A : memref<!tpu.dma_semaphore, #tpu.memory_space<semaphore_mem>>) src(%dma_wait3A_64 : memref<16640xf32, #tpu.memory_space<hbm>>) dst(%arg6 : memref<16640xf32, #tpu.memory_space<vmem>>)
      tpu.yield
    }) : () -> ()
    %broadcast_in_dim3A = arith.constant 0.000000e+00 : f32
    %broadcast_in_dim3A_35 = vector.broadcast %broadcast_in_dim3A : f32 to vector<16xf32>
    %scan3A = arith.constant 0 : i32
    %scan3A_36 = arith.constant 32 : i32
    %scan3A_37 = arith.addi %scan3A, %scan3A_36 : i32
    %scan3A_38 = arith.constant 1 : i32
    %scan3A_39 = scf.for %scan3A_63 = %scan3A to %scan3A_37 step %scan3A_38 iter_args(%scan3A_64 = %broadcast_in_dim3A_35) -> (vector<16xf32>)  : i32 {
      %mul3A_65 = arith.constant 8 : i32
      %mul3A_66 = arith.muli %scan3A_63, %mul3A_65 : i32
      %add3A_67 = arith.addi %mul3A_66, %select_n3A_30 : i32
      %mul3A_68 = arith.constant 16 : i32
      %mul3A_69 = arith.muli %add3A_67, %mul3A_68 : i32
      %get3A = arith.index_cast %mul3A_69 : i32 to index
      %get3A_70 = tpu.vector_load %arg5[%get3A] {strides = array<i32>} : memref<16640xf32, #tpu.memory_space<vmem>>, vector<16xf32>,
      %get3A_71 = vector.shape_cast %get3A_70 : vector<16xf32> to vector<16xf32>
      %add3A_72 = arith.constant 4096 : i32
      %add3A_73 = arith.addi %add3A_72, %mul3A_69 : i32
      %get3A_74 = arith.index_cast %add3A_73 : i32 to index
      %get3A_75 = tpu.vector_load %arg5[%get3A_74] {strides = array<i32>} : memref<16640xf32, #tpu.memory_space<vmem>>, vector<16xf32>,
      %get3A_76 = vector.shape_cast %get3A_75 : vector<16xf32> to vector<16xf32>
      %add3A_77 = arith.constant 8192 : i32
      %add3A_78 = arith.addi %add3A_77, %mul3A_69 : i32
      %get3A_79 = arith.index_cast %add3A_78 : i32 to index
      %get3A_80 = tpu.vector_load %arg5[%get3A_79] {strides = array<i32>} : memref<16640xf32, #tpu.memory_space<vmem>>, vector<16xf32>,
      %get3A_81 = vector.shape_cast %get3A_80 : vector<16xf32> to vector<16xf32>
      %add3A_82 = arith.constant 12288 : i32
      %add3A_83 = arith.addi %add3A_82, %mul3A_69 : i32
      %get3A_84 = arith.index_cast %add3A_83 : i32 to index
      %get3A_85 = tpu.vector_load %arg5[%get3A_84] {strides = array<i32>} : memref<16640xf32, #tpu.memory_space<vmem>>, vector<16xf32>,
      %get3A_86 = vector.shape_cast %get3A_85 : vector<16xf32> to vector<16xf32>
      %mul3A_87 = arith.constant -2.000000e+00 : f32
      %mul3A_88 = vector.broadcast %mul3A_87 : f32 to vector<16xf32>
      %mul3A_89 = arith.mulf %get3A_71, %mul3A_88 : vector<16xf32>
      %mul3A_90 = arith.constant -2.000000e+00 : f32
      %mul3A_91 = vector.broadcast %mul3A_90 : f32 to vector<16xf32>
      %mul3A_92 = arith.mulf %get3A_76, %mul3A_91 : vector<16xf32>
      %mul3A_93 = arith.constant -2.000000e+00 : f32
      %mul3A_94 = vector.broadcast %mul3A_93 : f32 to vector<16xf32>
      %mul3A_95 = arith.mulf %get3A_81, %mul3A_94 : vector<16xf32>
      %slice3A = vector.extract_strided_slice %get3A_71 {offsets = [0], sizes = [1], strides = [1]} : vector<16xf32> to vector<1xf32>
      %squeeze3A = vector.extract %slice3A[0] : f32 from vector<1xf32>
      %slice3A_96 = vector.extract_strided_slice %get3A_71 {offsets = [1], sizes = [1], strides = [1]} : vector<16xf32> to vector<1xf32>
      %squeeze3A_97 = vector.extract %slice3A_96[0] : f32 from vector<1xf32>
      %slice3A_98 = vector.extract_strided_slice %get3A_71 {offsets = [2], sizes = [1], strides = [1]} : vector<16xf32> to vector<1xf32>
      %squeeze3A_99 = vector.extract %slice3A_98[0] : f32 from vector<1xf32>
      %slice3A_100 = vector.extract_strided_slice %get3A_71 {offsets = [3], sizes = [1], strides = [1]} : vector<16xf32> to vector<1xf32>
      %squeeze3A_101 = vector.extract %slice3A_100[0] : f32 from vector<1xf32>
      %slice3A_102 = vector.extract_strided_slice %get3A_71 {offsets = [4], sizes = [1], strides = [1]} : vector<16xf32> to vector<1xf32>
      %squeeze3A_103 = vector.extract %slice3A_102[0] : f32 from vector<1xf32>
      %slice3A_104 = vector.extract_strided_slice %get3A_71 {offsets = [5], sizes = [1], strides = [1]} : vector<16xf32> to vector<1xf32>
      %squeeze3A_105 = vector.extract %slice3A_104[0] : f32 from vector<1xf32>
      %slice3A_106 = vector.extract_strided_slice %get3A_71 {offsets = [6], sizes = [1], strides = [1]} : vector<16xf32> to vector<1xf32>
      %squeeze3A_107 = vector.extract %slice3A_106[0] : f32 from vector<1xf32>
      %slice3A_108 = vector.extract_strided_slice %get3A_71 {offsets = [7], sizes = [1], strides = [1]} : vector<16xf32> to vector<1xf32>
      %squeeze3A_109 = vector.extract %slice3A_108[0] : f32 from vector<1xf32>
      %slice3A_110 = vector.extract_strided_slice %get3A_71 {offsets = [8], sizes = [1], strides = [1]} : vector<16xf32> to vector<1xf32>
      %squeeze3A_111 = vector.extract %slice3A_110[0] : f32 from vector<1xf32>
      %slice3A_112 = vector.extract_strided_slice %get3A_71 {offsets = [9], sizes = [1], strides = [1]} : vector<16xf32> to vector<1xf32>
      %squeeze3A_113 = vector.extract %slice3A_112[0] : f32 from vector<1xf32>
      %slice3A_114 = vector.extract_strided_slice %get3A_71 {offsets = [10], sizes = [1], strides = [1]} : vector<16xf32> to vector<1xf32>
      %squeeze3A_115 = vector.extract %slice3A_114[0] : f32 from vector<1xf32>
      %slice3A_116 = vector.extract_strided_slice %get3A_71 {offsets = [11], sizes = [1], strides = [1]} : vector<16xf32> to vector<1xf32>
      %squeeze3A_117 = vector.extract %slice3A_116[0] : f32 from vector<1xf32>
      %slice3A_118 = vector.extract_strided_slice %get3A_71 {offsets = [12], sizes = [1], strides = [1]} : vector<16xf32> to vector<1xf32>
      %squeeze3A_119 = vector.extract %slice3A_118[0] : f32 from vector<1xf32>
      %slice3A_120 = vector.extract_strided_slice %get3A_71 {offsets = [13], sizes = [1], strides = [1]} : vector<16xf32> to vector<1xf32>
      %squeeze3A_121 = vector.extract %slice3A_120[0] : f32 from vector<1xf32>
      %slice3A_122 = vector.extract_strided_slice %get3A_71 {offsets = [14], sizes = [1], strides = [1]} : vector<16xf32> to vector<1xf32>
      %squeeze3A_123 = vector.extract %slice3A_122[0] : f32 from vector<1xf32>
      %slice3A_124 = vector.extract_strided_slice %get3A_71 {offsets = [15], sizes = [1], strides = [1]} : vector<16xf32> to vector<1xf32>
      %squeeze3A_125 = vector.extract %slice3A_124[0] : f32 from vector<1xf32>
      %min3A = arith.minimumf %squeeze3A, %squeeze3A_97 : f32
      %min3A_126 = arith.minimumf %squeeze3A_99, %squeeze3A_101 : f32
      %min3A_127 = arith.minimumf %squeeze3A_103, %squeeze3A_105 : f32
      %min3A_128 = arith.minimumf %squeeze3A_107, %squeeze3A_109 : f32
      %min3A_129 = arith.minimumf %squeeze3A_111, %squeeze3A_113 : f32
      %min3A_130 = arith.minimumf %squeeze3A_115, %squeeze3A_117 : f32
      %min3A_131 = arith.minimumf %squeeze3A_119, %squeeze3A_121 : f32
      %min3A_132 = arith.minimumf %squeeze3A_123, %squeeze3A_125 : f32
      %min3A_133 = arith.minimumf %min3A, %min3A_126 : f32
      %min3A_134 = arith.minimumf %min3A_127, %min3A_128 : f32
      %min3A_135 = arith.minimumf %min3A_129, %min3A_130 : f32
      %min3A_136 = arith.minimumf %min3A_131, %min3A_132 : f32
      %min3A_137 = arith.minimumf %min3A_133, %min3A_134 : f32
      %min3A_138 = arith.minimumf %min3A_135, %min3A_136 : f32
      %min3A_139 = arith.minimumf %min3A_137, %min3A_138 : f32
      %slice3A_140 = vector.extract_strided_slice %get3A_71 {offsets = [0], sizes = [1], strides = [1]} : vector<16xf32> to vector<1xf32>
      %squeeze3A_141 = vector.extract %slice3A_140[0] : f32 from vector<1xf32>
      %slice3A_142 = vector.extract_strided_slice %get3A_71 {offsets = [1], sizes = [1], strides = [1]} : vector<16xf32> to vector<1xf32>
      %squeeze3A_143 = vector.extract %slice3A_142[0] : f32 from vector<1xf32>
      %slice3A_144 = vector.extract_strided_slice %get3A_71 {offsets = [2], sizes = [1], strides = [1]} : vector<16xf32> to vector<1xf32>
      %squeeze3A_145 = vector.extract %slice3A_144[0] : f32 from vector<1xf32>
      %slice3A_146 = vector.extract_strided_slice %get3A_71 {offsets = [3], sizes = [1], strides = [1]} : vector<16xf32> to vector<1xf32>
      %squeeze3A_147 = vector.extract %slice3A_146[0] : f32 from vector<1xf32>
      %slice3A_148 = vector.extract_strided_slice %get3A_71 {offsets = [4], sizes = [1], strides = [1]} : vector<16xf32> to vector<1xf32>
      %squeeze3A_149 = vector.extract %slice3A_148[0] : f32 from vector<1xf32>
      %slice3A_150 = vector.extract_strided_slice %get3A_71 {offsets = [5], sizes = [1], strides = [1]} : vector<16xf32> to vector<1xf32>
      %squeeze3A_151 = vector.extract %slice3A_150[0] : f32 from vector<1xf32>
      %slice3A_152 = vector.extract_strided_slice %get3A_71 {offsets = [6], sizes = [1], strides = [1]} : vector<16xf32> to vector<1xf32>
      %squeeze3A_153 = vector.extract %slice3A_152[0] : f32 from vector<1xf32>
      %slice3A_154 = vector.extract_strided_slice %get3A_71 {offsets = [7], sizes = [1], strides = [1]} : vector<16xf32> to vector<1xf32>
      %squeeze3A_155 = vector.extract %slice3A_154[0] : f32 from vector<1xf32>
      %slice3A_156 = vector.extract_strided_slice %get3A_71 {offsets = [8], sizes = [1], strides = [1]} : vector<16xf32> to vector<1xf32>
      %squeeze3A_157 = vector.extract %slice3A_156[0] : f32 from vector<1xf32>
      %slice3A_158 = vector.extract_strided_slice %get3A_71 {offsets = [9], sizes = [1], strides = [1]} : vector<16xf32> to vector<1xf32>
      %squeeze3A_159 = vector.extract %slice3A_158[0] : f32 from vector<1xf32>
      %slice3A_160 = vector.extract_strided_slice %get3A_71 {offsets = [10], sizes = [1], strides = [1]} : vector<16xf32> to vector<1xf32>
      %squeeze3A_161 = vector.extract %slice3A_160[0] : f32 from vector<1xf32>
      %slice3A_162 = vector.extract_strided_slice %get3A_71 {offsets = [11], sizes = [1], strides = [1]} : vector<16xf32> to vector<1xf32>
      %squeeze3A_163 = vector.extract %slice3A_162[0] : f32 from vector<1xf32>
      %slice3A_164 = vector.extract_strided_slice %get3A_71 {offsets = [12], sizes = [1], strides = [1]} : vector<16xf32> to vector<1xf32>
      %squeeze3A_165 = vector.extract %slice3A_164[0] : f32 from vector<1xf32>
      %slice3A_166 = vector.extract_strided_slice %get3A_71 {offsets = [13], sizes = [1], strides = [1]} : vector<16xf32> to vector<1xf32>
      %squeeze3A_167 = vector.extract %slice3A_166[0] : f32 from vector<1xf32>
      %slice3A_168 = vector.extract_strided_slice %get3A_71 {offsets = [14], sizes = [1], strides = [1]} : vector<16xf32> to vector<1xf32>
      %squeeze3A_169 = vector.extract %slice3A_168[0] : f32 from vector<1xf32>
      %slice3A_170 = vector.extract_strided_slice %get3A_71 {offsets = [15], sizes = [1], strides = [1]} : vector<16xf32> to vector<1xf32>
      %squeeze3A_171 = vector.extract %slice3A_170[0] : f32 from vector<1xf32>
      %max3A = arith.maximumf %squeeze3A_141, %squeeze3A_143 : f32
      %max3A_172 = arith.maximumf %squeeze3A_145, %squeeze3A_147 : f32
      %max3A_173 = arith.maximumf %squeeze3A_149, %squeeze3A_151 : f32
      %max3A_174 = arith.maximumf %squeeze3A_153, %squeeze3A_155 : f32
      %max3A_175 = arith.maximumf %squeeze3A_157, %squeeze3A_159 : f32
      %max3A_176 = arith.maximumf %squeeze3A_161, %squeeze3A_163 : f32
      %max3A_177 = arith.maximumf %squeeze3A_165, %squeeze3A_167 : f32
      %max3A_178 = arith.maximumf %squeeze3A_169, %squeeze3A_171 : f32
      %max3A_179 = arith.maximumf %max3A, %max3A_172 : f32
      %max3A_180 = arith.maximumf %max3A_173, %max3A_174 : f32
      %max3A_181 = arith.maximumf %max3A_175, %max3A_176 : f32
      %max3A_182 = arith.maximumf %max3A_177, %max3A_178 : f32
      %max3A_183 = arith.maximumf %max3A_179, %max3A_180 : f32
      %max3A_184 = arith.maximumf %max3A_181, %max3A_182 : f32
      %max3A_185 = arith.maximumf %max3A_183, %max3A_184 : f32
      %slice3A_186 = vector.extract_strided_slice %get3A_76 {offsets = [0], sizes = [1], strides = [1]} : vector<16xf32> to vector<1xf32>
      %squeeze3A_187 = vector.extract %slice3A_186[0] : f32 from vector<1xf32>
      %slice3A_188 = vector.extract_strided_slice %get3A_76 {offsets = [15], sizes = [1], strides = [1]} : vector<16xf32> to vector<1xf32>
      %squeeze3A_189 = vector.extract %slice3A_188[0] : f32 from vector<1xf32>
      %jit3A_190 = arith.constant 256 : i32
      %div3A_191 = arith.divsi %mul3A_69, %jit3A_190 : i32
      %sign3A_192 = arith.constant 0 : i32
      %sign3A_193 = arith.cmpi sgt, %mul3A_69, %sign3A_192 : i32
      %sign3A_194 = arith.extui %sign3A_193 : i1 to i32
      %sign3A_195 = arith.constant 0 : i32
      %sign3A_196 = arith.cmpi slt, %mul3A_69, %sign3A_195 : i32
      %sign3A_197 = arith.extui %sign3A_196 : i1 to i32
      %sign3A_198 = arith.subi %sign3A_194, %sign3A_197 : i32
      %sign3A_199 = arith.constant 0 : i32
      %sign3A_200 = arith.cmpi sgt, %jit3A_190, %sign3A_199 : i32
      %sign3A_201 = arith.extui %sign3A_200 : i1 to i32
      %sign3A_202 = arith.constant 0 : i32
      %sign3A_203 = arith.cmpi slt, %jit3A_190, %sign3A_202 : i32
      %sign3A_204 = arith.extui %sign3A_203 : i1 to i32
      %sign3A_205 = arith.subi %sign3A_201, %sign3A_204 : i32
      %ne3A_206 = arith.cmpi ne, %sign3A_198, %sign3A_205 : i32
      %rem3A_207 = arith.remsi %mul3A_69, %jit3A_190 : i32
      %ne3A_208 = arith.constant 0 : i32
      %ne3A_209 = arith.cmpi ne, %rem3A_207, %ne3A_208 : i32
      %and3A_210 = arith.andi %ne3A_206, %ne3A_209 : i1
      %sub3A_211 = arith.constant 1 : i32
      %sub3A_212 = arith.subi %div3A_191, %sub3A_211 : i32
      %select_n3A_213 = arith.select %and3A_210, %sub3A_212, %div3A_191 : i32
      %mul3A_214 = arith.constant 16 : i32
      %mul3A_215 = arith.muli %select_n3A_213, %mul3A_214 : i32
      %add3A_216 = arith.constant 16 : i32
      %add3A_217 = arith.addi %mul3A_215, %add3A_216 : i32
      %broadcast_in_dim3A_218 = arith.constant 3.000000e+38 : f32
      %broadcast_in_dim3A_219 = vector.broadcast %broadcast_in_dim3A_218 : f32 to vector<16xf32>
      %parallel_loop3A = arith.constant 1 : i32
      %parallel_loop3A_220 = scf.for %parallel_loop3A_716 = %mul3A_215 to %add3A_217 step %parallel_loop3A iter_args(%parallel_loop3A_717 = %broadcast_in_dim3A_219) -> (vector<16xf32>)  : i32 {
        %parallel_loop3A_718 = arith.constant 16 : i32
        %parallel_loop3A_719 = arith.muli %parallel_loop3A_716, %parallel_loop3A_718 : i32
        %parallel_loop3A_720 = arith.index_cast %parallel_loop3A_719 : i32 to index
        %parallel_loop3A_721 = tpu.vector_load %arg6[%parallel_loop3A_720] {strides = array<i32>} : memref<16640xf32, #tpu.memory_space<vmem>>, vector<16xf32>,
        %parallel_loop3A_722 = vector.shape_cast %parallel_loop3A_721 : vector<16xf32> to vector<16xf32>
        %parallel_loop3A_723 = arith.constant 4096 : i32
        %parallel_loop3A_724 = arith.addi %parallel_loop3A_723, %parallel_loop3A_719 : i32
        %parallel_loop3A_725 = arith.index_cast %parallel_loop3A_724 : i32 to index
        %parallel_loop3A_726 = tpu.vector_load %arg6[%parallel_loop3A_725] {strides = array<i32>} : memref<16640xf32, #tpu.memory_space<vmem>>, vector<16xf32>,
        %parallel_loop3A_727 = vector.shape_cast %parallel_loop3A_726 : vector<16xf32> to vector<16xf32>
        %parallel_loop3A_728 = arith.constant 8192 : i32
        %parallel_loop3A_729 = arith.addi %parallel_loop3A_728, %parallel_loop3A_719 : i32
        %parallel_loop3A_730 = arith.index_cast %parallel_loop3A_729 : i32 to index
        %parallel_loop3A_731 = tpu.vector_load %arg6[%parallel_loop3A_730] {strides = array<i32>} : memref<16640xf32, #tpu.memory_space<vmem>>, vector<16xf32>,
        %parallel_loop3A_732 = vector.shape_cast %parallel_loop3A_731 : vector<16xf32> to vector<16xf32>
        %parallel_loop3A_733 = arith.constant 12288 : i32
        %parallel_loop3A_734 = arith.addi %parallel_loop3A_733, %parallel_loop3A_719 : i32
        %parallel_loop3A_735 = arith.index_cast %parallel_loop3A_734 : i32 to index
        %parallel_loop3A_736 = tpu.vector_load %arg6[%parallel_loop3A_735] {strides = array<i32>} : memref<16640xf32, #tpu.memory_space<vmem>>, vector<16xf32>,
        %parallel_loop3A_737 = vector.shape_cast %parallel_loop3A_736 : vector<16xf32> to vector<16xf32>
        %parallel_loop3A_738 = vector.extract_strided_slice %parallel_loop3A_737 {offsets = [0], sizes = [1], strides = [1]} : vector<16xf32> to vector<1xf32>
        %parallel_loop3A_739 = vector.extract %parallel_loop3A_738[0] : f32 from vector<1xf32>
        %parallel_loop3A_740 = vector.extract_strided_slice %parallel_loop3A_722 {offsets = [0], sizes = [1], strides = [1]} : vector<16xf32> to vector<1xf32>
        %parallel_loop3A_741 = vector.extract %parallel_loop3A_740[0] : f32 from vector<1xf32>
        %parallel_loop3A_742 = vector.broadcast %parallel_loop3A_741 : f32 to vector<16xf32>
        %parallel_loop3A_743 = arith.mulf %mul3A_89, %parallel_loop3A_742 : vector<16xf32>
        %parallel_loop3A_744 = vector.broadcast %parallel_loop3A_739 : f32 to vector<16xf32>
        %parallel_loop3A_745 = arith.addf %parallel_loop3A_744, %parallel_loop3A_743 : vector<16xf32>
        %parallel_loop3A_746 = vector.extract_strided_slice %parallel_loop3A_727 {offsets = [0], sizes = [1], strides = [1]} : vector<16xf32> to vector<1xf32>
        %parallel_loop3A_747 = vector.extract %parallel_loop3A_746[0] : f32 from vector<1xf32>
        %parallel_loop3A_748 = vector.broadcast %parallel_loop3A_747 : f32 to vector<16xf32>
        %parallel_loop3A_749 = arith.mulf %mul3A_92, %parallel_loop3A_748 : vector<16xf32>
        %parallel_loop3A_750 = arith.addf %parallel_loop3A_745, %parallel_loop3A_749 : vector<16xf32>
        %parallel_loop3A_751 = vector.extract_strided_slice %parallel_loop3A_732 {offsets = [0], sizes = [1], strides = [1]} : vector<16xf32> to vector<1xf32>
        %parallel_loop3A_752 = vector.extract %parallel_loop3A_751[0] : f32 from vector<1xf32>
        %parallel_loop3A_753 = vector.broadcast %parallel_loop3A_752 : f32 to vector<16xf32>
        %parallel_loop3A_754 = arith.mulf %mul3A_95, %parallel_loop3A_753 : vector<16xf32>
        %parallel_loop3A_755 = arith.addf %parallel_loop3A_750, %parallel_loop3A_754 : vector<16xf32>
        %parallel_loop3A_756 = vector.extract_strided_slice %parallel_loop3A_737 {offsets = [1], sizes = [1], strides = [1]} : vector<16xf32> to vector<1xf32>
        %parallel_loop3A_757 = vector.extract %parallel_loop3A_756[0] : f32 from vector<1xf32>
        %parallel_loop3A_758 = vector.extract_strided_slice %parallel_loop3A_722 {offsets = [1], sizes = [1], strides = [1]} : vector<16xf32> to vector<1xf32>
        %parallel_loop3A_759 = vector.extract %parallel_loop3A_758[0] : f32 from vector<1xf32>
        %parallel_loop3A_760 = vector.broadcast %parallel_loop3A_759 : f32 to vector<16xf32>
        %parallel_loop3A_761 = arith.mulf %mul3A_89, %parallel_loop3A_760 : vector<16xf32>
        %parallel_loop3A_762 = vector.broadcast %parallel_loop3A_757 : f32 to vector<16xf32>
        %parallel_loop3A_763 = arith.addf %parallel_loop3A_762, %parallel_loop3A_761 : vector<16xf32>
        %parallel_loop3A_764 = vector.extract_strided_slice %parallel_loop3A_727 {offsets = [1], sizes = [1], strides = [1]} : vector<16xf32> to vector<1xf32>
        %parallel_loop3A_765 = vector.extract %parallel_loop3A_764[0] : f32 from vector<1xf32>
        %parallel_loop3A_766 = vector.broadcast %parallel_loop3A_765 : f32 to vector<16xf32>
        %parallel_loop3A_767 = arith.mulf %mul3A_92, %parallel_loop3A_766 : vector<16xf32>
        %parallel_loop3A_768 = arith.addf %parallel_loop3A_763, %parallel_loop3A_767 : vector<16xf32>
        %parallel_loop3A_769 = vector.extract_strided_slice %parallel_loop3A_732 {offsets = [1], sizes = [1], strides = [1]} : vector<16xf32> to vector<1xf32>
        %parallel_loop3A_770 = vector.extract %parallel_loop3A_769[0] : f32 from vector<1xf32>
        %parallel_loop3A_771 = vector.broadcast %parallel_loop3A_770 : f32 to vector<16xf32>
        %parallel_loop3A_772 = arith.mulf %mul3A_95, %parallel_loop3A_771 : vector<16xf32>
        %parallel_loop3A_773 = arith.addf %parallel_loop3A_768, %parallel_loop3A_772 : vector<16xf32>
        %parallel_loop3A_774 = vector.extract_strided_slice %parallel_loop3A_737 {offsets = [2], sizes = [1], strides = [1]} : vector<16xf32> to vector<1xf32>
        %parallel_loop3A_775 = vector.extract %parallel_loop3A_774[0] : f32 from vector<1xf32>
        %parallel_loop3A_776 = vector.extract_strided_slice %parallel_loop3A_722 {offsets = [2], sizes = [1], strides = [1]} : vector<16xf32> to vector<1xf32>
        %parallel_loop3A_777 = vector.extract %parallel_loop3A_776[0] : f32 from vector<1xf32>
        %parallel_loop3A_778 = vector.broadcast %parallel_loop3A_777 : f32 to vector<16xf32>
        %parallel_loop3A_779 = arith.mulf %mul3A_89, %parallel_loop3A_778 : vector<16xf32>
        %parallel_loop3A_780 = vector.broadcast %parallel_loop3A_775 : f32 to vector<16xf32>
        %parallel_loop3A_781 = arith.addf %parallel_loop3A_780, %parallel_loop3A_779 : vector<16xf32>
        %parallel_loop3A_782 = vector.extract_strided_slice %parallel_loop3A_727 {offsets = [2], sizes = [1], strides = [1]} : vector<16xf32> to vector<1xf32>
        %parallel_loop3A_783 = vector.extract %parallel_loop3A_782[0] : f32 from vector<1xf32>
        %parallel_loop3A_784 = vector.broadcast %parallel_loop3A_783 : f32 to vector<16xf32>
        %parallel_loop3A_785 = arith.mulf %mul3A_92, %parallel_loop3A_784 : vector<16xf32>
        %parallel_loop3A_786 = arith.addf %parallel_loop3A_781, %parallel_loop3A_785 : vector<16xf32>
        %parallel_loop3A_787 = vector.extract_strided_slice %parallel_loop3A_732 {offsets = [2], sizes = [1], strides = [1]} : vector<16xf32> to vector<1xf32>
        %parallel_loop3A_788 = vector.extract %parallel_loop3A_787[0] : f32 from vector<1xf32>
        %parallel_loop3A_789 = vector.broadcast %parallel_loop3A_788 : f32 to vector<16xf32>
        %parallel_loop3A_790 = arith.mulf %mul3A_95, %parallel_loop3A_789 : vector<16xf32>
        %parallel_loop3A_791 = arith.addf %parallel_loop3A_786, %parallel_loop3A_790 : vector<16xf32>
        %parallel_loop3A_792 = vector.extract_strided_slice %parallel_loop3A_737 {offsets = [3], sizes = [1], strides = [1]} : vector<16xf32> to vector<1xf32>
        %parallel_loop3A_793 = vector.extract %parallel_loop3A_792[0] : f32 from vector<1xf32>
        %parallel_loop3A_794 = vector.extract_strided_slice %parallel_loop3A_722 {offsets = [3], sizes = [1], strides = [1]} : vector<16xf32> to vector<1xf32>
        %parallel_loop3A_795 = vector.extract %parallel_loop3A_794[0] : f32 from vector<1xf32>
        %parallel_loop3A_796 = vector.broadcast %parallel_loop3A_795 : f32 to vector<16xf32>
        %parallel_loop3A_797 = arith.mulf %mul3A_89, %parallel_loop3A_796 : vector<16xf32>
        %parallel_loop3A_798 = vector.broadcast %parallel_loop3A_793 : f32 to vector<16xf32>
        %parallel_loop3A_799 = arith.addf %parallel_loop3A_798, %parallel_loop3A_797 : vector<16xf32>
        %parallel_loop3A_800 = vector.extract_strided_slice %parallel_loop3A_727 {offsets = [3], sizes = [1], strides = [1]} : vector<16xf32> to vector<1xf32>
        %parallel_loop3A_801 = vector.extract %parallel_loop3A_800[0] : f32 from vector<1xf32>
        %parallel_loop3A_802 = vector.broadcast %parallel_loop3A_801 : f32 to vector<16xf32>
        %parallel_loop3A_803 = arith.mulf %mul3A_92, %parallel_loop3A_802 : vector<16xf32>
        %parallel_loop3A_804 = arith.addf %parallel_loop3A_799, %parallel_loop3A_803 : vector<16xf32>
        %parallel_loop3A_805 = vector.extract_strided_slice %parallel_loop3A_732 {offsets = [3], sizes = [1], strides = [1]} : vector<16xf32> to vector<1xf32>
        %parallel_loop3A_806 = vector.extract %parallel_loop3A_805[0] : f32 from vector<1xf32>
        %parallel_loop3A_807 = vector.broadcast %parallel_loop3A_806 : f32 to vector<16xf32>
        %parallel_loop3A_808 = arith.mulf %mul3A_95, %parallel_loop3A_807 : vector<16xf32>
        %parallel_loop3A_809 = arith.addf %parallel_loop3A_804, %parallel_loop3A_808 : vector<16xf32>
        %parallel_loop3A_810 = vector.extract_strided_slice %parallel_loop3A_737 {offsets = [4], sizes = [1], strides = [1]} : vector<16xf32> to vector<1xf32>
        %parallel_loop3A_811 = vector.extract %parallel_loop3A_810[0] : f32 from vector<1xf32>
        %parallel_loop3A_812 = vector.extract_strided_slice %parallel_loop3A_722 {offsets = [4], sizes = [1], strides = [1]} : vector<16xf32> to vector<1xf32>
        %parallel_loop3A_813 = vector.extract %parallel_loop3A_812[0] : f32 from vector<1xf32>
        %parallel_loop3A_814 = vector.broadcast %parallel_loop3A_813 : f32 to vector<16xf32>
        %parallel_loop3A_815 = arith.mulf %mul3A_89, %parallel_loop3A_814 : vector<16xf32>
        %parallel_loop3A_816 = vector.broadcast %parallel_loop3A_811 : f32 to vector<16xf32>
        %parallel_loop3A_817 = arith.addf %parallel_loop3A_816, %parallel_loop3A_815 : vector<16xf32>
        %parallel_loop3A_818 = vector.extract_strided_slice %parallel_loop3A_727 {offsets = [4], sizes = [1], strides = [1]} : vector<16xf32> to vector<1xf32>
        %parallel_loop3A_819 = vector.extract %parallel_loop3A_818[0] : f32 from vector<1xf32>
        %parallel_loop3A_820 = vector.broadcast %parallel_loop3A_819 : f32 to vector<16xf32>
        %parallel_loop3A_821 = arith.mulf %mul3A_92, %parallel_loop3A_820 : vector<16xf32>
        %parallel_loop3A_822 = arith.addf %parallel_loop3A_817, %parallel_loop3A_821 : vector<16xf32>
        %parallel_loop3A_823 = vector.extract_strided_slice %parallel_loop3A_732 {offsets = [4], sizes = [1], strides = [1]} : vector<16xf32> to vector<1xf32>
        %parallel_loop3A_824 = vector.extract %parallel_loop3A_823[0] : f32 from vector<1xf32>
        %parallel_loop3A_825 = vector.broadcast %parallel_loop3A_824 : f32 to vector<16xf32>
        %parallel_loop3A_826 = arith.mulf %mul3A_95, %parallel_loop3A_825 : vector<16xf32>
        %parallel_loop3A_827 = arith.addf %parallel_loop3A_822, %parallel_loop3A_826 : vector<16xf32>
        %parallel_loop3A_828 = vector.extract_strided_slice %parallel_loop3A_737 {offsets = [5], sizes = [1], strides = [1]} : vector<16xf32> to vector<1xf32>
        %parallel_loop3A_829 = vector.extract %parallel_loop3A_828[0] : f32 from vector<1xf32>
        %parallel_loop3A_830 = vector.extract_strided_slice %parallel_loop3A_722 {offsets = [5], sizes = [1], strides = [1]} : vector<16xf32> to vector<1xf32>
        %parallel_loop3A_831 = vector.extract %parallel_loop3A_830[0] : f32 from vector<1xf32>
        %parallel_loop3A_832 = vector.broadcast %parallel_loop3A_831 : f32 to vector<16xf32>
        %parallel_loop3A_833 = arith.mulf %mul3A_89, %parallel_loop3A_832 : vector<16xf32>
        %parallel_loop3A_834 = vector.broadcast %parallel_loop3A_829 : f32 to vector<16xf32>
        %parallel_loop3A_835 = arith.addf %parallel_loop3A_834, %parallel_loop3A_833 : vector<16xf32>
        %parallel_loop3A_836 = vector.extract_strided_slice %parallel_loop3A_727 {offsets = [5], sizes = [1], strides = [1]} : vector<16xf32> to vector<1xf32>
        %parallel_loop3A_837 = vector.extract %parallel_loop3A_836[0] : f32 from vector<1xf32>
        %parallel_loop3A_838 = vector.broadcast %parallel_loop3A_837 : f32 to vector<16xf32>
        %parallel_loop3A_839 = arith.mulf %mul3A_92, %parallel_loop3A_838 : vector<16xf32>
        %parallel_loop3A_840 = arith.addf %parallel_loop3A_835, %parallel_loop3A_839 : vector<16xf32>
        %parallel_loop3A_841 = vector.extract_strided_slice %parallel_loop3A_732 {offsets = [5], sizes = [1], strides = [1]} : vector<16xf32> to vector<1xf32>
        %parallel_loop3A_842 = vector.extract %parallel_loop3A_841[0] : f32 from vector<1xf32>
        %parallel_loop3A_843 = vector.broadcast %parallel_loop3A_842 : f32 to vector<16xf32>
        %parallel_loop3A_844 = arith.mulf %mul3A_95, %parallel_loop3A_843 : vector<16xf32>
        %parallel_loop3A_845 = arith.addf %parallel_loop3A_840, %parallel_loop3A_844 : vector<16xf32>
        %parallel_loop3A_846 = vector.extract_strided_slice %parallel_loop3A_737 {offsets = [6], sizes = [1], strides = [1]} : vector<16xf32> to vector<1xf32>
        %parallel_loop3A_847 = vector.extract %parallel_loop3A_846[0] : f32 from vector<1xf32>
        %parallel_loop3A_848 = vector.extract_strided_slice %parallel_loop3A_722 {offsets = [6], sizes = [1], strides = [1]} : vector<16xf32> to vector<1xf32>
        %parallel_loop3A_849 = vector.extract %parallel_loop3A_848[0] : f32 from vector<1xf32>
        %parallel_loop3A_850 = vector.broadcast %parallel_loop3A_849 : f32 to vector<16xf32>
        %parallel_loop3A_851 = arith.mulf %mul3A_89, %parallel_loop3A_850 : vector<16xf32>
        %parallel_loop3A_852 = vector.broadcast %parallel_loop3A_847 : f32 to vector<16xf32>
        %parallel_loop3A_853 = arith.addf %parallel_loop3A_852, %parallel_loop3A_851 : vector<16xf32>
        %parallel_loop3A_854 = vector.extract_strided_slice %parallel_loop3A_727 {offsets = [6], sizes = [1], strides = [1]} : vector<16xf32> to vector<1xf32>
        %parallel_loop3A_855 = vector.extract %parallel_loop3A_854[0] : f32 from vector<1xf32>
        %parallel_loop3A_856 = vector.broadcast %parallel_loop3A_855 : f32 to vector<16xf32>
        %parallel_loop3A_857 = arith.mulf %mul3A_92, %parallel_loop3A_856 : vector<16xf32>
        %parallel_loop3A_858 = arith.addf %parallel_loop3A_853, %parallel_loop3A_857 : vector<16xf32>
        %parallel_loop3A_859 = vector.extract_strided_slice %parallel_loop3A_732 {offsets = [6], sizes = [1], strides = [1]} : vector<16xf32> to vector<1xf32>
        %parallel_loop3A_860 = vector.extract %parallel_loop3A_859[0] : f32 from vector<1xf32>
        %parallel_loop3A_861 = vector.broadcast %parallel_loop3A_860 : f32 to vector<16xf32>
        %parallel_loop3A_862 = arith.mulf %mul3A_95, %parallel_loop3A_861 : vector<16xf32>
        %parallel_loop3A_863 = arith.addf %parallel_loop3A_858, %parallel_loop3A_862 : vector<16xf32>
        %parallel_loop3A_864 = vector.extract_strided_slice %parallel_loop3A_737 {offsets = [7], sizes = [1], strides = [1]} : vector<16xf32> to vector<1xf32>
        %parallel_loop3A_865 = vector.extract %parallel_loop3A_864[0] : f32 from vector<1xf32>
        %parallel_loop3A_866 = vector.extract_strided_slice %parallel_loop3A_722 {offsets = [7], sizes = [1], strides = [1]} : vector<16xf32> to vector<1xf32>
        %parallel_loop3A_867 = vector.extract %parallel_loop3A_866[0] : f32 from vector<1xf32>
        %parallel_loop3A_868 = vector.broadcast %parallel_loop3A_867 : f32 to vector<16xf32>
        %parallel_loop3A_869 = arith.mulf %mul3A_89, %parallel_loop3A_868 : vector<16xf32>
        %parallel_loop3A_870 = vector.broadcast %parallel_loop3A_865 : f32 to vector<16xf32>
        %parallel_loop3A_871 = arith.addf %parallel_loop3A_870, %parallel_loop3A_869 : vector<16xf32>
        %parallel_loop3A_872 = vector.extract_strided_slice %parallel_loop3A_727 {offsets = [7], sizes = [1], strides = [1]} : vector<16xf32> to vector<1xf32>
        %parallel_loop3A_873 = vector.extract %parallel_loop3A_872[0] : f32 from vector<1xf32>
        %parallel_loop3A_874 = vector.broadcast %parallel_loop3A_873 : f32 to vector<16xf32>
        %parallel_loop3A_875 = arith.mulf %mul3A_92, %parallel_loop3A_874 : vector<16xf32>
        %parallel_loop3A_876 = arith.addf %parallel_loop3A_871, %parallel_loop3A_875 : vector<16xf32>
        %parallel_loop3A_877 = vector.extract_strided_slice %parallel_loop3A_732 {offsets = [7], sizes = [1], strides = [1]} : vector<16xf32> to vector<1xf32>
        %parallel_loop3A_878 = vector.extract %parallel_loop3A_877[0] : f32 from vector<1xf32>
        %parallel_loop3A_879 = vector.broadcast %parallel_loop3A_878 : f32 to vector<16xf32>
        %parallel_loop3A_880 = arith.mulf %mul3A_95, %parallel_loop3A_879 : vector<16xf32>
        %parallel_loop3A_881 = arith.addf %parallel_loop3A_876, %parallel_loop3A_880 : vector<16xf32>
        %parallel_loop3A_882 = vector.extract_strided_slice %parallel_loop3A_737 {offsets = [8], sizes = [1], strides = [1]} : vector<16xf32> to vector<1xf32>
        %parallel_loop3A_883 = vector.extract %parallel_loop3A_882[0] : f32 from vector<1xf32>
        %parallel_loop3A_884 = vector.extract_strided_slice %parallel_loop3A_722 {offsets = [8], sizes = [1], strides = [1]} : vector<16xf32> to vector<1xf32>
        %parallel_loop3A_885 = vector.extract %parallel_loop3A_884[0] : f32 from vector<1xf32>
        %parallel_loop3A_886 = vector.broadcast %parallel_loop3A_885 : f32 to vector<16xf32>
        %parallel_loop3A_887 = arith.mulf %mul3A_89, %parallel_loop3A_886 : vector<16xf32>
        %parallel_loop3A_888 = vector.broadcast %parallel_loop3A_883 : f32 to vector<16xf32>
        %parallel_loop3A_889 = arith.addf %parallel_loop3A_888, %parallel_loop3A_887 : vector<16xf32>
        %parallel_loop3A_890 = vector.extract_strided_slice %parallel_loop3A_727 {offsets = [8], sizes = [1], strides = [1]} : vector<16xf32> to vector<1xf32>
        %parallel_loop3A_891 = vector.extract %parallel_loop3A_890[0] : f32 from vector<1xf32>
        %parallel_loop3A_892 = vector.broadcast %parallel_loop3A_891 : f32 to vector<16xf32>
        %parallel_loop3A_893 = arith.mulf %mul3A_92, %parallel_loop3A_892 : vector<16xf32>
        %parallel_loop3A_894 = arith.addf %parallel_loop3A_889, %parallel_loop3A_893 : vector<16xf32>
        %parallel_loop3A_895 = vector.extract_strided_slice %parallel_loop3A_732 {offsets = [8], sizes = [1], strides = [1]} : vector<16xf32> to vector<1xf32>
        %parallel_loop3A_896 = vector.extract %parallel_loop3A_895[0] : f32 from vector<1xf32>
        %parallel_loop3A_897 = vector.broadcast %parallel_loop3A_896 : f32 to vector<16xf32>
        %parallel_loop3A_898 = arith.mulf %mul3A_95, %parallel_loop3A_897 : vector<16xf32>
        %parallel_loop3A_899 = arith.addf %parallel_loop3A_894, %parallel_loop3A_898 : vector<16xf32>
        %parallel_loop3A_900 = vector.extract_strided_slice %parallel_loop3A_737 {offsets = [9], sizes = [1], strides = [1]} : vector<16xf32> to vector<1xf32>
        %parallel_loop3A_901 = vector.extract %parallel_loop3A_900[0] : f32 from vector<1xf32>
        %parallel_loop3A_902 = vector.extract_strided_slice %parallel_loop3A_722 {offsets = [9], sizes = [1], strides = [1]} : vector<16xf32> to vector<1xf32>
        %parallel_loop3A_903 = vector.extract %parallel_loop3A_902[0] : f32 from vector<1xf32>
        %parallel_loop3A_904 = vector.broadcast %parallel_loop3A_903 : f32 to vector<16xf32>
        %parallel_loop3A_905 = arith.mulf %mul3A_89, %parallel_loop3A_904 : vector<16xf32>
        %parallel_loop3A_906 = vector.broadcast %parallel_loop3A_901 : f32 to vector<16xf32>
        %parallel_loop3A_907 = arith.addf %parallel_loop3A_906, %parallel_loop3A_905 : vector<16xf32>
        %parallel_loop3A_908 = vector.extract_strided_slice %parallel_loop3A_727 {offsets = [9], sizes = [1], strides = [1]} : vector<16xf32> to vector<1xf32>
        %parallel_loop3A_909 = vector.extract %parallel_loop3A_908[0] : f32 from vector<1xf32>
        %parallel_loop3A_910 = vector.broadcast %parallel_loop3A_909 : f32 to vector<16xf32>
        %parallel_loop3A_911 = arith.mulf %mul3A_92, %parallel_loop3A_910 : vector<16xf32>
        %parallel_loop3A_912 = arith.addf %parallel_loop3A_907, %parallel_loop3A_911 : vector<16xf32>
        %parallel_loop3A_913 = vector.extract_strided_slice %parallel_loop3A_732 {offsets = [9], sizes = [1], strides = [1]} : vector<16xf32> to vector<1xf32>
        %parallel_loop3A_914 = vector.extract %parallel_loop3A_913[0] : f32 from vector<1xf32>
        %parallel_loop3A_915 = vector.broadcast %parallel_loop3A_914 : f32 to vector<16xf32>
        %parallel_loop3A_916 = arith.mulf %mul3A_95, %parallel_loop3A_915 : vector<16xf32>
        %parallel_loop3A_917 = arith.addf %parallel_loop3A_912, %parallel_loop3A_916 : vector<16xf32>
        %parallel_loop3A_918 = vector.extract_strided_slice %parallel_loop3A_737 {offsets = [10], sizes = [1], strides = [1]} : vector<16xf32> to vector<1xf32>
        %parallel_loop3A_919 = vector.extract %parallel_loop3A_918[0] : f32 from vector<1xf32>
        %parallel_loop3A_920 = vector.extract_strided_slice %parallel_loop3A_722 {offsets = [10], sizes = [1], strides = [1]} : vector<16xf32> to vector<1xf32>
        %parallel_loop3A_921 = vector.extract %parallel_loop3A_920[0] : f32 from vector<1xf32>
        %parallel_loop3A_922 = vector.broadcast %parallel_loop3A_921 : f32 to vector<16xf32>
        %parallel_loop3A_923 = arith.mulf %mul3A_89, %parallel_loop3A_922 : vector<16xf32>
        %parallel_loop3A_924 = vector.broadcast %parallel_loop3A_919 : f32 to vector<16xf32>
        %parallel_loop3A_925 = arith.addf %parallel_loop3A_924, %parallel_loop3A_923 : vector<16xf32>
        %parallel_loop3A_926 = vector.extract_strided_slice %parallel_loop3A_727 {offsets = [10], sizes = [1], strides = [1]} : vector<16xf32> to vector<1xf32>
        %parallel_loop3A_927 = vector.extract %parallel_loop3A_926[0] : f32 from vector<1xf32>
        %parallel_loop3A_928 = vector.broadcast %parallel_loop3A_927 : f32 to vector<16xf32>
        %parallel_loop3A_929 = arith.mulf %mul3A_92, %parallel_loop3A_928 : vector<16xf32>
        %parallel_loop3A_930 = arith.addf %parallel_loop3A_925, %parallel_loop3A_929 : vector<16xf32>
        %parallel_loop3A_931 = vector.extract_strided_slice %parallel_loop3A_732 {offsets = [10], sizes = [1], strides = [1]} : vector<16xf32> to vector<1xf32>
        %parallel_loop3A_932 = vector.extract %parallel_loop3A_931[0] : f32 from vector<1xf32>
        %parallel_loop3A_933 = vector.broadcast %parallel_loop3A_932 : f32 to vector<16xf32>
        %parallel_loop3A_934 = arith.mulf %mul3A_95, %parallel_loop3A_933 : vector<16xf32>
        %parallel_loop3A_935 = arith.addf %parallel_loop3A_930, %parallel_loop3A_934 : vector<16xf32>
        %parallel_loop3A_936 = vector.extract_strided_slice %parallel_loop3A_737 {offsets = [11], sizes = [1], strides = [1]} : vector<16xf32> to vector<1xf32>
        %parallel_loop3A_937 = vector.extract %parallel_loop3A_936[0] : f32 from vector<1xf32>
        %parallel_loop3A_938 = vector.extract_strided_slice %parallel_loop3A_722 {offsets = [11], sizes = [1], strides = [1]} : vector<16xf32> to vector<1xf32>
        %parallel_loop3A_939 = vector.extract %parallel_loop3A_938[0] : f32 from vector<1xf32>
        %parallel_loop3A_940 = vector.broadcast %parallel_loop3A_939 : f32 to vector<16xf32>
        %parallel_loop3A_941 = arith.mulf %mul3A_89, %parallel_loop3A_940 : vector<16xf32>
        %parallel_loop3A_942 = vector.broadcast %parallel_loop3A_937 : f32 to vector<16xf32>
        %parallel_loop3A_943 = arith.addf %parallel_loop3A_942, %parallel_loop3A_941 : vector<16xf32>
        %parallel_loop3A_944 = vector.extract_strided_slice %parallel_loop3A_727 {offsets = [11], sizes = [1], strides = [1]} : vector<16xf32> to vector<1xf32>
        %parallel_loop3A_945 = vector.extract %parallel_loop3A_944[0] : f32 from vector<1xf32>
        %parallel_loop3A_946 = vector.broadcast %parallel_loop3A_945 : f32 to vector<16xf32>
        %parallel_loop3A_947 = arith.mulf %mul3A_92, %parallel_loop3A_946 : vector<16xf32>
        %parallel_loop3A_948 = arith.addf %parallel_loop3A_943, %parallel_loop3A_947 : vector<16xf32>
        %parallel_loop3A_949 = vector.extract_strided_slice %parallel_loop3A_732 {offsets = [11], sizes = [1], strides = [1]} : vector<16xf32> to vector<1xf32>
        %parallel_loop3A_950 = vector.extract %parallel_loop3A_949[0] : f32 from vector<1xf32>
        %parallel_loop3A_951 = vector.broadcast %parallel_loop3A_950 : f32 to vector<16xf32>
        %parallel_loop3A_952 = arith.mulf %mul3A_95, %parallel_loop3A_951 : vector<16xf32>
        %parallel_loop3A_953 = arith.addf %parallel_loop3A_948, %parallel_loop3A_952 : vector<16xf32>
        %parallel_loop3A_954 = vector.extract_strided_slice %parallel_loop3A_737 {offsets = [12], sizes = [1], strides = [1]} : vector<16xf32> to vector<1xf32>
        %parallel_loop3A_955 = vector.extract %parallel_loop3A_954[0] : f32 from vector<1xf32>
        %parallel_loop3A_956 = vector.extract_strided_slice %parallel_loop3A_722 {offsets = [12], sizes = [1], strides = [1]} : vector<16xf32> to vector<1xf32>
        %parallel_loop3A_957 = vector.extract %parallel_loop3A_956[0] : f32 from vector<1xf32>
        %parallel_loop3A_958 = vector.broadcast %parallel_loop3A_957 : f32 to vector<16xf32>
        %parallel_loop3A_959 = arith.mulf %mul3A_89, %parallel_loop3A_958 : vector<16xf32>
        %parallel_loop3A_960 = vector.broadcast %parallel_loop3A_955 : f32 to vector<16xf32>
        %parallel_loop3A_961 = arith.addf %parallel_loop3A_960, %parallel_loop3A_959 : vector<16xf32>
        %parallel_loop3A_962 = vector.extract_strided_slice %parallel_loop3A_727 {offsets = [12], sizes = [1], strides = [1]} : vector<16xf32> to vector<1xf32>
        %parallel_loop3A_963 = vector.extract %parallel_loop3A_962[0] : f32 from vector<1xf32>
        %parallel_loop3A_964 = vector.broadcast %parallel_loop3A_963 : f32 to vector<16xf32>
        %parallel_loop3A_965 = arith.mulf %mul3A_92, %parallel_loop3A_964 : vector<16xf32>
        %parallel_loop3A_966 = arith.addf %parallel_loop3A_961, %parallel_loop3A_965 : vector<16xf32>
        %parallel_loop3A_967 = vector.extract_strided_slice %parallel_loop3A_732 {offsets = [12], sizes = [1], strides = [1]} : vector<16xf32> to vector<1xf32>
        %parallel_loop3A_968 = vector.extract %parallel_loop3A_967[0] : f32 from vector<1xf32>
        %parallel_loop3A_969 = vector.broadcast %parallel_loop3A_968 : f32 to vector<16xf32>
        %parallel_loop3A_970 = arith.mulf %mul3A_95, %parallel_loop3A_969 : vector<16xf32>
        %parallel_loop3A_971 = arith.addf %parallel_loop3A_966, %parallel_loop3A_970 : vector<16xf32>
        %parallel_loop3A_972 = vector.extract_strided_slice %parallel_loop3A_737 {offsets = [13], sizes = [1], strides = [1]} : vector<16xf32> to vector<1xf32>
        %parallel_loop3A_973 = vector.extract %parallel_loop3A_972[0] : f32 from vector<1xf32>
        %parallel_loop3A_974 = vector.extract_strided_slice %parallel_loop3A_722 {offsets = [13], sizes = [1], strides = [1]} : vector<16xf32> to vector<1xf32>
        %parallel_loop3A_975 = vector.extract %parallel_loop3A_974[0] : f32 from vector<1xf32>
        %parallel_loop3A_976 = vector.broadcast %parallel_loop3A_975 : f32 to vector<16xf32>
        %parallel_loop3A_977 = arith.mulf %mul3A_89, %parallel_loop3A_976 : vector<16xf32>
        %parallel_loop3A_978 = vector.broadcast %parallel_loop3A_973 : f32 to vector<16xf32>
        %parallel_loop3A_979 = arith.addf %parallel_loop3A_978, %parallel_loop3A_977 : vector<16xf32>
        %parallel_loop3A_980 = vector.extract_strided_slice %parallel_loop3A_727 {offsets = [13], sizes = [1], strides = [1]} : vector<16xf32> to vector<1xf32>
        %parallel_loop3A_981 = vector.extract %parallel_loop3A_980[0] : f32 from vector<1xf32>
        %parallel_loop3A_982 = vector.broadcast %parallel_loop3A_981 : f32 to vector<16xf32>
        %parallel_loop3A_983 = arith.mulf %mul3A_92, %parallel_loop3A_982 : vector<16xf32>
        %parallel_loop3A_984 = arith.addf %parallel_loop3A_979, %parallel_loop3A_983 : vector<16xf32>
        %parallel_loop3A_985 = vector.extract_strided_slice %parallel_loop3A_732 {offsets = [13], sizes = [1], strides = [1]} : vector<16xf32> to vector<1xf32>
        %parallel_loop3A_986 = vector.extract %parallel_loop3A_985[0] : f32 from vector<1xf32>
        %parallel_loop3A_987 = vector.broadcast %parallel_loop3A_986 : f32 to vector<16xf32>
        %parallel_loop3A_988 = arith.mulf %mul3A_95, %parallel_loop3A_987 : vector<16xf32>
        %parallel_loop3A_989 = arith.addf %parallel_loop3A_984, %parallel_loop3A_988 : vector<16xf32>
        %parallel_loop3A_990 = vector.extract_strided_slice %parallel_loop3A_737 {offsets = [14], sizes = [1], strides = [1]} : vector<16xf32> to vector<1xf32>
        %parallel_loop3A_991 = vector.extract %parallel_loop3A_990[0] : f32 from vector<1xf32>
        %parallel_loop3A_992 = vector.extract_strided_slice %parallel_loop3A_722 {offsets = [14], sizes = [1], strides = [1]} : vector<16xf32> to vector<1xf32>
        %parallel_loop3A_993 = vector.extract %parallel_loop3A_992[0] : f32 from vector<1xf32>
        %parallel_loop3A_994 = vector.broadcast %parallel_loop3A_993 : f32 to vector<16xf32>
        %parallel_loop3A_995 = arith.mulf %mul3A_89, %parallel_loop3A_994 : vector<16xf32>
        %parallel_loop3A_996 = vector.broadcast %parallel_loop3A_991 : f32 to vector<16xf32>
        %parallel_loop3A_997 = arith.addf %parallel_loop3A_996, %parallel_loop3A_995 : vector<16xf32>
        %parallel_loop3A_998 = vector.extract_strided_slice %parallel_loop3A_727 {offsets = [14], sizes = [1], strides = [1]} : vector<16xf32> to vector<1xf32>
        %parallel_loop3A_999 = vector.extract %parallel_loop3A_998[0] : f32 from vector<1xf32>
        %parallel_loop3A_1000 = vector.broadcast %parallel_loop3A_999 : f32 to vector<16xf32>
        %parallel_loop3A_1001 = arith.mulf %mul3A_92, %parallel_loop3A_1000 : vector<16xf32>
        %parallel_loop3A_1002 = arith.addf %parallel_loop3A_997, %parallel_loop3A_1001 : vector<16xf32>
        %parallel_loop3A_1003 = vector.extract_strided_slice %parallel_loop3A_732 {offsets = [14], sizes = [1], strides = [1]} : vector<16xf32> to vector<1xf32>
        %parallel_loop3A_1004 = vector.extract %parallel_loop3A_1003[0] : f32 from vector<1xf32>
        %parallel_loop3A_1005 = vector.broadcast %parallel_loop3A_1004 : f32 to vector<16xf32>
        %parallel_loop3A_1006 = arith.mulf %mul3A_95, %parallel_loop3A_1005 : vector<16xf32>
        %parallel_loop3A_1007 = arith.addf %parallel_loop3A_1002, %parallel_loop3A_1006 : vector<16xf32>
        %parallel_loop3A_1008 = vector.extract_strided_slice %parallel_loop3A_737 {offsets = [15], sizes = [1], strides = [1]} : vector<16xf32> to vector<1xf32>
        %parallel_loop3A_1009 = vector.extract %parallel_loop3A_1008[0] : f32 from vector<1xf32>
        %parallel_loop3A_1010 = vector.extract_strided_slice %parallel_loop3A_722 {offsets = [15], sizes = [1], strides = [1]} : vector<16xf32> to vector<1xf32>
        %parallel_loop3A_1011 = vector.extract %parallel_loop3A_1010[0] : f32 from vector<1xf32>
        %parallel_loop3A_1012 = vector.broadcast %parallel_loop3A_1011 : f32 to vector<16xf32>
        %parallel_loop3A_1013 = arith.mulf %mul3A_89, %parallel_loop3A_1012 : vector<16xf32>
        %parallel_loop3A_1014 = vector.broadcast %parallel_loop3A_1009 : f32 to vector<16xf32>
        %parallel_loop3A_1015 = arith.addf %parallel_loop3A_1014, %parallel_loop3A_1013 : vector<16xf32>
        %parallel_loop3A_1016 = vector.extract_strided_slice %parallel_loop3A_727 {offsets = [15], sizes = [1], strides = [1]} : vector<16xf32> to vector<1xf32>
        %parallel_loop3A_1017 = vector.extract %parallel_loop3A_1016[0] : f32 from vector<1xf32>
        %parallel_loop3A_1018 = vector.broadcast %parallel_loop3A_1017 : f32 to vector<16xf32>
        %parallel_loop3A_1019 = arith.mulf %mul3A_92, %parallel_loop3A_1018 : vector<16xf32>
        %parallel_loop3A_1020 = arith.addf %parallel_loop3A_1015, %parallel_loop3A_1019 : vector<16xf32>
        %parallel_loop3A_1021 = vector.extract_strided_slice %parallel_loop3A_732 {offsets = [15], sizes = [1], strides = [1]} : vector<16xf32> to vector<1xf32>
        %parallel_loop3A_1022 = vector.extract %parallel_loop3A_1021[0] : f32 from vector<1xf32>
        %parallel_loop3A_1023 = vector.broadcast %parallel_loop3A_1022 : f32 to vector<16xf32>
        %parallel_loop3A_1024 = arith.mulf %mul3A_95, %parallel_loop3A_1023 : vector<16xf32>
        %parallel_loop3A_1025 = arith.addf %parallel_loop3A_1020, %parallel_loop3A_1024 : vector<16xf32>
        %parallel_loop3A_1026 = arith.minimumf %parallel_loop3A_755, %parallel_loop3A_773 : vector<16xf32>
        %parallel_loop3A_1027 = arith.minimumf %parallel_loop3A_791, %parallel_loop3A_809 : vector<16xf32>
        %parallel_loop3A_1028 = arith.minimumf %parallel_loop3A_827, %parallel_loop3A_845 : vector<16xf32>
        %parallel_loop3A_1029 = arith.minimumf %parallel_loop3A_863, %parallel_loop3A_881 : vector<16xf32>
        %parallel_loop3A_1030 = arith.minimumf %parallel_loop3A_899, %parallel_loop3A_917 : vector<16xf32>
        %parallel_loop3A_1031 = arith.minimumf %parallel_loop3A_935, %parallel_loop3A_953 : vector<16xf32>
        %parallel_loop3A_1032 = arith.minimumf %parallel_loop3A_971, %parallel_loop3A_989 : vector<16xf32>
        %parallel_loop3A_1033 = arith.minimumf %parallel_loop3A_1007, %parallel_loop3A_1025 : vector<16xf32>
        %parallel_loop3A_1034 = arith.minimumf %parallel_loop3A_1026, %parallel_loop3A_1027 : vector<16xf32>
        %parallel_loop3A_1035 = arith.minimumf %parallel_loop3A_1028, %parallel_loop3A_1029 : vector<16xf32>
        %parallel_loop3A_1036 = arith.minimumf %parallel_loop3A_1030, %parallel_loop3A_1031 : vector<16xf32>
        %parallel_loop3A_1037 = arith.minimumf %parallel_loop3A_1032, %parallel_loop3A_1033 : vector<16xf32>
        %parallel_loop3A_1038 = arith.minimumf %parallel_loop3A_1034, %parallel_loop3A_1035 : vector<16xf32>
        %parallel_loop3A_1039 = arith.minimumf %parallel_loop3A_1036, %parallel_loop3A_1037 : vector<16xf32>
        %parallel_loop3A_1040 = arith.minimumf %parallel_loop3A_1038, %parallel_loop3A_1039 : vector<16xf32>
        %parallel_loop3A_1041 = arith.minimumf %parallel_loop3A_717, %parallel_loop3A_1040 : vector<16xf32>
        scf.yield %parallel_loop3A_1041 : vector<16xf32>
      } {sc.loop_unroll_factor = 8 : i64, sc.parallel_access}
      %add3A_221 = arith.addf %parallel_loop3A_220, %get3A_86 : vector<16xf32>
      %slice3A_222 = vector.extract_strided_slice %add3A_221 {offsets = [0], sizes = [1], strides = [1]} : vector<16xf32> to vector<1xf32>
      %squeeze3A_223 = vector.extract %slice3A_222[0] : f32 from vector<1xf32>
      %slice3A_224 = vector.extract_strided_slice %add3A_221 {offsets = [1], sizes = [1], strides = [1]} : vector<16xf32> to vector<1xf32>
      %squeeze3A_225 = vector.extract %slice3A_224[0] : f32 from vector<1xf32>
      %slice3A_226 = vector.extract_strided_slice %add3A_221 {offsets = [2], sizes = [1], strides = [1]} : vector<16xf32> to vector<1xf32>
      %squeeze3A_227 = vector.extract %slice3A_226[0] : f32 from vector<1xf32>
      %slice3A_228 = vector.extract_strided_slice %add3A_221 {offsets = [3], sizes = [1], strides = [1]} : vector<16xf32> to vector<1xf32>
      %squeeze3A_229 = vector.extract %slice3A_228[0] : f32 from vector<1xf32>
      %slice3A_230 = vector.extract_strided_slice %add3A_221 {offsets = [4], sizes = [1], strides = [1]} : vector<16xf32> to vector<1xf32>
      %squeeze3A_231 = vector.extract %slice3A_230[0] : f32 from vector<1xf32>
      %slice3A_232 = vector.extract_strided_slice %add3A_221 {offsets = [5], sizes = [1], strides = [1]} : vector<16xf32> to vector<1xf32>
      %squeeze3A_233 = vector.extract %slice3A_232[0] : f32 from vector<1xf32>
      %slice3A_234 = vector.extract_strided_slice %add3A_221 {offsets = [6], sizes = [1], strides = [1]} : vector<16xf32> to vector<1xf32>
      %squeeze3A_235 = vector.extract %slice3A_234[0] : f32 from vector<1xf32>
      %slice3A_236 = vector.extract_strided_slice %add3A_221 {offsets = [7], sizes = [1], strides = [1]} : vector<16xf32> to vector<1xf32>
      %squeeze3A_237 = vector.extract %slice3A_236[0] : f32 from vector<1xf32>
      %slice3A_238 = vector.extract_strided_slice %add3A_221 {offsets = [8], sizes = [1], strides = [1]} : vector<16xf32> to vector<1xf32>
      %squeeze3A_239 = vector.extract %slice3A_238[0] : f32 from vector<1xf32>
      %slice3A_240 = vector.extract_strided_slice %add3A_221 {offsets = [9], sizes = [1], strides = [1]} : vector<16xf32> to vector<1xf32>
      %squeeze3A_241 = vector.extract %slice3A_240[0] : f32 from vector<1xf32>
      %slice3A_242 = vector.extract_strided_slice %add3A_221 {offsets = [10], sizes = [1], strides = [1]} : vector<16xf32> to vector<1xf32>
      %squeeze3A_243 = vector.extract %slice3A_242[0] : f32 from vector<1xf32>
      %slice3A_244 = vector.extract_strided_slice %add3A_221 {offsets = [11], sizes = [1], strides = [1]} : vector<16xf32> to vector<1xf32>
      %squeeze3A_245 = vector.extract %slice3A_244[0] : f32 from vector<1xf32>
      %slice3A_246 = vector.extract_strided_slice %add3A_221 {offsets = [12], sizes = [1], strides = [1]} : vector<16xf32> to vector<1xf32>
      %squeeze3A_247 = vector.extract %slice3A_246[0] : f32 from vector<1xf32>
      %slice3A_248 = vector.extract_strided_slice %add3A_221 {offsets = [13], sizes = [1], strides = [1]} : vector<16xf32> to vector<1xf32>
      %squeeze3A_249 = vector.extract %slice3A_248[0] : f32 from vector<1xf32>
      %slice3A_250 = vector.extract_strided_slice %add3A_221 {offsets = [14], sizes = [1], strides = [1]} : vector<16xf32> to vector<1xf32>
      %squeeze3A_251 = vector.extract %slice3A_250[0] : f32 from vector<1xf32>
      %slice3A_252 = vector.extract_strided_slice %add3A_221 {offsets = [15], sizes = [1], strides = [1]} : vector<16xf32> to vector<1xf32>
      %squeeze3A_253 = vector.extract %slice3A_252[0] : f32 from vector<1xf32>
      %max3A_254 = arith.maximumf %squeeze3A_223, %squeeze3A_225 : f32
      %max3A_255 = arith.maximumf %squeeze3A_227, %squeeze3A_229 : f32
      %max3A_256 = arith.maximumf %squeeze3A_231, %squeeze3A_233 : f32
      %max3A_257 = arith.maximumf %squeeze3A_235, %squeeze3A_237 : f32
      %max3A_258 = arith.maximumf %squeeze3A_239, %squeeze3A_241 : f32
      %max3A_259 = arith.maximumf %squeeze3A_243, %squeeze3A_245 : f32
      %max3A_260 = arith.maximumf %squeeze3A_247, %squeeze3A_249 : f32
      %max3A_261 = arith.maximumf %squeeze3A_251, %squeeze3A_253 : f32
      %max3A_262 = arith.maximumf %max3A_254, %max3A_255 : f32
      %max3A_263 = arith.maximumf %max3A_256, %max3A_257 : f32
      %max3A_264 = arith.maximumf %max3A_258, %max3A_259 : f32
      %max3A_265 = arith.maximumf %max3A_260, %max3A_261 : f32
      %max3A_266 = arith.maximumf %max3A_262, %max3A_263 : f32
      %max3A_267 = arith.maximumf %max3A_264, %max3A_265 : f32
      %max3A_268 = arith.maximumf %max3A_266, %max3A_267 : f32
      %get3A_269 = arith.constant 16384 : index
      %get3A_270 = tpu.vector_load %arg6[%get3A_269] {strides = array<i32>} : memref<16640xf32, #tpu.memory_space<vmem>>, vector<16xf32>,
      %get3A_271 = vector.shape_cast %get3A_270 : vector<16xf32> to vector<16xf32>
      %slice3A_272 = vector.extract_strided_slice %get3A_271 {offsets = [0], sizes = [1], strides = [1]} : vector<16xf32> to vector<1xf32>
      %squeeze3A_273 = vector.extract %slice3A_272[0] : f32 from vector<1xf32>
      %slice3A_274 = vector.extract_strided_slice %get3A_271 {offsets = [1], sizes = [1], strides = [1]} : vector<16xf32> to vector<1xf32>
      %squeeze3A_275 = vector.extract %slice3A_274[0] : f32 from vector<1xf32>
      %sub3A_276 = arith.subf %min3A_139, %squeeze3A_275 : f32
      %sub3A_277 = arith.subf %squeeze3A_273, %max3A_185 : f32
      %gt3A = arith.constant 0.000000e+00 : f32
      %gt3A_278 = arith.cmpf ogt, %sub3A_276, %gt3A : f32
      %mul3A_279 = arith.mulf %sub3A_276, %sub3A_276 : f32
      %gt3A_280 = arith.cmpf ogt, %mul3A_279, %max3A_268 : f32
      %and3A_281 = arith.andi %gt3A_278, %gt3A_280 : i1
      %jit3A_282 = arith.constant 1 : i32
      %jit3A_283 = arith.constant 0 : i32
      %select_n3A_284 = arith.select %and3A_281, %jit3A_282, %jit3A_283 : i32
      %add3A_285 = arith.constant 0 : i32
      %add3A_286 = arith.addi %add3A_285, %select_n3A_284 : i32
      %gt3A_287 = arith.constant 0.000000e+00 : f32
      %gt3A_288 = arith.cmpf ogt, %sub3A_277, %gt3A_287 : f32
      %mul3A_289 = arith.mulf %sub3A_277, %sub3A_277 : f32
      %gt3A_290 = arith.cmpf ogt, %mul3A_289, %max3A_268 : f32
      %and3A_291 = arith.andi %gt3A_288, %gt3A_290 : i1
      %jit3A_292 = arith.constant 1 : i32
      %jit3A_293 = arith.constant 0 : i32
      %select_n3A_294 = arith.select %and3A_291, %jit3A_292, %jit3A_293 : i32
      %add3A_295 = arith.constant 0 : i32
      %add3A_296 = arith.addi %add3A_295, %select_n3A_294 : i32
      %get3A_297 = arith.constant 16400 : index
      %get3A_298 = tpu.vector_load %arg6[%get3A_297] {strides = array<i32>} : memref<16640xf32, #tpu.memory_space<vmem>>, vector<16xf32>,
      %get3A_299 = vector.shape_cast %get3A_298 : vector<16xf32> to vector<16xf32>
      %slice3A_300 = vector.extract_strided_slice %get3A_299 {offsets = [0], sizes = [1], strides = [1]} : vector<16xf32> to vector<1xf32>
      %squeeze3A_301 = vector.extract %slice3A_300[0] : f32 from vector<1xf32>
      %slice3A_302 = vector.extract_strided_slice %get3A_299 {offsets = [1], sizes = [1], strides = [1]} : vector<16xf32> to vector<1xf32>
      %squeeze3A_303 = vector.extract %slice3A_302[0] : f32 from vector<1xf32>
      %sub3A_304 = arith.subf %min3A_139, %squeeze3A_303 : f32
      %sub3A_305 = arith.subf %squeeze3A_301, %max3A_185 : f32
      %gt3A_306 = arith.constant 0.000000e+00 : f32
      %gt3A_307 = arith.cmpf ogt, %sub3A_304, %gt3A_306 : f32
      %mul3A_308 = arith.mulf %sub3A_304, %sub3A_304 : f32
      %gt3A_309 = arith.cmpf ogt, %mul3A_308, %max3A_268 : f32
      %and3A_310 = arith.andi %gt3A_307, %gt3A_309 : i1
      %jit3A_311 = arith.constant 1 : i32
      %jit3A_312 = arith.constant 0 : i32
      %select_n3A_313 = arith.select %and3A_310, %jit3A_311, %jit3A_312 : i32
      %add3A_314 = arith.addi %add3A_286, %select_n3A_313 : i32
      %gt3A_315 = arith.constant 0.000000e+00 : f32
      %gt3A_316 = arith.cmpf ogt, %sub3A_305, %gt3A_315 : f32
      %mul3A_317 = arith.mulf %sub3A_305, %sub3A_305 : f32
      %gt3A_318 = arith.cmpf ogt, %mul3A_317, %max3A_268 : f32
      %and3A_319 = arith.andi %gt3A_316, %gt3A_318 : i1
      %jit3A_320 = arith.constant 1 : i32
      %jit3A_321 = arith.constant 0 : i32
      %select_n3A_322 = arith.select %and3A_319, %jit3A_320, %jit3A_321 : i32
      %add3A_323 = arith.addi %add3A_296, %select_n3A_322 : i32
      %get3A_324 = arith.constant 16416 : index
      %get3A_325 = tpu.vector_load %arg6[%get3A_324] {strides = array<i32>} : memref<16640xf32, #tpu.memory_space<vmem>>, vector<16xf32>,
      %get3A_326 = vector.shape_cast %get3A_325 : vector<16xf32> to vector<16xf32>
      %slice3A_327 = vector.extract_strided_slice %get3A_326 {offsets = [0], sizes = [1], strides = [1]} : vector<16xf32> to vector<1xf32>
      %squeeze3A_328 = vector.extract %slice3A_327[0] : f32 from vector<1xf32>
      %slice3A_329 = vector.extract_strided_slice %get3A_326 {offsets = [1], sizes = [1], strides = [1]} : vector<16xf32> to vector<1xf32>
      %squeeze3A_330 = vector.extract %slice3A_329[0] : f32 from vector<1xf32>
      %sub3A_331 = arith.subf %min3A_139, %squeeze3A_330 : f32
      %sub3A_332 = arith.subf %squeeze3A_328, %max3A_185 : f32
      %gt3A_333 = arith.constant 0.000000e+00 : f32
      %gt3A_334 = arith.cmpf ogt, %sub3A_331, %gt3A_333 : f32
      %mul3A_335 = arith.mulf %sub3A_331, %sub3A_331 : f32
      %gt3A_336 = arith.cmpf ogt, %mul3A_335, %max3A_268 : f32
      %and3A_337 = arith.andi %gt3A_334, %gt3A_336 : i1
      %jit3A_338 = arith.constant 1 : i32
      %jit3A_339 = arith.constant 0 : i32
      %select_n3A_340 = arith.select %and3A_337, %jit3A_338, %jit3A_339 : i32
      %add3A_341 = arith.addi %add3A_314, %select_n3A_340 : i32
      %gt3A_342 = arith.constant 0.000000e+00 : f32
      %gt3A_343 = arith.cmpf ogt, %sub3A_332, %gt3A_342 : f32
      %mul3A_344 = arith.mulf %sub3A_332, %sub3A_332 : f32
      %gt3A_345 = arith.cmpf ogt, %mul3A_344, %max3A_268 : f32
      %and3A_346 = arith.andi %gt3A_343, %gt3A_345 : i1
      %jit3A_347 = arith.constant 1 : i32
      %jit3A_348 = arith.constant 0 : i32
      %select_n3A_349 = arith.select %and3A_346, %jit3A_347, %jit3A_348 : i32
      %add3A_350 = arith.addi %add3A_323, %select_n3A_349 : i32
      %get3A_351 = arith.constant 16432 : index
      %get3A_352 = tpu.vector_load %arg6[%get3A_351] {strides = array<i32>} : memref<16640xf32, #tpu.memory_space<vmem>>, vector<16xf32>,
      %get3A_353 = vector.shape_cast %get3A_352 : vector<16xf32> to vector<16xf32>
      %slice3A_354 = vector.extract_strided_slice %get3A_353 {offsets = [0], sizes = [1], strides = [1]} : vector<16xf32> to vector<1xf32>
      %squeeze3A_355 = vector.extract %slice3A_354[0] : f32 from vector<1xf32>
      %slice3A_356 = vector.extract_strided_slice %get3A_353 {offsets = [1], sizes = [1], strides = [1]} : vector<16xf32> to vector<1xf32>
      %squeeze3A_357 = vector.extract %slice3A_356[0] : f32 from vector<1xf32>
      %sub3A_358 = arith.subf %min3A_139, %squeeze3A_357 : f32
      %sub3A_359 = arith.subf %squeeze3A_355, %max3A_185 : f32
      %gt3A_360 = arith.constant 0.000000e+00 : f32
      %gt3A_361 = arith.cmpf ogt, %sub3A_358, %gt3A_360 : f32
      %mul3A_362 = arith.mulf %sub3A_358, %sub3A_358 : f32
      %gt3A_363 = arith.cmpf ogt, %mul3A_362, %max3A_268 : f32
      %and3A_364 = arith.andi %gt3A_361, %gt3A_363 : i1
      %jit3A_365 = arith.constant 1 : i32
      %jit3A_366 = arith.constant 0 : i32
      %select_n3A_367 = arith.select %and3A_364, %jit3A_365, %jit3A_366 : i32
      %add3A_368 = arith.addi %add3A_341, %select_n3A_367 : i32
      %gt3A_369 = arith.constant 0.000000e+00 : f32
      %gt3A_370 = arith.cmpf ogt, %sub3A_359, %gt3A_369 : f32
      %mul3A_371 = arith.mulf %sub3A_359, %sub3A_359 : f32
      %gt3A_372 = arith.cmpf ogt, %mul3A_371, %max3A_268 : f32
      %and3A_373 = arith.andi %gt3A_370, %gt3A_372 : i1
      %jit3A_374 = arith.constant 1 : i32
      %jit3A_375 = arith.constant 0 : i32
      %select_n3A_376 = arith.select %and3A_373, %jit3A_374, %jit3A_375 : i32
      %add3A_377 = arith.addi %add3A_350, %select_n3A_376 : i32
      %get3A_378 = arith.constant 16448 : index
      %get3A_379 = tpu.vector_load %arg6[%get3A_378] {strides = array<i32>} : memref<16640xf32, #tpu.memory_space<vmem>>, vector<16xf32>,
      %get3A_380 = vector.shape_cast %get3A_379 : vector<16xf32> to vector<16xf32>
      %slice3A_381 = vector.extract_strided_slice %get3A_380 {offsets = [0], sizes = [1], strides = [1]} : vector<16xf32> to vector<1xf32>
      %squeeze3A_382 = vector.extract %slice3A_381[0] : f32 from vector<1xf32>
      %slice3A_383 = vector.extract_strided_slice %get3A_380 {offsets = [1], sizes = [1], strides = [1]} : vector<16xf32> to vector<1xf32>
      %squeeze3A_384 = vector.extract %slice3A_383[0] : f32 from vector<1xf32>
      %sub3A_385 = arith.subf %min3A_139, %squeeze3A_384 : f32
      %sub3A_386 = arith.subf %squeeze3A_382, %max3A_185 : f32
      %gt3A_387 = arith.constant 0.000000e+00 : f32
      %gt3A_388 = arith.cmpf ogt, %sub3A_385, %gt3A_387 : f32
      %mul3A_389 = arith.mulf %sub3A_385, %sub3A_385 : f32
      %gt3A_390 = arith.cmpf ogt, %mul3A_389, %max3A_268 : f32
      %and3A_391 = arith.andi %gt3A_388, %gt3A_390 : i1
      %jit3A_392 = arith.constant 1 : i32
      %jit3A_393 = arith.constant 0 : i32
      %select_n3A_394 = arith.select %and3A_391, %jit3A_392, %jit3A_393 : i32
      %add3A_395 = arith.addi %add3A_368, %select_n3A_394 : i32
      %gt3A_396 = arith.constant 0.000000e+00 : f32
      %gt3A_397 = arith.cmpf ogt, %sub3A_386, %gt3A_396 : f32
      %mul3A_398 = arith.mulf %sub3A_386, %sub3A_386 : f32
      %gt3A_399 = arith.cmpf ogt, %mul3A_398, %max3A_268 : f32
      %and3A_400 = arith.andi %gt3A_397, %gt3A_399 : i1
      %jit3A_401 = arith.constant 1 : i32
      %jit3A_402 = arith.constant 0 : i32
      %select_n3A_403 = arith.select %and3A_400, %jit3A_401, %jit3A_402 : i32
      %add3A_404 = arith.addi %add3A_377, %select_n3A_403 : i32
      %get3A_405 = arith.constant 16464 : index
      %get3A_406 = tpu.vector_load %arg6[%get3A_405] {strides = array<i32>} : memref<16640xf32, #tpu.memory_space<vmem>>, vector<16xf32>,
      %get3A_407 = vector.shape_cast %get3A_406 : vector<16xf32> to vector<16xf32>
      %slice3A_408 = vector.extract_strided_slice %get3A_407 {offsets = [0], sizes = [1], strides = [1]} : vector<16xf32> to vector<1xf32>
      %squeeze3A_409 = vector.extract %slice3A_408[0] : f32 from vector<1xf32>
      %slice3A_410 = vector.extract_strided_slice %get3A_407 {offsets = [1], sizes = [1], strides = [1]} : vector<16xf32> to vector<1xf32>
      %squeeze3A_411 = vector.extract %slice3A_410[0] : f32 from vector<1xf32>
      %sub3A_412 = arith.subf %min3A_139, %squeeze3A_411 : f32
      %sub3A_413 = arith.subf %squeeze3A_409, %max3A_185 : f32
      %gt3A_414 = arith.constant 0.000000e+00 : f32
      %gt3A_415 = arith.cmpf ogt, %sub3A_412, %gt3A_414 : f32
      %mul3A_416 = arith.mulf %sub3A_412, %sub3A_412 : f32
      %gt3A_417 = arith.cmpf ogt, %mul3A_416, %max3A_268 : f32
      %and3A_418 = arith.andi %gt3A_415, %gt3A_417 : i1
      %jit3A_419 = arith.constant 1 : i32
      %jit3A_420 = arith.constant 0 : i32
      %select_n3A_421 = arith.select %and3A_418, %jit3A_419, %jit3A_420 : i32
      %add3A_422 = arith.addi %add3A_395, %select_n3A_421 : i32
      %gt3A_423 = arith.constant 0.000000e+00 : f32
      %gt3A_424 = arith.cmpf ogt, %sub3A_413, %gt3A_423 : f32
      %mul3A_425 = arith.mulf %sub3A_413, %sub3A_413 : f32
      %gt3A_426 = arith.cmpf ogt, %mul3A_425, %max3A_268 : f32
      %and3A_427 = arith.andi %gt3A_424, %gt3A_426 : i1
      %jit3A_428 = arith.constant 1 : i32
      %jit3A_429 = arith.constant 0 : i32
      %select_n3A_430 = arith.select %and3A_427, %jit3A_428, %jit3A_429 : i32
      %add3A_431 = arith.addi %add3A_404, %select_n3A_430 : i32
      %get3A_432 = arith.constant 16480 : index
      %get3A_433 = tpu.vector_load %arg6[%get3A_432] {strides = array<i32>} : memref<16640xf32, #tpu.memory_space<vmem>>, vector<16xf32>,
      %get3A_434 = vector.shape_cast %get3A_433 : vector<16xf32> to vector<16xf32>
      %slice3A_435 = vector.extract_strided_slice %get3A_434 {offsets = [0], sizes = [1], strides = [1]} : vector<16xf32> to vector<1xf32>
      %squeeze3A_436 = vector.extract %slice3A_435[0] : f32 from vector<1xf32>
      %slice3A_437 = vector.extract_strided_slice %get3A_434 {offsets = [1], sizes = [1], strides = [1]} : vector<16xf32> to vector<1xf32>
      %squeeze3A_438 = vector.extract %slice3A_437[0] : f32 from vector<1xf32>
      %sub3A_439 = arith.subf %min3A_139, %squeeze3A_438 : f32
      %sub3A_440 = arith.subf %squeeze3A_436, %max3A_185 : f32
      %gt3A_441 = arith.constant 0.000000e+00 : f32
      %gt3A_442 = arith.cmpf ogt, %sub3A_439, %gt3A_441 : f32
      %mul3A_443 = arith.mulf %sub3A_439, %sub3A_439 : f32
      %gt3A_444 = arith.cmpf ogt, %mul3A_443, %max3A_268 : f32
      %and3A_445 = arith.andi %gt3A_442, %gt3A_444 : i1
      %jit3A_446 = arith.constant 1 : i32
      %jit3A_447 = arith.constant 0 : i32
      %select_n3A_448 = arith.select %and3A_445, %jit3A_446, %jit3A_447 : i32
      %add3A_449 = arith.addi %add3A_422, %select_n3A_448 : i32
      %gt3A_450 = arith.constant 0.000000e+00 : f32
      %gt3A_451 = arith.cmpf ogt, %sub3A_440, %gt3A_450 : f32
      %mul3A_452 = arith.mulf %sub3A_440, %sub3A_440 : f32
      %gt3A_453 = arith.cmpf ogt, %mul3A_452, %max3A_268 : f32
      %and3A_454 = arith.andi %gt3A_451, %gt3A_453 : i1
      %jit3A_455 = arith.constant 1 : i32
      %jit3A_456 = arith.constant 0 : i32
      %select_n3A_457 = arith.select %and3A_454, %jit3A_455, %jit3A_456 : i32
      %add3A_458 = arith.addi %add3A_431, %select_n3A_457 : i32
      %get3A_459 = arith.constant 16496 : index
      %get3A_460 = tpu.vector_load %arg6[%get3A_459] {strides = array<i32>} : memref<16640xf32, #tpu.memory_space<vmem>>, vector<16xf32>,
      %get3A_461 = vector.shape_cast %get3A_460 : vector<16xf32> to vector<16xf32>
      %slice3A_462 = vector.extract_strided_slice %get3A_461 {offsets = [0], sizes = [1], strides = [1]} : vector<16xf32> to vector<1xf32>
      %squeeze3A_463 = vector.extract %slice3A_462[0] : f32 from vector<1xf32>
      %slice3A_464 = vector.extract_strided_slice %get3A_461 {offsets = [1], sizes = [1], strides = [1]} : vector<16xf32> to vector<1xf32>
      %squeeze3A_465 = vector.extract %slice3A_464[0] : f32 from vector<1xf32>
      %sub3A_466 = arith.subf %min3A_139, %squeeze3A_465 : f32
      %sub3A_467 = arith.subf %squeeze3A_463, %max3A_185 : f32
      %gt3A_468 = arith.constant 0.000000e+00 : f32
      %gt3A_469 = arith.cmpf ogt, %sub3A_466, %gt3A_468 : f32
      %mul3A_470 = arith.mulf %sub3A_466, %sub3A_466 : f32
      %gt3A_471 = arith.cmpf ogt, %mul3A_470, %max3A_268 : f32
      %and3A_472 = arith.andi %gt3A_469, %gt3A_471 : i1
      %jit3A_473 = arith.constant 1 : i32
      %jit3A_474 = arith.constant 0 : i32
      %select_n3A_475 = arith.select %and3A_472, %jit3A_473, %jit3A_474 : i32
      %add3A_476 = arith.addi %add3A_449, %select_n3A_475 : i32
      %gt3A_477 = arith.constant 0.000000e+00 : f32
      %gt3A_478 = arith.cmpf ogt, %sub3A_467, %gt3A_477 : f32
      %mul3A_479 = arith.mulf %sub3A_467, %sub3A_467 : f32
      %gt3A_480 = arith.cmpf ogt, %mul3A_479, %max3A_268 : f32
      %and3A_481 = arith.andi %gt3A_478, %gt3A_480 : i1
      %jit3A_482 = arith.constant 1 : i32
      %jit3A_483 = arith.constant 0 : i32
      %select_n3A_484 = arith.select %and3A_481, %jit3A_482, %jit3A_483 : i32
      %add3A_485 = arith.addi %add3A_458, %select_n3A_484 : i32
      %get3A_486 = arith.constant 16512 : index
      %get3A_487 = tpu.vector_load %arg6[%get3A_486] {strides = array<i32>} : memref<16640xf32, #tpu.memory_space<vmem>>, vector<16xf32>,
      %get3A_488 = vector.shape_cast %get3A_487 : vector<16xf32> to vector<16xf32>
      %slice3A_489 = vector.extract_strided_slice %get3A_488 {offsets = [0], sizes = [1], strides = [1]} : vector<16xf32> to vector<1xf32>
      %squeeze3A_490 = vector.extract %slice3A_489[0] : f32 from vector<1xf32>
      %slice3A_491 = vector.extract_strided_slice %get3A_488 {offsets = [1], sizes = [1], strides = [1]} : vector<16xf32> to vector<1xf32>
      %squeeze3A_492 = vector.extract %slice3A_491[0] : f32 from vector<1xf32>
      %sub3A_493 = arith.subf %min3A_139, %squeeze3A_492 : f32
      %sub3A_494 = arith.subf %squeeze3A_490, %max3A_185 : f32
      %gt3A_495 = arith.constant 0.000000e+00 : f32
      %gt3A_496 = arith.cmpf ogt, %sub3A_493, %gt3A_495 : f32
      %mul3A_497 = arith.mulf %sub3A_493, %sub3A_493 : f32
      %gt3A_498 = arith.cmpf ogt, %mul3A_497, %max3A_268 : f32
      %and3A_499 = arith.andi %gt3A_496, %gt3A_498 : i1
      %jit3A_500 = arith.constant 1 : i32
      %jit3A_501 = arith.constant 0 : i32
      %select_n3A_502 = arith.select %and3A_499, %jit3A_500, %jit3A_501 : i32
      %add3A_503 = arith.addi %add3A_476, %select_n3A_502 : i32
      %gt3A_504 = arith.constant 0.000000e+00 : f32
      %gt3A_505 = arith.cmpf ogt, %sub3A_494, %gt3A_504 : f32
      %mul3A_506 = arith.mulf %sub3A_494, %sub3A_494 : f32
      %gt3A_507 = arith.cmpf ogt, %mul3A_506, %max3A_268 : f32
      %and3A_508 = arith.andi %gt3A_505, %gt3A_507 : i1
      %jit3A_509 = arith.constant 1 : i32
      %jit3A_510 = arith.constant 0 : i32
      %select_n3A_511 = arith.select %and3A_508, %jit3A_509, %jit3A_510 : i32
      %add3A_512 = arith.addi %add3A_485, %select_n3A_511 : i32
      %get3A_513 = arith.constant 16528 : index
      %get3A_514 = tpu.vector_load %arg6[%get3A_513] {strides = array<i32>} : memref<16640xf32, #tpu.memory_space<vmem>>, vector<16xf32>,
      %get3A_515 = vector.shape_cast %get3A_514 : vector<16xf32> to vector<16xf32>
      %slice3A_516 = vector.extract_strided_slice %get3A_515 {offsets = [0], sizes = [1], strides = [1]} : vector<16xf32> to vector<1xf32>
      %squeeze3A_517 = vector.extract %slice3A_516[0] : f32 from vector<1xf32>
      %slice3A_518 = vector.extract_strided_slice %get3A_515 {offsets = [1], sizes = [1], strides = [1]} : vector<16xf32> to vector<1xf32>
      %squeeze3A_519 = vector.extract %slice3A_518[0] : f32 from vector<1xf32>
      %sub3A_520 = arith.subf %min3A_139, %squeeze3A_519 : f32
      %sub3A_521 = arith.subf %squeeze3A_517, %max3A_185 : f32
      %gt3A_522 = arith.constant 0.000000e+00 : f32
      %gt3A_523 = arith.cmpf ogt, %sub3A_520, %gt3A_522 : f32
      %mul3A_524 = arith.mulf %sub3A_520, %sub3A_520 : f32
      %gt3A_525 = arith.cmpf ogt, %mul3A_524, %max3A_268 : f32
      %and3A_526 = arith.andi %gt3A_523, %gt3A_525 : i1
      %jit3A_527 = arith.constant 1 : i32
      %jit3A_528 = arith.constant 0 : i32
      %select_n3A_529 = arith.select %and3A_526, %jit3A_527, %jit3A_528 : i32
      %add3A_530 = arith.addi %add3A_503, %select_n3A_529 : i32
      %gt3A_531 = arith.constant 0.000000e+00 : f32
      %gt3A_532 = arith.cmpf ogt, %sub3A_521, %gt3A_531 : f32
      %mul3A_533 = arith.mulf %sub3A_521, %sub3A_521 : f32
      %gt3A_534 = arith.cmpf ogt, %mul3A_533, %max3A_268 : f32
      %and3A_535 = arith.andi %gt3A_532, %gt3A_534 : i1
      %jit3A_536 = arith.constant 1 : i32
      %jit3A_537 = arith.constant 0 : i32
      %select_n3A_538 = arith.select %and3A_535, %jit3A_536, %jit3A_537 : i32
      %add3A_539 = arith.addi %add3A_512, %select_n3A_538 : i32
      %get3A_540 = arith.constant 16544 : index
      %get3A_541 = tpu.vector_load %arg6[%get3A_540] {strides = array<i32>} : memref<16640xf32, #tpu.memory_space<vmem>>, vector<16xf32>,
      %get3A_542 = vector.shape_cast %get3A_541 : vector<16xf32> to vector<16xf32>
      %slice3A_543 = vector.extract_strided_slice %get3A_542 {offsets = [0], sizes = [1], strides = [1]} : vector<16xf32> to vector<1xf32>
      %squeeze3A_544 = vector.extract %slice3A_543[0] : f32 from vector<1xf32>
      %slice3A_545 = vector.extract_strided_slice %get3A_542 {offsets = [1], sizes = [1], strides = [1]} : vector<16xf32> to vector<1xf32>
      %squeeze3A_546 = vector.extract %slice3A_545[0] : f32 from vector<1xf32>
      %sub3A_547 = arith.subf %min3A_139, %squeeze3A_546 : f32
      %sub3A_548 = arith.subf %squeeze3A_544, %max3A_185 : f32
      %gt3A_549 = arith.constant 0.000000e+00 : f32
      %gt3A_550 = arith.cmpf ogt, %sub3A_547, %gt3A_549 : f32
      %mul3A_551 = arith.mulf %sub3A_547, %sub3A_547 : f32
      %gt3A_552 = arith.cmpf ogt, %mul3A_551, %max3A_268 : f32
      %and3A_553 = arith.andi %gt3A_550, %gt3A_552 : i1
      %jit3A_554 = arith.constant 1 : i32
      %jit3A_555 = arith.constant 0 : i32
      %select_n3A_556 = arith.select %and3A_553, %jit3A_554, %jit3A_555 : i32
      %add3A_557 = arith.addi %add3A_530, %select_n3A_556 : i32
      %gt3A_558 = arith.constant 0.000000e+00 : f32
      %gt3A_559 = arith.cmpf ogt, %sub3A_548, %gt3A_558 : f32
      %mul3A_560 = arith.mulf %sub3A_548, %sub3A_548 : f32
      %gt3A_561 = arith.cmpf ogt, %mul3A_560, %max3A_268 : f32
      %and3A_562 = arith.andi %gt3A_559, %gt3A_561 : i1
      %jit3A_563 = arith.constant 1 : i32
      %jit3A_564 = arith.constant 0 : i32
      %select_n3A_565 = arith.select %and3A_562, %jit3A_563, %jit3A_564 : i32
      %add3A_566 = arith.addi %add3A_539, %select_n3A_565 : i32
      %get3A_567 = arith.constant 16560 : index
      %get3A_568 = tpu.vector_load %arg6[%get3A_567] {strides = array<i32>} : memref<16640xf32, #tpu.memory_space<vmem>>, vector<16xf32>,
      %get3A_569 = vector.shape_cast %get3A_568 : vector<16xf32> to vector<16xf32>
      %slice3A_570 = vector.extract_strided_slice %get3A_569 {offsets = [0], sizes = [1], strides = [1]} : vector<16xf32> to vector<1xf32>
      %squeeze3A_571 = vector.extract %slice3A_570[0] : f32 from vector<1xf32>
      %slice3A_572 = vector.extract_strided_slice %get3A_569 {offsets = [1], sizes = [1], strides = [1]} : vector<16xf32> to vector<1xf32>
      %squeeze3A_573 = vector.extract %slice3A_572[0] : f32 from vector<1xf32>
      %sub3A_574 = arith.subf %min3A_139, %squeeze3A_573 : f32
      %sub3A_575 = arith.subf %squeeze3A_571, %max3A_185 : f32
      %gt3A_576 = arith.constant 0.000000e+00 : f32
      %gt3A_577 = arith.cmpf ogt, %sub3A_574, %gt3A_576 : f32
      %mul3A_578 = arith.mulf %sub3A_574, %sub3A_574 : f32
      %gt3A_579 = arith.cmpf ogt, %mul3A_578, %max3A_268 : f32
      %and3A_580 = arith.andi %gt3A_577, %gt3A_579 : i1
      %jit3A_581 = arith.constant 1 : i32
      %jit3A_582 = arith.constant 0 : i32
      %select_n3A_583 = arith.select %and3A_580, %jit3A_581, %jit3A_582 : i32
      %add3A_584 = arith.addi %add3A_557, %select_n3A_583 : i32
      %gt3A_585 = arith.constant 0.000000e+00 : f32
      %gt3A_586 = arith.cmpf ogt, %sub3A_575, %gt3A_585 : f32
      %mul3A_587 = arith.mulf %sub3A_575, %sub3A_575 : f32
      %gt3A_588 = arith.cmpf ogt, %mul3A_587, %max3A_268 : f32
      %and3A_589 = arith.andi %gt3A_586, %gt3A_588 : i1
      %jit3A_590 = arith.constant 1 : i32
      %jit3A_591 = arith.constant 0 : i32
      %select_n3A_592 = arith.select %and3A_589, %jit3A_590, %jit3A_591 : i32
      %add3A_593 = arith.addi %add3A_566, %select_n3A_592 : i32
      %get3A_594 = arith.constant 16576 : index
      %get3A_595 = tpu.vector_load %arg6[%get3A_594] {strides = array<i32>} : memref<16640xf32, #tpu.memory_space<vmem>>, vector<16xf32>,
      %get3A_596 = vector.shape_cast %get3A_595 : vector<16xf32> to vector<16xf32>
      %slice3A_597 = vector.extract_strided_slice %get3A_596 {offsets = [0], sizes = [1], strides = [1]} : vector<16xf32> to vector<1xf32>
      %squeeze3A_598 = vector.extract %slice3A_597[0] : f32 from vector<1xf32>
      %slice3A_599 = vector.extract_strided_slice %get3A_596 {offsets = [1], sizes = [1], strides = [1]} : vector<16xf32> to vector<1xf32>
      %squeeze3A_600 = vector.extract %slice3A_599[0] : f32 from vector<1xf32>
      %sub3A_601 = arith.subf %min3A_139, %squeeze3A_600 : f32
      %sub3A_602 = arith.subf %squeeze3A_598, %max3A_185 : f32
      %gt3A_603 = arith.constant 0.000000e+00 : f32
      %gt3A_604 = arith.cmpf ogt, %sub3A_601, %gt3A_603 : f32
      %mul3A_605 = arith.mulf %sub3A_601, %sub3A_601 : f32
      %gt3A_606 = arith.cmpf ogt, %mul3A_605, %max3A_268 : f32
      %and3A_607 = arith.andi %gt3A_604, %gt3A_606 : i1
      %jit3A_608 = arith.constant 1 : i32
      %jit3A_609 = arith.constant 0 : i32
      %select_n3A_610 = arith.select %and3A_607, %jit3A_608, %jit3A_609 : i32
      %add3A_611 = arith.addi %add3A_584, %select_n3A_610 : i32
      %gt3A_612 = arith.constant 0.000000e+00 : f32
      %gt3A_613 = arith.cmpf ogt, %sub3A_602, %gt3A_612 : f32
      %mul3A_614 = arith.mulf %sub3A_602, %sub3A_602 : f32
      %gt3A_615 = arith.cmpf ogt, %mul3A_614, %max3A_268 : f32
      %and3A_616 = arith.andi %gt3A_613, %gt3A_615 : i1
      %jit3A_617 = arith.constant 1 : i32
      %jit3A_618 = arith.constant 0 : i32
      %select_n3A_619 = arith.select %and3A_616, %jit3A_617, %jit3A_618 : i32
      %add3A_620 = arith.addi %add3A_593, %select_n3A_619 : i32
      %get3A_621 = arith.constant 16592 : index
      %get3A_622 = tpu.vector_load %arg6[%get3A_621] {strides = array<i32>} : memref<16640xf32, #tpu.memory_space<vmem>>, vector<16xf32>,
      %get3A_623 = vector.shape_cast %get3A_622 : vector<16xf32> to vector<16xf32>
      %slice3A_624 = vector.extract_strided_slice %get3A_623 {offsets = [0], sizes = [1], strides = [1]} : vector<16xf32> to vector<1xf32>
      %squeeze3A_625 = vector.extract %slice3A_624[0] : f32 from vector<1xf32>
      %slice3A_626 = vector.extract_strided_slice %get3A_623 {offsets = [1], sizes = [1], strides = [1]} : vector<16xf32> to vector<1xf32>
      %squeeze3A_627 = vector.extract %slice3A_626[0] : f32 from vector<1xf32>
      %sub3A_628 = arith.subf %min3A_139, %squeeze3A_627 : f32
      %sub3A_629 = arith.subf %squeeze3A_625, %max3A_185 : f32
      %gt3A_630 = arith.constant 0.000000e+00 : f32
      %gt3A_631 = arith.cmpf ogt, %sub3A_628, %gt3A_630 : f32
      %mul3A_632 = arith.mulf %sub3A_628, %sub3A_628 : f32
      %gt3A_633 = arith.cmpf ogt, %mul3A_632, %max3A_268 : f32
      %and3A_634 = arith.andi %gt3A_631, %gt3A_633 : i1
      %jit3A_635 = arith.constant 1 : i32
      %jit3A_636 = arith.constant 0 : i32
      %select_n3A_637 = arith.select %and3A_634, %jit3A_635, %jit3A_636 : i32
      %add3A_638 = arith.addi %add3A_611, %select_n3A_637 : i32
      %gt3A_639 = arith.constant 0.000000e+00 : f32
      %gt3A_640 = arith.cmpf ogt, %sub3A_629, %gt3A_639 : f32
      %mul3A_641 = arith.mulf %sub3A_629, %sub3A_629 : f32
      %gt3A_642 = arith.cmpf ogt, %mul3A_641, %max3A_268 : f32
      %and3A_643 = arith.andi %gt3A_640, %gt3A_642 : i1
      %jit3A_644 = arith.constant 1 : i32
      %jit3A_645 = arith.constant 0 : i32
      %select_n3A_646 = arith.select %and3A_643, %jit3A_644, %jit3A_645 : i32
      %add3A_647 = arith.addi %add3A_620, %select_n3A_646 : i32
      %get3A_648 = arith.constant 16608 : index
      %get3A_649 = tpu.vector_load %arg6[%get3A_648] {strides = array<i32>} : memref<16640xf32, #tpu.memory_space<vmem>>, vector<16xf32>,
      %get3A_650 = vector.shape_cast %get3A_649 : vector<16xf32> to vector<16xf32>
      %slice3A_651 = vector.extract_strided_slice %get3A_650 {offsets = [0], sizes = [1], strides = [1]} : vector<16xf32> to vector<1xf32>
      %squeeze3A_652 = vector.extract %slice3A_651[0] : f32 from vector<1xf32>
      %slice3A_653 = vector.extract_strided_slice %get3A_650 {offsets = [1], sizes = [1], strides = [1]} : vector<16xf32> to vector<1xf32>
      %squeeze3A_654 = vector.extract %slice3A_653[0] : f32 from vector<1xf32>
      %sub3A_655 = arith.subf %min3A_139, %squeeze3A_654 : f32
      %sub3A_656 = arith.subf %squeeze3A_652, %max3A_185 : f32
      %gt3A_657 = arith.constant 0.000000e+00 : f32
      %gt3A_658 = arith.cmpf ogt, %sub3A_655, %gt3A_657 : f32
      %mul3A_659 = arith.mulf %sub3A_655, %sub3A_655 : f32
      %gt3A_660 = arith.cmpf ogt, %mul3A_659, %max3A_268 : f32
      %and3A_661 = arith.andi %gt3A_658, %gt3A_660 : i1
      %jit3A_662 = arith.constant 1 : i32
      %jit3A_663 = arith.constant 0 : i32
      %select_n3A_664 = arith.select %and3A_661, %jit3A_662, %jit3A_663 : i32
      %add3A_665 = arith.addi %add3A_638, %select_n3A_664 : i32
      %gt3A_666 = arith.constant 0.000000e+00 : f32
      %gt3A_667 = arith.cmpf ogt, %sub3A_656, %gt3A_666 : f32
      %mul3A_668 = arith.mulf %sub3A_656, %sub3A_656 : f32
      %gt3A_669 = arith.cmpf ogt, %mul3A_668, %max3A_268 : f32
      %and3A_670 = arith.andi %gt3A_667, %gt3A_669 : i1
      %jit3A_671 = arith.constant 1 : i32
      %jit3A_672 = arith.constant 0 : i32
      %select_n3A_673 = arith.select %and3A_670, %jit3A_671, %jit3A_672 : i32
      %add3A_674 = arith.addi %add3A_647, %select_n3A_673 : i32
      %get3A_675 = arith.constant 16624 : index
      %get3A_676 = tpu.vector_load %arg6[%get3A_675] {strides = array<i32>} : memref<16640xf32, #tpu.memory_space<vmem>>, vector<16xf32>,
      %get3A_677 = vector.shape_cast %get3A_676 : vector<16xf32> to vector<16xf32>
      %slice3A_678 = vector.extract_strided_slice %get3A_677 {offsets = [0], sizes = [1], strides = [1]} : vector<16xf32> to vector<1xf32>
      %squeeze3A_679 = vector.extract %slice3A_678[0] : f32 from vector<1xf32>
      %slice3A_680 = vector.extract_strided_slice %get3A_677 {offsets = [1], sizes = [1], strides = [1]} : vector<16xf32> to vector<1xf32>
      %squeeze3A_681 = vector.extract %slice3A_680[0] : f32 from vector<1xf32>
      %sub3A_682 = arith.subf %min3A_139, %squeeze3A_681 : f32
      %sub3A_683 = arith.subf %squeeze3A_679, %max3A_185 : f32
      %gt3A_684 = arith.constant 0.000000e+00 : f32
      %gt3A_685 = arith.cmpf ogt, %sub3A_682, %gt3A_684 : f32
      %mul3A_686 = arith.mulf %sub3A_682, %sub3A_682 : f32
      %gt3A_687 = arith.cmpf ogt, %mul3A_686, %max3A_268 : f32
      %and3A_688 = arith.andi %gt3A_685, %gt3A_687 : i1
      %jit3A_689 = arith.constant 1 : i32
      %jit3A_690 = arith.constant 0 : i32
      %select_n3A_691 = arith.select %and3A_688, %jit3A_689, %jit3A_690 : i32
      %add3A_692 = arith.addi %add3A_665, %select_n3A_691 : i32
      %gt3A_693 = arith.constant 0.000000e+00 : f32
      %gt3A_694 = arith.cmpf ogt, %sub3A_683, %gt3A_693 : f32
      %mul3A_695 = arith.mulf %sub3A_683, %sub3A_683 : f32
      %gt3A_696 = arith.cmpf ogt, %mul3A_695, %max3A_268 : f32
      %and3A_697 = arith.andi %gt3A_694, %gt3A_696 : i1
      %jit3A_698 = arith.constant 1 : i32
      %jit3A_699 = arith.constant 0 : i32
      %select_n3A_700 = arith.select %and3A_697, %jit3A_698, %jit3A_699 : i32
      %add3A_701 = arith.addi %add3A_674, %select_n3A_700 : i32
      %mul3A_702 = arith.constant 16 : i32
      %mul3A_703 = arith.muli %add3A_692, %mul3A_702 : i32
      %parallel_loop3A_704 = arith.constant 1 : i32
      %parallel_loop3A_705 = scf.for %parallel_loop3A_716 = %mul3A_703 to %mul3A_215 step %parallel_loop3A_704 iter_args(%parallel_loop3A_717 = %parallel_loop3A_220) -> (vector<16xf32>)  : i32 {
        %parallel_loop3A_718 = arith.constant 16 : i32
        %parallel_loop3A_719 = arith.muli %parallel_loop3A_716, %parallel_loop3A_718 : i32
        %parallel_loop3A_720 = arith.index_cast %parallel_loop3A_719 : i32 to index
        %parallel_loop3A_721 = tpu.vector_load %arg6[%parallel_loop3A_720] {strides = array<i32>} : memref<16640xf32, #tpu.memory_space<vmem>>, vector<16xf32>,
        %parallel_loop3A_722 = vector.shape_cast %parallel_loop3A_721 : vector<16xf32> to vector<16xf32>
        %parallel_loop3A_723 = arith.constant 4096 : i32
        %parallel_loop3A_724 = arith.addi %parallel_loop3A_723, %parallel_loop3A_719 : i32
        %parallel_loop3A_725 = arith.index_cast %parallel_loop3A_724 : i32 to index
        %parallel_loop3A_726 = tpu.vector_load %arg6[%parallel_loop3A_725] {strides = array<i32>} : memref<16640xf32, #tpu.memory_space<vmem>>, vector<16xf32>,
        %parallel_loop3A_727 = vector.shape_cast %parallel_loop3A_726 : vector<16xf32> to vector<16xf32>
        %parallel_loop3A_728 = arith.constant 8192 : i32
        %parallel_loop3A_729 = arith.addi %parallel_loop3A_728, %parallel_loop3A_719 : i32
        %parallel_loop3A_730 = arith.index_cast %parallel_loop3A_729 : i32 to index
        %parallel_loop3A_731 = tpu.vector_load %arg6[%parallel_loop3A_730] {strides = array<i32>} : memref<16640xf32, #tpu.memory_space<vmem>>, vector<16xf32>,
        %parallel_loop3A_732 = vector.shape_cast %parallel_loop3A_731 : vector<16xf32> to vector<16xf32>
        %parallel_loop3A_733 = arith.constant 12288 : i32
        %parallel_loop3A_734 = arith.addi %parallel_loop3A_733, %parallel_loop3A_719 : i32
        %parallel_loop3A_735 = arith.index_cast %parallel_loop3A_734 : i32 to index
        %parallel_loop3A_736 = tpu.vector_load %arg6[%parallel_loop3A_735] {strides = array<i32>} : memref<16640xf32, #tpu.memory_space<vmem>>, vector<16xf32>,
        %parallel_loop3A_737 = vector.shape_cast %parallel_loop3A_736 : vector<16xf32> to vector<16xf32>
        %parallel_loop3A_738 = vector.extract_strided_slice %parallel_loop3A_737 {offsets = [0], sizes = [1], strides = [1]} : vector<16xf32> to vector<1xf32>
        %parallel_loop3A_739 = vector.extract %parallel_loop3A_738[0] : f32 from vector<1xf32>
        %parallel_loop3A_740 = vector.extract_strided_slice %parallel_loop3A_722 {offsets = [0], sizes = [1], strides = [1]} : vector<16xf32> to vector<1xf32>
        %parallel_loop3A_741 = vector.extract %parallel_loop3A_740[0] : f32 from vector<1xf32>
        %parallel_loop3A_742 = vector.broadcast %parallel_loop3A_741 : f32 to vector<16xf32>
        %parallel_loop3A_743 = arith.mulf %mul3A_89, %parallel_loop3A_742 : vector<16xf32>
        %parallel_loop3A_744 = vector.broadcast %parallel_loop3A_739 : f32 to vector<16xf32>
        %parallel_loop3A_745 = arith.addf %parallel_loop3A_744, %parallel_loop3A_743 : vector<16xf32>
        %parallel_loop3A_746 = vector.extract_strided_slice %parallel_loop3A_727 {offsets = [0], sizes = [1], strides = [1]} : vector<16xf32> to vector<1xf32>
        %parallel_loop3A_747 = vector.extract %parallel_loop3A_746[0] : f32 from vector<1xf32>
        %parallel_loop3A_748 = vector.broadcast %parallel_loop3A_747 : f32 to vector<16xf32>
        %parallel_loop3A_749 = arith.mulf %mul3A_92, %parallel_loop3A_748 : vector<16xf32>
        %parallel_loop3A_750 = arith.addf %parallel_loop3A_745, %parallel_loop3A_749 : vector<16xf32>
        %parallel_loop3A_751 = vector.extract_strided_slice %parallel_loop3A_732 {offsets = [0], sizes = [1], strides = [1]} : vector<16xf32> to vector<1xf32>
        %parallel_loop3A_752 = vector.extract %parallel_loop3A_751[0] : f32 from vector<1xf32>
        %parallel_loop3A_753 = vector.broadcast %parallel_loop3A_752 : f32 to vector<16xf32>
        %parallel_loop3A_754 = arith.mulf %mul3A_95, %parallel_loop3A_753 : vector<16xf32>
        %parallel_loop3A_755 = arith.addf %parallel_loop3A_750, %parallel_loop3A_754 : vector<16xf32>
        %parallel_loop3A_756 = vector.extract_strided_slice %parallel_loop3A_737 {offsets = [1], sizes = [1], strides = [1]} : vector<16xf32> to vector<1xf32>
        %parallel_loop3A_757 = vector.extract %parallel_loop3A_756[0] : f32 from vector<1xf32>
        %parallel_loop3A_758 = vector.extract_strided_slice %parallel_loop3A_722 {offsets = [1], sizes = [1], strides = [1]} : vector<16xf32> to vector<1xf32>
        %parallel_loop3A_759 = vector.extract %parallel_loop3A_758[0] : f32 from vector<1xf32>
        %parallel_loop3A_760 = vector.broadcast %parallel_loop3A_759 : f32 to vector<16xf32>
        %parallel_loop3A_761 = arith.mulf %mul3A_89, %parallel_loop3A_760 : vector<16xf32>
        %parallel_loop3A_762 = vector.broadcast %parallel_loop3A_757 : f32 to vector<16xf32>
        %parallel_loop3A_763 = arith.addf %parallel_loop3A_762, %parallel_loop3A_761 : vector<16xf32>
        %parallel_loop3A_764 = vector.extract_strided_slice %parallel_loop3A_727 {offsets = [1], sizes = [1], strides = [1]} : vector<16xf32> to vector<1xf32>
        %parallel_loop3A_765 = vector.extract %parallel_loop3A_764[0] : f32 from vector<1xf32>
        %parallel_loop3A_766 = vector.broadcast %parallel_loop3A_765 : f32 to vector<16xf32>
        %parallel_loop3A_767 = arith.mulf %mul3A_92, %parallel_loop3A_766 : vector<16xf32>
        %parallel_loop3A_768 = arith.addf %parallel_loop3A_763, %parallel_loop3A_767 : vector<16xf32>
        %parallel_loop3A_769 = vector.extract_strided_slice %parallel_loop3A_732 {offsets = [1], sizes = [1], strides = [1]} : vector<16xf32> to vector<1xf32>
        %parallel_loop3A_770 = vector.extract %parallel_loop3A_769[0] : f32 from vector<1xf32>
        %parallel_loop3A_771 = vector.broadcast %parallel_loop3A_770 : f32 to vector<16xf32>
        %parallel_loop3A_772 = arith.mulf %mul3A_95, %parallel_loop3A_771 : vector<16xf32>
        %parallel_loop3A_773 = arith.addf %parallel_loop3A_768, %parallel_loop3A_772 : vector<16xf32>
        %parallel_loop3A_774 = vector.extract_strided_slice %parallel_loop3A_737 {offsets = [2], sizes = [1], strides = [1]} : vector<16xf32> to vector<1xf32>
        %parallel_loop3A_775 = vector.extract %parallel_loop3A_774[0] : f32 from vector<1xf32>
        %parallel_loop3A_776 = vector.extract_strided_slice %parallel_loop3A_722 {offsets = [2], sizes = [1], strides = [1]} : vector<16xf32> to vector<1xf32>
        %parallel_loop3A_777 = vector.extract %parallel_loop3A_776[0] : f32 from vector<1xf32>
        %parallel_loop3A_778 = vector.broadcast %parallel_loop3A_777 : f32 to vector<16xf32>
        %parallel_loop3A_779 = arith.mulf %mul3A_89, %parallel_loop3A_778 : vector<16xf32>
        %parallel_loop3A_780 = vector.broadcast %parallel_loop3A_775 : f32 to vector<16xf32>
        %parallel_loop3A_781 = arith.addf %parallel_loop3A_780, %parallel_loop3A_779 : vector<16xf32>
        %parallel_loop3A_782 = vector.extract_strided_slice %parallel_loop3A_727 {offsets = [2], sizes = [1], strides = [1]} : vector<16xf32> to vector<1xf32>
        %parallel_loop3A_783 = vector.extract %parallel_loop3A_782[0] : f32 from vector<1xf32>
        %parallel_loop3A_784 = vector.broadcast %parallel_loop3A_783 : f32 to vector<16xf32>
        %parallel_loop3A_785 = arith.mulf %mul3A_92, %parallel_loop3A_784 : vector<16xf32>
        %parallel_loop3A_786 = arith.addf %parallel_loop3A_781, %parallel_loop3A_785 : vector<16xf32>
        %parallel_loop3A_787 = vector.extract_strided_slice %parallel_loop3A_732 {offsets = [2], sizes = [1], strides = [1]} : vector<16xf32> to vector<1xf32>
        %parallel_loop3A_788 = vector.extract %parallel_loop3A_787[0] : f32 from vector<1xf32>
        %parallel_loop3A_789 = vector.broadcast %parallel_loop3A_788 : f32 to vector<16xf32>
        %parallel_loop3A_790 = arith.mulf %mul3A_95, %parallel_loop3A_789 : vector<16xf32>
        %parallel_loop3A_791 = arith.addf %parallel_loop3A_786, %parallel_loop3A_790 : vector<16xf32>
        %parallel_loop3A_792 = vector.extract_strided_slice %parallel_loop3A_737 {offsets = [3], sizes = [1], strides = [1]} : vector<16xf32> to vector<1xf32>
        %parallel_loop3A_793 = vector.extract %parallel_loop3A_792[0] : f32 from vector<1xf32>
        %parallel_loop3A_794 = vector.extract_strided_slice %parallel_loop3A_722 {offsets = [3], sizes = [1], strides = [1]} : vector<16xf32> to vector<1xf32>
        %parallel_loop3A_795 = vector.extract %parallel_loop3A_794[0] : f32 from vector<1xf32>
        %parallel_loop3A_796 = vector.broadcast %parallel_loop3A_795 : f32 to vector<16xf32>
        %parallel_loop3A_797 = arith.mulf %mul3A_89, %parallel_loop3A_796 : vector<16xf32>
        %parallel_loop3A_798 = vector.broadcast %parallel_loop3A_793 : f32 to vector<16xf32>
        %parallel_loop3A_799 = arith.addf %parallel_loop3A_798, %parallel_loop3A_797 : vector<16xf32>
        %parallel_loop3A_800 = vector.extract_strided_slice %parallel_loop3A_727 {offsets = [3], sizes = [1], strides = [1]} : vector<16xf32> to vector<1xf32>
        %parallel_loop3A_801 = vector.extract %parallel_loop3A_800[0] : f32 from vector<1xf32>
        %parallel_loop3A_802 = vector.broadcast %parallel_loop3A_801 : f32 to vector<16xf32>
        %parallel_loop3A_803 = arith.mulf %mul3A_92, %parallel_loop3A_802 : vector<16xf32>
        %parallel_loop3A_804 = arith.addf %parallel_loop3A_799, %parallel_loop3A_803 : vector<16xf32>
        %parallel_loop3A_805 = vector.extract_strided_slice %parallel_loop3A_732 {offsets = [3], sizes = [1], strides = [1]} : vector<16xf32> to vector<1xf32>
        %parallel_loop3A_806 = vector.extract %parallel_loop3A_805[0] : f32 from vector<1xf32>
        %parallel_loop3A_807 = vector.broadcast %parallel_loop3A_806 : f32 to vector<16xf32>
        %parallel_loop3A_808 = arith.mulf %mul3A_95, %parallel_loop3A_807 : vector<16xf32>
        %parallel_loop3A_809 = arith.addf %parallel_loop3A_804, %parallel_loop3A_808 : vector<16xf32>
        %parallel_loop3A_810 = vector.extract_strided_slice %parallel_loop3A_737 {offsets = [4], sizes = [1], strides = [1]} : vector<16xf32> to vector<1xf32>
        %parallel_loop3A_811 = vector.extract %parallel_loop3A_810[0] : f32 from vector<1xf32>
        %parallel_loop3A_812 = vector.extract_strided_slice %parallel_loop3A_722 {offsets = [4], sizes = [1], strides = [1]} : vector<16xf32> to vector<1xf32>
        %parallel_loop3A_813 = vector.extract %parallel_loop3A_812[0] : f32 from vector<1xf32>
        %parallel_loop3A_814 = vector.broadcast %parallel_loop3A_813 : f32 to vector<16xf32>
        %parallel_loop3A_815 = arith.mulf %mul3A_89, %parallel_loop3A_814 : vector<16xf32>
        %parallel_loop3A_816 = vector.broadcast %parallel_loop3A_811 : f32 to vector<16xf32>
        %parallel_loop3A_817 = arith.addf %parallel_loop3A_816, %parallel_loop3A_815 : vector<16xf32>
        %parallel_loop3A_818 = vector.extract_strided_slice %parallel_loop3A_727 {offsets = [4], sizes = [1], strides = [1]} : vector<16xf32> to vector<1xf32>
        %parallel_loop3A_819 = vector.extract %parallel_loop3A_818[0] : f32 from vector<1xf32>
        %parallel_loop3A_820 = vector.broadcast %parallel_loop3A_819 : f32 to vector<16xf32>
        %parallel_loop3A_821 = arith.mulf %mul3A_92, %parallel_loop3A_820 : vector<16xf32>
        %parallel_loop3A_822 = arith.addf %parallel_loop3A_817, %parallel_loop3A_821 : vector<16xf32>
        %parallel_loop3A_823 = vector.extract_strided_slice %parallel_loop3A_732 {offsets = [4], sizes = [1], strides = [1]} : vector<16xf32> to vector<1xf32>
        %parallel_loop3A_824 = vector.extract %parallel_loop3A_823[0] : f32 from vector<1xf32>
        %parallel_loop3A_825 = vector.broadcast %parallel_loop3A_824 : f32 to vector<16xf32>
        %parallel_loop3A_826 = arith.mulf %mul3A_95, %parallel_loop3A_825 : vector<16xf32>
        %parallel_loop3A_827 = arith.addf %parallel_loop3A_822, %parallel_loop3A_826 : vector<16xf32>
        %parallel_loop3A_828 = vector.extract_strided_slice %parallel_loop3A_737 {offsets = [5], sizes = [1], strides = [1]} : vector<16xf32> to vector<1xf32>
        %parallel_loop3A_829 = vector.extract %parallel_loop3A_828[0] : f32 from vector<1xf32>
        %parallel_loop3A_830 = vector.extract_strided_slice %parallel_loop3A_722 {offsets = [5], sizes = [1], strides = [1]} : vector<16xf32> to vector<1xf32>
        %parallel_loop3A_831 = vector.extract %parallel_loop3A_830[0] : f32 from vector<1xf32>
        %parallel_loop3A_832 = vector.broadcast %parallel_loop3A_831 : f32 to vector<16xf32>
        %parallel_loop3A_833 = arith.mulf %mul3A_89, %parallel_loop3A_832 : vector<16xf32>
        %parallel_loop3A_834 = vector.broadcast %parallel_loop3A_829 : f32 to vector<16xf32>
        %parallel_loop3A_835 = arith.addf %parallel_loop3A_834, %parallel_loop3A_833 : vector<16xf32>
        %parallel_loop3A_836 = vector.extract_strided_slice %parallel_loop3A_727 {offsets = [5], sizes = [1], strides = [1]} : vector<16xf32> to vector<1xf32>
        %parallel_loop3A_837 = vector.extract %parallel_loop3A_836[0] : f32 from vector<1xf32>
        %parallel_loop3A_838 = vector.broadcast %parallel_loop3A_837 : f32 to vector<16xf32>
        %parallel_loop3A_839 = arith.mulf %mul3A_92, %parallel_loop3A_838 : vector<16xf32>
        %parallel_loop3A_840 = arith.addf %parallel_loop3A_835, %parallel_loop3A_839 : vector<16xf32>
        %parallel_loop3A_841 = vector.extract_strided_slice %parallel_loop3A_732 {offsets = [5], sizes = [1], strides = [1]} : vector<16xf32> to vector<1xf32>
        %parallel_loop3A_842 = vector.extract %parallel_loop3A_841[0] : f32 from vector<1xf32>
        %parallel_loop3A_843 = vector.broadcast %parallel_loop3A_842 : f32 to vector<16xf32>
        %parallel_loop3A_844 = arith.mulf %mul3A_95, %parallel_loop3A_843 : vector<16xf32>
        %parallel_loop3A_845 = arith.addf %parallel_loop3A_840, %parallel_loop3A_844 : vector<16xf32>
        %parallel_loop3A_846 = vector.extract_strided_slice %parallel_loop3A_737 {offsets = [6], sizes = [1], strides = [1]} : vector<16xf32> to vector<1xf32>
        %parallel_loop3A_847 = vector.extract %parallel_loop3A_846[0] : f32 from vector<1xf32>
        %parallel_loop3A_848 = vector.extract_strided_slice %parallel_loop3A_722 {offsets = [6], sizes = [1], strides = [1]} : vector<16xf32> to vector<1xf32>
        %parallel_loop3A_849 = vector.extract %parallel_loop3A_848[0] : f32 from vector<1xf32>
        %parallel_loop3A_850 = vector.broadcast %parallel_loop3A_849 : f32 to vector<16xf32>
        %parallel_loop3A_851 = arith.mulf %mul3A_89, %parallel_loop3A_850 : vector<16xf32>
        %parallel_loop3A_852 = vector.broadcast %parallel_loop3A_847 : f32 to vector<16xf32>
        %parallel_loop3A_853 = arith.addf %parallel_loop3A_852, %parallel_loop3A_851 : vector<16xf32>
        %parallel_loop3A_854 = vector.extract_strided_slice %parallel_loop3A_727 {offsets = [6], sizes = [1], strides = [1]} : vector<16xf32> to vector<1xf32>
        %parallel_loop3A_855 = vector.extract %parallel_loop3A_854[0] : f32 from vector<1xf32>
        %parallel_loop3A_856 = vector.broadcast %parallel_loop3A_855 : f32 to vector<16xf32>
        %parallel_loop3A_857 = arith.mulf %mul3A_92, %parallel_loop3A_856 : vector<16xf32>
        %parallel_loop3A_858 = arith.addf %parallel_loop3A_853, %parallel_loop3A_857 : vector<16xf32>
        %parallel_loop3A_859 = vector.extract_strided_slice %parallel_loop3A_732 {offsets = [6], sizes = [1], strides = [1]} : vector<16xf32> to vector<1xf32>
        %parallel_loop3A_860 = vector.extract %parallel_loop3A_859[0] : f32 from vector<1xf32>
        %parallel_loop3A_861 = vector.broadcast %parallel_loop3A_860 : f32 to vector<16xf32>
        %parallel_loop3A_862 = arith.mulf %mul3A_95, %parallel_loop3A_861 : vector<16xf32>
        %parallel_loop3A_863 = arith.addf %parallel_loop3A_858, %parallel_loop3A_862 : vector<16xf32>
        %parallel_loop3A_864 = vector.extract_strided_slice %parallel_loop3A_737 {offsets = [7], sizes = [1], strides = [1]} : vector<16xf32> to vector<1xf32>
        %parallel_loop3A_865 = vector.extract %parallel_loop3A_864[0] : f32 from vector<1xf32>
        %parallel_loop3A_866 = vector.extract_strided_slice %parallel_loop3A_722 {offsets = [7], sizes = [1], strides = [1]} : vector<16xf32> to vector<1xf32>
        %parallel_loop3A_867 = vector.extract %parallel_loop3A_866[0] : f32 from vector<1xf32>
        %parallel_loop3A_868 = vector.broadcast %parallel_loop3A_867 : f32 to vector<16xf32>
        %parallel_loop3A_869 = arith.mulf %mul3A_89, %parallel_loop3A_868 : vector<16xf32>
        %parallel_loop3A_870 = vector.broadcast %parallel_loop3A_865 : f32 to vector<16xf32>
        %parallel_loop3A_871 = arith.addf %parallel_loop3A_870, %parallel_loop3A_869 : vector<16xf32>
        %parallel_loop3A_872 = vector.extract_strided_slice %parallel_loop3A_727 {offsets = [7], sizes = [1], strides = [1]} : vector<16xf32> to vector<1xf32>
        %parallel_loop3A_873 = vector.extract %parallel_loop3A_872[0] : f32 from vector<1xf32>
        %parallel_loop3A_874 = vector.broadcast %parallel_loop3A_873 : f32 to vector<16xf32>
        %parallel_loop3A_875 = arith.mulf %mul3A_92, %parallel_loop3A_874 : vector<16xf32>
        %parallel_loop3A_876 = arith.addf %parallel_loop3A_871, %parallel_loop3A_875 : vector<16xf32>
        %parallel_loop3A_877 = vector.extract_strided_slice %parallel_loop3A_732 {offsets = [7], sizes = [1], strides = [1]} : vector<16xf32> to vector<1xf32>
        %parallel_loop3A_878 = vector.extract %parallel_loop3A_877[0] : f32 from vector<1xf32>
        %parallel_loop3A_879 = vector.broadcast %parallel_loop3A_878 : f32 to vector<16xf32>
        %parallel_loop3A_880 = arith.mulf %mul3A_95, %parallel_loop3A_879 : vector<16xf32>
        %parallel_loop3A_881 = arith.addf %parallel_loop3A_876, %parallel_loop3A_880 : vector<16xf32>
        %parallel_loop3A_882 = vector.extract_strided_slice %parallel_loop3A_737 {offsets = [8], sizes = [1], strides = [1]} : vector<16xf32> to vector<1xf32>
        %parallel_loop3A_883 = vector.extract %parallel_loop3A_882[0] : f32 from vector<1xf32>
        %parallel_loop3A_884 = vector.extract_strided_slice %parallel_loop3A_722 {offsets = [8], sizes = [1], strides = [1]} : vector<16xf32> to vector<1xf32>
        %parallel_loop3A_885 = vector.extract %parallel_loop3A_884[0] : f32 from vector<1xf32>
        %parallel_loop3A_886 = vector.broadcast %parallel_loop3A_885 : f32 to vector<16xf32>
        %parallel_loop3A_887 = arith.mulf %mul3A_89, %parallel_loop3A_886 : vector<16xf32>
        %parallel_loop3A_888 = vector.broadcast %parallel_loop3A_883 : f32 to vector<16xf32>
        %parallel_loop3A_889 = arith.addf %parallel_loop3A_888, %parallel_loop3A_887 : vector<16xf32>
        %parallel_loop3A_890 = vector.extract_strided_slice %parallel_loop3A_727 {offsets = [8], sizes = [1], strides = [1]} : vector<16xf32> to vector<1xf32>
        %parallel_loop3A_891 = vector.extract %parallel_loop3A_890[0] : f32 from vector<1xf32>
        %parallel_loop3A_892 = vector.broadcast %parallel_loop3A_891 : f32 to vector<16xf32>
        %parallel_loop3A_893 = arith.mulf %mul3A_92, %parallel_loop3A_892 : vector<16xf32>
        %parallel_loop3A_894 = arith.addf %parallel_loop3A_889, %parallel_loop3A_893 : vector<16xf32>
        %parallel_loop3A_895 = vector.extract_strided_slice %parallel_loop3A_732 {offsets = [8], sizes = [1], strides = [1]} : vector<16xf32> to vector<1xf32>
        %parallel_loop3A_896 = vector.extract %parallel_loop3A_895[0] : f32 from vector<1xf32>
        %parallel_loop3A_897 = vector.broadcast %parallel_loop3A_896 : f32 to vector<16xf32>
        %parallel_loop3A_898 = arith.mulf %mul3A_95, %parallel_loop3A_897 : vector<16xf32>
        %parallel_loop3A_899 = arith.addf %parallel_loop3A_894, %parallel_loop3A_898 : vector<16xf32>
        %parallel_loop3A_900 = vector.extract_strided_slice %parallel_loop3A_737 {offsets = [9], sizes = [1], strides = [1]} : vector<16xf32> to vector<1xf32>
        %parallel_loop3A_901 = vector.extract %parallel_loop3A_900[0] : f32 from vector<1xf32>
        %parallel_loop3A_902 = vector.extract_strided_slice %parallel_loop3A_722 {offsets = [9], sizes = [1], strides = [1]} : vector<16xf32> to vector<1xf32>
        %parallel_loop3A_903 = vector.extract %parallel_loop3A_902[0] : f32 from vector<1xf32>
        %parallel_loop3A_904 = vector.broadcast %parallel_loop3A_903 : f32 to vector<16xf32>
        %parallel_loop3A_905 = arith.mulf %mul3A_89, %parallel_loop3A_904 : vector<16xf32>
        %parallel_loop3A_906 = vector.broadcast %parallel_loop3A_901 : f32 to vector<16xf32>
        %parallel_loop3A_907 = arith.addf %parallel_loop3A_906, %parallel_loop3A_905 : vector<16xf32>
        %parallel_loop3A_908 = vector.extract_strided_slice %parallel_loop3A_727 {offsets = [9], sizes = [1], strides = [1]} : vector<16xf32> to vector<1xf32>
        %parallel_loop3A_909 = vector.extract %parallel_loop3A_908[0] : f32 from vector<1xf32>
        %parallel_loop3A_910 = vector.broadcast %parallel_loop3A_909 : f32 to vector<16xf32>
        %parallel_loop3A_911 = arith.mulf %mul3A_92, %parallel_loop3A_910 : vector<16xf32>
        %parallel_loop3A_912 = arith.addf %parallel_loop3A_907, %parallel_loop3A_911 : vector<16xf32>
        %parallel_loop3A_913 = vector.extract_strided_slice %parallel_loop3A_732 {offsets = [9], sizes = [1], strides = [1]} : vector<16xf32> to vector<1xf32>
        %parallel_loop3A_914 = vector.extract %parallel_loop3A_913[0] : f32 from vector<1xf32>
        %parallel_loop3A_915 = vector.broadcast %parallel_loop3A_914 : f32 to vector<16xf32>
        %parallel_loop3A_916 = arith.mulf %mul3A_95, %parallel_loop3A_915 : vector<16xf32>
        %parallel_loop3A_917 = arith.addf %parallel_loop3A_912, %parallel_loop3A_916 : vector<16xf32>
        %parallel_loop3A_918 = vector.extract_strided_slice %parallel_loop3A_737 {offsets = [10], sizes = [1], strides = [1]} : vector<16xf32> to vector<1xf32>
        %parallel_loop3A_919 = vector.extract %parallel_loop3A_918[0] : f32 from vector<1xf32>
        %parallel_loop3A_920 = vector.extract_strided_slice %parallel_loop3A_722 {offsets = [10], sizes = [1], strides = [1]} : vector<16xf32> to vector<1xf32>
        %parallel_loop3A_921 = vector.extract %parallel_loop3A_920[0] : f32 from vector<1xf32>
        %parallel_loop3A_922 = vector.broadcast %parallel_loop3A_921 : f32 to vector<16xf32>
        %parallel_loop3A_923 = arith.mulf %mul3A_89, %parallel_loop3A_922 : vector<16xf32>
        %parallel_loop3A_924 = vector.broadcast %parallel_loop3A_919 : f32 to vector<16xf32>
        %parallel_loop3A_925 = arith.addf %parallel_loop3A_924, %parallel_loop3A_923 : vector<16xf32>
        %parallel_loop3A_926 = vector.extract_strided_slice %parallel_loop3A_727 {offsets = [10], sizes = [1], strides = [1]} : vector<16xf32> to vector<1xf32>
        %parallel_loop3A_927 = vector.extract %parallel_loop3A_926[0] : f32 from vector<1xf32>
        %parallel_loop3A_928 = vector.broadcast %parallel_loop3A_927 : f32 to vector<16xf32>
        %parallel_loop3A_929 = arith.mulf %mul3A_92, %parallel_loop3A_928 : vector<16xf32>
        %parallel_loop3A_930 = arith.addf %parallel_loop3A_925, %parallel_loop3A_929 : vector<16xf32>
        %parallel_loop3A_931 = vector.extract_strided_slice %parallel_loop3A_732 {offsets = [10], sizes = [1], strides = [1]} : vector<16xf32> to vector<1xf32>
        %parallel_loop3A_932 = vector.extract %parallel_loop3A_931[0] : f32 from vector<1xf32>
        %parallel_loop3A_933 = vector.broadcast %parallel_loop3A_932 : f32 to vector<16xf32>
        %parallel_loop3A_934 = arith.mulf %mul3A_95, %parallel_loop3A_933 : vector<16xf32>
        %parallel_loop3A_935 = arith.addf %parallel_loop3A_930, %parallel_loop3A_934 : vector<16xf32>
        %parallel_loop3A_936 = vector.extract_strided_slice %parallel_loop3A_737 {offsets = [11], sizes = [1], strides = [1]} : vector<16xf32> to vector<1xf32>
        %parallel_loop3A_937 = vector.extract %parallel_loop3A_936[0] : f32 from vector<1xf32>
        %parallel_loop3A_938 = vector.extract_strided_slice %parallel_loop3A_722 {offsets = [11], sizes = [1], strides = [1]} : vector<16xf32> to vector<1xf32>
        %parallel_loop3A_939 = vector.extract %parallel_loop3A_938[0] : f32 from vector<1xf32>
        %parallel_loop3A_940 = vector.broadcast %parallel_loop3A_939 : f32 to vector<16xf32>
        %parallel_loop3A_941 = arith.mulf %mul3A_89, %parallel_loop3A_940 : vector<16xf32>
        %parallel_loop3A_942 = vector.broadcast %parallel_loop3A_937 : f32 to vector<16xf32>
        %parallel_loop3A_943 = arith.addf %parallel_loop3A_942, %parallel_loop3A_941 : vector<16xf32>
        %parallel_loop3A_944 = vector.extract_strided_slice %parallel_loop3A_727 {offsets = [11], sizes = [1], strides = [1]} : vector<16xf32> to vector<1xf32>
        %parallel_loop3A_945 = vector.extract %parallel_loop3A_944[0] : f32 from vector<1xf32>
        %parallel_loop3A_946 = vector.broadcast %parallel_loop3A_945 : f32 to vector<16xf32>
        %parallel_loop3A_947 = arith.mulf %mul3A_92, %parallel_loop3A_946 : vector<16xf32>
        %parallel_loop3A_948 = arith.addf %parallel_loop3A_943, %parallel_loop3A_947 : vector<16xf32>
        %parallel_loop3A_949 = vector.extract_strided_slice %parallel_loop3A_732 {offsets = [11], sizes = [1], strides = [1]} : vector<16xf32> to vector<1xf32>
        %parallel_loop3A_950 = vector.extract %parallel_loop3A_949[0] : f32 from vector<1xf32>
        %parallel_loop3A_951 = vector.broadcast %parallel_loop3A_950 : f32 to vector<16xf32>
        %parallel_loop3A_952 = arith.mulf %mul3A_95, %parallel_loop3A_951 : vector<16xf32>
        %parallel_loop3A_953 = arith.addf %parallel_loop3A_948, %parallel_loop3A_952 : vector<16xf32>
        %parallel_loop3A_954 = vector.extract_strided_slice %parallel_loop3A_737 {offsets = [12], sizes = [1], strides = [1]} : vector<16xf32> to vector<1xf32>
        %parallel_loop3A_955 = vector.extract %parallel_loop3A_954[0] : f32 from vector<1xf32>
        %parallel_loop3A_956 = vector.extract_strided_slice %parallel_loop3A_722 {offsets = [12], sizes = [1], strides = [1]} : vector<16xf32> to vector<1xf32>
        %parallel_loop3A_957 = vector.extract %parallel_loop3A_956[0] : f32 from vector<1xf32>
        %parallel_loop3A_958 = vector.broadcast %parallel_loop3A_957 : f32 to vector<16xf32>
        %parallel_loop3A_959 = arith.mulf %mul3A_89, %parallel_loop3A_958 : vector<16xf32>
        %parallel_loop3A_960 = vector.broadcast %parallel_loop3A_955 : f32 to vector<16xf32>
        %parallel_loop3A_961 = arith.addf %parallel_loop3A_960, %parallel_loop3A_959 : vector<16xf32>
        %parallel_loop3A_962 = vector.extract_strided_slice %parallel_loop3A_727 {offsets = [12], sizes = [1], strides = [1]} : vector<16xf32> to vector<1xf32>
        %parallel_loop3A_963 = vector.extract %parallel_loop3A_962[0] : f32 from vector<1xf32>
        %parallel_loop3A_964 = vector.broadcast %parallel_loop3A_963 : f32 to vector<16xf32>
        %parallel_loop3A_965 = arith.mulf %mul3A_92, %parallel_loop3A_964 : vector<16xf32>
        %parallel_loop3A_966 = arith.addf %parallel_loop3A_961, %parallel_loop3A_965 : vector<16xf32>
        %parallel_loop3A_967 = vector.extract_strided_slice %parallel_loop3A_732 {offsets = [12], sizes = [1], strides = [1]} : vector<16xf32> to vector<1xf32>
        %parallel_loop3A_968 = vector.extract %parallel_loop3A_967[0] : f32 from vector<1xf32>
        %parallel_loop3A_969 = vector.broadcast %parallel_loop3A_968 : f32 to vector<16xf32>
        %parallel_loop3A_970 = arith.mulf %mul3A_95, %parallel_loop3A_969 : vector<16xf32>
        %parallel_loop3A_971 = arith.addf %parallel_loop3A_966, %parallel_loop3A_970 : vector<16xf32>
        %parallel_loop3A_972 = vector.extract_strided_slice %parallel_loop3A_737 {offsets = [13], sizes = [1], strides = [1]} : vector<16xf32> to vector<1xf32>
        %parallel_loop3A_973 = vector.extract %parallel_loop3A_972[0] : f32 from vector<1xf32>
        %parallel_loop3A_974 = vector.extract_strided_slice %parallel_loop3A_722 {offsets = [13], sizes = [1], strides = [1]} : vector<16xf32> to vector<1xf32>
        %parallel_loop3A_975 = vector.extract %parallel_loop3A_974[0] : f32 from vector<1xf32>
        %parallel_loop3A_976 = vector.broadcast %parallel_loop3A_975 : f32 to vector<16xf32>
        %parallel_loop3A_977 = arith.mulf %mul3A_89, %parallel_loop3A_976 : vector<16xf32>
        %parallel_loop3A_978 = vector.broadcast %parallel_loop3A_973 : f32 to vector<16xf32>
        %parallel_loop3A_979 = arith.addf %parallel_loop3A_978, %parallel_loop3A_977 : vector<16xf32>
        %parallel_loop3A_980 = vector.extract_strided_slice %parallel_loop3A_727 {offsets = [13], sizes = [1], strides = [1]} : vector<16xf32> to vector<1xf32>
        %parallel_loop3A_981 = vector.extract %parallel_loop3A_980[0] : f32 from vector<1xf32>
        %parallel_loop3A_982 = vector.broadcast %parallel_loop3A_981 : f32 to vector<16xf32>
        %parallel_loop3A_983 = arith.mulf %mul3A_92, %parallel_loop3A_982 : vector<16xf32>
        %parallel_loop3A_984 = arith.addf %parallel_loop3A_979, %parallel_loop3A_983 : vector<16xf32>
        %parallel_loop3A_985 = vector.extract_strided_slice %parallel_loop3A_732 {offsets = [13], sizes = [1], strides = [1]} : vector<16xf32> to vector<1xf32>
        %parallel_loop3A_986 = vector.extract %parallel_loop3A_985[0] : f32 from vector<1xf32>
        %parallel_loop3A_987 = vector.broadcast %parallel_loop3A_986 : f32 to vector<16xf32>
        %parallel_loop3A_988 = arith.mulf %mul3A_95, %parallel_loop3A_987 : vector<16xf32>
        %parallel_loop3A_989 = arith.addf %parallel_loop3A_984, %parallel_loop3A_988 : vector<16xf32>
        %parallel_loop3A_990 = vector.extract_strided_slice %parallel_loop3A_737 {offsets = [14], sizes = [1], strides = [1]} : vector<16xf32> to vector<1xf32>
        %parallel_loop3A_991 = vector.extract %parallel_loop3A_990[0] : f32 from vector<1xf32>
        %parallel_loop3A_992 = vector.extract_strided_slice %parallel_loop3A_722 {offsets = [14], sizes = [1], strides = [1]} : vector<16xf32> to vector<1xf32>
        %parallel_loop3A_993 = vector.extract %parallel_loop3A_992[0] : f32 from vector<1xf32>
        %parallel_loop3A_994 = vector.broadcast %parallel_loop3A_993 : f32 to vector<16xf32>
        %parallel_loop3A_995 = arith.mulf %mul3A_89, %parallel_loop3A_994 : vector<16xf32>
        %parallel_loop3A_996 = vector.broadcast %parallel_loop3A_991 : f32 to vector<16xf32>
        %parallel_loop3A_997 = arith.addf %parallel_loop3A_996, %parallel_loop3A_995 : vector<16xf32>
        %parallel_loop3A_998 = vector.extract_strided_slice %parallel_loop3A_727 {offsets = [14], sizes = [1], strides = [1]} : vector<16xf32> to vector<1xf32>
        %parallel_loop3A_999 = vector.extract %parallel_loop3A_998[0] : f32 from vector<1xf32>
        %parallel_loop3A_1000 = vector.broadcast %parallel_loop3A_999 : f32 to vector<16xf32>
        %parallel_loop3A_1001 = arith.mulf %mul3A_92, %parallel_loop3A_1000 : vector<16xf32>
        %parallel_loop3A_1002 = arith.addf %parallel_loop3A_997, %parallel_loop3A_1001 : vector<16xf32>
        %parallel_loop3A_1003 = vector.extract_strided_slice %parallel_loop3A_732 {offsets = [14], sizes = [1], strides = [1]} : vector<16xf32> to vector<1xf32>
        %parallel_loop3A_1004 = vector.extract %parallel_loop3A_1003[0] : f32 from vector<1xf32>
        %parallel_loop3A_1005 = vector.broadcast %parallel_loop3A_1004 : f32 to vector<16xf32>
        %parallel_loop3A_1006 = arith.mulf %mul3A_95, %parallel_loop3A_1005 : vector<16xf32>
        %parallel_loop3A_1007 = arith.addf %parallel_loop3A_1002, %parallel_loop3A_1006 : vector<16xf32>
        %parallel_loop3A_1008 = vector.extract_strided_slice %parallel_loop3A_737 {offsets = [15], sizes = [1], strides = [1]} : vector<16xf32> to vector<1xf32>
        %parallel_loop3A_1009 = vector.extract %parallel_loop3A_1008[0] : f32 from vector<1xf32>
        %parallel_loop3A_1010 = vector.extract_strided_slice %parallel_loop3A_722 {offsets = [15], sizes = [1], strides = [1]} : vector<16xf32> to vector<1xf32>
        %parallel_loop3A_1011 = vector.extract %parallel_loop3A_1010[0] : f32 from vector<1xf32>
        %parallel_loop3A_1012 = vector.broadcast %parallel_loop3A_1011 : f32 to vector<16xf32>
        %parallel_loop3A_1013 = arith.mulf %mul3A_89, %parallel_loop3A_1012 : vector<16xf32>
        %parallel_loop3A_1014 = vector.broadcast %parallel_loop3A_1009 : f32 to vector<16xf32>
        %parallel_loop3A_1015 = arith.addf %parallel_loop3A_1014, %parallel_loop3A_1013 : vector<16xf32>
        %parallel_loop3A_1016 = vector.extract_strided_slice %parallel_loop3A_727 {offsets = [15], sizes = [1], strides = [1]} : vector<16xf32> to vector<1xf32>
        %parallel_loop3A_1017 = vector.extract %parallel_loop3A_1016[0] : f32 from vector<1xf32>
        %parallel_loop3A_1018 = vector.broadcast %parallel_loop3A_1017 : f32 to vector<16xf32>
        %parallel_loop3A_1019 = arith.mulf %mul3A_92, %parallel_loop3A_1018 : vector<16xf32>
        %parallel_loop3A_1020 = arith.addf %parallel_loop3A_1015, %parallel_loop3A_1019 : vector<16xf32>
        %parallel_loop3A_1021 = vector.extract_strided_slice %parallel_loop3A_732 {offsets = [15], sizes = [1], strides = [1]} : vector<16xf32> to vector<1xf32>
        %parallel_loop3A_1022 = vector.extract %parallel_loop3A_1021[0] : f32 from vector<1xf32>
        %parallel_loop3A_1023 = vector.broadcast %parallel_loop3A_1022 : f32 to vector<16xf32>
        %parallel_loop3A_1024 = arith.mulf %mul3A_95, %parallel_loop3A_1023 : vector<16xf32>
        %parallel_loop3A_1025 = arith.addf %parallel_loop3A_1020, %parallel_loop3A_1024 : vector<16xf32>
        %parallel_loop3A_1026 = arith.minimumf %parallel_loop3A_755, %parallel_loop3A_773 : vector<16xf32>
        %parallel_loop3A_1027 = arith.minimumf %parallel_loop3A_791, %parallel_loop3A_809 : vector<16xf32>
        %parallel_loop3A_1028 = arith.minimumf %parallel_loop3A_827, %parallel_loop3A_845 : vector<16xf32>
        %parallel_loop3A_1029 = arith.minimumf %parallel_loop3A_863, %parallel_loop3A_881 : vector<16xf32>
        %parallel_loop3A_1030 = arith.minimumf %parallel_loop3A_899, %parallel_loop3A_917 : vector<16xf32>
        %parallel_loop3A_1031 = arith.minimumf %parallel_loop3A_935, %parallel_loop3A_953 : vector<16xf32>
        %parallel_loop3A_1032 = arith.minimumf %parallel_loop3A_971, %parallel_loop3A_989 : vector<16xf32>
        %parallel_loop3A_1033 = arith.minimumf %parallel_loop3A_1007, %parallel_loop3A_1025 : vector<16xf32>
        %parallel_loop3A_1034 = arith.minimumf %parallel_loop3A_1026, %parallel_loop3A_1027 : vector<16xf32>
        %parallel_loop3A_1035 = arith.minimumf %parallel_loop3A_1028, %parallel_loop3A_1029 : vector<16xf32>
        %parallel_loop3A_1036 = arith.minimumf %parallel_loop3A_1030, %parallel_loop3A_1031 : vector<16xf32>
        %parallel_loop3A_1037 = arith.minimumf %parallel_loop3A_1032, %parallel_loop3A_1033 : vector<16xf32>
        %parallel_loop3A_1038 = arith.minimumf %parallel_loop3A_1034, %parallel_loop3A_1035 : vector<16xf32>
        %parallel_loop3A_1039 = arith.minimumf %parallel_loop3A_1036, %parallel_loop3A_1037 : vector<16xf32>
        %parallel_loop3A_1040 = arith.minimumf %parallel_loop3A_1038, %parallel_loop3A_1039 : vector<16xf32>
        %parallel_loop3A_1041 = arith.minimumf %parallel_loop3A_717, %parallel_loop3A_1040 : vector<16xf32>
        scf.yield %parallel_loop3A_1041 : vector<16xf32>
      } {sc.loop_unroll_factor = 4 : i64, sc.parallel_access}
      %add3A_706 = arith.constant 16 : i32
      %add3A_707 = arith.addi %mul3A_215, %add3A_706 : i32
      %sub3A_708 = arith.constant 16 : i32
      %sub3A_709 = arith.subi %sub3A_708, %add3A_701 : i32
      %mul3A_710 = arith.constant 16 : i32
      %mul3A_711 = arith.muli %sub3A_709, %mul3A_710 : i32
      %parallel_loop3A_712 = arith.constant 1 : i32
      %parallel_loop3A_713 = scf.for %parallel_loop3A_716 = %add3A_707 to %mul3A_711 step %parallel_loop3A_712 iter_args(%parallel_loop3A_717 = %parallel_loop3A_705) -> (vector<16xf32>)  : i32 {
        %parallel_loop3A_718 = arith.constant 16 : i32
        %parallel_loop3A_719 = arith.muli %parallel_loop3A_716, %parallel_loop3A_718 : i32
        %parallel_loop3A_720 = arith.index_cast %parallel_loop3A_719 : i32 to index
        %parallel_loop3A_721 = tpu.vector_load %arg6[%parallel_loop3A_720] {strides = array<i32>} : memref<16640xf32, #tpu.memory_space<vmem>>, vector<16xf32>,
        %parallel_loop3A_722 = vector.shape_cast %parallel_loop3A_721 : vector<16xf32> to vector<16xf32>
        %parallel_loop3A_723 = arith.constant 4096 : i32
        %parallel_loop3A_724 = arith.addi %parallel_loop3A_723, %parallel_loop3A_719 : i32
        %parallel_loop3A_725 = arith.index_cast %parallel_loop3A_724 : i32 to index
        %parallel_loop3A_726 = tpu.vector_load %arg6[%parallel_loop3A_725] {strides = array<i32>} : memref<16640xf32, #tpu.memory_space<vmem>>, vector<16xf32>,
        %parallel_loop3A_727 = vector.shape_cast %parallel_loop3A_726 : vector<16xf32> to vector<16xf32>
        %parallel_loop3A_728 = arith.constant 8192 : i32
        %parallel_loop3A_729 = arith.addi %parallel_loop3A_728, %parallel_loop3A_719 : i32
        %parallel_loop3A_730 = arith.index_cast %parallel_loop3A_729 : i32 to index
        %parallel_loop3A_731 = tpu.vector_load %arg6[%parallel_loop3A_730] {strides = array<i32>} : memref<16640xf32, #tpu.memory_space<vmem>>, vector<16xf32>,
        %parallel_loop3A_732 = vector.shape_cast %parallel_loop3A_731 : vector<16xf32> to vector<16xf32>
        %parallel_loop3A_733 = arith.constant 12288 : i32
        %parallel_loop3A_734 = arith.addi %parallel_loop3A_733, %parallel_loop3A_719 : i32
        %parallel_loop3A_735 = arith.index_cast %parallel_loop3A_734 : i32 to index
        %parallel_loop3A_736 = tpu.vector_load %arg6[%parallel_loop3A_735] {strides = array<i32>} : memref<16640xf32, #tpu.memory_space<vmem>>, vector<16xf32>,
        %parallel_loop3A_737 = vector.shape_cast %parallel_loop3A_736 : vector<16xf32> to vector<16xf32>
        %parallel_loop3A_738 = vector.extract_strided_slice %parallel_loop3A_737 {offsets = [0], sizes = [1], strides = [1]} : vector<16xf32> to vector<1xf32>
        %parallel_loop3A_739 = vector.extract %parallel_loop3A_738[0] : f32 from vector<1xf32>
        %parallel_loop3A_740 = vector.extract_strided_slice %parallel_loop3A_722 {offsets = [0], sizes = [1], strides = [1]} : vector<16xf32> to vector<1xf32>
        %parallel_loop3A_741 = vector.extract %parallel_loop3A_740[0] : f32 from vector<1xf32>
        %parallel_loop3A_742 = vector.broadcast %parallel_loop3A_741 : f32 to vector<16xf32>
        %parallel_loop3A_743 = arith.mulf %mul3A_89, %parallel_loop3A_742 : vector<16xf32>
        %parallel_loop3A_744 = vector.broadcast %parallel_loop3A_739 : f32 to vector<16xf32>
        %parallel_loop3A_745 = arith.addf %parallel_loop3A_744, %parallel_loop3A_743 : vector<16xf32>
        %parallel_loop3A_746 = vector.extract_strided_slice %parallel_loop3A_727 {offsets = [0], sizes = [1], strides = [1]} : vector<16xf32> to vector<1xf32>
        %parallel_loop3A_747 = vector.extract %parallel_loop3A_746[0] : f32 from vector<1xf32>
        %parallel_loop3A_748 = vector.broadcast %parallel_loop3A_747 : f32 to vector<16xf32>
        %parallel_loop3A_749 = arith.mulf %mul3A_92, %parallel_loop3A_748 : vector<16xf32>
        %parallel_loop3A_750 = arith.addf %parallel_loop3A_745, %parallel_loop3A_749 : vector<16xf32>
        %parallel_loop3A_751 = vector.extract_strided_slice %parallel_loop3A_732 {offsets = [0], sizes = [1], strides = [1]} : vector<16xf32> to vector<1xf32>
        %parallel_loop3A_752 = vector.extract %parallel_loop3A_751[0] : f32 from vector<1xf32>
        %parallel_loop3A_753 = vector.broadcast %parallel_loop3A_752 : f32 to vector<16xf32>
        %parallel_loop3A_754 = arith.mulf %mul3A_95, %parallel_loop3A_753 : vector<16xf32>
        %parallel_loop3A_755 = arith.addf %parallel_loop3A_750, %parallel_loop3A_754 : vector<16xf32>
        %parallel_loop3A_756 = vector.extract_strided_slice %parallel_loop3A_737 {offsets = [1], sizes = [1], strides = [1]} : vector<16xf32> to vector<1xf32>
        %parallel_loop3A_757 = vector.extract %parallel_loop3A_756[0] : f32 from vector<1xf32>
        %parallel_loop3A_758 = vector.extract_strided_slice %parallel_loop3A_722 {offsets = [1], sizes = [1], strides = [1]} : vector<16xf32> to vector<1xf32>
        %parallel_loop3A_759 = vector.extract %parallel_loop3A_758[0] : f32 from vector<1xf32>
        %parallel_loop3A_760 = vector.broadcast %parallel_loop3A_759 : f32 to vector<16xf32>
        %parallel_loop3A_761 = arith.mulf %mul3A_89, %parallel_loop3A_760 : vector<16xf32>
        %parallel_loop3A_762 = vector.broadcast %parallel_loop3A_757 : f32 to vector<16xf32>
        %parallel_loop3A_763 = arith.addf %parallel_loop3A_762, %parallel_loop3A_761 : vector<16xf32>
        %parallel_loop3A_764 = vector.extract_strided_slice %parallel_loop3A_727 {offsets = [1], sizes = [1], strides = [1]} : vector<16xf32> to vector<1xf32>
        %parallel_loop3A_765 = vector.extract %parallel_loop3A_764[0] : f32 from vector<1xf32>
        %parallel_loop3A_766 = vector.broadcast %parallel_loop3A_765 : f32 to vector<16xf32>
        %parallel_loop3A_767 = arith.mulf %mul3A_92, %parallel_loop3A_766 : vector<16xf32>
        %parallel_loop3A_768 = arith.addf %parallel_loop3A_763, %parallel_loop3A_767 : vector<16xf32>
        %parallel_loop3A_769 = vector.extract_strided_slice %parallel_loop3A_732 {offsets = [1], sizes = [1], strides = [1]} : vector<16xf32> to vector<1xf32>
        %parallel_loop3A_770 = vector.extract %parallel_loop3A_769[0] : f32 from vector<1xf32>
        %parallel_loop3A_771 = vector.broadcast %parallel_loop3A_770 : f32 to vector<16xf32>
        %parallel_loop3A_772 = arith.mulf %mul3A_95, %parallel_loop3A_771 : vector<16xf32>
        %parallel_loop3A_773 = arith.addf %parallel_loop3A_768, %parallel_loop3A_772 : vector<16xf32>
        %parallel_loop3A_774 = vector.extract_strided_slice %parallel_loop3A_737 {offsets = [2], sizes = [1], strides = [1]} : vector<16xf32> to vector<1xf32>
        %parallel_loop3A_775 = vector.extract %parallel_loop3A_774[0] : f32 from vector<1xf32>
        %parallel_loop3A_776 = vector.extract_strided_slice %parallel_loop3A_722 {offsets = [2], sizes = [1], strides = [1]} : vector<16xf32> to vector<1xf32>
        %parallel_loop3A_777 = vector.extract %parallel_loop3A_776[0] : f32 from vector<1xf32>
        %parallel_loop3A_778 = vector.broadcast %parallel_loop3A_777 : f32 to vector<16xf32>
        %parallel_loop3A_779 = arith.mulf %mul3A_89, %parallel_loop3A_778 : vector<16xf32>
        %parallel_loop3A_780 = vector.broadcast %parallel_loop3A_775 : f32 to vector<16xf32>
        %parallel_loop3A_781 = arith.addf %parallel_loop3A_780, %parallel_loop3A_779 : vector<16xf32>
        %parallel_loop3A_782 = vector.extract_strided_slice %parallel_loop3A_727 {offsets = [2], sizes = [1], strides = [1]} : vector<16xf32> to vector<1xf32>
        %parallel_loop3A_783 = vector.extract %parallel_loop3A_782[0] : f32 from vector<1xf32>
        %parallel_loop3A_784 = vector.broadcast %parallel_loop3A_783 : f32 to vector<16xf32>
        %parallel_loop3A_785 = arith.mulf %mul3A_92, %parallel_loop3A_784 : vector<16xf32>
        %parallel_loop3A_786 = arith.addf %parallel_loop3A_781, %parallel_loop3A_785 : vector<16xf32>
        %parallel_loop3A_787 = vector.extract_strided_slice %parallel_loop3A_732 {offsets = [2], sizes = [1], strides = [1]} : vector<16xf32> to vector<1xf32>
        %parallel_loop3A_788 = vector.extract %parallel_loop3A_787[0] : f32 from vector<1xf32>
        %parallel_loop3A_789 = vector.broadcast %parallel_loop3A_788 : f32 to vector<16xf32>
        %parallel_loop3A_790 = arith.mulf %mul3A_95, %parallel_loop3A_789 : vector<16xf32>
        %parallel_loop3A_791 = arith.addf %parallel_loop3A_786, %parallel_loop3A_790 : vector<16xf32>
        %parallel_loop3A_792 = vector.extract_strided_slice %parallel_loop3A_737 {offsets = [3], sizes = [1], strides = [1]} : vector<16xf32> to vector<1xf32>
        %parallel_loop3A_793 = vector.extract %parallel_loop3A_792[0] : f32 from vector<1xf32>
        %parallel_loop3A_794 = vector.extract_strided_slice %parallel_loop3A_722 {offsets = [3], sizes = [1], strides = [1]} : vector<16xf32> to vector<1xf32>
        %parallel_loop3A_795 = vector.extract %parallel_loop3A_794[0] : f32 from vector<1xf32>
        %parallel_loop3A_796 = vector.broadcast %parallel_loop3A_795 : f32 to vector<16xf32>
        %parallel_loop3A_797 = arith.mulf %mul3A_89, %parallel_loop3A_796 : vector<16xf32>
        %parallel_loop3A_798 = vector.broadcast %parallel_loop3A_793 : f32 to vector<16xf32>
        %parallel_loop3A_799 = arith.addf %parallel_loop3A_798, %parallel_loop3A_797 : vector<16xf32>
        %parallel_loop3A_800 = vector.extract_strided_slice %parallel_loop3A_727 {offsets = [3], sizes = [1], strides = [1]} : vector<16xf32> to vector<1xf32>
        %parallel_loop3A_801 = vector.extract %parallel_loop3A_800[0] : f32 from vector<1xf32>
        %parallel_loop3A_802 = vector.broadcast %parallel_loop3A_801 : f32 to vector<16xf32>
        %parallel_loop3A_803 = arith.mulf %mul3A_92, %parallel_loop3A_802 : vector<16xf32>
        %parallel_loop3A_804 = arith.addf %parallel_loop3A_799, %parallel_loop3A_803 : vector<16xf32>
        %parallel_loop3A_805 = vector.extract_strided_slice %parallel_loop3A_732 {offsets = [3], sizes = [1], strides = [1]} : vector<16xf32> to vector<1xf32>
        %parallel_loop3A_806 = vector.extract %parallel_loop3A_805[0] : f32 from vector<1xf32>
        %parallel_loop3A_807 = vector.broadcast %parallel_loop3A_806 : f32 to vector<16xf32>
        %parallel_loop3A_808 = arith.mulf %mul3A_95, %parallel_loop3A_807 : vector<16xf32>
        %parallel_loop3A_809 = arith.addf %parallel_loop3A_804, %parallel_loop3A_808 : vector<16xf32>
        %parallel_loop3A_810 = vector.extract_strided_slice %parallel_loop3A_737 {offsets = [4], sizes = [1], strides = [1]} : vector<16xf32> to vector<1xf32>
        %parallel_loop3A_811 = vector.extract %parallel_loop3A_810[0] : f32 from vector<1xf32>
        %parallel_loop3A_812 = vector.extract_strided_slice %parallel_loop3A_722 {offsets = [4], sizes = [1], strides = [1]} : vector<16xf32> to vector<1xf32>
        %parallel_loop3A_813 = vector.extract %parallel_loop3A_812[0] : f32 from vector<1xf32>
        %parallel_loop3A_814 = vector.broadcast %parallel_loop3A_813 : f32 to vector<16xf32>
        %parallel_loop3A_815 = arith.mulf %mul3A_89, %parallel_loop3A_814 : vector<16xf32>
        %parallel_loop3A_816 = vector.broadcast %parallel_loop3A_811 : f32 to vector<16xf32>
        %parallel_loop3A_817 = arith.addf %parallel_loop3A_816, %parallel_loop3A_815 : vector<16xf32>
        %parallel_loop3A_818 = vector.extract_strided_slice %parallel_loop3A_727 {offsets = [4], sizes = [1], strides = [1]} : vector<16xf32> to vector<1xf32>
        %parallel_loop3A_819 = vector.extract %parallel_loop3A_818[0] : f32 from vector<1xf32>
        %parallel_loop3A_820 = vector.broadcast %parallel_loop3A_819 : f32 to vector<16xf32>
        %parallel_loop3A_821 = arith.mulf %mul3A_92, %parallel_loop3A_820 : vector<16xf32>
        %parallel_loop3A_822 = arith.addf %parallel_loop3A_817, %parallel_loop3A_821 : vector<16xf32>
        %parallel_loop3A_823 = vector.extract_strided_slice %parallel_loop3A_732 {offsets = [4], sizes = [1], strides = [1]} : vector<16xf32> to vector<1xf32>
        %parallel_loop3A_824 = vector.extract %parallel_loop3A_823[0] : f32 from vector<1xf32>
        %parallel_loop3A_825 = vector.broadcast %parallel_loop3A_824 : f32 to vector<16xf32>
        %parallel_loop3A_826 = arith.mulf %mul3A_95, %parallel_loop3A_825 : vector<16xf32>
        %parallel_loop3A_827 = arith.addf %parallel_loop3A_822, %parallel_loop3A_826 : vector<16xf32>
        %parallel_loop3A_828 = vector.extract_strided_slice %parallel_loop3A_737 {offsets = [5], sizes = [1], strides = [1]} : vector<16xf32> to vector<1xf32>
        %parallel_loop3A_829 = vector.extract %parallel_loop3A_828[0] : f32 from vector<1xf32>
        %parallel_loop3A_830 = vector.extract_strided_slice %parallel_loop3A_722 {offsets = [5], sizes = [1], strides = [1]} : vector<16xf32> to vector<1xf32>
        %parallel_loop3A_831 = vector.extract %parallel_loop3A_830[0] : f32 from vector<1xf32>
        %parallel_loop3A_832 = vector.broadcast %parallel_loop3A_831 : f32 to vector<16xf32>
        %parallel_loop3A_833 = arith.mulf %mul3A_89, %parallel_loop3A_832 : vector<16xf32>
        %parallel_loop3A_834 = vector.broadcast %parallel_loop3A_829 : f32 to vector<16xf32>
        %parallel_loop3A_835 = arith.addf %parallel_loop3A_834, %parallel_loop3A_833 : vector<16xf32>
        %parallel_loop3A_836 = vector.extract_strided_slice %parallel_loop3A_727 {offsets = [5], sizes = [1], strides = [1]} : vector<16xf32> to vector<1xf32>
        %parallel_loop3A_837 = vector.extract %parallel_loop3A_836[0] : f32 from vector<1xf32>
        %parallel_loop3A_838 = vector.broadcast %parallel_loop3A_837 : f32 to vector<16xf32>
        %parallel_loop3A_839 = arith.mulf %mul3A_92, %parallel_loop3A_838 : vector<16xf32>
        %parallel_loop3A_840 = arith.addf %parallel_loop3A_835, %parallel_loop3A_839 : vector<16xf32>
        %parallel_loop3A_841 = vector.extract_strided_slice %parallel_loop3A_732 {offsets = [5], sizes = [1], strides = [1]} : vector<16xf32> to vector<1xf32>
        %parallel_loop3A_842 = vector.extract %parallel_loop3A_841[0] : f32 from vector<1xf32>
        %parallel_loop3A_843 = vector.broadcast %parallel_loop3A_842 : f32 to vector<16xf32>
        %parallel_loop3A_844 = arith.mulf %mul3A_95, %parallel_loop3A_843 : vector<16xf32>
        %parallel_loop3A_845 = arith.addf %parallel_loop3A_840, %parallel_loop3A_844 : vector<16xf32>
        %parallel_loop3A_846 = vector.extract_strided_slice %parallel_loop3A_737 {offsets = [6], sizes = [1], strides = [1]} : vector<16xf32> to vector<1xf32>
        %parallel_loop3A_847 = vector.extract %parallel_loop3A_846[0] : f32 from vector<1xf32>
        %parallel_loop3A_848 = vector.extract_strided_slice %parallel_loop3A_722 {offsets = [6], sizes = [1], strides = [1]} : vector<16xf32> to vector<1xf32>
        %parallel_loop3A_849 = vector.extract %parallel_loop3A_848[0] : f32 from vector<1xf32>
        %parallel_loop3A_850 = vector.broadcast %parallel_loop3A_849 : f32 to vector<16xf32>
        %parallel_loop3A_851 = arith.mulf %mul3A_89, %parallel_loop3A_850 : vector<16xf32>
        %parallel_loop3A_852 = vector.broadcast %parallel_loop3A_847 : f32 to vector<16xf32>
        %parallel_loop3A_853 = arith.addf %parallel_loop3A_852, %parallel_loop3A_851 : vector<16xf32>
        %parallel_loop3A_854 = vector.extract_strided_slice %parallel_loop3A_727 {offsets = [6], sizes = [1], strides = [1]} : vector<16xf32> to vector<1xf32>
        %parallel_loop3A_855 = vector.extract %parallel_loop3A_854[0] : f32 from vector<1xf32>
        %parallel_loop3A_856 = vector.broadcast %parallel_loop3A_855 : f32 to vector<16xf32>
        %parallel_loop3A_857 = arith.mulf %mul3A_92, %parallel_loop3A_856 : vector<16xf32>
        %parallel_loop3A_858 = arith.addf %parallel_loop3A_853, %parallel_loop3A_857 : vector<16xf32>
        %parallel_loop3A_859 = vector.extract_strided_slice %parallel_loop3A_732 {offsets = [6], sizes = [1], strides = [1]} : vector<16xf32> to vector<1xf32>
        %parallel_loop3A_860 = vector.extract %parallel_loop3A_859[0] : f32 from vector<1xf32>
        %parallel_loop3A_861 = vector.broadcast %parallel_loop3A_860 : f32 to vector<16xf32>
        %parallel_loop3A_862 = arith.mulf %mul3A_95, %parallel_loop3A_861 : vector<16xf32>
        %parallel_loop3A_863 = arith.addf %parallel_loop3A_858, %parallel_loop3A_862 : vector<16xf32>
        %parallel_loop3A_864 = vector.extract_strided_slice %parallel_loop3A_737 {offsets = [7], sizes = [1], strides = [1]} : vector<16xf32> to vector<1xf32>
        %parallel_loop3A_865 = vector.extract %parallel_loop3A_864[0] : f32 from vector<1xf32>
        %parallel_loop3A_866 = vector.extract_strided_slice %parallel_loop3A_722 {offsets = [7], sizes = [1], strides = [1]} : vector<16xf32> to vector<1xf32>
        %parallel_loop3A_867 = vector.extract %parallel_loop3A_866[0] : f32 from vector<1xf32>
        %parallel_loop3A_868 = vector.broadcast %parallel_loop3A_867 : f32 to vector<16xf32>
        %parallel_loop3A_869 = arith.mulf %mul3A_89, %parallel_loop3A_868 : vector<16xf32>
        %parallel_loop3A_870 = vector.broadcast %parallel_loop3A_865 : f32 to vector<16xf32>
        %parallel_loop3A_871 = arith.addf %parallel_loop3A_870, %parallel_loop3A_869 : vector<16xf32>
        %parallel_loop3A_872 = vector.extract_strided_slice %parallel_loop3A_727 {offsets = [7], sizes = [1], strides = [1]} : vector<16xf32> to vector<1xf32>
        %parallel_loop3A_873 = vector.extract %parallel_loop3A_872[0] : f32 from vector<1xf32>
        %parallel_loop3A_874 = vector.broadcast %parallel_loop3A_873 : f32 to vector<16xf32>
        %parallel_loop3A_875 = arith.mulf %mul3A_92, %parallel_loop3A_874 : vector<16xf32>
        %parallel_loop3A_876 = arith.addf %parallel_loop3A_871, %parallel_loop3A_875 : vector<16xf32>
        %parallel_loop3A_877 = vector.extract_strided_slice %parallel_loop3A_732 {offsets = [7], sizes = [1], strides = [1]} : vector<16xf32> to vector<1xf32>
        %parallel_loop3A_878 = vector.extract %parallel_loop3A_877[0] : f32 from vector<1xf32>
        %parallel_loop3A_879 = vector.broadcast %parallel_loop3A_878 : f32 to vector<16xf32>
        %parallel_loop3A_880 = arith.mulf %mul3A_95, %parallel_loop3A_879 : vector<16xf32>
        %parallel_loop3A_881 = arith.addf %parallel_loop3A_876, %parallel_loop3A_880 : vector<16xf32>
        %parallel_loop3A_882 = vector.extract_strided_slice %parallel_loop3A_737 {offsets = [8], sizes = [1], strides = [1]} : vector<16xf32> to vector<1xf32>
        %parallel_loop3A_883 = vector.extract %parallel_loop3A_882[0] : f32 from vector<1xf32>
        %parallel_loop3A_884 = vector.extract_strided_slice %parallel_loop3A_722 {offsets = [8], sizes = [1], strides = [1]} : vector<16xf32> to vector<1xf32>
        %parallel_loop3A_885 = vector.extract %parallel_loop3A_884[0] : f32 from vector<1xf32>
        %parallel_loop3A_886 = vector.broadcast %parallel_loop3A_885 : f32 to vector<16xf32>
        %parallel_loop3A_887 = arith.mulf %mul3A_89, %parallel_loop3A_886 : vector<16xf32>
        %parallel_loop3A_888 = vector.broadcast %parallel_loop3A_883 : f32 to vector<16xf32>
        %parallel_loop3A_889 = arith.addf %parallel_loop3A_888, %parallel_loop3A_887 : vector<16xf32>
        %parallel_loop3A_890 = vector.extract_strided_slice %parallel_loop3A_727 {offsets = [8], sizes = [1], strides = [1]} : vector<16xf32> to vector<1xf32>
        %parallel_loop3A_891 = vector.extract %parallel_loop3A_890[0] : f32 from vector<1xf32>
        %parallel_loop3A_892 = vector.broadcast %parallel_loop3A_891 : f32 to vector<16xf32>
        %parallel_loop3A_893 = arith.mulf %mul3A_92, %parallel_loop3A_892 : vector<16xf32>
        %parallel_loop3A_894 = arith.addf %parallel_loop3A_889, %parallel_loop3A_893 : vector<16xf32>
        %parallel_loop3A_895 = vector.extract_strided_slice %parallel_loop3A_732 {offsets = [8], sizes = [1], strides = [1]} : vector<16xf32> to vector<1xf32>
        %parallel_loop3A_896 = vector.extract %parallel_loop3A_895[0] : f32 from vector<1xf32>
        %parallel_loop3A_897 = vector.broadcast %parallel_loop3A_896 : f32 to vector<16xf32>
        %parallel_loop3A_898 = arith.mulf %mul3A_95, %parallel_loop3A_897 : vector<16xf32>
        %parallel_loop3A_899 = arith.addf %parallel_loop3A_894, %parallel_loop3A_898 : vector<16xf32>
        %parallel_loop3A_900 = vector.extract_strided_slice %parallel_loop3A_737 {offsets = [9], sizes = [1], strides = [1]} : vector<16xf32> to vector<1xf32>
        %parallel_loop3A_901 = vector.extract %parallel_loop3A_900[0] : f32 from vector<1xf32>
        %parallel_loop3A_902 = vector.extract_strided_slice %parallel_loop3A_722 {offsets = [9], sizes = [1], strides = [1]} : vector<16xf32> to vector<1xf32>
        %parallel_loop3A_903 = vector.extract %parallel_loop3A_902[0] : f32 from vector<1xf32>
        %parallel_loop3A_904 = vector.broadcast %parallel_loop3A_903 : f32 to vector<16xf32>
        %parallel_loop3A_905 = arith.mulf %mul3A_89, %parallel_loop3A_904 : vector<16xf32>
        %parallel_loop3A_906 = vector.broadcast %parallel_loop3A_901 : f32 to vector<16xf32>
        %parallel_loop3A_907 = arith.addf %parallel_loop3A_906, %parallel_loop3A_905 : vector<16xf32>
        %parallel_loop3A_908 = vector.extract_strided_slice %parallel_loop3A_727 {offsets = [9], sizes = [1], strides = [1]} : vector<16xf32> to vector<1xf32>
        %parallel_loop3A_909 = vector.extract %parallel_loop3A_908[0] : f32 from vector<1xf32>
        %parallel_loop3A_910 = vector.broadcast %parallel_loop3A_909 : f32 to vector<16xf32>
        %parallel_loop3A_911 = arith.mulf %mul3A_92, %parallel_loop3A_910 : vector<16xf32>
        %parallel_loop3A_912 = arith.addf %parallel_loop3A_907, %parallel_loop3A_911 : vector<16xf32>
        %parallel_loop3A_913 = vector.extract_strided_slice %parallel_loop3A_732 {offsets = [9], sizes = [1], strides = [1]} : vector<16xf32> to vector<1xf32>
        %parallel_loop3A_914 = vector.extract %parallel_loop3A_913[0] : f32 from vector<1xf32>
        %parallel_loop3A_915 = vector.broadcast %parallel_loop3A_914 : f32 to vector<16xf32>
        %parallel_loop3A_916 = arith.mulf %mul3A_95, %parallel_loop3A_915 : vector<16xf32>
        %parallel_loop3A_917 = arith.addf %parallel_loop3A_912, %parallel_loop3A_916 : vector<16xf32>
        %parallel_loop3A_918 = vector.extract_strided_slice %parallel_loop3A_737 {offsets = [10], sizes = [1], strides = [1]} : vector<16xf32> to vector<1xf32>
        %parallel_loop3A_919 = vector.extract %parallel_loop3A_918[0] : f32 from vector<1xf32>
        %parallel_loop3A_920 = vector.extract_strided_slice %parallel_loop3A_722 {offsets = [10], sizes = [1], strides = [1]} : vector<16xf32> to vector<1xf32>
        %parallel_loop3A_921 = vector.extract %parallel_loop3A_920[0] : f32 from vector<1xf32>
        %parallel_loop3A_922 = vector.broadcast %parallel_loop3A_921 : f32 to vector<16xf32>
        %parallel_loop3A_923 = arith.mulf %mul3A_89, %parallel_loop3A_922 : vector<16xf32>
        %parallel_loop3A_924 = vector.broadcast %parallel_loop3A_919 : f32 to vector<16xf32>
        %parallel_loop3A_925 = arith.addf %parallel_loop3A_924, %parallel_loop3A_923 : vector<16xf32>
        %parallel_loop3A_926 = vector.extract_strided_slice %parallel_loop3A_727 {offsets = [10], sizes = [1], strides = [1]} : vector<16xf32> to vector<1xf32>
        %parallel_loop3A_927 = vector.extract %parallel_loop3A_926[0] : f32 from vector<1xf32>
        %parallel_loop3A_928 = vector.broadcast %parallel_loop3A_927 : f32 to vector<16xf32>
        %parallel_loop3A_929 = arith.mulf %mul3A_92, %parallel_loop3A_928 : vector<16xf32>
        %parallel_loop3A_930 = arith.addf %parallel_loop3A_925, %parallel_loop3A_929 : vector<16xf32>
        %parallel_loop3A_931 = vector.extract_strided_slice %parallel_loop3A_732 {offsets = [10], sizes = [1], strides = [1]} : vector<16xf32> to vector<1xf32>
        %parallel_loop3A_932 = vector.extract %parallel_loop3A_931[0] : f32 from vector<1xf32>
        %parallel_loop3A_933 = vector.broadcast %parallel_loop3A_932 : f32 to vector<16xf32>
        %parallel_loop3A_934 = arith.mulf %mul3A_95, %parallel_loop3A_933 : vector<16xf32>
        %parallel_loop3A_935 = arith.addf %parallel_loop3A_930, %parallel_loop3A_934 : vector<16xf32>
        %parallel_loop3A_936 = vector.extract_strided_slice %parallel_loop3A_737 {offsets = [11], sizes = [1], strides = [1]} : vector<16xf32> to vector<1xf32>
        %parallel_loop3A_937 = vector.extract %parallel_loop3A_936[0] : f32 from vector<1xf32>
        %parallel_loop3A_938 = vector.extract_strided_slice %parallel_loop3A_722 {offsets = [11], sizes = [1], strides = [1]} : vector<16xf32> to vector<1xf32>
        %parallel_loop3A_939 = vector.extract %parallel_loop3A_938[0] : f32 from vector<1xf32>
        %parallel_loop3A_940 = vector.broadcast %parallel_loop3A_939 : f32 to vector<16xf32>
        %parallel_loop3A_941 = arith.mulf %mul3A_89, %parallel_loop3A_940 : vector<16xf32>
        %parallel_loop3A_942 = vector.broadcast %parallel_loop3A_937 : f32 to vector<16xf32>
        %parallel_loop3A_943 = arith.addf %parallel_loop3A_942, %parallel_loop3A_941 : vector<16xf32>
        %parallel_loop3A_944 = vector.extract_strided_slice %parallel_loop3A_727 {offsets = [11], sizes = [1], strides = [1]} : vector<16xf32> to vector<1xf32>
        %parallel_loop3A_945 = vector.extract %parallel_loop3A_944[0] : f32 from vector<1xf32>
        %parallel_loop3A_946 = vector.broadcast %parallel_loop3A_945 : f32 to vector<16xf32>
        %parallel_loop3A_947 = arith.mulf %mul3A_92, %parallel_loop3A_946 : vector<16xf32>
        %parallel_loop3A_948 = arith.addf %parallel_loop3A_943, %parallel_loop3A_947 : vector<16xf32>
        %parallel_loop3A_949 = vector.extract_strided_slice %parallel_loop3A_732 {offsets = [11], sizes = [1], strides = [1]} : vector<16xf32> to vector<1xf32>
        %parallel_loop3A_950 = vector.extract %parallel_loop3A_949[0] : f32 from vector<1xf32>
        %parallel_loop3A_951 = vector.broadcast %parallel_loop3A_950 : f32 to vector<16xf32>
        %parallel_loop3A_952 = arith.mulf %mul3A_95, %parallel_loop3A_951 : vector<16xf32>
        %parallel_loop3A_953 = arith.addf %parallel_loop3A_948, %parallel_loop3A_952 : vector<16xf32>
        %parallel_loop3A_954 = vector.extract_strided_slice %parallel_loop3A_737 {offsets = [12], sizes = [1], strides = [1]} : vector<16xf32> to vector<1xf32>
        %parallel_loop3A_955 = vector.extract %parallel_loop3A_954[0] : f32 from vector<1xf32>
        %parallel_loop3A_956 = vector.extract_strided_slice %parallel_loop3A_722 {offsets = [12], sizes = [1], strides = [1]} : vector<16xf32> to vector<1xf32>
        %parallel_loop3A_957 = vector.extract %parallel_loop3A_956[0] : f32 from vector<1xf32>
        %parallel_loop3A_958 = vector.broadcast %parallel_loop3A_957 : f32 to vector<16xf32>
        %parallel_loop3A_959 = arith.mulf %mul3A_89, %parallel_loop3A_958 : vector<16xf32>
        %parallel_loop3A_960 = vector.broadcast %parallel_loop3A_955 : f32 to vector<16xf32>
        %parallel_loop3A_961 = arith.addf %parallel_loop3A_960, %parallel_loop3A_959 : vector<16xf32>
        %parallel_loop3A_962 = vector.extract_strided_slice %parallel_loop3A_727 {offsets = [12], sizes = [1], strides = [1]} : vector<16xf32> to vector<1xf32>
        %parallel_loop3A_963 = vector.extract %parallel_loop3A_962[0] : f32 from vector<1xf32>
        %parallel_loop3A_964 = vector.broadcast %parallel_loop3A_963 : f32 to vector<16xf32>
        %parallel_loop3A_965 = arith.mulf %mul3A_92, %parallel_loop3A_964 : vector<16xf32>
        %parallel_loop3A_966 = arith.addf %parallel_loop3A_961, %parallel_loop3A_965 : vector<16xf32>
        %parallel_loop3A_967 = vector.extract_strided_slice %parallel_loop3A_732 {offsets = [12], sizes = [1], strides = [1]} : vector<16xf32> to vector<1xf32>
        %parallel_loop3A_968 = vector.extract %parallel_loop3A_967[0] : f32 from vector<1xf32>
        %parallel_loop3A_969 = vector.broadcast %parallel_loop3A_968 : f32 to vector<16xf32>
        %parallel_loop3A_970 = arith.mulf %mul3A_95, %parallel_loop3A_969 : vector<16xf32>
        %parallel_loop3A_971 = arith.addf %parallel_loop3A_966, %parallel_loop3A_970 : vector<16xf32>
        %parallel_loop3A_972 = vector.extract_strided_slice %parallel_loop3A_737 {offsets = [13], sizes = [1], strides = [1]} : vector<16xf32> to vector<1xf32>
        %parallel_loop3A_973 = vector.extract %parallel_loop3A_972[0] : f32 from vector<1xf32>
        %parallel_loop3A_974 = vector.extract_strided_slice %parallel_loop3A_722 {offsets = [13], sizes = [1], strides = [1]} : vector<16xf32> to vector<1xf32>
        %parallel_loop3A_975 = vector.extract %parallel_loop3A_974[0] : f32 from vector<1xf32>
        %parallel_loop3A_976 = vector.broadcast %parallel_loop3A_975 : f32 to vector<16xf32>
        %parallel_loop3A_977 = arith.mulf %mul3A_89, %parallel_loop3A_976 : vector<16xf32>
        %parallel_loop3A_978 = vector.broadcast %parallel_loop3A_973 : f32 to vector<16xf32>
        %parallel_loop3A_979 = arith.addf %parallel_loop3A_978, %parallel_loop3A_977 : vector<16xf32>
        %parallel_loop3A_980 = vector.extract_strided_slice %parallel_loop3A_727 {offsets = [13], sizes = [1], strides = [1]} : vector<16xf32> to vector<1xf32>
        %parallel_loop3A_981 = vector.extract %parallel_loop3A_980[0] : f32 from vector<1xf32>
        %parallel_loop3A_982 = vector.broadcast %parallel_loop3A_981 : f32 to vector<16xf32>
        %parallel_loop3A_983 = arith.mulf %mul3A_92, %parallel_loop3A_982 : vector<16xf32>
        %parallel_loop3A_984 = arith.addf %parallel_loop3A_979, %parallel_loop3A_983 : vector<16xf32>
        %parallel_loop3A_985 = vector.extract_strided_slice %parallel_loop3A_732 {offsets = [13], sizes = [1], strides = [1]} : vector<16xf32> to vector<1xf32>
        %parallel_loop3A_986 = vector.extract %parallel_loop3A_985[0] : f32 from vector<1xf32>
        %parallel_loop3A_987 = vector.broadcast %parallel_loop3A_986 : f32 to vector<16xf32>
        %parallel_loop3A_988 = arith.mulf %mul3A_95, %parallel_loop3A_987 : vector<16xf32>
        %parallel_loop3A_989 = arith.addf %parallel_loop3A_984, %parallel_loop3A_988 : vector<16xf32>
        %parallel_loop3A_990 = vector.extract_strided_slice %parallel_loop3A_737 {offsets = [14], sizes = [1], strides = [1]} : vector<16xf32> to vector<1xf32>
        %parallel_loop3A_991 = vector.extract %parallel_loop3A_990[0] : f32 from vector<1xf32>
        %parallel_loop3A_992 = vector.extract_strided_slice %parallel_loop3A_722 {offsets = [14], sizes = [1], strides = [1]} : vector<16xf32> to vector<1xf32>
        %parallel_loop3A_993 = vector.extract %parallel_loop3A_992[0] : f32 from vector<1xf32>
        %parallel_loop3A_994 = vector.broadcast %parallel_loop3A_993 : f32 to vector<16xf32>
        %parallel_loop3A_995 = arith.mulf %mul3A_89, %parallel_loop3A_994 : vector<16xf32>
        %parallel_loop3A_996 = vector.broadcast %parallel_loop3A_991 : f32 to vector<16xf32>
        %parallel_loop3A_997 = arith.addf %parallel_loop3A_996, %parallel_loop3A_995 : vector<16xf32>
        %parallel_loop3A_998 = vector.extract_strided_slice %parallel_loop3A_727 {offsets = [14], sizes = [1], strides = [1]} : vector<16xf32> to vector<1xf32>
        %parallel_loop3A_999 = vector.extract %parallel_loop3A_998[0] : f32 from vector<1xf32>
        %parallel_loop3A_1000 = vector.broadcast %parallel_loop3A_999 : f32 to vector<16xf32>
        %parallel_loop3A_1001 = arith.mulf %mul3A_92, %parallel_loop3A_1000 : vector<16xf32>
        %parallel_loop3A_1002 = arith.addf %parallel_loop3A_997, %parallel_loop3A_1001 : vector<16xf32>
        %parallel_loop3A_1003 = vector.extract_strided_slice %parallel_loop3A_732 {offsets = [14], sizes = [1], strides = [1]} : vector<16xf32> to vector<1xf32>
        %parallel_loop3A_1004 = vector.extract %parallel_loop3A_1003[0] : f32 from vector<1xf32>
        %parallel_loop3A_1005 = vector.broadcast %parallel_loop3A_1004 : f32 to vector<16xf32>
        %parallel_loop3A_1006 = arith.mulf %mul3A_95, %parallel_loop3A_1005 : vector<16xf32>
        %parallel_loop3A_1007 = arith.addf %parallel_loop3A_1002, %parallel_loop3A_1006 : vector<16xf32>
        %parallel_loop3A_1008 = vector.extract_strided_slice %parallel_loop3A_737 {offsets = [15], sizes = [1], strides = [1]} : vector<16xf32> to vector<1xf32>
        %parallel_loop3A_1009 = vector.extract %parallel_loop3A_1008[0] : f32 from vector<1xf32>
        %parallel_loop3A_1010 = vector.extract_strided_slice %parallel_loop3A_722 {offsets = [15], sizes = [1], strides = [1]} : vector<16xf32> to vector<1xf32>
        %parallel_loop3A_1011 = vector.extract %parallel_loop3A_1010[0] : f32 from vector<1xf32>
        %parallel_loop3A_1012 = vector.broadcast %parallel_loop3A_1011 : f32 to vector<16xf32>
        %parallel_loop3A_1013 = arith.mulf %mul3A_89, %parallel_loop3A_1012 : vector<16xf32>
        %parallel_loop3A_1014 = vector.broadcast %parallel_loop3A_1009 : f32 to vector<16xf32>
        %parallel_loop3A_1015 = arith.addf %parallel_loop3A_1014, %parallel_loop3A_1013 : vector<16xf32>
        %parallel_loop3A_1016 = vector.extract_strided_slice %parallel_loop3A_727 {offsets = [15], sizes = [1], strides = [1]} : vector<16xf32> to vector<1xf32>
        %parallel_loop3A_1017 = vector.extract %parallel_loop3A_1016[0] : f32 from vector<1xf32>
        %parallel_loop3A_1018 = vector.broadcast %parallel_loop3A_1017 : f32 to vector<16xf32>
        %parallel_loop3A_1019 = arith.mulf %mul3A_92, %parallel_loop3A_1018 : vector<16xf32>
        %parallel_loop3A_1020 = arith.addf %parallel_loop3A_1015, %parallel_loop3A_1019 : vector<16xf32>
        %parallel_loop3A_1021 = vector.extract_strided_slice %parallel_loop3A_732 {offsets = [15], sizes = [1], strides = [1]} : vector<16xf32> to vector<1xf32>
        %parallel_loop3A_1022 = vector.extract %parallel_loop3A_1021[0] : f32 from vector<1xf32>
        %parallel_loop3A_1023 = vector.broadcast %parallel_loop3A_1022 : f32 to vector<16xf32>
        %parallel_loop3A_1024 = arith.mulf %mul3A_95, %parallel_loop3A_1023 : vector<16xf32>
        %parallel_loop3A_1025 = arith.addf %parallel_loop3A_1020, %parallel_loop3A_1024 : vector<16xf32>
        %parallel_loop3A_1026 = arith.minimumf %parallel_loop3A_755, %parallel_loop3A_773 : vector<16xf32>
        %parallel_loop3A_1027 = arith.minimumf %parallel_loop3A_791, %parallel_loop3A_809 : vector<16xf32>
        %parallel_loop3A_1028 = arith.minimumf %parallel_loop3A_827, %parallel_loop3A_845 : vector<16xf32>
        %parallel_loop3A_1029 = arith.minimumf %parallel_loop3A_863, %parallel_loop3A_881 : vector<16xf32>
        %parallel_loop3A_1030 = arith.minimumf %parallel_loop3A_899, %parallel_loop3A_917 : vector<16xf32>
        %parallel_loop3A_1031 = arith.minimumf %parallel_loop3A_935, %parallel_loop3A_953 : vector<16xf32>
        %parallel_loop3A_1032 = arith.minimumf %parallel_loop3A_971, %parallel_loop3A_989 : vector<16xf32>
        %parallel_loop3A_1033 = arith.minimumf %parallel_loop3A_1007, %parallel_loop3A_1025 : vector<16xf32>
        %parallel_loop3A_1034 = arith.minimumf %parallel_loop3A_1026, %parallel_loop3A_1027 : vector<16xf32>
        %parallel_loop3A_1035 = arith.minimumf %parallel_loop3A_1028, %parallel_loop3A_1029 : vector<16xf32>
        %parallel_loop3A_1036 = arith.minimumf %parallel_loop3A_1030, %parallel_loop3A_1031 : vector<16xf32>
        %parallel_loop3A_1037 = arith.minimumf %parallel_loop3A_1032, %parallel_loop3A_1033 : vector<16xf32>
        %parallel_loop3A_1038 = arith.minimumf %parallel_loop3A_1034, %parallel_loop3A_1035 : vector<16xf32>
        %parallel_loop3A_1039 = arith.minimumf %parallel_loop3A_1036, %parallel_loop3A_1037 : vector<16xf32>
        %parallel_loop3A_1040 = arith.minimumf %parallel_loop3A_1038, %parallel_loop3A_1039 : vector<16xf32>
        %parallel_loop3A_1041 = arith.minimumf %parallel_loop3A_717, %parallel_loop3A_1040 : vector<16xf32>
        scf.yield %parallel_loop3A_1041 : vector<16xf32>
      } {sc.loop_unroll_factor = 4 : i64, sc.parallel_access}
      %add3A_714 = arith.addf %scan3A_64, %parallel_loop3A_713 : vector<16xf32>
      %add3A_715 = arith.addf %add3A_714, %get3A_86 : vector<16xf32>
      scf.yield %add3A_715 : vector<16xf32>
    }
    %scan3A_40 = arith.constant 32 : i32
    %broadcast_in_dim3A_41 = arith.constant 0.000000e+00 : f32
    %broadcast_in_dim3A_42 = vector.broadcast %broadcast_in_dim3A_41 : f32 to vector<16xf32>
    %scan3A_43 = arith.constant 0 : i32
    %scan3A_44 = arith.constant 32 : i32
    %scan3A_45 = arith.addi %scan3A_43, %scan3A_44 : i32
    %scan3A_46 = arith.constant 1 : i32
    %scan3A_47 = scf.for %scan3A_63 = %scan3A_43 to %scan3A_45 step %scan3A_46 iter_args(%scan3A_64 = %broadcast_in_dim3A_42) -> (vector<16xf32>)  : i32 {
      %mul3A_65 = arith.constant 8 : i32
      %mul3A_66 = arith.muli %scan3A_63, %mul3A_65 : i32
      %add3A_67 = arith.addi %mul3A_66, %select_n3A_30 : i32
      %mul3A_68 = arith.constant 16 : i32
      %mul3A_69 = arith.muli %add3A_67, %mul3A_68 : i32
      %get3A = arith.index_cast %mul3A_69 : i32 to index
      %get3A_70 = tpu.vector_load %arg6[%get3A] {strides = array<i32>} : memref<16640xf32, #tpu.memory_space<vmem>>, vector<16xf32>,
      %get3A_71 = vector.shape_cast %get3A_70 : vector<16xf32> to vector<16xf32>
      %add3A_72 = arith.constant 4096 : i32
      %add3A_73 = arith.addi %add3A_72, %mul3A_69 : i32
      %get3A_74 = arith.index_cast %add3A_73 : i32 to index
      %get3A_75 = tpu.vector_load %arg6[%get3A_74] {strides = array<i32>} : memref<16640xf32, #tpu.memory_space<vmem>>, vector<16xf32>,
      %get3A_76 = vector.shape_cast %get3A_75 : vector<16xf32> to vector<16xf32>
      %add3A_77 = arith.constant 8192 : i32
      %add3A_78 = arith.addi %add3A_77, %mul3A_69 : i32
      %get3A_79 = arith.index_cast %add3A_78 : i32 to index
      %get3A_80 = tpu.vector_load %arg6[%get3A_79] {strides = array<i32>} : memref<16640xf32, #tpu.memory_space<vmem>>, vector<16xf32>,
      %get3A_81 = vector.shape_cast %get3A_80 : vector<16xf32> to vector<16xf32>
      %add3A_82 = arith.constant 12288 : i32
      %add3A_83 = arith.addi %add3A_82, %mul3A_69 : i32
      %get3A_84 = arith.index_cast %add3A_83 : i32 to index
      %get3A_85 = tpu.vector_load %arg6[%get3A_84] {strides = array<i32>} : memref<16640xf32, #tpu.memory_space<vmem>>, vector<16xf32>,
      %get3A_86 = vector.shape_cast %get3A_85 : vector<16xf32> to vector<16xf32>
      %mul3A_87 = arith.constant -2.000000e+00 : f32
      %mul3A_88 = vector.broadcast %mul3A_87 : f32 to vector<16xf32>
      %mul3A_89 = arith.mulf %get3A_71, %mul3A_88 : vector<16xf32>
      %mul3A_90 = arith.constant -2.000000e+00 : f32
      %mul3A_91 = vector.broadcast %mul3A_90 : f32 to vector<16xf32>
      %mul3A_92 = arith.mulf %get3A_76, %mul3A_91 : vector<16xf32>
      %mul3A_93 = arith.constant -2.000000e+00 : f32
      %mul3A_94 = vector.broadcast %mul3A_93 : f32 to vector<16xf32>
      %mul3A_95 = arith.mulf %get3A_81, %mul3A_94 : vector<16xf32>
      %slice3A = vector.extract_strided_slice %get3A_71 {offsets = [0], sizes = [1], strides = [1]} : vector<16xf32> to vector<1xf32>
      %squeeze3A = vector.extract %slice3A[0] : f32 from vector<1xf32>
      %slice3A_96 = vector.extract_strided_slice %get3A_71 {offsets = [1], sizes = [1], strides = [1]} : vector<16xf32> to vector<1xf32>
      %squeeze3A_97 = vector.extract %slice3A_96[0] : f32 from vector<1xf32>
      %slice3A_98 = vector.extract_strided_slice %get3A_71 {offsets = [2], sizes = [1], strides = [1]} : vector<16xf32> to vector<1xf32>
      %squeeze3A_99 = vector.extract %slice3A_98[0] : f32 from vector<1xf32>
      %slice3A_100 = vector.extract_strided_slice %get3A_71 {offsets = [3], sizes = [1], strides = [1]} : vector<16xf32> to vector<1xf32>
      %squeeze3A_101 = vector.extract %slice3A_100[0] : f32 from vector<1xf32>
      %slice3A_102 = vector.extract_strided_slice %get3A_71 {offsets = [4], sizes = [1], strides = [1]} : vector<16xf32> to vector<1xf32>
      %squeeze3A_103 = vector.extract %slice3A_102[0] : f32 from vector<1xf32>
      %slice3A_104 = vector.extract_strided_slice %get3A_71 {offsets = [5], sizes = [1], strides = [1]} : vector<16xf32> to vector<1xf32>
      %squeeze3A_105 = vector.extract %slice3A_104[0] : f32 from vector<1xf32>
      %slice3A_106 = vector.extract_strided_slice %get3A_71 {offsets = [6], sizes = [1], strides = [1]} : vector<16xf32> to vector<1xf32>
      %squeeze3A_107 = vector.extract %slice3A_106[0] : f32 from vector<1xf32>
      %slice3A_108 = vector.extract_strided_slice %get3A_71 {offsets = [7], sizes = [1], strides = [1]} : vector<16xf32> to vector<1xf32>
      %squeeze3A_109 = vector.extract %slice3A_108[0] : f32 from vector<1xf32>
      %slice3A_110 = vector.extract_strided_slice %get3A_71 {offsets = [8], sizes = [1], strides = [1]} : vector<16xf32> to vector<1xf32>
      %squeeze3A_111 = vector.extract %slice3A_110[0] : f32 from vector<1xf32>
      %slice3A_112 = vector.extract_strided_slice %get3A_71 {offsets = [9], sizes = [1], strides = [1]} : vector<16xf32> to vector<1xf32>
      %squeeze3A_113 = vector.extract %slice3A_112[0] : f32 from vector<1xf32>
      %slice3A_114 = vector.extract_strided_slice %get3A_71 {offsets = [10], sizes = [1], strides = [1]} : vector<16xf32> to vector<1xf32>
      %squeeze3A_115 = vector.extract %slice3A_114[0] : f32 from vector<1xf32>
      %slice3A_116 = vector.extract_strided_slice %get3A_71 {offsets = [11], sizes = [1], strides = [1]} : vector<16xf32> to vector<1xf32>
      %squeeze3A_117 = vector.extract %slice3A_116[0] : f32 from vector<1xf32>
      %slice3A_118 = vector.extract_strided_slice %get3A_71 {offsets = [12], sizes = [1], strides = [1]} : vector<16xf32> to vector<1xf32>
      %squeeze3A_119 = vector.extract %slice3A_118[0] : f32 from vector<1xf32>
      %slice3A_120 = vector.extract_strided_slice %get3A_71 {offsets = [13], sizes = [1], strides = [1]} : vector<16xf32> to vector<1xf32>
      %squeeze3A_121 = vector.extract %slice3A_120[0] : f32 from vector<1xf32>
      %slice3A_122 = vector.extract_strided_slice %get3A_71 {offsets = [14], sizes = [1], strides = [1]} : vector<16xf32> to vector<1xf32>
      %squeeze3A_123 = vector.extract %slice3A_122[0] : f32 from vector<1xf32>
      %slice3A_124 = vector.extract_strided_slice %get3A_71 {offsets = [15], sizes = [1], strides = [1]} : vector<16xf32> to vector<1xf32>
      %squeeze3A_125 = vector.extract %slice3A_124[0] : f32 from vector<1xf32>
      %min3A = arith.minimumf %squeeze3A, %squeeze3A_97 : f32
      %min3A_126 = arith.minimumf %squeeze3A_99, %squeeze3A_101 : f32
      %min3A_127 = arith.minimumf %squeeze3A_103, %squeeze3A_105 : f32
      %min3A_128 = arith.minimumf %squeeze3A_107, %squeeze3A_109 : f32
      %min3A_129 = arith.minimumf %squeeze3A_111, %squeeze3A_113 : f32
      %min3A_130 = arith.minimumf %squeeze3A_115, %squeeze3A_117 : f32
      %min3A_131 = arith.minimumf %squeeze3A_119, %squeeze3A_121 : f32
      %min3A_132 = arith.minimumf %squeeze3A_123, %squeeze3A_125 : f32
      %min3A_133 = arith.minimumf %min3A, %min3A_126 : f32
      %min3A_134 = arith.minimumf %min3A_127, %min3A_128 : f32
      %min3A_135 = arith.minimumf %min3A_129, %min3A_130 : f32
      %min3A_136 = arith.minimumf %min3A_131, %min3A_132 : f32
      %min3A_137 = arith.minimumf %min3A_133, %min3A_134 : f32
      %min3A_138 = arith.minimumf %min3A_135, %min3A_136 : f32
      %min3A_139 = arith.minimumf %min3A_137, %min3A_138 : f32
      %slice3A_140 = vector.extract_strided_slice %get3A_71 {offsets = [0], sizes = [1], strides = [1]} : vector<16xf32> to vector<1xf32>
      %squeeze3A_141 = vector.extract %slice3A_140[0] : f32 from vector<1xf32>
      %slice3A_142 = vector.extract_strided_slice %get3A_71 {offsets = [1], sizes = [1], strides = [1]} : vector<16xf32> to vector<1xf32>
      %squeeze3A_143 = vector.extract %slice3A_142[0] : f32 from vector<1xf32>
      %slice3A_144 = vector.extract_strided_slice %get3A_71 {offsets = [2], sizes = [1], strides = [1]} : vector<16xf32> to vector<1xf32>
      %squeeze3A_145 = vector.extract %slice3A_144[0] : f32 from vector<1xf32>
      %slice3A_146 = vector.extract_strided_slice %get3A_71 {offsets = [3], sizes = [1], strides = [1]} : vector<16xf32> to vector<1xf32>
      %squeeze3A_147 = vector.extract %slice3A_146[0] : f32 from vector<1xf32>
      %slice3A_148 = vector.extract_strided_slice %get3A_71 {offsets = [4], sizes = [1], strides = [1]} : vector<16xf32> to vector<1xf32>
      %squeeze3A_149 = vector.extract %slice3A_148[0] : f32 from vector<1xf32>
      %slice3A_150 = vector.extract_strided_slice %get3A_71 {offsets = [5], sizes = [1], strides = [1]} : vector<16xf32> to vector<1xf32>
      %squeeze3A_151 = vector.extract %slice3A_150[0] : f32 from vector<1xf32>
      %slice3A_152 = vector.extract_strided_slice %get3A_71 {offsets = [6], sizes = [1], strides = [1]} : vector<16xf32> to vector<1xf32>
      %squeeze3A_153 = vector.extract %slice3A_152[0] : f32 from vector<1xf32>
      %slice3A_154 = vector.extract_strided_slice %get3A_71 {offsets = [7], sizes = [1], strides = [1]} : vector<16xf32> to vector<1xf32>
      %squeeze3A_155 = vector.extract %slice3A_154[0] : f32 from vector<1xf32>
      %slice3A_156 = vector.extract_strided_slice %get3A_71 {offsets = [8], sizes = [1], strides = [1]} : vector<16xf32> to vector<1xf32>
      %squeeze3A_157 = vector.extract %slice3A_156[0] : f32 from vector<1xf32>
      %slice3A_158 = vector.extract_strided_slice %get3A_71 {offsets = [9], sizes = [1], strides = [1]} : vector<16xf32> to vector<1xf32>
      %squeeze3A_159 = vector.extract %slice3A_158[0] : f32 from vector<1xf32>
      %slice3A_160 = vector.extract_strided_slice %get3A_71 {offsets = [10], sizes = [1], strides = [1]} : vector<16xf32> to vector<1xf32>
      %squeeze3A_161 = vector.extract %slice3A_160[0] : f32 from vector<1xf32>
      %slice3A_162 = vector.extract_strided_slice %get3A_71 {offsets = [11], sizes = [1], strides = [1]} : vector<16xf32> to vector<1xf32>
      %squeeze3A_163 = vector.extract %slice3A_162[0] : f32 from vector<1xf32>
      %slice3A_164 = vector.extract_strided_slice %get3A_71 {offsets = [12], sizes = [1], strides = [1]} : vector<16xf32> to vector<1xf32>
      %squeeze3A_165 = vector.extract %slice3A_164[0] : f32 from vector<1xf32>
      %slice3A_166 = vector.extract_strided_slice %get3A_71 {offsets = [13], sizes = [1], strides = [1]} : vector<16xf32> to vector<1xf32>
      %squeeze3A_167 = vector.extract %slice3A_166[0] : f32 from vector<1xf32>
      %slice3A_168 = vector.extract_strided_slice %get3A_71 {offsets = [14], sizes = [1], strides = [1]} : vector<16xf32> to vector<1xf32>
      %squeeze3A_169 = vector.extract %slice3A_168[0] : f32 from vector<1xf32>
      %slice3A_170 = vector.extract_strided_slice %get3A_71 {offsets = [15], sizes = [1], strides = [1]} : vector<16xf32> to vector<1xf32>
      %squeeze3A_171 = vector.extract %slice3A_170[0] : f32 from vector<1xf32>
      %max3A = arith.maximumf %squeeze3A_141, %squeeze3A_143 : f32
      %max3A_172 = arith.maximumf %squeeze3A_145, %squeeze3A_147 : f32
      %max3A_173 = arith.maximumf %squeeze3A_149, %squeeze3A_151 : f32
      %max3A_174 = arith.maximumf %squeeze3A_153, %squeeze3A_155 : f32
      %max3A_175 = arith.maximumf %squeeze3A_157, %squeeze3A_159 : f32
      %max3A_176 = arith.maximumf %squeeze3A_161, %squeeze3A_163 : f32
      %max3A_177 = arith.maximumf %squeeze3A_165, %squeeze3A_167 : f32
      %max3A_178 = arith.maximumf %squeeze3A_169, %squeeze3A_171 : f32
      %max3A_179 = arith.maximumf %max3A, %max3A_172 : f32
      %max3A_180 = arith.maximumf %max3A_173, %max3A_174 : f32
      %max3A_181 = arith.maximumf %max3A_175, %max3A_176 : f32
      %max3A_182 = arith.maximumf %max3A_177, %max3A_178 : f32
      %max3A_183 = arith.maximumf %max3A_179, %max3A_180 : f32
      %max3A_184 = arith.maximumf %max3A_181, %max3A_182 : f32
      %max3A_185 = arith.maximumf %max3A_183, %max3A_184 : f32
      %slice3A_186 = vector.extract_strided_slice %get3A_76 {offsets = [0], sizes = [1], strides = [1]} : vector<16xf32> to vector<1xf32>
      %squeeze3A_187 = vector.extract %slice3A_186[0] : f32 from vector<1xf32>
      %slice3A_188 = vector.extract_strided_slice %get3A_76 {offsets = [15], sizes = [1], strides = [1]} : vector<16xf32> to vector<1xf32>
      %squeeze3A_189 = vector.extract %slice3A_188[0] : f32 from vector<1xf32>
      %jit3A_190 = arith.constant 256 : i32
      %div3A_191 = arith.divsi %mul3A_69, %jit3A_190 : i32
      %sign3A_192 = arith.constant 0 : i32
      %sign3A_193 = arith.cmpi sgt, %mul3A_69, %sign3A_192 : i32
      %sign3A_194 = arith.extui %sign3A_193 : i1 to i32
      %sign3A_195 = arith.constant 0 : i32
      %sign3A_196 = arith.cmpi slt, %mul3A_69, %sign3A_195 : i32
      %sign3A_197 = arith.extui %sign3A_196 : i1 to i32
      %sign3A_198 = arith.subi %sign3A_194, %sign3A_197 : i32
      %sign3A_199 = arith.constant 0 : i32
      %sign3A_200 = arith.cmpi sgt, %jit3A_190, %sign3A_199 : i32
      %sign3A_201 = arith.extui %sign3A_200 : i1 to i32
      %sign3A_202 = arith.constant 0 : i32
      %sign3A_203 = arith.cmpi slt, %jit3A_190, %sign3A_202 : i32
      %sign3A_204 = arith.extui %sign3A_203 : i1 to i32
      %sign3A_205 = arith.subi %sign3A_201, %sign3A_204 : i32
      %ne3A_206 = arith.cmpi ne, %sign3A_198, %sign3A_205 : i32
      %rem3A_207 = arith.remsi %mul3A_69, %jit3A_190 : i32
      %ne3A_208 = arith.constant 0 : i32
      %ne3A_209 = arith.cmpi ne, %rem3A_207, %ne3A_208 : i32
      %and3A_210 = arith.andi %ne3A_206, %ne3A_209 : i1
      %sub3A_211 = arith.constant 1 : i32
      %sub3A_212 = arith.subi %div3A_191, %sub3A_211 : i32
      %select_n3A_213 = arith.select %and3A_210, %sub3A_212, %div3A_191 : i32
      %mul3A_214 = arith.constant 16 : i32
      %mul3A_215 = arith.muli %select_n3A_213, %mul3A_214 : i32
      %add3A_216 = arith.constant 16 : i32
      %add3A_217 = arith.addi %mul3A_215, %add3A_216 : i32
      %broadcast_in_dim3A_218 = arith.constant 3.000000e+38 : f32
      %broadcast_in_dim3A_219 = vector.broadcast %broadcast_in_dim3A_218 : f32 to vector<16xf32>
      %parallel_loop3A = arith.constant 1 : i32
      %parallel_loop3A_220 = scf.for %parallel_loop3A_716 = %mul3A_215 to %add3A_217 step %parallel_loop3A iter_args(%parallel_loop3A_717 = %broadcast_in_dim3A_219) -> (vector<16xf32>)  : i32 {
        %parallel_loop3A_718 = arith.constant 16 : i32
        %parallel_loop3A_719 = arith.muli %parallel_loop3A_716, %parallel_loop3A_718 : i32
        %parallel_loop3A_720 = arith.index_cast %parallel_loop3A_719 : i32 to index
        %parallel_loop3A_721 = tpu.vector_load %arg5[%parallel_loop3A_720] {strides = array<i32>} : memref<16640xf32, #tpu.memory_space<vmem>>, vector<16xf32>,
        %parallel_loop3A_722 = vector.shape_cast %parallel_loop3A_721 : vector<16xf32> to vector<16xf32>
        %parallel_loop3A_723 = arith.constant 4096 : i32
        %parallel_loop3A_724 = arith.addi %parallel_loop3A_723, %parallel_loop3A_719 : i32
        %parallel_loop3A_725 = arith.index_cast %parallel_loop3A_724 : i32 to index
        %parallel_loop3A_726 = tpu.vector_load %arg5[%parallel_loop3A_725] {strides = array<i32>} : memref<16640xf32, #tpu.memory_space<vmem>>, vector<16xf32>,
        %parallel_loop3A_727 = vector.shape_cast %parallel_loop3A_726 : vector<16xf32> to vector<16xf32>
        %parallel_loop3A_728 = arith.constant 8192 : i32
        %parallel_loop3A_729 = arith.addi %parallel_loop3A_728, %parallel_loop3A_719 : i32
        %parallel_loop3A_730 = arith.index_cast %parallel_loop3A_729 : i32 to index
        %parallel_loop3A_731 = tpu.vector_load %arg5[%parallel_loop3A_730] {strides = array<i32>} : memref<16640xf32, #tpu.memory_space<vmem>>, vector<16xf32>,
        %parallel_loop3A_732 = vector.shape_cast %parallel_loop3A_731 : vector<16xf32> to vector<16xf32>
        %parallel_loop3A_733 = arith.constant 12288 : i32
        %parallel_loop3A_734 = arith.addi %parallel_loop3A_733, %parallel_loop3A_719 : i32
        %parallel_loop3A_735 = arith.index_cast %parallel_loop3A_734 : i32 to index
        %parallel_loop3A_736 = tpu.vector_load %arg5[%parallel_loop3A_735] {strides = array<i32>} : memref<16640xf32, #tpu.memory_space<vmem>>, vector<16xf32>,
        %parallel_loop3A_737 = vector.shape_cast %parallel_loop3A_736 : vector<16xf32> to vector<16xf32>
        %parallel_loop3A_738 = vector.extract_strided_slice %parallel_loop3A_737 {offsets = [0], sizes = [1], strides = [1]} : vector<16xf32> to vector<1xf32>
        %parallel_loop3A_739 = vector.extract %parallel_loop3A_738[0] : f32 from vector<1xf32>
        %parallel_loop3A_740 = vector.extract_strided_slice %parallel_loop3A_722 {offsets = [0], sizes = [1], strides = [1]} : vector<16xf32> to vector<1xf32>
        %parallel_loop3A_741 = vector.extract %parallel_loop3A_740[0] : f32 from vector<1xf32>
        %parallel_loop3A_742 = vector.broadcast %parallel_loop3A_741 : f32 to vector<16xf32>
        %parallel_loop3A_743 = arith.mulf %mul3A_89, %parallel_loop3A_742 : vector<16xf32>
        %parallel_loop3A_744 = vector.broadcast %parallel_loop3A_739 : f32 to vector<16xf32>
        %parallel_loop3A_745 = arith.addf %parallel_loop3A_744, %parallel_loop3A_743 : vector<16xf32>
        %parallel_loop3A_746 = vector.extract_strided_slice %parallel_loop3A_727 {offsets = [0], sizes = [1], strides = [1]} : vector<16xf32> to vector<1xf32>
        %parallel_loop3A_747 = vector.extract %parallel_loop3A_746[0] : f32 from vector<1xf32>
        %parallel_loop3A_748 = vector.broadcast %parallel_loop3A_747 : f32 to vector<16xf32>
        %parallel_loop3A_749 = arith.mulf %mul3A_92, %parallel_loop3A_748 : vector<16xf32>
        %parallel_loop3A_750 = arith.addf %parallel_loop3A_745, %parallel_loop3A_749 : vector<16xf32>
        %parallel_loop3A_751 = vector.extract_strided_slice %parallel_loop3A_732 {offsets = [0], sizes = [1], strides = [1]} : vector<16xf32> to vector<1xf32>
        %parallel_loop3A_752 = vector.extract %parallel_loop3A_751[0] : f32 from vector<1xf32>
        %parallel_loop3A_753 = vector.broadcast %parallel_loop3A_752 : f32 to vector<16xf32>
        %parallel_loop3A_754 = arith.mulf %mul3A_95, %parallel_loop3A_753 : vector<16xf32>
        %parallel_loop3A_755 = arith.addf %parallel_loop3A_750, %parallel_loop3A_754 : vector<16xf32>
        %parallel_loop3A_756 = vector.extract_strided_slice %parallel_loop3A_737 {offsets = [1], sizes = [1], strides = [1]} : vector<16xf32> to vector<1xf32>
        %parallel_loop3A_757 = vector.extract %parallel_loop3A_756[0] : f32 from vector<1xf32>
        %parallel_loop3A_758 = vector.extract_strided_slice %parallel_loop3A_722 {offsets = [1], sizes = [1], strides = [1]} : vector<16xf32> to vector<1xf32>
        %parallel_loop3A_759 = vector.extract %parallel_loop3A_758[0] : f32 from vector<1xf32>
        %parallel_loop3A_760 = vector.broadcast %parallel_loop3A_759 : f32 to vector<16xf32>
        %parallel_loop3A_761 = arith.mulf %mul3A_89, %parallel_loop3A_760 : vector<16xf32>
        %parallel_loop3A_762 = vector.broadcast %parallel_loop3A_757 : f32 to vector<16xf32>
        %parallel_loop3A_763 = arith.addf %parallel_loop3A_762, %parallel_loop3A_761 : vector<16xf32>
        %parallel_loop3A_764 = vector.extract_strided_slice %parallel_loop3A_727 {offsets = [1], sizes = [1], strides = [1]} : vector<16xf32> to vector<1xf32>
        %parallel_loop3A_765 = vector.extract %parallel_loop3A_764[0] : f32 from vector<1xf32>
        %parallel_loop3A_766 = vector.broadcast %parallel_loop3A_765 : f32 to vector<16xf32>
        %parallel_loop3A_767 = arith.mulf %mul3A_92, %parallel_loop3A_766 : vector<16xf32>
        %parallel_loop3A_768 = arith.addf %parallel_loop3A_763, %parallel_loop3A_767 : vector<16xf32>
        %parallel_loop3A_769 = vector.extract_strided_slice %parallel_loop3A_732 {offsets = [1], sizes = [1], strides = [1]} : vector<16xf32> to vector<1xf32>
        %parallel_loop3A_770 = vector.extract %parallel_loop3A_769[0] : f32 from vector<1xf32>
        %parallel_loop3A_771 = vector.broadcast %parallel_loop3A_770 : f32 to vector<16xf32>
        %parallel_loop3A_772 = arith.mulf %mul3A_95, %parallel_loop3A_771 : vector<16xf32>
        %parallel_loop3A_773 = arith.addf %parallel_loop3A_768, %parallel_loop3A_772 : vector<16xf32>
        %parallel_loop3A_774 = vector.extract_strided_slice %parallel_loop3A_737 {offsets = [2], sizes = [1], strides = [1]} : vector<16xf32> to vector<1xf32>
        %parallel_loop3A_775 = vector.extract %parallel_loop3A_774[0] : f32 from vector<1xf32>
        %parallel_loop3A_776 = vector.extract_strided_slice %parallel_loop3A_722 {offsets = [2], sizes = [1], strides = [1]} : vector<16xf32> to vector<1xf32>
        %parallel_loop3A_777 = vector.extract %parallel_loop3A_776[0] : f32 from vector<1xf32>
        %parallel_loop3A_778 = vector.broadcast %parallel_loop3A_777 : f32 to vector<16xf32>
        %parallel_loop3A_779 = arith.mulf %mul3A_89, %parallel_loop3A_778 : vector<16xf32>
        %parallel_loop3A_780 = vector.broadcast %parallel_loop3A_775 : f32 to vector<16xf32>
        %parallel_loop3A_781 = arith.addf %parallel_loop3A_780, %parallel_loop3A_779 : vector<16xf32>
        %parallel_loop3A_782 = vector.extract_strided_slice %parallel_loop3A_727 {offsets = [2], sizes = [1], strides = [1]} : vector<16xf32> to vector<1xf32>
        %parallel_loop3A_783 = vector.extract %parallel_loop3A_782[0] : f32 from vector<1xf32>
        %parallel_loop3A_784 = vector.broadcast %parallel_loop3A_783 : f32 to vector<16xf32>
        %parallel_loop3A_785 = arith.mulf %mul3A_92, %parallel_loop3A_784 : vector<16xf32>
        %parallel_loop3A_786 = arith.addf %parallel_loop3A_781, %parallel_loop3A_785 : vector<16xf32>
        %parallel_loop3A_787 = vector.extract_strided_slice %parallel_loop3A_732 {offsets = [2], sizes = [1], strides = [1]} : vector<16xf32> to vector<1xf32>
        %parallel_loop3A_788 = vector.extract %parallel_loop3A_787[0] : f32 from vector<1xf32>
        %parallel_loop3A_789 = vector.broadcast %parallel_loop3A_788 : f32 to vector<16xf32>
        %parallel_loop3A_790 = arith.mulf %mul3A_95, %parallel_loop3A_789 : vector<16xf32>
        %parallel_loop3A_791 = arith.addf %parallel_loop3A_786, %parallel_loop3A_790 : vector<16xf32>
        %parallel_loop3A_792 = vector.extract_strided_slice %parallel_loop3A_737 {offsets = [3], sizes = [1], strides = [1]} : vector<16xf32> to vector<1xf32>
        %parallel_loop3A_793 = vector.extract %parallel_loop3A_792[0] : f32 from vector<1xf32>
        %parallel_loop3A_794 = vector.extract_strided_slice %parallel_loop3A_722 {offsets = [3], sizes = [1], strides = [1]} : vector<16xf32> to vector<1xf32>
        %parallel_loop3A_795 = vector.extract %parallel_loop3A_794[0] : f32 from vector<1xf32>
        %parallel_loop3A_796 = vector.broadcast %parallel_loop3A_795 : f32 to vector<16xf32>
        %parallel_loop3A_797 = arith.mulf %mul3A_89, %parallel_loop3A_796 : vector<16xf32>
        %parallel_loop3A_798 = vector.broadcast %parallel_loop3A_793 : f32 to vector<16xf32>
        %parallel_loop3A_799 = arith.addf %parallel_loop3A_798, %parallel_loop3A_797 : vector<16xf32>
        %parallel_loop3A_800 = vector.extract_strided_slice %parallel_loop3A_727 {offsets = [3], sizes = [1], strides = [1]} : vector<16xf32> to vector<1xf32>
        %parallel_loop3A_801 = vector.extract %parallel_loop3A_800[0] : f32 from vector<1xf32>
        %parallel_loop3A_802 = vector.broadcast %parallel_loop3A_801 : f32 to vector<16xf32>
        %parallel_loop3A_803 = arith.mulf %mul3A_92, %parallel_loop3A_802 : vector<16xf32>
        %parallel_loop3A_804 = arith.addf %parallel_loop3A_799, %parallel_loop3A_803 : vector<16xf32>
        %parallel_loop3A_805 = vector.extract_strided_slice %parallel_loop3A_732 {offsets = [3], sizes = [1], strides = [1]} : vector<16xf32> to vector<1xf32>
        %parallel_loop3A_806 = vector.extract %parallel_loop3A_805[0] : f32 from vector<1xf32>
        %parallel_loop3A_807 = vector.broadcast %parallel_loop3A_806 : f32 to vector<16xf32>
        %parallel_loop3A_808 = arith.mulf %mul3A_95, %parallel_loop3A_807 : vector<16xf32>
        %parallel_loop3A_809 = arith.addf %parallel_loop3A_804, %parallel_loop3A_808 : vector<16xf32>
        %parallel_loop3A_810 = vector.extract_strided_slice %parallel_loop3A_737 {offsets = [4], sizes = [1], strides = [1]} : vector<16xf32> to vector<1xf32>
        %parallel_loop3A_811 = vector.extract %parallel_loop3A_810[0] : f32 from vector<1xf32>
        %parallel_loop3A_812 = vector.extract_strided_slice %parallel_loop3A_722 {offsets = [4], sizes = [1], strides = [1]} : vector<16xf32> to vector<1xf32>
        %parallel_loop3A_813 = vector.extract %parallel_loop3A_812[0] : f32 from vector<1xf32>
        %parallel_loop3A_814 = vector.broadcast %parallel_loop3A_813 : f32 to vector<16xf32>
        %parallel_loop3A_815 = arith.mulf %mul3A_89, %parallel_loop3A_814 : vector<16xf32>
        %parallel_loop3A_816 = vector.broadcast %parallel_loop3A_811 : f32 to vector<16xf32>
        %parallel_loop3A_817 = arith.addf %parallel_loop3A_816, %parallel_loop3A_815 : vector<16xf32>
        %parallel_loop3A_818 = vector.extract_strided_slice %parallel_loop3A_727 {offsets = [4], sizes = [1], strides = [1]} : vector<16xf32> to vector<1xf32>
        %parallel_loop3A_819 = vector.extract %parallel_loop3A_818[0] : f32 from vector<1xf32>
        %parallel_loop3A_820 = vector.broadcast %parallel_loop3A_819 : f32 to vector<16xf32>
        %parallel_loop3A_821 = arith.mulf %mul3A_92, %parallel_loop3A_820 : vector<16xf32>
        %parallel_loop3A_822 = arith.addf %parallel_loop3A_817, %parallel_loop3A_821 : vector<16xf32>
        %parallel_loop3A_823 = vector.extract_strided_slice %parallel_loop3A_732 {offsets = [4], sizes = [1], strides = [1]} : vector<16xf32> to vector<1xf32>
        %parallel_loop3A_824 = vector.extract %parallel_loop3A_823[0] : f32 from vector<1xf32>
        %parallel_loop3A_825 = vector.broadcast %parallel_loop3A_824 : f32 to vector<16xf32>
        %parallel_loop3A_826 = arith.mulf %mul3A_95, %parallel_loop3A_825 : vector<16xf32>
        %parallel_loop3A_827 = arith.addf %parallel_loop3A_822, %parallel_loop3A_826 : vector<16xf32>
        %parallel_loop3A_828 = vector.extract_strided_slice %parallel_loop3A_737 {offsets = [5], sizes = [1], strides = [1]} : vector<16xf32> to vector<1xf32>
        %parallel_loop3A_829 = vector.extract %parallel_loop3A_828[0] : f32 from vector<1xf32>
        %parallel_loop3A_830 = vector.extract_strided_slice %parallel_loop3A_722 {offsets = [5], sizes = [1], strides = [1]} : vector<16xf32> to vector<1xf32>
        %parallel_loop3A_831 = vector.extract %parallel_loop3A_830[0] : f32 from vector<1xf32>
        %parallel_loop3A_832 = vector.broadcast %parallel_loop3A_831 : f32 to vector<16xf32>
        %parallel_loop3A_833 = arith.mulf %mul3A_89, %parallel_loop3A_832 : vector<16xf32>
        %parallel_loop3A_834 = vector.broadcast %parallel_loop3A_829 : f32 to vector<16xf32>
        %parallel_loop3A_835 = arith.addf %parallel_loop3A_834, %parallel_loop3A_833 : vector<16xf32>
        %parallel_loop3A_836 = vector.extract_strided_slice %parallel_loop3A_727 {offsets = [5], sizes = [1], strides = [1]} : vector<16xf32> to vector<1xf32>
        %parallel_loop3A_837 = vector.extract %parallel_loop3A_836[0] : f32 from vector<1xf32>
        %parallel_loop3A_838 = vector.broadcast %parallel_loop3A_837 : f32 to vector<16xf32>
        %parallel_loop3A_839 = arith.mulf %mul3A_92, %parallel_loop3A_838 : vector<16xf32>
        %parallel_loop3A_840 = arith.addf %parallel_loop3A_835, %parallel_loop3A_839 : vector<16xf32>
        %parallel_loop3A_841 = vector.extract_strided_slice %parallel_loop3A_732 {offsets = [5], sizes = [1], strides = [1]} : vector<16xf32> to vector<1xf32>
        %parallel_loop3A_842 = vector.extract %parallel_loop3A_841[0] : f32 from vector<1xf32>
        %parallel_loop3A_843 = vector.broadcast %parallel_loop3A_842 : f32 to vector<16xf32>
        %parallel_loop3A_844 = arith.mulf %mul3A_95, %parallel_loop3A_843 : vector<16xf32>
        %parallel_loop3A_845 = arith.addf %parallel_loop3A_840, %parallel_loop3A_844 : vector<16xf32>
        %parallel_loop3A_846 = vector.extract_strided_slice %parallel_loop3A_737 {offsets = [6], sizes = [1], strides = [1]} : vector<16xf32> to vector<1xf32>
        %parallel_loop3A_847 = vector.extract %parallel_loop3A_846[0] : f32 from vector<1xf32>
        %parallel_loop3A_848 = vector.extract_strided_slice %parallel_loop3A_722 {offsets = [6], sizes = [1], strides = [1]} : vector<16xf32> to vector<1xf32>
        %parallel_loop3A_849 = vector.extract %parallel_loop3A_848[0] : f32 from vector<1xf32>
        %parallel_loop3A_850 = vector.broadcast %parallel_loop3A_849 : f32 to vector<16xf32>
        %parallel_loop3A_851 = arith.mulf %mul3A_89, %parallel_loop3A_850 : vector<16xf32>
        %parallel_loop3A_852 = vector.broadcast %parallel_loop3A_847 : f32 to vector<16xf32>
        %parallel_loop3A_853 = arith.addf %parallel_loop3A_852, %parallel_loop3A_851 : vector<16xf32>
        %parallel_loop3A_854 = vector.extract_strided_slice %parallel_loop3A_727 {offsets = [6], sizes = [1], strides = [1]} : vector<16xf32> to vector<1xf32>
        %parallel_loop3A_855 = vector.extract %parallel_loop3A_854[0] : f32 from vector<1xf32>
        %parallel_loop3A_856 = vector.broadcast %parallel_loop3A_855 : f32 to vector<16xf32>
        %parallel_loop3A_857 = arith.mulf %mul3A_92, %parallel_loop3A_856 : vector<16xf32>
        %parallel_loop3A_858 = arith.addf %parallel_loop3A_853, %parallel_loop3A_857 : vector<16xf32>
        %parallel_loop3A_859 = vector.extract_strided_slice %parallel_loop3A_732 {offsets = [6], sizes = [1], strides = [1]} : vector<16xf32> to vector<1xf32>
        %parallel_loop3A_860 = vector.extract %parallel_loop3A_859[0] : f32 from vector<1xf32>
        %parallel_loop3A_861 = vector.broadcast %parallel_loop3A_860 : f32 to vector<16xf32>
        %parallel_loop3A_862 = arith.mulf %mul3A_95, %parallel_loop3A_861 : vector<16xf32>
        %parallel_loop3A_863 = arith.addf %parallel_loop3A_858, %parallel_loop3A_862 : vector<16xf32>
        %parallel_loop3A_864 = vector.extract_strided_slice %parallel_loop3A_737 {offsets = [7], sizes = [1], strides = [1]} : vector<16xf32> to vector<1xf32>
        %parallel_loop3A_865 = vector.extract %parallel_loop3A_864[0] : f32 from vector<1xf32>
        %parallel_loop3A_866 = vector.extract_strided_slice %parallel_loop3A_722 {offsets = [7], sizes = [1], strides = [1]} : vector<16xf32> to vector<1xf32>
        %parallel_loop3A_867 = vector.extract %parallel_loop3A_866[0] : f32 from vector<1xf32>
        %parallel_loop3A_868 = vector.broadcast %parallel_loop3A_867 : f32 to vector<16xf32>
        %parallel_loop3A_869 = arith.mulf %mul3A_89, %parallel_loop3A_868 : vector<16xf32>
        %parallel_loop3A_870 = vector.broadcast %parallel_loop3A_865 : f32 to vector<16xf32>
        %parallel_loop3A_871 = arith.addf %parallel_loop3A_870, %parallel_loop3A_869 : vector<16xf32>
        %parallel_loop3A_872 = vector.extract_strided_slice %parallel_loop3A_727 {offsets = [7], sizes = [1], strides = [1]} : vector<16xf32> to vector<1xf32>
        %parallel_loop3A_873 = vector.extract %parallel_loop3A_872[0] : f32 from vector<1xf32>
        %parallel_loop3A_874 = vector.broadcast %parallel_loop3A_873 : f32 to vector<16xf32>
        %parallel_loop3A_875 = arith.mulf %mul3A_92, %parallel_loop3A_874 : vector<16xf32>
        %parallel_loop3A_876 = arith.addf %parallel_loop3A_871, %parallel_loop3A_875 : vector<16xf32>
        %parallel_loop3A_877 = vector.extract_strided_slice %parallel_loop3A_732 {offsets = [7], sizes = [1], strides = [1]} : vector<16xf32> to vector<1xf32>
        %parallel_loop3A_878 = vector.extract %parallel_loop3A_877[0] : f32 from vector<1xf32>
        %parallel_loop3A_879 = vector.broadcast %parallel_loop3A_878 : f32 to vector<16xf32>
        %parallel_loop3A_880 = arith.mulf %mul3A_95, %parallel_loop3A_879 : vector<16xf32>
        %parallel_loop3A_881 = arith.addf %parallel_loop3A_876, %parallel_loop3A_880 : vector<16xf32>
        %parallel_loop3A_882 = vector.extract_strided_slice %parallel_loop3A_737 {offsets = [8], sizes = [1], strides = [1]} : vector<16xf32> to vector<1xf32>
        %parallel_loop3A_883 = vector.extract %parallel_loop3A_882[0] : f32 from vector<1xf32>
        %parallel_loop3A_884 = vector.extract_strided_slice %parallel_loop3A_722 {offsets = [8], sizes = [1], strides = [1]} : vector<16xf32> to vector<1xf32>
        %parallel_loop3A_885 = vector.extract %parallel_loop3A_884[0] : f32 from vector<1xf32>
        %parallel_loop3A_886 = vector.broadcast %parallel_loop3A_885 : f32 to vector<16xf32>
        %parallel_loop3A_887 = arith.mulf %mul3A_89, %parallel_loop3A_886 : vector<16xf32>
        %parallel_loop3A_888 = vector.broadcast %parallel_loop3A_883 : f32 to vector<16xf32>
        %parallel_loop3A_889 = arith.addf %parallel_loop3A_888, %parallel_loop3A_887 : vector<16xf32>
        %parallel_loop3A_890 = vector.extract_strided_slice %parallel_loop3A_727 {offsets = [8], sizes = [1], strides = [1]} : vector<16xf32> to vector<1xf32>
        %parallel_loop3A_891 = vector.extract %parallel_loop3A_890[0] : f32 from vector<1xf32>
        %parallel_loop3A_892 = vector.broadcast %parallel_loop3A_891 : f32 to vector<16xf32>
        %parallel_loop3A_893 = arith.mulf %mul3A_92, %parallel_loop3A_892 : vector<16xf32>
        %parallel_loop3A_894 = arith.addf %parallel_loop3A_889, %parallel_loop3A_893 : vector<16xf32>
        %parallel_loop3A_895 = vector.extract_strided_slice %parallel_loop3A_732 {offsets = [8], sizes = [1], strides = [1]} : vector<16xf32> to vector<1xf32>
        %parallel_loop3A_896 = vector.extract %parallel_loop3A_895[0] : f32 from vector<1xf32>
        %parallel_loop3A_897 = vector.broadcast %parallel_loop3A_896 : f32 to vector<16xf32>
        %parallel_loop3A_898 = arith.mulf %mul3A_95, %parallel_loop3A_897 : vector<16xf32>
        %parallel_loop3A_899 = arith.addf %parallel_loop3A_894, %parallel_loop3A_898 : vector<16xf32>
        %parallel_loop3A_900 = vector.extract_strided_slice %parallel_loop3A_737 {offsets = [9], sizes = [1], strides = [1]} : vector<16xf32> to vector<1xf32>
        %parallel_loop3A_901 = vector.extract %parallel_loop3A_900[0] : f32 from vector<1xf32>
        %parallel_loop3A_902 = vector.extract_strided_slice %parallel_loop3A_722 {offsets = [9], sizes = [1], strides = [1]} : vector<16xf32> to vector<1xf32>
        %parallel_loop3A_903 = vector.extract %parallel_loop3A_902[0] : f32 from vector<1xf32>
        %parallel_loop3A_904 = vector.broadcast %parallel_loop3A_903 : f32 to vector<16xf32>
        %parallel_loop3A_905 = arith.mulf %mul3A_89, %parallel_loop3A_904 : vector<16xf32>
        %parallel_loop3A_906 = vector.broadcast %parallel_loop3A_901 : f32 to vector<16xf32>
        %parallel_loop3A_907 = arith.addf %parallel_loop3A_906, %parallel_loop3A_905 : vector<16xf32>
        %parallel_loop3A_908 = vector.extract_strided_slice %parallel_loop3A_727 {offsets = [9], sizes = [1], strides = [1]} : vector<16xf32> to vector<1xf32>
        %parallel_loop3A_909 = vector.extract %parallel_loop3A_908[0] : f32 from vector<1xf32>
        %parallel_loop3A_910 = vector.broadcast %parallel_loop3A_909 : f32 to vector<16xf32>
        %parallel_loop3A_911 = arith.mulf %mul3A_92, %parallel_loop3A_910 : vector<16xf32>
        %parallel_loop3A_912 = arith.addf %parallel_loop3A_907, %parallel_loop3A_911 : vector<16xf32>
        %parallel_loop3A_913 = vector.extract_strided_slice %parallel_loop3A_732 {offsets = [9], sizes = [1], strides = [1]} : vector<16xf32> to vector<1xf32>
        %parallel_loop3A_914 = vector.extract %parallel_loop3A_913[0] : f32 from vector<1xf32>
        %parallel_loop3A_915 = vector.broadcast %parallel_loop3A_914 : f32 to vector<16xf32>
        %parallel_loop3A_916 = arith.mulf %mul3A_95, %parallel_loop3A_915 : vector<16xf32>
        %parallel_loop3A_917 = arith.addf %parallel_loop3A_912, %parallel_loop3A_916 : vector<16xf32>
        %parallel_loop3A_918 = vector.extract_strided_slice %parallel_loop3A_737 {offsets = [10], sizes = [1], strides = [1]} : vector<16xf32> to vector<1xf32>
        %parallel_loop3A_919 = vector.extract %parallel_loop3A_918[0] : f32 from vector<1xf32>
        %parallel_loop3A_920 = vector.extract_strided_slice %parallel_loop3A_722 {offsets = [10], sizes = [1], strides = [1]} : vector<16xf32> to vector<1xf32>
        %parallel_loop3A_921 = vector.extract %parallel_loop3A_920[0] : f32 from vector<1xf32>
        %parallel_loop3A_922 = vector.broadcast %parallel_loop3A_921 : f32 to vector<16xf32>
        %parallel_loop3A_923 = arith.mulf %mul3A_89, %parallel_loop3A_922 : vector<16xf32>
        %parallel_loop3A_924 = vector.broadcast %parallel_loop3A_919 : f32 to vector<16xf32>
        %parallel_loop3A_925 = arith.addf %parallel_loop3A_924, %parallel_loop3A_923 : vector<16xf32>
        %parallel_loop3A_926 = vector.extract_strided_slice %parallel_loop3A_727 {offsets = [10], sizes = [1], strides = [1]} : vector<16xf32> to vector<1xf32>
        %parallel_loop3A_927 = vector.extract %parallel_loop3A_926[0] : f32 from vector<1xf32>
        %parallel_loop3A_928 = vector.broadcast %parallel_loop3A_927 : f32 to vector<16xf32>
        %parallel_loop3A_929 = arith.mulf %mul3A_92, %parallel_loop3A_928 : vector<16xf32>
        %parallel_loop3A_930 = arith.addf %parallel_loop3A_925, %parallel_loop3A_929 : vector<16xf32>
        %parallel_loop3A_931 = vector.extract_strided_slice %parallel_loop3A_732 {offsets = [10], sizes = [1], strides = [1]} : vector<16xf32> to vector<1xf32>
        %parallel_loop3A_932 = vector.extract %parallel_loop3A_931[0] : f32 from vector<1xf32>
        %parallel_loop3A_933 = vector.broadcast %parallel_loop3A_932 : f32 to vector<16xf32>
        %parallel_loop3A_934 = arith.mulf %mul3A_95, %parallel_loop3A_933 : vector<16xf32>
        %parallel_loop3A_935 = arith.addf %parallel_loop3A_930, %parallel_loop3A_934 : vector<16xf32>
        %parallel_loop3A_936 = vector.extract_strided_slice %parallel_loop3A_737 {offsets = [11], sizes = [1], strides = [1]} : vector<16xf32> to vector<1xf32>
        %parallel_loop3A_937 = vector.extract %parallel_loop3A_936[0] : f32 from vector<1xf32>
        %parallel_loop3A_938 = vector.extract_strided_slice %parallel_loop3A_722 {offsets = [11], sizes = [1], strides = [1]} : vector<16xf32> to vector<1xf32>
        %parallel_loop3A_939 = vector.extract %parallel_loop3A_938[0] : f32 from vector<1xf32>
        %parallel_loop3A_940 = vector.broadcast %parallel_loop3A_939 : f32 to vector<16xf32>
        %parallel_loop3A_941 = arith.mulf %mul3A_89, %parallel_loop3A_940 : vector<16xf32>
        %parallel_loop3A_942 = vector.broadcast %parallel_loop3A_937 : f32 to vector<16xf32>
        %parallel_loop3A_943 = arith.addf %parallel_loop3A_942, %parallel_loop3A_941 : vector<16xf32>
        %parallel_loop3A_944 = vector.extract_strided_slice %parallel_loop3A_727 {offsets = [11], sizes = [1], strides = [1]} : vector<16xf32> to vector<1xf32>
        %parallel_loop3A_945 = vector.extract %parallel_loop3A_944[0] : f32 from vector<1xf32>
        %parallel_loop3A_946 = vector.broadcast %parallel_loop3A_945 : f32 to vector<16xf32>
        %parallel_loop3A_947 = arith.mulf %mul3A_92, %parallel_loop3A_946 : vector<16xf32>
        %parallel_loop3A_948 = arith.addf %parallel_loop3A_943, %parallel_loop3A_947 : vector<16xf32>
        %parallel_loop3A_949 = vector.extract_strided_slice %parallel_loop3A_732 {offsets = [11], sizes = [1], strides = [1]} : vector<16xf32> to vector<1xf32>
        %parallel_loop3A_950 = vector.extract %parallel_loop3A_949[0] : f32 from vector<1xf32>
        %parallel_loop3A_951 = vector.broadcast %parallel_loop3A_950 : f32 to vector<16xf32>
        %parallel_loop3A_952 = arith.mulf %mul3A_95, %parallel_loop3A_951 : vector<16xf32>
        %parallel_loop3A_953 = arith.addf %parallel_loop3A_948, %parallel_loop3A_952 : vector<16xf32>
        %parallel_loop3A_954 = vector.extract_strided_slice %parallel_loop3A_737 {offsets = [12], sizes = [1], strides = [1]} : vector<16xf32> to vector<1xf32>
        %parallel_loop3A_955 = vector.extract %parallel_loop3A_954[0] : f32 from vector<1xf32>
        %parallel_loop3A_956 = vector.extract_strided_slice %parallel_loop3A_722 {offsets = [12], sizes = [1], strides = [1]} : vector<16xf32> to vector<1xf32>
        %parallel_loop3A_957 = vector.extract %parallel_loop3A_956[0] : f32 from vector<1xf32>
        %parallel_loop3A_958 = vector.broadcast %parallel_loop3A_957 : f32 to vector<16xf32>
        %parallel_loop3A_959 = arith.mulf %mul3A_89, %parallel_loop3A_958 : vector<16xf32>
        %parallel_loop3A_960 = vector.broadcast %parallel_loop3A_955 : f32 to vector<16xf32>
        %parallel_loop3A_961 = arith.addf %parallel_loop3A_960, %parallel_loop3A_959 : vector<16xf32>
        %parallel_loop3A_962 = vector.extract_strided_slice %parallel_loop3A_727 {offsets = [12], sizes = [1], strides = [1]} : vector<16xf32> to vector<1xf32>
        %parallel_loop3A_963 = vector.extract %parallel_loop3A_962[0] : f32 from vector<1xf32>
        %parallel_loop3A_964 = vector.broadcast %parallel_loop3A_963 : f32 to vector<16xf32>
        %parallel_loop3A_965 = arith.mulf %mul3A_92, %parallel_loop3A_964 : vector<16xf32>
        %parallel_loop3A_966 = arith.addf %parallel_loop3A_961, %parallel_loop3A_965 : vector<16xf32>
        %parallel_loop3A_967 = vector.extract_strided_slice %parallel_loop3A_732 {offsets = [12], sizes = [1], strides = [1]} : vector<16xf32> to vector<1xf32>
        %parallel_loop3A_968 = vector.extract %parallel_loop3A_967[0] : f32 from vector<1xf32>
        %parallel_loop3A_969 = vector.broadcast %parallel_loop3A_968 : f32 to vector<16xf32>
        %parallel_loop3A_970 = arith.mulf %mul3A_95, %parallel_loop3A_969 : vector<16xf32>
        %parallel_loop3A_971 = arith.addf %parallel_loop3A_966, %parallel_loop3A_970 : vector<16xf32>
        %parallel_loop3A_972 = vector.extract_strided_slice %parallel_loop3A_737 {offsets = [13], sizes = [1], strides = [1]} : vector<16xf32> to vector<1xf32>
        %parallel_loop3A_973 = vector.extract %parallel_loop3A_972[0] : f32 from vector<1xf32>
        %parallel_loop3A_974 = vector.extract_strided_slice %parallel_loop3A_722 {offsets = [13], sizes = [1], strides = [1]} : vector<16xf32> to vector<1xf32>
        %parallel_loop3A_975 = vector.extract %parallel_loop3A_974[0] : f32 from vector<1xf32>
        %parallel_loop3A_976 = vector.broadcast %parallel_loop3A_975 : f32 to vector<16xf32>
        %parallel_loop3A_977 = arith.mulf %mul3A_89, %parallel_loop3A_976 : vector<16xf32>
        %parallel_loop3A_978 = vector.broadcast %parallel_loop3A_973 : f32 to vector<16xf32>
        %parallel_loop3A_979 = arith.addf %parallel_loop3A_978, %parallel_loop3A_977 : vector<16xf32>
        %parallel_loop3A_980 = vector.extract_strided_slice %parallel_loop3A_727 {offsets = [13], sizes = [1], strides = [1]} : vector<16xf32> to vector<1xf32>
        %parallel_loop3A_981 = vector.extract %parallel_loop3A_980[0] : f32 from vector<1xf32>
        %parallel_loop3A_982 = vector.broadcast %parallel_loop3A_981 : f32 to vector<16xf32>
        %parallel_loop3A_983 = arith.mulf %mul3A_92, %parallel_loop3A_982 : vector<16xf32>
        %parallel_loop3A_984 = arith.addf %parallel_loop3A_979, %parallel_loop3A_983 : vector<16xf32>
        %parallel_loop3A_985 = vector.extract_strided_slice %parallel_loop3A_732 {offsets = [13], sizes = [1], strides = [1]} : vector<16xf32> to vector<1xf32>
        %parallel_loop3A_986 = vector.extract %parallel_loop3A_985[0] : f32 from vector<1xf32>
        %parallel_loop3A_987 = vector.broadcast %parallel_loop3A_986 : f32 to vector<16xf32>
        %parallel_loop3A_988 = arith.mulf %mul3A_95, %parallel_loop3A_987 : vector<16xf32>
        %parallel_loop3A_989 = arith.addf %parallel_loop3A_984, %parallel_loop3A_988 : vector<16xf32>
        %parallel_loop3A_990 = vector.extract_strided_slice %parallel_loop3A_737 {offsets = [14], sizes = [1], strides = [1]} : vector<16xf32> to vector<1xf32>
        %parallel_loop3A_991 = vector.extract %parallel_loop3A_990[0] : f32 from vector<1xf32>
        %parallel_loop3A_992 = vector.extract_strided_slice %parallel_loop3A_722 {offsets = [14], sizes = [1], strides = [1]} : vector<16xf32> to vector<1xf32>
        %parallel_loop3A_993 = vector.extract %parallel_loop3A_992[0] : f32 from vector<1xf32>
        %parallel_loop3A_994 = vector.broadcast %parallel_loop3A_993 : f32 to vector<16xf32>
        %parallel_loop3A_995 = arith.mulf %mul3A_89, %parallel_loop3A_994 : vector<16xf32>
        %parallel_loop3A_996 = vector.broadcast %parallel_loop3A_991 : f32 to vector<16xf32>
        %parallel_loop3A_997 = arith.addf %parallel_loop3A_996, %parallel_loop3A_995 : vector<16xf32>
        %parallel_loop3A_998 = vector.extract_strided_slice %parallel_loop3A_727 {offsets = [14], sizes = [1], strides = [1]} : vector<16xf32> to vector<1xf32>
        %parallel_loop3A_999 = vector.extract %parallel_loop3A_998[0] : f32 from vector<1xf32>
        %parallel_loop3A_1000 = vector.broadcast %parallel_loop3A_999 : f32 to vector<16xf32>
        %parallel_loop3A_1001 = arith.mulf %mul3A_92, %parallel_loop3A_1000 : vector<16xf32>
        %parallel_loop3A_1002 = arith.addf %parallel_loop3A_997, %parallel_loop3A_1001 : vector<16xf32>
        %parallel_loop3A_1003 = vector.extract_strided_slice %parallel_loop3A_732 {offsets = [14], sizes = [1], strides = [1]} : vector<16xf32> to vector<1xf32>
        %parallel_loop3A_1004 = vector.extract %parallel_loop3A_1003[0] : f32 from vector<1xf32>
        %parallel_loop3A_1005 = vector.broadcast %parallel_loop3A_1004 : f32 to vector<16xf32>
        %parallel_loop3A_1006 = arith.mulf %mul3A_95, %parallel_loop3A_1005 : vector<16xf32>
        %parallel_loop3A_1007 = arith.addf %parallel_loop3A_1002, %parallel_loop3A_1006 : vector<16xf32>
        %parallel_loop3A_1008 = vector.extract_strided_slice %parallel_loop3A_737 {offsets = [15], sizes = [1], strides = [1]} : vector<16xf32> to vector<1xf32>
        %parallel_loop3A_1009 = vector.extract %parallel_loop3A_1008[0] : f32 from vector<1xf32>
        %parallel_loop3A_1010 = vector.extract_strided_slice %parallel_loop3A_722 {offsets = [15], sizes = [1], strides = [1]} : vector<16xf32> to vector<1xf32>
        %parallel_loop3A_1011 = vector.extract %parallel_loop3A_1010[0] : f32 from vector<1xf32>
        %parallel_loop3A_1012 = vector.broadcast %parallel_loop3A_1011 : f32 to vector<16xf32>
        %parallel_loop3A_1013 = arith.mulf %mul3A_89, %parallel_loop3A_1012 : vector<16xf32>
        %parallel_loop3A_1014 = vector.broadcast %parallel_loop3A_1009 : f32 to vector<16xf32>
        %parallel_loop3A_1015 = arith.addf %parallel_loop3A_1014, %parallel_loop3A_1013 : vector<16xf32>
        %parallel_loop3A_1016 = vector.extract_strided_slice %parallel_loop3A_727 {offsets = [15], sizes = [1], strides = [1]} : vector<16xf32> to vector<1xf32>
        %parallel_loop3A_1017 = vector.extract %parallel_loop3A_1016[0] : f32 from vector<1xf32>
        %parallel_loop3A_1018 = vector.broadcast %parallel_loop3A_1017 : f32 to vector<16xf32>
        %parallel_loop3A_1019 = arith.mulf %mul3A_92, %parallel_loop3A_1018 : vector<16xf32>
        %parallel_loop3A_1020 = arith.addf %parallel_loop3A_1015, %parallel_loop3A_1019 : vector<16xf32>
        %parallel_loop3A_1021 = vector.extract_strided_slice %parallel_loop3A_732 {offsets = [15], sizes = [1], strides = [1]} : vector<16xf32> to vector<1xf32>
        %parallel_loop3A_1022 = vector.extract %parallel_loop3A_1021[0] : f32 from vector<1xf32>
        %parallel_loop3A_1023 = vector.broadcast %parallel_loop3A_1022 : f32 to vector<16xf32>
        %parallel_loop3A_1024 = arith.mulf %mul3A_95, %parallel_loop3A_1023 : vector<16xf32>
        %parallel_loop3A_1025 = arith.addf %parallel_loop3A_1020, %parallel_loop3A_1024 : vector<16xf32>
        %parallel_loop3A_1026 = arith.minimumf %parallel_loop3A_755, %parallel_loop3A_773 : vector<16xf32>
        %parallel_loop3A_1027 = arith.minimumf %parallel_loop3A_791, %parallel_loop3A_809 : vector<16xf32>
        %parallel_loop3A_1028 = arith.minimumf %parallel_loop3A_827, %parallel_loop3A_845 : vector<16xf32>
        %parallel_loop3A_1029 = arith.minimumf %parallel_loop3A_863, %parallel_loop3A_881 : vector<16xf32>
        %parallel_loop3A_1030 = arith.minimumf %parallel_loop3A_899, %parallel_loop3A_917 : vector<16xf32>
        %parallel_loop3A_1031 = arith.minimumf %parallel_loop3A_935, %parallel_loop3A_953 : vector<16xf32>
        %parallel_loop3A_1032 = arith.minimumf %parallel_loop3A_971, %parallel_loop3A_989 : vector<16xf32>
        %parallel_loop3A_1033 = arith.minimumf %parallel_loop3A_1007, %parallel_loop3A_1025 : vector<16xf32>
        %parallel_loop3A_1034 = arith.minimumf %parallel_loop3A_1026, %parallel_loop3A_1027 : vector<16xf32>
        %parallel_loop3A_1035 = arith.minimumf %parallel_loop3A_1028, %parallel_loop3A_1029 : vector<16xf32>
        %parallel_loop3A_1036 = arith.minimumf %parallel_loop3A_1030, %parallel_loop3A_1031 : vector<16xf32>
        %parallel_loop3A_1037 = arith.minimumf %parallel_loop3A_1032, %parallel_loop3A_1033 : vector<16xf32>
        %parallel_loop3A_1038 = arith.minimumf %parallel_loop3A_1034, %parallel_loop3A_1035 : vector<16xf32>
        %parallel_loop3A_1039 = arith.minimumf %parallel_loop3A_1036, %parallel_loop3A_1037 : vector<16xf32>
        %parallel_loop3A_1040 = arith.minimumf %parallel_loop3A_1038, %parallel_loop3A_1039 : vector<16xf32>
        %parallel_loop3A_1041 = arith.minimumf %parallel_loop3A_717, %parallel_loop3A_1040 : vector<16xf32>
        scf.yield %parallel_loop3A_1041 : vector<16xf32>
      } {sc.loop_unroll_factor = 8 : i64, sc.parallel_access}
      %add3A_221 = arith.addf %parallel_loop3A_220, %get3A_86 : vector<16xf32>
      %slice3A_222 = vector.extract_strided_slice %add3A_221 {offsets = [0], sizes = [1], strides = [1]} : vector<16xf32> to vector<1xf32>
      %squeeze3A_223 = vector.extract %slice3A_222[0] : f32 from vector<1xf32>
      %slice3A_224 = vector.extract_strided_slice %add3A_221 {offsets = [1], sizes = [1], strides = [1]} : vector<16xf32> to vector<1xf32>
      %squeeze3A_225 = vector.extract %slice3A_224[0] : f32 from vector<1xf32>
      %slice3A_226 = vector.extract_strided_slice %add3A_221 {offsets = [2], sizes = [1], strides = [1]} : vector<16xf32> to vector<1xf32>
      %squeeze3A_227 = vector.extract %slice3A_226[0] : f32 from vector<1xf32>
      %slice3A_228 = vector.extract_strided_slice %add3A_221 {offsets = [3], sizes = [1], strides = [1]} : vector<16xf32> to vector<1xf32>
      %squeeze3A_229 = vector.extract %slice3A_228[0] : f32 from vector<1xf32>
      %slice3A_230 = vector.extract_strided_slice %add3A_221 {offsets = [4], sizes = [1], strides = [1]} : vector<16xf32> to vector<1xf32>
      %squeeze3A_231 = vector.extract %slice3A_230[0] : f32 from vector<1xf32>
      %slice3A_232 = vector.extract_strided_slice %add3A_221 {offsets = [5], sizes = [1], strides = [1]} : vector<16xf32> to vector<1xf32>
      %squeeze3A_233 = vector.extract %slice3A_232[0] : f32 from vector<1xf32>
      %slice3A_234 = vector.extract_strided_slice %add3A_221 {offsets = [6], sizes = [1], strides = [1]} : vector<16xf32> to vector<1xf32>
      %squeeze3A_235 = vector.extract %slice3A_234[0] : f32 from vector<1xf32>
      %slice3A_236 = vector.extract_strided_slice %add3A_221 {offsets = [7], sizes = [1], strides = [1]} : vector<16xf32> to vector<1xf32>
      %squeeze3A_237 = vector.extract %slice3A_236[0] : f32 from vector<1xf32>
      %slice3A_238 = vector.extract_strided_slice %add3A_221 {offsets = [8], sizes = [1], strides = [1]} : vector<16xf32> to vector<1xf32>
      %squeeze3A_239 = vector.extract %slice3A_238[0] : f32 from vector<1xf32>
      %slice3A_240 = vector.extract_strided_slice %add3A_221 {offsets = [9], sizes = [1], strides = [1]} : vector<16xf32> to vector<1xf32>
      %squeeze3A_241 = vector.extract %slice3A_240[0] : f32 from vector<1xf32>
      %slice3A_242 = vector.extract_strided_slice %add3A_221 {offsets = [10], sizes = [1], strides = [1]} : vector<16xf32> to vector<1xf32>
      %squeeze3A_243 = vector.extract %slice3A_242[0] : f32 from vector<1xf32>
      %slice3A_244 = vector.extract_strided_slice %add3A_221 {offsets = [11], sizes = [1], strides = [1]} : vector<16xf32> to vector<1xf32>
      %squeeze3A_245 = vector.extract %slice3A_244[0] : f32 from vector<1xf32>
      %slice3A_246 = vector.extract_strided_slice %add3A_221 {offsets = [12], sizes = [1], strides = [1]} : vector<16xf32> to vector<1xf32>
      %squeeze3A_247 = vector.extract %slice3A_246[0] : f32 from vector<1xf32>
      %slice3A_248 = vector.extract_strided_slice %add3A_221 {offsets = [13], sizes = [1], strides = [1]} : vector<16xf32> to vector<1xf32>
      %squeeze3A_249 = vector.extract %slice3A_248[0] : f32 from vector<1xf32>
      %slice3A_250 = vector.extract_strided_slice %add3A_221 {offsets = [14], sizes = [1], strides = [1]} : vector<16xf32> to vector<1xf32>
      %squeeze3A_251 = vector.extract %slice3A_250[0] : f32 from vector<1xf32>
      %slice3A_252 = vector.extract_strided_slice %add3A_221 {offsets = [15], sizes = [1], strides = [1]} : vector<16xf32> to vector<1xf32>
      %squeeze3A_253 = vector.extract %slice3A_252[0] : f32 from vector<1xf32>
      %max3A_254 = arith.maximumf %squeeze3A_223, %squeeze3A_225 : f32
      %max3A_255 = arith.maximumf %squeeze3A_227, %squeeze3A_229 : f32
      %max3A_256 = arith.maximumf %squeeze3A_231, %squeeze3A_233 : f32
      %max3A_257 = arith.maximumf %squeeze3A_235, %squeeze3A_237 : f32
      %max3A_258 = arith.maximumf %squeeze3A_239, %squeeze3A_241 : f32
      %max3A_259 = arith.maximumf %squeeze3A_243, %squeeze3A_245 : f32
      %max3A_260 = arith.maximumf %squeeze3A_247, %squeeze3A_249 : f32
      %max3A_261 = arith.maximumf %squeeze3A_251, %squeeze3A_253 : f32
      %max3A_262 = arith.maximumf %max3A_254, %max3A_255 : f32
      %max3A_263 = arith.maximumf %max3A_256, %max3A_257 : f32
      %max3A_264 = arith.maximumf %max3A_258, %max3A_259 : f32
      %max3A_265 = arith.maximumf %max3A_260, %max3A_261 : f32
      %max3A_266 = arith.maximumf %max3A_262, %max3A_263 : f32
      %max3A_267 = arith.maximumf %max3A_264, %max3A_265 : f32
      %max3A_268 = arith.maximumf %max3A_266, %max3A_267 : f32
      %get3A_269 = arith.constant 16384 : index
      %get3A_270 = tpu.vector_load %arg5[%get3A_269] {strides = array<i32>} : memref<16640xf32, #tpu.memory_space<vmem>>, vector<16xf32>,
      %get3A_271 = vector.shape_cast %get3A_270 : vector<16xf32> to vector<16xf32>
      %slice3A_272 = vector.extract_strided_slice %get3A_271 {offsets = [0], sizes = [1], strides = [1]} : vector<16xf32> to vector<1xf32>
      %squeeze3A_273 = vector.extract %slice3A_272[0] : f32 from vector<1xf32>
      %slice3A_274 = vector.extract_strided_slice %get3A_271 {offsets = [1], sizes = [1], strides = [1]} : vector<16xf32> to vector<1xf32>
      %squeeze3A_275 = vector.extract %slice3A_274[0] : f32 from vector<1xf32>
      %sub3A_276 = arith.subf %min3A_139, %squeeze3A_275 : f32
      %sub3A_277 = arith.subf %squeeze3A_273, %max3A_185 : f32
      %gt3A = arith.constant 0.000000e+00 : f32
      %gt3A_278 = arith.cmpf ogt, %sub3A_276, %gt3A : f32
      %mul3A_279 = arith.mulf %sub3A_276, %sub3A_276 : f32
      %gt3A_280 = arith.cmpf ogt, %mul3A_279, %max3A_268 : f32
      %and3A_281 = arith.andi %gt3A_278, %gt3A_280 : i1
      %jit3A_282 = arith.constant 1 : i32
      %jit3A_283 = arith.constant 0 : i32
      %select_n3A_284 = arith.select %and3A_281, %jit3A_282, %jit3A_283 : i32
      %add3A_285 = arith.constant 0 : i32
      %add3A_286 = arith.addi %add3A_285, %select_n3A_284 : i32
      %gt3A_287 = arith.constant 0.000000e+00 : f32
      %gt3A_288 = arith.cmpf ogt, %sub3A_277, %gt3A_287 : f32
      %mul3A_289 = arith.mulf %sub3A_277, %sub3A_277 : f32
      %gt3A_290 = arith.cmpf ogt, %mul3A_289, %max3A_268 : f32
      %and3A_291 = arith.andi %gt3A_288, %gt3A_290 : i1
      %jit3A_292 = arith.constant 1 : i32
      %jit3A_293 = arith.constant 0 : i32
      %select_n3A_294 = arith.select %and3A_291, %jit3A_292, %jit3A_293 : i32
      %add3A_295 = arith.constant 0 : i32
      %add3A_296 = arith.addi %add3A_295, %select_n3A_294 : i32
      %get3A_297 = arith.constant 16400 : index
      %get3A_298 = tpu.vector_load %arg5[%get3A_297] {strides = array<i32>} : memref<16640xf32, #tpu.memory_space<vmem>>, vector<16xf32>,
      %get3A_299 = vector.shape_cast %get3A_298 : vector<16xf32> to vector<16xf32>
      %slice3A_300 = vector.extract_strided_slice %get3A_299 {offsets = [0], sizes = [1], strides = [1]} : vector<16xf32> to vector<1xf32>
      %squeeze3A_301 = vector.extract %slice3A_300[0] : f32 from vector<1xf32>
      %slice3A_302 = vector.extract_strided_slice %get3A_299 {offsets = [1], sizes = [1], strides = [1]} : vector<16xf32> to vector<1xf32>
      %squeeze3A_303 = vector.extract %slice3A_302[0] : f32 from vector<1xf32>
      %sub3A_304 = arith.subf %min3A_139, %squeeze3A_303 : f32
      %sub3A_305 = arith.subf %squeeze3A_301, %max3A_185 : f32
      %gt3A_306 = arith.constant 0.000000e+00 : f32
      %gt3A_307 = arith.cmpf ogt, %sub3A_304, %gt3A_306 : f32
      %mul3A_308 = arith.mulf %sub3A_304, %sub3A_304 : f32
      %gt3A_309 = arith.cmpf ogt, %mul3A_308, %max3A_268 : f32
      %and3A_310 = arith.andi %gt3A_307, %gt3A_309 : i1
      %jit3A_311 = arith.constant 1 : i32
      %jit3A_312 = arith.constant 0 : i32
      %select_n3A_313 = arith.select %and3A_310, %jit3A_311, %jit3A_312 : i32
      %add3A_314 = arith.addi %add3A_286, %select_n3A_313 : i32
      %gt3A_315 = arith.constant 0.000000e+00 : f32
      %gt3A_316 = arith.cmpf ogt, %sub3A_305, %gt3A_315 : f32
      %mul3A_317 = arith.mulf %sub3A_305, %sub3A_305 : f32
      %gt3A_318 = arith.cmpf ogt, %mul3A_317, %max3A_268 : f32
      %and3A_319 = arith.andi %gt3A_316, %gt3A_318 : i1
      %jit3A_320 = arith.constant 1 : i32
      %jit3A_321 = arith.constant 0 : i32
      %select_n3A_322 = arith.select %and3A_319, %jit3A_320, %jit3A_321 : i32
      %add3A_323 = arith.addi %add3A_296, %select_n3A_322 : i32
      %get3A_324 = arith.constant 16416 : index
      %get3A_325 = tpu.vector_load %arg5[%get3A_324] {strides = array<i32>} : memref<16640xf32, #tpu.memory_space<vmem>>, vector<16xf32>,
      %get3A_326 = vector.shape_cast %get3A_325 : vector<16xf32> to vector<16xf32>
      %slice3A_327 = vector.extract_strided_slice %get3A_326 {offsets = [0], sizes = [1], strides = [1]} : vector<16xf32> to vector<1xf32>
      %squeeze3A_328 = vector.extract %slice3A_327[0] : f32 from vector<1xf32>
      %slice3A_329 = vector.extract_strided_slice %get3A_326 {offsets = [1], sizes = [1], strides = [1]} : vector<16xf32> to vector<1xf32>
      %squeeze3A_330 = vector.extract %slice3A_329[0] : f32 from vector<1xf32>
      %sub3A_331 = arith.subf %min3A_139, %squeeze3A_330 : f32
      %sub3A_332 = arith.subf %squeeze3A_328, %max3A_185 : f32
      %gt3A_333 = arith.constant 0.000000e+00 : f32
      %gt3A_334 = arith.cmpf ogt, %sub3A_331, %gt3A_333 : f32
      %mul3A_335 = arith.mulf %sub3A_331, %sub3A_331 : f32
      %gt3A_336 = arith.cmpf ogt, %mul3A_335, %max3A_268 : f32
      %and3A_337 = arith.andi %gt3A_334, %gt3A_336 : i1
      %jit3A_338 = arith.constant 1 : i32
      %jit3A_339 = arith.constant 0 : i32
      %select_n3A_340 = arith.select %and3A_337, %jit3A_338, %jit3A_339 : i32
      %add3A_341 = arith.addi %add3A_314, %select_n3A_340 : i32
      %gt3A_342 = arith.constant 0.000000e+00 : f32
      %gt3A_343 = arith.cmpf ogt, %sub3A_332, %gt3A_342 : f32
      %mul3A_344 = arith.mulf %sub3A_332, %sub3A_332 : f32
      %gt3A_345 = arith.cmpf ogt, %mul3A_344, %max3A_268 : f32
      %and3A_346 = arith.andi %gt3A_343, %gt3A_345 : i1
      %jit3A_347 = arith.constant 1 : i32
      %jit3A_348 = arith.constant 0 : i32
      %select_n3A_349 = arith.select %and3A_346, %jit3A_347, %jit3A_348 : i32
      %add3A_350 = arith.addi %add3A_323, %select_n3A_349 : i32
      %get3A_351 = arith.constant 16432 : index
      %get3A_352 = tpu.vector_load %arg5[%get3A_351] {strides = array<i32>} : memref<16640xf32, #tpu.memory_space<vmem>>, vector<16xf32>,
      %get3A_353 = vector.shape_cast %get3A_352 : vector<16xf32> to vector<16xf32>
      %slice3A_354 = vector.extract_strided_slice %get3A_353 {offsets = [0], sizes = [1], strides = [1]} : vector<16xf32> to vector<1xf32>
      %squeeze3A_355 = vector.extract %slice3A_354[0] : f32 from vector<1xf32>
      %slice3A_356 = vector.extract_strided_slice %get3A_353 {offsets = [1], sizes = [1], strides = [1]} : vector<16xf32> to vector<1xf32>
      %squeeze3A_357 = vector.extract %slice3A_356[0] : f32 from vector<1xf32>
      %sub3A_358 = arith.subf %min3A_139, %squeeze3A_357 : f32
      %sub3A_359 = arith.subf %squeeze3A_355, %max3A_185 : f32
      %gt3A_360 = arith.constant 0.000000e+00 : f32
      %gt3A_361 = arith.cmpf ogt, %sub3A_358, %gt3A_360 : f32
      %mul3A_362 = arith.mulf %sub3A_358, %sub3A_358 : f32
      %gt3A_363 = arith.cmpf ogt, %mul3A_362, %max3A_268 : f32
      %and3A_364 = arith.andi %gt3A_361, %gt3A_363 : i1
      %jit3A_365 = arith.constant 1 : i32
      %jit3A_366 = arith.constant 0 : i32
      %select_n3A_367 = arith.select %and3A_364, %jit3A_365, %jit3A_366 : i32
      %add3A_368 = arith.addi %add3A_341, %select_n3A_367 : i32
      %gt3A_369 = arith.constant 0.000000e+00 : f32
      %gt3A_370 = arith.cmpf ogt, %sub3A_359, %gt3A_369 : f32
      %mul3A_371 = arith.mulf %sub3A_359, %sub3A_359 : f32
      %gt3A_372 = arith.cmpf ogt, %mul3A_371, %max3A_268 : f32
      %and3A_373 = arith.andi %gt3A_370, %gt3A_372 : i1
      %jit3A_374 = arith.constant 1 : i32
      %jit3A_375 = arith.constant 0 : i32
      %select_n3A_376 = arith.select %and3A_373, %jit3A_374, %jit3A_375 : i32
      %add3A_377 = arith.addi %add3A_350, %select_n3A_376 : i32
      %get3A_378 = arith.constant 16448 : index
      %get3A_379 = tpu.vector_load %arg5[%get3A_378] {strides = array<i32>} : memref<16640xf32, #tpu.memory_space<vmem>>, vector<16xf32>,
      %get3A_380 = vector.shape_cast %get3A_379 : vector<16xf32> to vector<16xf32>
      %slice3A_381 = vector.extract_strided_slice %get3A_380 {offsets = [0], sizes = [1], strides = [1]} : vector<16xf32> to vector<1xf32>
      %squeeze3A_382 = vector.extract %slice3A_381[0] : f32 from vector<1xf32>
      %slice3A_383 = vector.extract_strided_slice %get3A_380 {offsets = [1], sizes = [1], strides = [1]} : vector<16xf32> to vector<1xf32>
      %squeeze3A_384 = vector.extract %slice3A_383[0] : f32 from vector<1xf32>
      %sub3A_385 = arith.subf %min3A_139, %squeeze3A_384 : f32
      %sub3A_386 = arith.subf %squeeze3A_382, %max3A_185 : f32
      %gt3A_387 = arith.constant 0.000000e+00 : f32
      %gt3A_388 = arith.cmpf ogt, %sub3A_385, %gt3A_387 : f32
      %mul3A_389 = arith.mulf %sub3A_385, %sub3A_385 : f32
      %gt3A_390 = arith.cmpf ogt, %mul3A_389, %max3A_268 : f32
      %and3A_391 = arith.andi %gt3A_388, %gt3A_390 : i1
      %jit3A_392 = arith.constant 1 : i32
      %jit3A_393 = arith.constant 0 : i32
      %select_n3A_394 = arith.select %and3A_391, %jit3A_392, %jit3A_393 : i32
      %add3A_395 = arith.addi %add3A_368, %select_n3A_394 : i32
      %gt3A_396 = arith.constant 0.000000e+00 : f32
      %gt3A_397 = arith.cmpf ogt, %sub3A_386, %gt3A_396 : f32
      %mul3A_398 = arith.mulf %sub3A_386, %sub3A_386 : f32
      %gt3A_399 = arith.cmpf ogt, %mul3A_398, %max3A_268 : f32
      %and3A_400 = arith.andi %gt3A_397, %gt3A_399 : i1
      %jit3A_401 = arith.constant 1 : i32
      %jit3A_402 = arith.constant 0 : i32
      %select_n3A_403 = arith.select %and3A_400, %jit3A_401, %jit3A_402 : i32
      %add3A_404 = arith.addi %add3A_377, %select_n3A_403 : i32
      %get3A_405 = arith.constant 16464 : index
      %get3A_406 = tpu.vector_load %arg5[%get3A_405] {strides = array<i32>} : memref<16640xf32, #tpu.memory_space<vmem>>, vector<16xf32>,
      %get3A_407 = vector.shape_cast %get3A_406 : vector<16xf32> to vector<16xf32>
      %slice3A_408 = vector.extract_strided_slice %get3A_407 {offsets = [0], sizes = [1], strides = [1]} : vector<16xf32> to vector<1xf32>
      %squeeze3A_409 = vector.extract %slice3A_408[0] : f32 from vector<1xf32>
      %slice3A_410 = vector.extract_strided_slice %get3A_407 {offsets = [1], sizes = [1], strides = [1]} : vector<16xf32> to vector<1xf32>
      %squeeze3A_411 = vector.extract %slice3A_410[0] : f32 from vector<1xf32>
      %sub3A_412 = arith.subf %min3A_139, %squeeze3A_411 : f32
      %sub3A_413 = arith.subf %squeeze3A_409, %max3A_185 : f32
      %gt3A_414 = arith.constant 0.000000e+00 : f32
      %gt3A_415 = arith.cmpf ogt, %sub3A_412, %gt3A_414 : f32
      %mul3A_416 = arith.mulf %sub3A_412, %sub3A_412 : f32
      %gt3A_417 = arith.cmpf ogt, %mul3A_416, %max3A_268 : f32
      %and3A_418 = arith.andi %gt3A_415, %gt3A_417 : i1
      %jit3A_419 = arith.constant 1 : i32
      %jit3A_420 = arith.constant 0 : i32
      %select_n3A_421 = arith.select %and3A_418, %jit3A_419, %jit3A_420 : i32
      %add3A_422 = arith.addi %add3A_395, %select_n3A_421 : i32
      %gt3A_423 = arith.constant 0.000000e+00 : f32
      %gt3A_424 = arith.cmpf ogt, %sub3A_413, %gt3A_423 : f32
      %mul3A_425 = arith.mulf %sub3A_413, %sub3A_413 : f32
      %gt3A_426 = arith.cmpf ogt, %mul3A_425, %max3A_268 : f32
      %and3A_427 = arith.andi %gt3A_424, %gt3A_426 : i1
      %jit3A_428 = arith.constant 1 : i32
      %jit3A_429 = arith.constant 0 : i32
      %select_n3A_430 = arith.select %and3A_427, %jit3A_428, %jit3A_429 : i32
      %add3A_431 = arith.addi %add3A_404, %select_n3A_430 : i32
      %get3A_432 = arith.constant 16480 : index
      %get3A_433 = tpu.vector_load %arg5[%get3A_432] {strides = array<i32>} : memref<16640xf32, #tpu.memory_space<vmem>>, vector<16xf32>,
      %get3A_434 = vector.shape_cast %get3A_433 : vector<16xf32> to vector<16xf32>
      %slice3A_435 = vector.extract_strided_slice %get3A_434 {offsets = [0], sizes = [1], strides = [1]} : vector<16xf32> to vector<1xf32>
      %squeeze3A_436 = vector.extract %slice3A_435[0] : f32 from vector<1xf32>
      %slice3A_437 = vector.extract_strided_slice %get3A_434 {offsets = [1], sizes = [1], strides = [1]} : vector<16xf32> to vector<1xf32>
      %squeeze3A_438 = vector.extract %slice3A_437[0] : f32 from vector<1xf32>
      %sub3A_439 = arith.subf %min3A_139, %squeeze3A_438 : f32
      %sub3A_440 = arith.subf %squeeze3A_436, %max3A_185 : f32
      %gt3A_441 = arith.constant 0.000000e+00 : f32
      %gt3A_442 = arith.cmpf ogt, %sub3A_439, %gt3A_441 : f32
      %mul3A_443 = arith.mulf %sub3A_439, %sub3A_439 : f32
      %gt3A_444 = arith.cmpf ogt, %mul3A_443, %max3A_268 : f32
      %and3A_445 = arith.andi %gt3A_442, %gt3A_444 : i1
      %jit3A_446 = arith.constant 1 : i32
      %jit3A_447 = arith.constant 0 : i32
      %select_n3A_448 = arith.select %and3A_445, %jit3A_446, %jit3A_447 : i32
      %add3A_449 = arith.addi %add3A_422, %select_n3A_448 : i32
      %gt3A_450 = arith.constant 0.000000e+00 : f32
      %gt3A_451 = arith.cmpf ogt, %sub3A_440, %gt3A_450 : f32
      %mul3A_452 = arith.mulf %sub3A_440, %sub3A_440 : f32
      %gt3A_453 = arith.cmpf ogt, %mul3A_452, %max3A_268 : f32
      %and3A_454 = arith.andi %gt3A_451, %gt3A_453 : i1
      %jit3A_455 = arith.constant 1 : i32
      %jit3A_456 = arith.constant 0 : i32
      %select_n3A_457 = arith.select %and3A_454, %jit3A_455, %jit3A_456 : i32
      %add3A_458 = arith.addi %add3A_431, %select_n3A_457 : i32
      %get3A_459 = arith.constant 16496 : index
      %get3A_460 = tpu.vector_load %arg5[%get3A_459] {strides = array<i32>} : memref<16640xf32, #tpu.memory_space<vmem>>, vector<16xf32>,
      %get3A_461 = vector.shape_cast %get3A_460 : vector<16xf32> to vector<16xf32>
      %slice3A_462 = vector.extract_strided_slice %get3A_461 {offsets = [0], sizes = [1], strides = [1]} : vector<16xf32> to vector<1xf32>
      %squeeze3A_463 = vector.extract %slice3A_462[0] : f32 from vector<1xf32>
      %slice3A_464 = vector.extract_strided_slice %get3A_461 {offsets = [1], sizes = [1], strides = [1]} : vector<16xf32> to vector<1xf32>
      %squeeze3A_465 = vector.extract %slice3A_464[0] : f32 from vector<1xf32>
      %sub3A_466 = arith.subf %min3A_139, %squeeze3A_465 : f32
      %sub3A_467 = arith.subf %squeeze3A_463, %max3A_185 : f32
      %gt3A_468 = arith.constant 0.000000e+00 : f32
      %gt3A_469 = arith.cmpf ogt, %sub3A_466, %gt3A_468 : f32
      %mul3A_470 = arith.mulf %sub3A_466, %sub3A_466 : f32
      %gt3A_471 = arith.cmpf ogt, %mul3A_470, %max3A_268 : f32
      %and3A_472 = arith.andi %gt3A_469, %gt3A_471 : i1
      %jit3A_473 = arith.constant 1 : i32
      %jit3A_474 = arith.constant 0 : i32
      %select_n3A_475 = arith.select %and3A_472, %jit3A_473, %jit3A_474 : i32
      %add3A_476 = arith.addi %add3A_449, %select_n3A_475 : i32
      %gt3A_477 = arith.constant 0.000000e+00 : f32
      %gt3A_478 = arith.cmpf ogt, %sub3A_467, %gt3A_477 : f32
      %mul3A_479 = arith.mulf %sub3A_467, %sub3A_467 : f32
      %gt3A_480 = arith.cmpf ogt, %mul3A_479, %max3A_268 : f32
      %and3A_481 = arith.andi %gt3A_478, %gt3A_480 : i1
      %jit3A_482 = arith.constant 1 : i32
      %jit3A_483 = arith.constant 0 : i32
      %select_n3A_484 = arith.select %and3A_481, %jit3A_482, %jit3A_483 : i32
      %add3A_485 = arith.addi %add3A_458, %select_n3A_484 : i32
      %get3A_486 = arith.constant 16512 : index
      %get3A_487 = tpu.vector_load %arg5[%get3A_486] {strides = array<i32>} : memref<16640xf32, #tpu.memory_space<vmem>>, vector<16xf32>,
      %get3A_488 = vector.shape_cast %get3A_487 : vector<16xf32> to vector<16xf32>
      %slice3A_489 = vector.extract_strided_slice %get3A_488 {offsets = [0], sizes = [1], strides = [1]} : vector<16xf32> to vector<1xf32>
      %squeeze3A_490 = vector.extract %slice3A_489[0] : f32 from vector<1xf32>
      %slice3A_491 = vector.extract_strided_slice %get3A_488 {offsets = [1], sizes = [1], strides = [1]} : vector<16xf32> to vector<1xf32>
      %squeeze3A_492 = vector.extract %slice3A_491[0] : f32 from vector<1xf32>
      %sub3A_493 = arith.subf %min3A_139, %squeeze3A_492 : f32
      %sub3A_494 = arith.subf %squeeze3A_490, %max3A_185 : f32
      %gt3A_495 = arith.constant 0.000000e+00 : f32
      %gt3A_496 = arith.cmpf ogt, %sub3A_493, %gt3A_495 : f32
      %mul3A_497 = arith.mulf %sub3A_493, %sub3A_493 : f32
      %gt3A_498 = arith.cmpf ogt, %mul3A_497, %max3A_268 : f32
      %and3A_499 = arith.andi %gt3A_496, %gt3A_498 : i1
      %jit3A_500 = arith.constant 1 : i32
      %jit3A_501 = arith.constant 0 : i32
      %select_n3A_502 = arith.select %and3A_499, %jit3A_500, %jit3A_501 : i32
      %add3A_503 = arith.addi %add3A_476, %select_n3A_502 : i32
      %gt3A_504 = arith.constant 0.000000e+00 : f32
      %gt3A_505 = arith.cmpf ogt, %sub3A_494, %gt3A_504 : f32
      %mul3A_506 = arith.mulf %sub3A_494, %sub3A_494 : f32
      %gt3A_507 = arith.cmpf ogt, %mul3A_506, %max3A_268 : f32
      %and3A_508 = arith.andi %gt3A_505, %gt3A_507 : i1
      %jit3A_509 = arith.constant 1 : i32
      %jit3A_510 = arith.constant 0 : i32
      %select_n3A_511 = arith.select %and3A_508, %jit3A_509, %jit3A_510 : i32
      %add3A_512 = arith.addi %add3A_485, %select_n3A_511 : i32
      %get3A_513 = arith.constant 16528 : index
      %get3A_514 = tpu.vector_load %arg5[%get3A_513] {strides = array<i32>} : memref<16640xf32, #tpu.memory_space<vmem>>, vector<16xf32>,
      %get3A_515 = vector.shape_cast %get3A_514 : vector<16xf32> to vector<16xf32>
      %slice3A_516 = vector.extract_strided_slice %get3A_515 {offsets = [0], sizes = [1], strides = [1]} : vector<16xf32> to vector<1xf32>
      %squeeze3A_517 = vector.extract %slice3A_516[0] : f32 from vector<1xf32>
      %slice3A_518 = vector.extract_strided_slice %get3A_515 {offsets = [1], sizes = [1], strides = [1]} : vector<16xf32> to vector<1xf32>
      %squeeze3A_519 = vector.extract %slice3A_518[0] : f32 from vector<1xf32>
      %sub3A_520 = arith.subf %min3A_139, %squeeze3A_519 : f32
      %sub3A_521 = arith.subf %squeeze3A_517, %max3A_185 : f32
      %gt3A_522 = arith.constant 0.000000e+00 : f32
      %gt3A_523 = arith.cmpf ogt, %sub3A_520, %gt3A_522 : f32
      %mul3A_524 = arith.mulf %sub3A_520, %sub3A_520 : f32
      %gt3A_525 = arith.cmpf ogt, %mul3A_524, %max3A_268 : f32
      %and3A_526 = arith.andi %gt3A_523, %gt3A_525 : i1
      %jit3A_527 = arith.constant 1 : i32
      %jit3A_528 = arith.constant 0 : i32
      %select_n3A_529 = arith.select %and3A_526, %jit3A_527, %jit3A_528 : i32
      %add3A_530 = arith.addi %add3A_503, %select_n3A_529 : i32
      %gt3A_531 = arith.constant 0.000000e+00 : f32
      %gt3A_532 = arith.cmpf ogt, %sub3A_521, %gt3A_531 : f32
      %mul3A_533 = arith.mulf %sub3A_521, %sub3A_521 : f32
      %gt3A_534 = arith.cmpf ogt, %mul3A_533, %max3A_268 : f32
      %and3A_535 = arith.andi %gt3A_532, %gt3A_534 : i1
      %jit3A_536 = arith.constant 1 : i32
      %jit3A_537 = arith.constant 0 : i32
      %select_n3A_538 = arith.select %and3A_535, %jit3A_536, %jit3A_537 : i32
      %add3A_539 = arith.addi %add3A_512, %select_n3A_538 : i32
      %get3A_540 = arith.constant 16544 : index
      %get3A_541 = tpu.vector_load %arg5[%get3A_540] {strides = array<i32>} : memref<16640xf32, #tpu.memory_space<vmem>>, vector<16xf32>,
      %get3A_542 = vector.shape_cast %get3A_541 : vector<16xf32> to vector<16xf32>
      %slice3A_543 = vector.extract_strided_slice %get3A_542 {offsets = [0], sizes = [1], strides = [1]} : vector<16xf32> to vector<1xf32>
      %squeeze3A_544 = vector.extract %slice3A_543[0] : f32 from vector<1xf32>
      %slice3A_545 = vector.extract_strided_slice %get3A_542 {offsets = [1], sizes = [1], strides = [1]} : vector<16xf32> to vector<1xf32>
      %squeeze3A_546 = vector.extract %slice3A_545[0] : f32 from vector<1xf32>
      %sub3A_547 = arith.subf %min3A_139, %squeeze3A_546 : f32
      %sub3A_548 = arith.subf %squeeze3A_544, %max3A_185 : f32
      %gt3A_549 = arith.constant 0.000000e+00 : f32
      %gt3A_550 = arith.cmpf ogt, %sub3A_547, %gt3A_549 : f32
      %mul3A_551 = arith.mulf %sub3A_547, %sub3A_547 : f32
      %gt3A_552 = arith.cmpf ogt, %mul3A_551, %max3A_268 : f32
      %and3A_553 = arith.andi %gt3A_550, %gt3A_552 : i1
      %jit3A_554 = arith.constant 1 : i32
      %jit3A_555 = arith.constant 0 : i32
      %select_n3A_556 = arith.select %and3A_553, %jit3A_554, %jit3A_555 : i32
      %add3A_557 = arith.addi %add3A_530, %select_n3A_556 : i32
      %gt3A_558 = arith.constant 0.000000e+00 : f32
      %gt3A_559 = arith.cmpf ogt, %sub3A_548, %gt3A_558 : f32
      %mul3A_560 = arith.mulf %sub3A_548, %sub3A_548 : f32
      %gt3A_561 = arith.cmpf ogt, %mul3A_560, %max3A_268 : f32
      %and3A_562 = arith.andi %gt3A_559, %gt3A_561 : i1
      %jit3A_563 = arith.constant 1 : i32
      %jit3A_564 = arith.constant 0 : i32
      %select_n3A_565 = arith.select %and3A_562, %jit3A_563, %jit3A_564 : i32
      %add3A_566 = arith.addi %add3A_539, %select_n3A_565 : i32
      %get3A_567 = arith.constant 16560 : index
      %get3A_568 = tpu.vector_load %arg5[%get3A_567] {strides = array<i32>} : memref<16640xf32, #tpu.memory_space<vmem>>, vector<16xf32>,
      %get3A_569 = vector.shape_cast %get3A_568 : vector<16xf32> to vector<16xf32>
      %slice3A_570 = vector.extract_strided_slice %get3A_569 {offsets = [0], sizes = [1], strides = [1]} : vector<16xf32> to vector<1xf32>
      %squeeze3A_571 = vector.extract %slice3A_570[0] : f32 from vector<1xf32>
      %slice3A_572 = vector.extract_strided_slice %get3A_569 {offsets = [1], sizes = [1], strides = [1]} : vector<16xf32> to vector<1xf32>
      %squeeze3A_573 = vector.extract %slice3A_572[0] : f32 from vector<1xf32>
      %sub3A_574 = arith.subf %min3A_139, %squeeze3A_573 : f32
      %sub3A_575 = arith.subf %squeeze3A_571, %max3A_185 : f32
      %gt3A_576 = arith.constant 0.000000e+00 : f32
      %gt3A_577 = arith.cmpf ogt, %sub3A_574, %gt3A_576 : f32
      %mul3A_578 = arith.mulf %sub3A_574, %sub3A_574 : f32
      %gt3A_579 = arith.cmpf ogt, %mul3A_578, %max3A_268 : f32
      %and3A_580 = arith.andi %gt3A_577, %gt3A_579 : i1
      %jit3A_581 = arith.constant 1 : i32
      %jit3A_582 = arith.constant 0 : i32
      %select_n3A_583 = arith.select %and3A_580, %jit3A_581, %jit3A_582 : i32
      %add3A_584 = arith.addi %add3A_557, %select_n3A_583 : i32
      %gt3A_585 = arith.constant 0.000000e+00 : f32
      %gt3A_586 = arith.cmpf ogt, %sub3A_575, %gt3A_585 : f32
      %mul3A_587 = arith.mulf %sub3A_575, %sub3A_575 : f32
      %gt3A_588 = arith.cmpf ogt, %mul3A_587, %max3A_268 : f32
      %and3A_589 = arith.andi %gt3A_586, %gt3A_588 : i1
      %jit3A_590 = arith.constant 1 : i32
      %jit3A_591 = arith.constant 0 : i32
      %select_n3A_592 = arith.select %and3A_589, %jit3A_590, %jit3A_591 : i32
      %add3A_593 = arith.addi %add3A_566, %select_n3A_592 : i32
      %get3A_594 = arith.constant 16576 : index
      %get3A_595 = tpu.vector_load %arg5[%get3A_594] {strides = array<i32>} : memref<16640xf32, #tpu.memory_space<vmem>>, vector<16xf32>,
      %get3A_596 = vector.shape_cast %get3A_595 : vector<16xf32> to vector<16xf32>
      %slice3A_597 = vector.extract_strided_slice %get3A_596 {offsets = [0], sizes = [1], strides = [1]} : vector<16xf32> to vector<1xf32>
      %squeeze3A_598 = vector.extract %slice3A_597[0] : f32 from vector<1xf32>
      %slice3A_599 = vector.extract_strided_slice %get3A_596 {offsets = [1], sizes = [1], strides = [1]} : vector<16xf32> to vector<1xf32>
      %squeeze3A_600 = vector.extract %slice3A_599[0] : f32 from vector<1xf32>
      %sub3A_601 = arith.subf %min3A_139, %squeeze3A_600 : f32
      %sub3A_602 = arith.subf %squeeze3A_598, %max3A_185 : f32
      %gt3A_603 = arith.constant 0.000000e+00 : f32
      %gt3A_604 = arith.cmpf ogt, %sub3A_601, %gt3A_603 : f32
      %mul3A_605 = arith.mulf %sub3A_601, %sub3A_601 : f32
      %gt3A_606 = arith.cmpf ogt, %mul3A_605, %max3A_268 : f32
      %and3A_607 = arith.andi %gt3A_604, %gt3A_606 : i1
      %jit3A_608 = arith.constant 1 : i32
      %jit3A_609 = arith.constant 0 : i32
      %select_n3A_610 = arith.select %and3A_607, %jit3A_608, %jit3A_609 : i32
      %add3A_611 = arith.addi %add3A_584, %select_n3A_610 : i32
      %gt3A_612 = arith.constant 0.000000e+00 : f32
      %gt3A_613 = arith.cmpf ogt, %sub3A_602, %gt3A_612 : f32
      %mul3A_614 = arith.mulf %sub3A_602, %sub3A_602 : f32
      %gt3A_615 = arith.cmpf ogt, %mul3A_614, %max3A_268 : f32
      %and3A_616 = arith.andi %gt3A_613, %gt3A_615 : i1
      %jit3A_617 = arith.constant 1 : i32
      %jit3A_618 = arith.constant 0 : i32
      %select_n3A_619 = arith.select %and3A_616, %jit3A_617, %jit3A_618 : i32
      %add3A_620 = arith.addi %add3A_593, %select_n3A_619 : i32
      %get3A_621 = arith.constant 16592 : index
      %get3A_622 = tpu.vector_load %arg5[%get3A_621] {strides = array<i32>} : memref<16640xf32, #tpu.memory_space<vmem>>, vector<16xf32>,
      %get3A_623 = vector.shape_cast %get3A_622 : vector<16xf32> to vector<16xf32>
      %slice3A_624 = vector.extract_strided_slice %get3A_623 {offsets = [0], sizes = [1], strides = [1]} : vector<16xf32> to vector<1xf32>
      %squeeze3A_625 = vector.extract %slice3A_624[0] : f32 from vector<1xf32>
      %slice3A_626 = vector.extract_strided_slice %get3A_623 {offsets = [1], sizes = [1], strides = [1]} : vector<16xf32> to vector<1xf32>
      %squeeze3A_627 = vector.extract %slice3A_626[0] : f32 from vector<1xf32>
      %sub3A_628 = arith.subf %min3A_139, %squeeze3A_627 : f32
      %sub3A_629 = arith.subf %squeeze3A_625, %max3A_185 : f32
      %gt3A_630 = arith.constant 0.000000e+00 : f32
      %gt3A_631 = arith.cmpf ogt, %sub3A_628, %gt3A_630 : f32
      %mul3A_632 = arith.mulf %sub3A_628, %sub3A_628 : f32
      %gt3A_633 = arith.cmpf ogt, %mul3A_632, %max3A_268 : f32
      %and3A_634 = arith.andi %gt3A_631, %gt3A_633 : i1
      %jit3A_635 = arith.constant 1 : i32
      %jit3A_636 = arith.constant 0 : i32
      %select_n3A_637 = arith.select %and3A_634, %jit3A_635, %jit3A_636 : i32
      %add3A_638 = arith.addi %add3A_611, %select_n3A_637 : i32
      %gt3A_639 = arith.constant 0.000000e+00 : f32
      %gt3A_640 = arith.cmpf ogt, %sub3A_629, %gt3A_639 : f32
      %mul3A_641 = arith.mulf %sub3A_629, %sub3A_629 : f32
      %gt3A_642 = arith.cmpf ogt, %mul3A_641, %max3A_268 : f32
      %and3A_643 = arith.andi %gt3A_640, %gt3A_642 : i1
      %jit3A_644 = arith.constant 1 : i32
      %jit3A_645 = arith.constant 0 : i32
      %select_n3A_646 = arith.select %and3A_643, %jit3A_644, %jit3A_645 : i32
      %add3A_647 = arith.addi %add3A_620, %select_n3A_646 : i32
      %get3A_648 = arith.constant 16608 : index
      %get3A_649 = tpu.vector_load %arg5[%get3A_648] {strides = array<i32>} : memref<16640xf32, #tpu.memory_space<vmem>>, vector<16xf32>,
      %get3A_650 = vector.shape_cast %get3A_649 : vector<16xf32> to vector<16xf32>
      %slice3A_651 = vector.extract_strided_slice %get3A_650 {offsets = [0], sizes = [1], strides = [1]} : vector<16xf32> to vector<1xf32>
      %squeeze3A_652 = vector.extract %slice3A_651[0] : f32 from vector<1xf32>
      %slice3A_653 = vector.extract_strided_slice %get3A_650 {offsets = [1], sizes = [1], strides = [1]} : vector<16xf32> to vector<1xf32>
      %squeeze3A_654 = vector.extract %slice3A_653[0] : f32 from vector<1xf32>
      %sub3A_655 = arith.subf %min3A_139, %squeeze3A_654 : f32
      %sub3A_656 = arith.subf %squeeze3A_652, %max3A_185 : f32
      %gt3A_657 = arith.constant 0.000000e+00 : f32
      %gt3A_658 = arith.cmpf ogt, %sub3A_655, %gt3A_657 : f32
      %mul3A_659 = arith.mulf %sub3A_655, %sub3A_655 : f32
      %gt3A_660 = arith.cmpf ogt, %mul3A_659, %max3A_268 : f32
      %and3A_661 = arith.andi %gt3A_658, %gt3A_660 : i1
      %jit3A_662 = arith.constant 1 : i32
      %jit3A_663 = arith.constant 0 : i32
      %select_n3A_664 = arith.select %and3A_661, %jit3A_662, %jit3A_663 : i32
      %add3A_665 = arith.addi %add3A_638, %select_n3A_664 : i32
      %gt3A_666 = arith.constant 0.000000e+00 : f32
      %gt3A_667 = arith.cmpf ogt, %sub3A_656, %gt3A_666 : f32
      %mul3A_668 = arith.mulf %sub3A_656, %sub3A_656 : f32
      %gt3A_669 = arith.cmpf ogt, %mul3A_668, %max3A_268 : f32
      %and3A_670 = arith.andi %gt3A_667, %gt3A_669 : i1
      %jit3A_671 = arith.constant 1 : i32
      %jit3A_672 = arith.constant 0 : i32
      %select_n3A_673 = arith.select %and3A_670, %jit3A_671, %jit3A_672 : i32
      %add3A_674 = arith.addi %add3A_647, %select_n3A_673 : i32
      %get3A_675 = arith.constant 16624 : index
      %get3A_676 = tpu.vector_load %arg5[%get3A_675] {strides = array<i32>} : memref<16640xf32, #tpu.memory_space<vmem>>, vector<16xf32>,
      %get3A_677 = vector.shape_cast %get3A_676 : vector<16xf32> to vector<16xf32>
      %slice3A_678 = vector.extract_strided_slice %get3A_677 {offsets = [0], sizes = [1], strides = [1]} : vector<16xf32> to vector<1xf32>
      %squeeze3A_679 = vector.extract %slice3A_678[0] : f32 from vector<1xf32>
      %slice3A_680 = vector.extract_strided_slice %get3A_677 {offsets = [1], sizes = [1], strides = [1]} : vector<16xf32> to vector<1xf32>
      %squeeze3A_681 = vector.extract %slice3A_680[0] : f32 from vector<1xf32>
      %sub3A_682 = arith.subf %min3A_139, %squeeze3A_681 : f32
      %sub3A_683 = arith.subf %squeeze3A_679, %max3A_185 : f32
      %gt3A_684 = arith.constant 0.000000e+00 : f32
      %gt3A_685 = arith.cmpf ogt, %sub3A_682, %gt3A_684 : f32
      %mul3A_686 = arith.mulf %sub3A_682, %sub3A_682 : f32
      %gt3A_687 = arith.cmpf ogt, %mul3A_686, %max3A_268 : f32
      %and3A_688 = arith.andi %gt3A_685, %gt3A_687 : i1
      %jit3A_689 = arith.constant 1 : i32
      %jit3A_690 = arith.constant 0 : i32
      %select_n3A_691 = arith.select %and3A_688, %jit3A_689, %jit3A_690 : i32
      %add3A_692 = arith.addi %add3A_665, %select_n3A_691 : i32
      %gt3A_693 = arith.constant 0.000000e+00 : f32
      %gt3A_694 = arith.cmpf ogt, %sub3A_683, %gt3A_693 : f32
      %mul3A_695 = arith.mulf %sub3A_683, %sub3A_683 : f32
      %gt3A_696 = arith.cmpf ogt, %mul3A_695, %max3A_268 : f32
      %and3A_697 = arith.andi %gt3A_694, %gt3A_696 : i1
      %jit3A_698 = arith.constant 1 : i32
      %jit3A_699 = arith.constant 0 : i32
      %select_n3A_700 = arith.select %and3A_697, %jit3A_698, %jit3A_699 : i32
      %add3A_701 = arith.addi %add3A_674, %select_n3A_700 : i32
      %mul3A_702 = arith.constant 16 : i32
      %mul3A_703 = arith.muli %add3A_692, %mul3A_702 : i32
      %parallel_loop3A_704 = arith.constant 1 : i32
      %parallel_loop3A_705 = scf.for %parallel_loop3A_716 = %mul3A_703 to %mul3A_215 step %parallel_loop3A_704 iter_args(%parallel_loop3A_717 = %parallel_loop3A_220) -> (vector<16xf32>)  : i32 {
        %parallel_loop3A_718 = arith.constant 16 : i32
        %parallel_loop3A_719 = arith.muli %parallel_loop3A_716, %parallel_loop3A_718 : i32
        %parallel_loop3A_720 = arith.index_cast %parallel_loop3A_719 : i32 to index
        %parallel_loop3A_721 = tpu.vector_load %arg5[%parallel_loop3A_720] {strides = array<i32>} : memref<16640xf32, #tpu.memory_space<vmem>>, vector<16xf32>,
        %parallel_loop3A_722 = vector.shape_cast %parallel_loop3A_721 : vector<16xf32> to vector<16xf32>
        %parallel_loop3A_723 = arith.constant 4096 : i32
        %parallel_loop3A_724 = arith.addi %parallel_loop3A_723, %parallel_loop3A_719 : i32
        %parallel_loop3A_725 = arith.index_cast %parallel_loop3A_724 : i32 to index
        %parallel_loop3A_726 = tpu.vector_load %arg5[%parallel_loop3A_725] {strides = array<i32>} : memref<16640xf32, #tpu.memory_space<vmem>>, vector<16xf32>,
        %parallel_loop3A_727 = vector.shape_cast %parallel_loop3A_726 : vector<16xf32> to vector<16xf32>
        %parallel_loop3A_728 = arith.constant 8192 : i32
        %parallel_loop3A_729 = arith.addi %parallel_loop3A_728, %parallel_loop3A_719 : i32
        %parallel_loop3A_730 = arith.index_cast %parallel_loop3A_729 : i32 to index
        %parallel_loop3A_731 = tpu.vector_load %arg5[%parallel_loop3A_730] {strides = array<i32>} : memref<16640xf32, #tpu.memory_space<vmem>>, vector<16xf32>,
        %parallel_loop3A_732 = vector.shape_cast %parallel_loop3A_731 : vector<16xf32> to vector<16xf32>
        %parallel_loop3A_733 = arith.constant 12288 : i32
        %parallel_loop3A_734 = arith.addi %parallel_loop3A_733, %parallel_loop3A_719 : i32
        %parallel_loop3A_735 = arith.index_cast %parallel_loop3A_734 : i32 to index
        %parallel_loop3A_736 = tpu.vector_load %arg5[%parallel_loop3A_735] {strides = array<i32>} : memref<16640xf32, #tpu.memory_space<vmem>>, vector<16xf32>,
        %parallel_loop3A_737 = vector.shape_cast %parallel_loop3A_736 : vector<16xf32> to vector<16xf32>
        %parallel_loop3A_738 = vector.extract_strided_slice %parallel_loop3A_737 {offsets = [0], sizes = [1], strides = [1]} : vector<16xf32> to vector<1xf32>
        %parallel_loop3A_739 = vector.extract %parallel_loop3A_738[0] : f32 from vector<1xf32>
        %parallel_loop3A_740 = vector.extract_strided_slice %parallel_loop3A_722 {offsets = [0], sizes = [1], strides = [1]} : vector<16xf32> to vector<1xf32>
        %parallel_loop3A_741 = vector.extract %parallel_loop3A_740[0] : f32 from vector<1xf32>
        %parallel_loop3A_742 = vector.broadcast %parallel_loop3A_741 : f32 to vector<16xf32>
        %parallel_loop3A_743 = arith.mulf %mul3A_89, %parallel_loop3A_742 : vector<16xf32>
        %parallel_loop3A_744 = vector.broadcast %parallel_loop3A_739 : f32 to vector<16xf32>
        %parallel_loop3A_745 = arith.addf %parallel_loop3A_744, %parallel_loop3A_743 : vector<16xf32>
        %parallel_loop3A_746 = vector.extract_strided_slice %parallel_loop3A_727 {offsets = [0], sizes = [1], strides = [1]} : vector<16xf32> to vector<1xf32>
        %parallel_loop3A_747 = vector.extract %parallel_loop3A_746[0] : f32 from vector<1xf32>
        %parallel_loop3A_748 = vector.broadcast %parallel_loop3A_747 : f32 to vector<16xf32>
        %parallel_loop3A_749 = arith.mulf %mul3A_92, %parallel_loop3A_748 : vector<16xf32>
        %parallel_loop3A_750 = arith.addf %parallel_loop3A_745, %parallel_loop3A_749 : vector<16xf32>
        %parallel_loop3A_751 = vector.extract_strided_slice %parallel_loop3A_732 {offsets = [0], sizes = [1], strides = [1]} : vector<16xf32> to vector<1xf32>
        %parallel_loop3A_752 = vector.extract %parallel_loop3A_751[0] : f32 from vector<1xf32>
        %parallel_loop3A_753 = vector.broadcast %parallel_loop3A_752 : f32 to vector<16xf32>
        %parallel_loop3A_754 = arith.mulf %mul3A_95, %parallel_loop3A_753 : vector<16xf32>
        %parallel_loop3A_755 = arith.addf %parallel_loop3A_750, %parallel_loop3A_754 : vector<16xf32>
        %parallel_loop3A_756 = vector.extract_strided_slice %parallel_loop3A_737 {offsets = [1], sizes = [1], strides = [1]} : vector<16xf32> to vector<1xf32>
        %parallel_loop3A_757 = vector.extract %parallel_loop3A_756[0] : f32 from vector<1xf32>
        %parallel_loop3A_758 = vector.extract_strided_slice %parallel_loop3A_722 {offsets = [1], sizes = [1], strides = [1]} : vector<16xf32> to vector<1xf32>
        %parallel_loop3A_759 = vector.extract %parallel_loop3A_758[0] : f32 from vector<1xf32>
        %parallel_loop3A_760 = vector.broadcast %parallel_loop3A_759 : f32 to vector<16xf32>
        %parallel_loop3A_761 = arith.mulf %mul3A_89, %parallel_loop3A_760 : vector<16xf32>
        %parallel_loop3A_762 = vector.broadcast %parallel_loop3A_757 : f32 to vector<16xf32>
        %parallel_loop3A_763 = arith.addf %parallel_loop3A_762, %parallel_loop3A_761 : vector<16xf32>
        %parallel_loop3A_764 = vector.extract_strided_slice %parallel_loop3A_727 {offsets = [1], sizes = [1], strides = [1]} : vector<16xf32> to vector<1xf32>
        %parallel_loop3A_765 = vector.extract %parallel_loop3A_764[0] : f32 from vector<1xf32>
        %parallel_loop3A_766 = vector.broadcast %parallel_loop3A_765 : f32 to vector<16xf32>
        %parallel_loop3A_767 = arith.mulf %mul3A_92, %parallel_loop3A_766 : vector<16xf32>
        %parallel_loop3A_768 = arith.addf %parallel_loop3A_763, %parallel_loop3A_767 : vector<16xf32>
        %parallel_loop3A_769 = vector.extract_strided_slice %parallel_loop3A_732 {offsets = [1], sizes = [1], strides = [1]} : vector<16xf32> to vector<1xf32>
        %parallel_loop3A_770 = vector.extract %parallel_loop3A_769[0] : f32 from vector<1xf32>
        %parallel_loop3A_771 = vector.broadcast %parallel_loop3A_770 : f32 to vector<16xf32>
        %parallel_loop3A_772 = arith.mulf %mul3A_95, %parallel_loop3A_771 : vector<16xf32>
        %parallel_loop3A_773 = arith.addf %parallel_loop3A_768, %parallel_loop3A_772 : vector<16xf32>
        %parallel_loop3A_774 = vector.extract_strided_slice %parallel_loop3A_737 {offsets = [2], sizes = [1], strides = [1]} : vector<16xf32> to vector<1xf32>
        %parallel_loop3A_775 = vector.extract %parallel_loop3A_774[0] : f32 from vector<1xf32>
        %parallel_loop3A_776 = vector.extract_strided_slice %parallel_loop3A_722 {offsets = [2], sizes = [1], strides = [1]} : vector<16xf32> to vector<1xf32>
        %parallel_loop3A_777 = vector.extract %parallel_loop3A_776[0] : f32 from vector<1xf32>
        %parallel_loop3A_778 = vector.broadcast %parallel_loop3A_777 : f32 to vector<16xf32>
        %parallel_loop3A_779 = arith.mulf %mul3A_89, %parallel_loop3A_778 : vector<16xf32>
        %parallel_loop3A_780 = vector.broadcast %parallel_loop3A_775 : f32 to vector<16xf32>
        %parallel_loop3A_781 = arith.addf %parallel_loop3A_780, %parallel_loop3A_779 : vector<16xf32>
        %parallel_loop3A_782 = vector.extract_strided_slice %parallel_loop3A_727 {offsets = [2], sizes = [1], strides = [1]} : vector<16xf32> to vector<1xf32>
        %parallel_loop3A_783 = vector.extract %parallel_loop3A_782[0] : f32 from vector<1xf32>
        %parallel_loop3A_784 = vector.broadcast %parallel_loop3A_783 : f32 to vector<16xf32>
        %parallel_loop3A_785 = arith.mulf %mul3A_92, %parallel_loop3A_784 : vector<16xf32>
        %parallel_loop3A_786 = arith.addf %parallel_loop3A_781, %parallel_loop3A_785 : vector<16xf32>
        %parallel_loop3A_787 = vector.extract_strided_slice %parallel_loop3A_732 {offsets = [2], sizes = [1], strides = [1]} : vector<16xf32> to vector<1xf32>
        %parallel_loop3A_788 = vector.extract %parallel_loop3A_787[0] : f32 from vector<1xf32>
        %parallel_loop3A_789 = vector.broadcast %parallel_loop3A_788 : f32 to vector<16xf32>
        %parallel_loop3A_790 = arith.mulf %mul3A_95, %parallel_loop3A_789 : vector<16xf32>
        %parallel_loop3A_791 = arith.addf %parallel_loop3A_786, %parallel_loop3A_790 : vector<16xf32>
        %parallel_loop3A_792 = vector.extract_strided_slice %parallel_loop3A_737 {offsets = [3], sizes = [1], strides = [1]} : vector<16xf32> to vector<1xf32>
        %parallel_loop3A_793 = vector.extract %parallel_loop3A_792[0] : f32 from vector<1xf32>
        %parallel_loop3A_794 = vector.extract_strided_slice %parallel_loop3A_722 {offsets = [3], sizes = [1], strides = [1]} : vector<16xf32> to vector<1xf32>
        %parallel_loop3A_795 = vector.extract %parallel_loop3A_794[0] : f32 from vector<1xf32>
        %parallel_loop3A_796 = vector.broadcast %parallel_loop3A_795 : f32 to vector<16xf32>
        %parallel_loop3A_797 = arith.mulf %mul3A_89, %parallel_loop3A_796 : vector<16xf32>
        %parallel_loop3A_798 = vector.broadcast %parallel_loop3A_793 : f32 to vector<16xf32>
        %parallel_loop3A_799 = arith.addf %parallel_loop3A_798, %parallel_loop3A_797 : vector<16xf32>
        %parallel_loop3A_800 = vector.extract_strided_slice %parallel_loop3A_727 {offsets = [3], sizes = [1], strides = [1]} : vector<16xf32> to vector<1xf32>
        %parallel_loop3A_801 = vector.extract %parallel_loop3A_800[0] : f32 from vector<1xf32>
        %parallel_loop3A_802 = vector.broadcast %parallel_loop3A_801 : f32 to vector<16xf32>
        %parallel_loop3A_803 = arith.mulf %mul3A_92, %parallel_loop3A_802 : vector<16xf32>
        %parallel_loop3A_804 = arith.addf %parallel_loop3A_799, %parallel_loop3A_803 : vector<16xf32>
        %parallel_loop3A_805 = vector.extract_strided_slice %parallel_loop3A_732 {offsets = [3], sizes = [1], strides = [1]} : vector<16xf32> to vector<1xf32>
        %parallel_loop3A_806 = vector.extract %parallel_loop3A_805[0] : f32 from vector<1xf32>
        %parallel_loop3A_807 = vector.broadcast %parallel_loop3A_806 : f32 to vector<16xf32>
        %parallel_loop3A_808 = arith.mulf %mul3A_95, %parallel_loop3A_807 : vector<16xf32>
        %parallel_loop3A_809 = arith.addf %parallel_loop3A_804, %parallel_loop3A_808 : vector<16xf32>
        %parallel_loop3A_810 = vector.extract_strided_slice %parallel_loop3A_737 {offsets = [4], sizes = [1], strides = [1]} : vector<16xf32> to vector<1xf32>
        %parallel_loop3A_811 = vector.extract %parallel_loop3A_810[0] : f32 from vector<1xf32>
        %parallel_loop3A_812 = vector.extract_strided_slice %parallel_loop3A_722 {offsets = [4], sizes = [1], strides = [1]} : vector<16xf32> to vector<1xf32>
        %parallel_loop3A_813 = vector.extract %parallel_loop3A_812[0] : f32 from vector<1xf32>
        %parallel_loop3A_814 = vector.broadcast %parallel_loop3A_813 : f32 to vector<16xf32>
        %parallel_loop3A_815 = arith.mulf %mul3A_89, %parallel_loop3A_814 : vector<16xf32>
        %parallel_loop3A_816 = vector.broadcast %parallel_loop3A_811 : f32 to vector<16xf32>
        %parallel_loop3A_817 = arith.addf %parallel_loop3A_816, %parallel_loop3A_815 : vector<16xf32>
        %parallel_loop3A_818 = vector.extract_strided_slice %parallel_loop3A_727 {offsets = [4], sizes = [1], strides = [1]} : vector<16xf32> to vector<1xf32>
        %parallel_loop3A_819 = vector.extract %parallel_loop3A_818[0] : f32 from vector<1xf32>
        %parallel_loop3A_820 = vector.broadcast %parallel_loop3A_819 : f32 to vector<16xf32>
        %parallel_loop3A_821 = arith.mulf %mul3A_92, %parallel_loop3A_820 : vector<16xf32>
        %parallel_loop3A_822 = arith.addf %parallel_loop3A_817, %parallel_loop3A_821 : vector<16xf32>
        %parallel_loop3A_823 = vector.extract_strided_slice %parallel_loop3A_732 {offsets = [4], sizes = [1], strides = [1]} : vector<16xf32> to vector<1xf32>
        %parallel_loop3A_824 = vector.extract %parallel_loop3A_823[0] : f32 from vector<1xf32>
        %parallel_loop3A_825 = vector.broadcast %parallel_loop3A_824 : f32 to vector<16xf32>
        %parallel_loop3A_826 = arith.mulf %mul3A_95, %parallel_loop3A_825 : vector<16xf32>
        %parallel_loop3A_827 = arith.addf %parallel_loop3A_822, %parallel_loop3A_826 : vector<16xf32>
        %parallel_loop3A_828 = vector.extract_strided_slice %parallel_loop3A_737 {offsets = [5], sizes = [1], strides = [1]} : vector<16xf32> to vector<1xf32>
        %parallel_loop3A_829 = vector.extract %parallel_loop3A_828[0] : f32 from vector<1xf32>
        %parallel_loop3A_830 = vector.extract_strided_slice %parallel_loop3A_722 {offsets = [5], sizes = [1], strides = [1]} : vector<16xf32> to vector<1xf32>
        %parallel_loop3A_831 = vector.extract %parallel_loop3A_830[0] : f32 from vector<1xf32>
        %parallel_loop3A_832 = vector.broadcast %parallel_loop3A_831 : f32 to vector<16xf32>
        %parallel_loop3A_833 = arith.mulf %mul3A_89, %parallel_loop3A_832 : vector<16xf32>
        %parallel_loop3A_834 = vector.broadcast %parallel_loop3A_829 : f32 to vector<16xf32>
        %parallel_loop3A_835 = arith.addf %parallel_loop3A_834, %parallel_loop3A_833 : vector<16xf32>
        %parallel_loop3A_836 = vector.extract_strided_slice %parallel_loop3A_727 {offsets = [5], sizes = [1], strides = [1]} : vector<16xf32> to vector<1xf32>
        %parallel_loop3A_837 = vector.extract %parallel_loop3A_836[0] : f32 from vector<1xf32>
        %parallel_loop3A_838 = vector.broadcast %parallel_loop3A_837 : f32 to vector<16xf32>
        %parallel_loop3A_839 = arith.mulf %mul3A_92, %parallel_loop3A_838 : vector<16xf32>
        %parallel_loop3A_840 = arith.addf %parallel_loop3A_835, %parallel_loop3A_839 : vector<16xf32>
        %parallel_loop3A_841 = vector.extract_strided_slice %parallel_loop3A_732 {offsets = [5], sizes = [1], strides = [1]} : vector<16xf32> to vector<1xf32>
        %parallel_loop3A_842 = vector.extract %parallel_loop3A_841[0] : f32 from vector<1xf32>
        %parallel_loop3A_843 = vector.broadcast %parallel_loop3A_842 : f32 to vector<16xf32>
        %parallel_loop3A_844 = arith.mulf %mul3A_95, %parallel_loop3A_843 : vector<16xf32>
        %parallel_loop3A_845 = arith.addf %parallel_loop3A_840, %parallel_loop3A_844 : vector<16xf32>
        %parallel_loop3A_846 = vector.extract_strided_slice %parallel_loop3A_737 {offsets = [6], sizes = [1], strides = [1]} : vector<16xf32> to vector<1xf32>
        %parallel_loop3A_847 = vector.extract %parallel_loop3A_846[0] : f32 from vector<1xf32>
        %parallel_loop3A_848 = vector.extract_strided_slice %parallel_loop3A_722 {offsets = [6], sizes = [1], strides = [1]} : vector<16xf32> to vector<1xf32>
        %parallel_loop3A_849 = vector.extract %parallel_loop3A_848[0] : f32 from vector<1xf32>
        %parallel_loop3A_850 = vector.broadcast %parallel_loop3A_849 : f32 to vector<16xf32>
        %parallel_loop3A_851 = arith.mulf %mul3A_89, %parallel_loop3A_850 : vector<16xf32>
        %parallel_loop3A_852 = vector.broadcast %parallel_loop3A_847 : f32 to vector<16xf32>
        %parallel_loop3A_853 = arith.addf %parallel_loop3A_852, %parallel_loop3A_851 : vector<16xf32>
        %parallel_loop3A_854 = vector.extract_strided_slice %parallel_loop3A_727 {offsets = [6], sizes = [1], strides = [1]} : vector<16xf32> to vector<1xf32>
        %parallel_loop3A_855 = vector.extract %parallel_loop3A_854[0] : f32 from vector<1xf32>
        %parallel_loop3A_856 = vector.broadcast %parallel_loop3A_855 : f32 to vector<16xf32>
        %parallel_loop3A_857 = arith.mulf %mul3A_92, %parallel_loop3A_856 : vector<16xf32>
        %parallel_loop3A_858 = arith.addf %parallel_loop3A_853, %parallel_loop3A_857 : vector<16xf32>
        %parallel_loop3A_859 = vector.extract_strided_slice %parallel_loop3A_732 {offsets = [6], sizes = [1], strides = [1]} : vector<16xf32> to vector<1xf32>
        %parallel_loop3A_860 = vector.extract %parallel_loop3A_859[0] : f32 from vector<1xf32>
        %parallel_loop3A_861 = vector.broadcast %parallel_loop3A_860 : f32 to vector<16xf32>
        %parallel_loop3A_862 = arith.mulf %mul3A_95, %parallel_loop3A_861 : vector<16xf32>
        %parallel_loop3A_863 = arith.addf %parallel_loop3A_858, %parallel_loop3A_862 : vector<16xf32>
        %parallel_loop3A_864 = vector.extract_strided_slice %parallel_loop3A_737 {offsets = [7], sizes = [1], strides = [1]} : vector<16xf32> to vector<1xf32>
        %parallel_loop3A_865 = vector.extract %parallel_loop3A_864[0] : f32 from vector<1xf32>
        %parallel_loop3A_866 = vector.extract_strided_slice %parallel_loop3A_722 {offsets = [7], sizes = [1], strides = [1]} : vector<16xf32> to vector<1xf32>
        %parallel_loop3A_867 = vector.extract %parallel_loop3A_866[0] : f32 from vector<1xf32>
        %parallel_loop3A_868 = vector.broadcast %parallel_loop3A_867 : f32 to vector<16xf32>
        %parallel_loop3A_869 = arith.mulf %mul3A_89, %parallel_loop3A_868 : vector<16xf32>
        %parallel_loop3A_870 = vector.broadcast %parallel_loop3A_865 : f32 to vector<16xf32>
        %parallel_loop3A_871 = arith.addf %parallel_loop3A_870, %parallel_loop3A_869 : vector<16xf32>
        %parallel_loop3A_872 = vector.extract_strided_slice %parallel_loop3A_727 {offsets = [7], sizes = [1], strides = [1]} : vector<16xf32> to vector<1xf32>
        %parallel_loop3A_873 = vector.extract %parallel_loop3A_872[0] : f32 from vector<1xf32>
        %parallel_loop3A_874 = vector.broadcast %parallel_loop3A_873 : f32 to vector<16xf32>
        %parallel_loop3A_875 = arith.mulf %mul3A_92, %parallel_loop3A_874 : vector<16xf32>
        %parallel_loop3A_876 = arith.addf %parallel_loop3A_871, %parallel_loop3A_875 : vector<16xf32>
        %parallel_loop3A_877 = vector.extract_strided_slice %parallel_loop3A_732 {offsets = [7], sizes = [1], strides = [1]} : vector<16xf32> to vector<1xf32>
        %parallel_loop3A_878 = vector.extract %parallel_loop3A_877[0] : f32 from vector<1xf32>
        %parallel_loop3A_879 = vector.broadcast %parallel_loop3A_878 : f32 to vector<16xf32>
        %parallel_loop3A_880 = arith.mulf %mul3A_95, %parallel_loop3A_879 : vector<16xf32>
        %parallel_loop3A_881 = arith.addf %parallel_loop3A_876, %parallel_loop3A_880 : vector<16xf32>
        %parallel_loop3A_882 = vector.extract_strided_slice %parallel_loop3A_737 {offsets = [8], sizes = [1], strides = [1]} : vector<16xf32> to vector<1xf32>
        %parallel_loop3A_883 = vector.extract %parallel_loop3A_882[0] : f32 from vector<1xf32>
        %parallel_loop3A_884 = vector.extract_strided_slice %parallel_loop3A_722 {offsets = [8], sizes = [1], strides = [1]} : vector<16xf32> to vector<1xf32>
        %parallel_loop3A_885 = vector.extract %parallel_loop3A_884[0] : f32 from vector<1xf32>
        %parallel_loop3A_886 = vector.broadcast %parallel_loop3A_885 : f32 to vector<16xf32>
        %parallel_loop3A_887 = arith.mulf %mul3A_89, %parallel_loop3A_886 : vector<16xf32>
        %parallel_loop3A_888 = vector.broadcast %parallel_loop3A_883 : f32 to vector<16xf32>
        %parallel_loop3A_889 = arith.addf %parallel_loop3A_888, %parallel_loop3A_887 : vector<16xf32>
        %parallel_loop3A_890 = vector.extract_strided_slice %parallel_loop3A_727 {offsets = [8], sizes = [1], strides = [1]} : vector<16xf32> to vector<1xf32>
        %parallel_loop3A_891 = vector.extract %parallel_loop3A_890[0] : f32 from vector<1xf32>
        %parallel_loop3A_892 = vector.broadcast %parallel_loop3A_891 : f32 to vector<16xf32>
        %parallel_loop3A_893 = arith.mulf %mul3A_92, %parallel_loop3A_892 : vector<16xf32>
        %parallel_loop3A_894 = arith.addf %parallel_loop3A_889, %parallel_loop3A_893 : vector<16xf32>
        %parallel_loop3A_895 = vector.extract_strided_slice %parallel_loop3A_732 {offsets = [8], sizes = [1], strides = [1]} : vector<16xf32> to vector<1xf32>
        %parallel_loop3A_896 = vector.extract %parallel_loop3A_895[0] : f32 from vector<1xf32>
        %parallel_loop3A_897 = vector.broadcast %parallel_loop3A_896 : f32 to vector<16xf32>
        %parallel_loop3A_898 = arith.mulf %mul3A_95, %parallel_loop3A_897 : vector<16xf32>
        %parallel_loop3A_899 = arith.addf %parallel_loop3A_894, %parallel_loop3A_898 : vector<16xf32>
        %parallel_loop3A_900 = vector.extract_strided_slice %parallel_loop3A_737 {offsets = [9], sizes = [1], strides = [1]} : vector<16xf32> to vector<1xf32>
        %parallel_loop3A_901 = vector.extract %parallel_loop3A_900[0] : f32 from vector<1xf32>
        %parallel_loop3A_902 = vector.extract_strided_slice %parallel_loop3A_722 {offsets = [9], sizes = [1], strides = [1]} : vector<16xf32> to vector<1xf32>
        %parallel_loop3A_903 = vector.extract %parallel_loop3A_902[0] : f32 from vector<1xf32>
        %parallel_loop3A_904 = vector.broadcast %parallel_loop3A_903 : f32 to vector<16xf32>
        %parallel_loop3A_905 = arith.mulf %mul3A_89, %parallel_loop3A_904 : vector<16xf32>
        %parallel_loop3A_906 = vector.broadcast %parallel_loop3A_901 : f32 to vector<16xf32>
        %parallel_loop3A_907 = arith.addf %parallel_loop3A_906, %parallel_loop3A_905 : vector<16xf32>
        %parallel_loop3A_908 = vector.extract_strided_slice %parallel_loop3A_727 {offsets = [9], sizes = [1], strides = [1]} : vector<16xf32> to vector<1xf32>
        %parallel_loop3A_909 = vector.extract %parallel_loop3A_908[0] : f32 from vector<1xf32>
        %parallel_loop3A_910 = vector.broadcast %parallel_loop3A_909 : f32 to vector<16xf32>
        %parallel_loop3A_911 = arith.mulf %mul3A_92, %parallel_loop3A_910 : vector<16xf32>
        %parallel_loop3A_912 = arith.addf %parallel_loop3A_907, %parallel_loop3A_911 : vector<16xf32>
        %parallel_loop3A_913 = vector.extract_strided_slice %parallel_loop3A_732 {offsets = [9], sizes = [1], strides = [1]} : vector<16xf32> to vector<1xf32>
        %parallel_loop3A_914 = vector.extract %parallel_loop3A_913[0] : f32 from vector<1xf32>
        %parallel_loop3A_915 = vector.broadcast %parallel_loop3A_914 : f32 to vector<16xf32>
        %parallel_loop3A_916 = arith.mulf %mul3A_95, %parallel_loop3A_915 : vector<16xf32>
        %parallel_loop3A_917 = arith.addf %parallel_loop3A_912, %parallel_loop3A_916 : vector<16xf32>
        %parallel_loop3A_918 = vector.extract_strided_slice %parallel_loop3A_737 {offsets = [10], sizes = [1], strides = [1]} : vector<16xf32> to vector<1xf32>
        %parallel_loop3A_919 = vector.extract %parallel_loop3A_918[0] : f32 from vector<1xf32>
        %parallel_loop3A_920 = vector.extract_strided_slice %parallel_loop3A_722 {offsets = [10], sizes = [1], strides = [1]} : vector<16xf32> to vector<1xf32>
        %parallel_loop3A_921 = vector.extract %parallel_loop3A_920[0] : f32 from vector<1xf32>
        %parallel_loop3A_922 = vector.broadcast %parallel_loop3A_921 : f32 to vector<16xf32>
        %parallel_loop3A_923 = arith.mulf %mul3A_89, %parallel_loop3A_922 : vector<16xf32>
        %parallel_loop3A_924 = vector.broadcast %parallel_loop3A_919 : f32 to vector<16xf32>
        %parallel_loop3A_925 = arith.addf %parallel_loop3A_924, %parallel_loop3A_923 : vector<16xf32>
        %parallel_loop3A_926 = vector.extract_strided_slice %parallel_loop3A_727 {offsets = [10], sizes = [1], strides = [1]} : vector<16xf32> to vector<1xf32>
        %parallel_loop3A_927 = vector.extract %parallel_loop3A_926[0] : f32 from vector<1xf32>
        %parallel_loop3A_928 = vector.broadcast %parallel_loop3A_927 : f32 to vector<16xf32>
        %parallel_loop3A_929 = arith.mulf %mul3A_92, %parallel_loop3A_928 : vector<16xf32>
        %parallel_loop3A_930 = arith.addf %parallel_loop3A_925, %parallel_loop3A_929 : vector<16xf32>
        %parallel_loop3A_931 = vector.extract_strided_slice %parallel_loop3A_732 {offsets = [10], sizes = [1], strides = [1]} : vector<16xf32> to vector<1xf32>
        %parallel_loop3A_932 = vector.extract %parallel_loop3A_931[0] : f32 from vector<1xf32>
        %parallel_loop3A_933 = vector.broadcast %parallel_loop3A_932 : f32 to vector<16xf32>
        %parallel_loop3A_934 = arith.mulf %mul3A_95, %parallel_loop3A_933 : vector<16xf32>
        %parallel_loop3A_935 = arith.addf %parallel_loop3A_930, %parallel_loop3A_934 : vector<16xf32>
        %parallel_loop3A_936 = vector.extract_strided_slice %parallel_loop3A_737 {offsets = [11], sizes = [1], strides = [1]} : vector<16xf32> to vector<1xf32>
        %parallel_loop3A_937 = vector.extract %parallel_loop3A_936[0] : f32 from vector<1xf32>
        %parallel_loop3A_938 = vector.extract_strided_slice %parallel_loop3A_722 {offsets = [11], sizes = [1], strides = [1]} : vector<16xf32> to vector<1xf32>
        %parallel_loop3A_939 = vector.extract %parallel_loop3A_938[0] : f32 from vector<1xf32>
        %parallel_loop3A_940 = vector.broadcast %parallel_loop3A_939 : f32 to vector<16xf32>
        %parallel_loop3A_941 = arith.mulf %mul3A_89, %parallel_loop3A_940 : vector<16xf32>
        %parallel_loop3A_942 = vector.broadcast %parallel_loop3A_937 : f32 to vector<16xf32>
        %parallel_loop3A_943 = arith.addf %parallel_loop3A_942, %parallel_loop3A_941 : vector<16xf32>
        %parallel_loop3A_944 = vector.extract_strided_slice %parallel_loop3A_727 {offsets = [11], sizes = [1], strides = [1]} : vector<16xf32> to vector<1xf32>
        %parallel_loop3A_945 = vector.extract %parallel_loop3A_944[0] : f32 from vector<1xf32>
        %parallel_loop3A_946 = vector.broadcast %parallel_loop3A_945 : f32 to vector<16xf32>
        %parallel_loop3A_947 = arith.mulf %mul3A_92, %parallel_loop3A_946 : vector<16xf32>
        %parallel_loop3A_948 = arith.addf %parallel_loop3A_943, %parallel_loop3A_947 : vector<16xf32>
        %parallel_loop3A_949 = vector.extract_strided_slice %parallel_loop3A_732 {offsets = [11], sizes = [1], strides = [1]} : vector<16xf32> to vector<1xf32>
        %parallel_loop3A_950 = vector.extract %parallel_loop3A_949[0] : f32 from vector<1xf32>
        %parallel_loop3A_951 = vector.broadcast %parallel_loop3A_950 : f32 to vector<16xf32>
        %parallel_loop3A_952 = arith.mulf %mul3A_95, %parallel_loop3A_951 : vector<16xf32>
        %parallel_loop3A_953 = arith.addf %parallel_loop3A_948, %parallel_loop3A_952 : vector<16xf32>
        %parallel_loop3A_954 = vector.extract_strided_slice %parallel_loop3A_737 {offsets = [12], sizes = [1], strides = [1]} : vector<16xf32> to vector<1xf32>
        %parallel_loop3A_955 = vector.extract %parallel_loop3A_954[0] : f32 from vector<1xf32>
        %parallel_loop3A_956 = vector.extract_strided_slice %parallel_loop3A_722 {offsets = [12], sizes = [1], strides = [1]} : vector<16xf32> to vector<1xf32>
        %parallel_loop3A_957 = vector.extract %parallel_loop3A_956[0] : f32 from vector<1xf32>
        %parallel_loop3A_958 = vector.broadcast %parallel_loop3A_957 : f32 to vector<16xf32>
        %parallel_loop3A_959 = arith.mulf %mul3A_89, %parallel_loop3A_958 : vector<16xf32>
        %parallel_loop3A_960 = vector.broadcast %parallel_loop3A_955 : f32 to vector<16xf32>
        %parallel_loop3A_961 = arith.addf %parallel_loop3A_960, %parallel_loop3A_959 : vector<16xf32>
        %parallel_loop3A_962 = vector.extract_strided_slice %parallel_loop3A_727 {offsets = [12], sizes = [1], strides = [1]} : vector<16xf32> to vector<1xf32>
        %parallel_loop3A_963 = vector.extract %parallel_loop3A_962[0] : f32 from vector<1xf32>
        %parallel_loop3A_964 = vector.broadcast %parallel_loop3A_963 : f32 to vector<16xf32>
        %parallel_loop3A_965 = arith.mulf %mul3A_92, %parallel_loop3A_964 : vector<16xf32>
        %parallel_loop3A_966 = arith.addf %parallel_loop3A_961, %parallel_loop3A_965 : vector<16xf32>
        %parallel_loop3A_967 = vector.extract_strided_slice %parallel_loop3A_732 {offsets = [12], sizes = [1], strides = [1]} : vector<16xf32> to vector<1xf32>
        %parallel_loop3A_968 = vector.extract %parallel_loop3A_967[0] : f32 from vector<1xf32>
        %parallel_loop3A_969 = vector.broadcast %parallel_loop3A_968 : f32 to vector<16xf32>
        %parallel_loop3A_970 = arith.mulf %mul3A_95, %parallel_loop3A_969 : vector<16xf32>
        %parallel_loop3A_971 = arith.addf %parallel_loop3A_966, %parallel_loop3A_970 : vector<16xf32>
        %parallel_loop3A_972 = vector.extract_strided_slice %parallel_loop3A_737 {offsets = [13], sizes = [1], strides = [1]} : vector<16xf32> to vector<1xf32>
        %parallel_loop3A_973 = vector.extract %parallel_loop3A_972[0] : f32 from vector<1xf32>
        %parallel_loop3A_974 = vector.extract_strided_slice %parallel_loop3A_722 {offsets = [13], sizes = [1], strides = [1]} : vector<16xf32> to vector<1xf32>
        %parallel_loop3A_975 = vector.extract %parallel_loop3A_974[0] : f32 from vector<1xf32>
        %parallel_loop3A_976 = vector.broadcast %parallel_loop3A_975 : f32 to vector<16xf32>
        %parallel_loop3A_977 = arith.mulf %mul3A_89, %parallel_loop3A_976 : vector<16xf32>
        %parallel_loop3A_978 = vector.broadcast %parallel_loop3A_973 : f32 to vector<16xf32>
        %parallel_loop3A_979 = arith.addf %parallel_loop3A_978, %parallel_loop3A_977 : vector<16xf32>
        %parallel_loop3A_980 = vector.extract_strided_slice %parallel_loop3A_727 {offsets = [13], sizes = [1], strides = [1]} : vector<16xf32> to vector<1xf32>
        %parallel_loop3A_981 = vector.extract %parallel_loop3A_980[0] : f32 from vector<1xf32>
        %parallel_loop3A_982 = vector.broadcast %parallel_loop3A_981 : f32 to vector<16xf32>
        %parallel_loop3A_983 = arith.mulf %mul3A_92, %parallel_loop3A_982 : vector<16xf32>
        %parallel_loop3A_984 = arith.addf %parallel_loop3A_979, %parallel_loop3A_983 : vector<16xf32>
        %parallel_loop3A_985 = vector.extract_strided_slice %parallel_loop3A_732 {offsets = [13], sizes = [1], strides = [1]} : vector<16xf32> to vector<1xf32>
        %parallel_loop3A_986 = vector.extract %parallel_loop3A_985[0] : f32 from vector<1xf32>
        %parallel_loop3A_987 = vector.broadcast %parallel_loop3A_986 : f32 to vector<16xf32>
        %parallel_loop3A_988 = arith.mulf %mul3A_95, %parallel_loop3A_987 : vector<16xf32>
        %parallel_loop3A_989 = arith.addf %parallel_loop3A_984, %parallel_loop3A_988 : vector<16xf32>
        %parallel_loop3A_990 = vector.extract_strided_slice %parallel_loop3A_737 {offsets = [14], sizes = [1], strides = [1]} : vector<16xf32> to vector<1xf32>
        %parallel_loop3A_991 = vector.extract %parallel_loop3A_990[0] : f32 from vector<1xf32>
        %parallel_loop3A_992 = vector.extract_strided_slice %parallel_loop3A_722 {offsets = [14], sizes = [1], strides = [1]} : vector<16xf32> to vector<1xf32>
        %parallel_loop3A_993 = vector.extract %parallel_loop3A_992[0] : f32 from vector<1xf32>
        %parallel_loop3A_994 = vector.broadcast %parallel_loop3A_993 : f32 to vector<16xf32>
        %parallel_loop3A_995 = arith.mulf %mul3A_89, %parallel_loop3A_994 : vector<16xf32>
        %parallel_loop3A_996 = vector.broadcast %parallel_loop3A_991 : f32 to vector<16xf32>
        %parallel_loop3A_997 = arith.addf %parallel_loop3A_996, %parallel_loop3A_995 : vector<16xf32>
        %parallel_loop3A_998 = vector.extract_strided_slice %parallel_loop3A_727 {offsets = [14], sizes = [1], strides = [1]} : vector<16xf32> to vector<1xf32>
        %parallel_loop3A_999 = vector.extract %parallel_loop3A_998[0] : f32 from vector<1xf32>
        %parallel_loop3A_1000 = vector.broadcast %parallel_loop3A_999 : f32 to vector<16xf32>
        %parallel_loop3A_1001 = arith.mulf %mul3A_92, %parallel_loop3A_1000 : vector<16xf32>
        %parallel_loop3A_1002 = arith.addf %parallel_loop3A_997, %parallel_loop3A_1001 : vector<16xf32>
        %parallel_loop3A_1003 = vector.extract_strided_slice %parallel_loop3A_732 {offsets = [14], sizes = [1], strides = [1]} : vector<16xf32> to vector<1xf32>
        %parallel_loop3A_1004 = vector.extract %parallel_loop3A_1003[0] : f32 from vector<1xf32>
        %parallel_loop3A_1005 = vector.broadcast %parallel_loop3A_1004 : f32 to vector<16xf32>
        %parallel_loop3A_1006 = arith.mulf %mul3A_95, %parallel_loop3A_1005 : vector<16xf32>
        %parallel_loop3A_1007 = arith.addf %parallel_loop3A_1002, %parallel_loop3A_1006 : vector<16xf32>
        %parallel_loop3A_1008 = vector.extract_strided_slice %parallel_loop3A_737 {offsets = [15], sizes = [1], strides = [1]} : vector<16xf32> to vector<1xf32>
        %parallel_loop3A_1009 = vector.extract %parallel_loop3A_1008[0] : f32 from vector<1xf32>
        %parallel_loop3A_1010 = vector.extract_strided_slice %parallel_loop3A_722 {offsets = [15], sizes = [1], strides = [1]} : vector<16xf32> to vector<1xf32>
        %parallel_loop3A_1011 = vector.extract %parallel_loop3A_1010[0] : f32 from vector<1xf32>
        %parallel_loop3A_1012 = vector.broadcast %parallel_loop3A_1011 : f32 to vector<16xf32>
        %parallel_loop3A_1013 = arith.mulf %mul3A_89, %parallel_loop3A_1012 : vector<16xf32>
        %parallel_loop3A_1014 = vector.broadcast %parallel_loop3A_1009 : f32 to vector<16xf32>
        %parallel_loop3A_1015 = arith.addf %parallel_loop3A_1014, %parallel_loop3A_1013 : vector<16xf32>
        %parallel_loop3A_1016 = vector.extract_strided_slice %parallel_loop3A_727 {offsets = [15], sizes = [1], strides = [1]} : vector<16xf32> to vector<1xf32>
        %parallel_loop3A_1017 = vector.extract %parallel_loop3A_1016[0] : f32 from vector<1xf32>
        %parallel_loop3A_1018 = vector.broadcast %parallel_loop3A_1017 : f32 to vector<16xf32>
        %parallel_loop3A_1019 = arith.mulf %mul3A_92, %parallel_loop3A_1018 : vector<16xf32>
        %parallel_loop3A_1020 = arith.addf %parallel_loop3A_1015, %parallel_loop3A_1019 : vector<16xf32>
        %parallel_loop3A_1021 = vector.extract_strided_slice %parallel_loop3A_732 {offsets = [15], sizes = [1], strides = [1]} : vector<16xf32> to vector<1xf32>
        %parallel_loop3A_1022 = vector.extract %parallel_loop3A_1021[0] : f32 from vector<1xf32>
        %parallel_loop3A_1023 = vector.broadcast %parallel_loop3A_1022 : f32 to vector<16xf32>
        %parallel_loop3A_1024 = arith.mulf %mul3A_95, %parallel_loop3A_1023 : vector<16xf32>
        %parallel_loop3A_1025 = arith.addf %parallel_loop3A_1020, %parallel_loop3A_1024 : vector<16xf32>
        %parallel_loop3A_1026 = arith.minimumf %parallel_loop3A_755, %parallel_loop3A_773 : vector<16xf32>
        %parallel_loop3A_1027 = arith.minimumf %parallel_loop3A_791, %parallel_loop3A_809 : vector<16xf32>
        %parallel_loop3A_1028 = arith.minimumf %parallel_loop3A_827, %parallel_loop3A_845 : vector<16xf32>
        %parallel_loop3A_1029 = arith.minimumf %parallel_loop3A_863, %parallel_loop3A_881 : vector<16xf32>
        %parallel_loop3A_1030 = arith.minimumf %parallel_loop3A_899, %parallel_loop3A_917 : vector<16xf32>
        %parallel_loop3A_1031 = arith.minimumf %parallel_loop3A_935, %parallel_loop3A_953 : vector<16xf32>
        %parallel_loop3A_1032 = arith.minimumf %parallel_loop3A_971, %parallel_loop3A_989 : vector<16xf32>
        %parallel_loop3A_1033 = arith.minimumf %parallel_loop3A_1007, %parallel_loop3A_1025 : vector<16xf32>
        %parallel_loop3A_1034 = arith.minimumf %parallel_loop3A_1026, %parallel_loop3A_1027 : vector<16xf32>
        %parallel_loop3A_1035 = arith.minimumf %parallel_loop3A_1028, %parallel_loop3A_1029 : vector<16xf32>
        %parallel_loop3A_1036 = arith.minimumf %parallel_loop3A_1030, %parallel_loop3A_1031 : vector<16xf32>
        %parallel_loop3A_1037 = arith.minimumf %parallel_loop3A_1032, %parallel_loop3A_1033 : vector<16xf32>
        %parallel_loop3A_1038 = arith.minimumf %parallel_loop3A_1034, %parallel_loop3A_1035 : vector<16xf32>
        %parallel_loop3A_1039 = arith.minimumf %parallel_loop3A_1036, %parallel_loop3A_1037 : vector<16xf32>
        %parallel_loop3A_1040 = arith.minimumf %parallel_loop3A_1038, %parallel_loop3A_1039 : vector<16xf32>
        %parallel_loop3A_1041 = arith.minimumf %parallel_loop3A_717, %parallel_loop3A_1040 : vector<16xf32>
        scf.yield %parallel_loop3A_1041 : vector<16xf32>
      } {sc.loop_unroll_factor = 4 : i64, sc.parallel_access}
      %add3A_706 = arith.constant 16 : i32
      %add3A_707 = arith.addi %mul3A_215, %add3A_706 : i32
      %sub3A_708 = arith.constant 16 : i32
      %sub3A_709 = arith.subi %sub3A_708, %add3A_701 : i32
      %mul3A_710 = arith.constant 16 : i32
      %mul3A_711 = arith.muli %sub3A_709, %mul3A_710 : i32
      %parallel_loop3A_712 = arith.constant 1 : i32
      %parallel_loop3A_713 = scf.for %parallel_loop3A_716 = %add3A_707 to %mul3A_711 step %parallel_loop3A_712 iter_args(%parallel_loop3A_717 = %parallel_loop3A_705) -> (vector<16xf32>)  : i32 {
        %parallel_loop3A_718 = arith.constant 16 : i32
        %parallel_loop3A_719 = arith.muli %parallel_loop3A_716, %parallel_loop3A_718 : i32
        %parallel_loop3A_720 = arith.index_cast %parallel_loop3A_719 : i32 to index
        %parallel_loop3A_721 = tpu.vector_load %arg5[%parallel_loop3A_720] {strides = array<i32>} : memref<16640xf32, #tpu.memory_space<vmem>>, vector<16xf32>,
        %parallel_loop3A_722 = vector.shape_cast %parallel_loop3A_721 : vector<16xf32> to vector<16xf32>
        %parallel_loop3A_723 = arith.constant 4096 : i32
        %parallel_loop3A_724 = arith.addi %parallel_loop3A_723, %parallel_loop3A_719 : i32
        %parallel_loop3A_725 = arith.index_cast %parallel_loop3A_724 : i32 to index
        %parallel_loop3A_726 = tpu.vector_load %arg5[%parallel_loop3A_725] {strides = array<i32>} : memref<16640xf32, #tpu.memory_space<vmem>>, vector<16xf32>,
        %parallel_loop3A_727 = vector.shape_cast %parallel_loop3A_726 : vector<16xf32> to vector<16xf32>
        %parallel_loop3A_728 = arith.constant 8192 : i32
        %parallel_loop3A_729 = arith.addi %parallel_loop3A_728, %parallel_loop3A_719 : i32
        %parallel_loop3A_730 = arith.index_cast %parallel_loop3A_729 : i32 to index
        %parallel_loop3A_731 = tpu.vector_load %arg5[%parallel_loop3A_730] {strides = array<i32>} : memref<16640xf32, #tpu.memory_space<vmem>>, vector<16xf32>,
        %parallel_loop3A_732 = vector.shape_cast %parallel_loop3A_731 : vector<16xf32> to vector<16xf32>
        %parallel_loop3A_733 = arith.constant 12288 : i32
        %parallel_loop3A_734 = arith.addi %parallel_loop3A_733, %parallel_loop3A_719 : i32
        %parallel_loop3A_735 = arith.index_cast %parallel_loop3A_734 : i32 to index
        %parallel_loop3A_736 = tpu.vector_load %arg5[%parallel_loop3A_735] {strides = array<i32>} : memref<16640xf32, #tpu.memory_space<vmem>>, vector<16xf32>,
        %parallel_loop3A_737 = vector.shape_cast %parallel_loop3A_736 : vector<16xf32> to vector<16xf32>
        %parallel_loop3A_738 = vector.extract_strided_slice %parallel_loop3A_737 {offsets = [0], sizes = [1], strides = [1]} : vector<16xf32> to vector<1xf32>
        %parallel_loop3A_739 = vector.extract %parallel_loop3A_738[0] : f32 from vector<1xf32>
        %parallel_loop3A_740 = vector.extract_strided_slice %parallel_loop3A_722 {offsets = [0], sizes = [1], strides = [1]} : vector<16xf32> to vector<1xf32>
        %parallel_loop3A_741 = vector.extract %parallel_loop3A_740[0] : f32 from vector<1xf32>
        %parallel_loop3A_742 = vector.broadcast %parallel_loop3A_741 : f32 to vector<16xf32>
        %parallel_loop3A_743 = arith.mulf %mul3A_89, %parallel_loop3A_742 : vector<16xf32>
        %parallel_loop3A_744 = vector.broadcast %parallel_loop3A_739 : f32 to vector<16xf32>
        %parallel_loop3A_745 = arith.addf %parallel_loop3A_744, %parallel_loop3A_743 : vector<16xf32>
        %parallel_loop3A_746 = vector.extract_strided_slice %parallel_loop3A_727 {offsets = [0], sizes = [1], strides = [1]} : vector<16xf32> to vector<1xf32>
        %parallel_loop3A_747 = vector.extract %parallel_loop3A_746[0] : f32 from vector<1xf32>
        %parallel_loop3A_748 = vector.broadcast %parallel_loop3A_747 : f32 to vector<16xf32>
        %parallel_loop3A_749 = arith.mulf %mul3A_92, %parallel_loop3A_748 : vector<16xf32>
        %parallel_loop3A_750 = arith.addf %parallel_loop3A_745, %parallel_loop3A_749 : vector<16xf32>
        %parallel_loop3A_751 = vector.extract_strided_slice %parallel_loop3A_732 {offsets = [0], sizes = [1], strides = [1]} : vector<16xf32> to vector<1xf32>
        %parallel_loop3A_752 = vector.extract %parallel_loop3A_751[0] : f32 from vector<1xf32>
        %parallel_loop3A_753 = vector.broadcast %parallel_loop3A_752 : f32 to vector<16xf32>
        %parallel_loop3A_754 = arith.mulf %mul3A_95, %parallel_loop3A_753 : vector<16xf32>
        %parallel_loop3A_755 = arith.addf %parallel_loop3A_750, %parallel_loop3A_754 : vector<16xf32>
        %parallel_loop3A_756 = vector.extract_strided_slice %parallel_loop3A_737 {offsets = [1], sizes = [1], strides = [1]} : vector<16xf32> to vector<1xf32>
        %parallel_loop3A_757 = vector.extract %parallel_loop3A_756[0] : f32 from vector<1xf32>
        %parallel_loop3A_758 = vector.extract_strided_slice %parallel_loop3A_722 {offsets = [1], sizes = [1], strides = [1]} : vector<16xf32> to vector<1xf32>
        %parallel_loop3A_759 = vector.extract %parallel_loop3A_758[0] : f32 from vector<1xf32>
        %parallel_loop3A_760 = vector.broadcast %parallel_loop3A_759 : f32 to vector<16xf32>
        %parallel_loop3A_761 = arith.mulf %mul3A_89, %parallel_loop3A_760 : vector<16xf32>
        %parallel_loop3A_762 = vector.broadcast %parallel_loop3A_757 : f32 to vector<16xf32>
        %parallel_loop3A_763 = arith.addf %parallel_loop3A_762, %parallel_loop3A_761 : vector<16xf32>
        %parallel_loop3A_764 = vector.extract_strided_slice %parallel_loop3A_727 {offsets = [1], sizes = [1], strides = [1]} : vector<16xf32> to vector<1xf32>
        %parallel_loop3A_765 = vector.extract %parallel_loop3A_764[0] : f32 from vector<1xf32>
        %parallel_loop3A_766 = vector.broadcast %parallel_loop3A_765 : f32 to vector<16xf32>
        %parallel_loop3A_767 = arith.mulf %mul3A_92, %parallel_loop3A_766 : vector<16xf32>
        %parallel_loop3A_768 = arith.addf %parallel_loop3A_763, %parallel_loop3A_767 : vector<16xf32>
        %parallel_loop3A_769 = vector.extract_strided_slice %parallel_loop3A_732 {offsets = [1], sizes = [1], strides = [1]} : vector<16xf32> to vector<1xf32>
        %parallel_loop3A_770 = vector.extract %parallel_loop3A_769[0] : f32 from vector<1xf32>
        %parallel_loop3A_771 = vector.broadcast %parallel_loop3A_770 : f32 to vector<16xf32>
        %parallel_loop3A_772 = arith.mulf %mul3A_95, %parallel_loop3A_771 : vector<16xf32>
        %parallel_loop3A_773 = arith.addf %parallel_loop3A_768, %parallel_loop3A_772 : vector<16xf32>
        %parallel_loop3A_774 = vector.extract_strided_slice %parallel_loop3A_737 {offsets = [2], sizes = [1], strides = [1]} : vector<16xf32> to vector<1xf32>
        %parallel_loop3A_775 = vector.extract %parallel_loop3A_774[0] : f32 from vector<1xf32>
        %parallel_loop3A_776 = vector.extract_strided_slice %parallel_loop3A_722 {offsets = [2], sizes = [1], strides = [1]} : vector<16xf32> to vector<1xf32>
        %parallel_loop3A_777 = vector.extract %parallel_loop3A_776[0] : f32 from vector<1xf32>
        %parallel_loop3A_778 = vector.broadcast %parallel_loop3A_777 : f32 to vector<16xf32>
        %parallel_loop3A_779 = arith.mulf %mul3A_89, %parallel_loop3A_778 : vector<16xf32>
        %parallel_loop3A_780 = vector.broadcast %parallel_loop3A_775 : f32 to vector<16xf32>
        %parallel_loop3A_781 = arith.addf %parallel_loop3A_780, %parallel_loop3A_779 : vector<16xf32>
        %parallel_loop3A_782 = vector.extract_strided_slice %parallel_loop3A_727 {offsets = [2], sizes = [1], strides = [1]} : vector<16xf32> to vector<1xf32>
        %parallel_loop3A_783 = vector.extract %parallel_loop3A_782[0] : f32 from vector<1xf32>
        %parallel_loop3A_784 = vector.broadcast %parallel_loop3A_783 : f32 to vector<16xf32>
        %parallel_loop3A_785 = arith.mulf %mul3A_92, %parallel_loop3A_784 : vector<16xf32>
        %parallel_loop3A_786 = arith.addf %parallel_loop3A_781, %parallel_loop3A_785 : vector<16xf32>
        %parallel_loop3A_787 = vector.extract_strided_slice %parallel_loop3A_732 {offsets = [2], sizes = [1], strides = [1]} : vector<16xf32> to vector<1xf32>
        %parallel_loop3A_788 = vector.extract %parallel_loop3A_787[0] : f32 from vector<1xf32>
        %parallel_loop3A_789 = vector.broadcast %parallel_loop3A_788 : f32 to vector<16xf32>
        %parallel_loop3A_790 = arith.mulf %mul3A_95, %parallel_loop3A_789 : vector<16xf32>
        %parallel_loop3A_791 = arith.addf %parallel_loop3A_786, %parallel_loop3A_790 : vector<16xf32>
        %parallel_loop3A_792 = vector.extract_strided_slice %parallel_loop3A_737 {offsets = [3], sizes = [1], strides = [1]} : vector<16xf32> to vector<1xf32>
        %parallel_loop3A_793 = vector.extract %parallel_loop3A_792[0] : f32 from vector<1xf32>
        %parallel_loop3A_794 = vector.extract_strided_slice %parallel_loop3A_722 {offsets = [3], sizes = [1], strides = [1]} : vector<16xf32> to vector<1xf32>
        %parallel_loop3A_795 = vector.extract %parallel_loop3A_794[0] : f32 from vector<1xf32>
        %parallel_loop3A_796 = vector.broadcast %parallel_loop3A_795 : f32 to vector<16xf32>
        %parallel_loop3A_797 = arith.mulf %mul3A_89, %parallel_loop3A_796 : vector<16xf32>
        %parallel_loop3A_798 = vector.broadcast %parallel_loop3A_793 : f32 to vector<16xf32>
        %parallel_loop3A_799 = arith.addf %parallel_loop3A_798, %parallel_loop3A_797 : vector<16xf32>
        %parallel_loop3A_800 = vector.extract_strided_slice %parallel_loop3A_727 {offsets = [3], sizes = [1], strides = [1]} : vector<16xf32> to vector<1xf32>
        %parallel_loop3A_801 = vector.extract %parallel_loop3A_800[0] : f32 from vector<1xf32>
        %parallel_loop3A_802 = vector.broadcast %parallel_loop3A_801 : f32 to vector<16xf32>
        %parallel_loop3A_803 = arith.mulf %mul3A_92, %parallel_loop3A_802 : vector<16xf32>
        %parallel_loop3A_804 = arith.addf %parallel_loop3A_799, %parallel_loop3A_803 : vector<16xf32>
        %parallel_loop3A_805 = vector.extract_strided_slice %parallel_loop3A_732 {offsets = [3], sizes = [1], strides = [1]} : vector<16xf32> to vector<1xf32>
        %parallel_loop3A_806 = vector.extract %parallel_loop3A_805[0] : f32 from vector<1xf32>
        %parallel_loop3A_807 = vector.broadcast %parallel_loop3A_806 : f32 to vector<16xf32>
        %parallel_loop3A_808 = arith.mulf %mul3A_95, %parallel_loop3A_807 : vector<16xf32>
        %parallel_loop3A_809 = arith.addf %parallel_loop3A_804, %parallel_loop3A_808 : vector<16xf32>
        %parallel_loop3A_810 = vector.extract_strided_slice %parallel_loop3A_737 {offsets = [4], sizes = [1], strides = [1]} : vector<16xf32> to vector<1xf32>
        %parallel_loop3A_811 = vector.extract %parallel_loop3A_810[0] : f32 from vector<1xf32>
        %parallel_loop3A_812 = vector.extract_strided_slice %parallel_loop3A_722 {offsets = [4], sizes = [1], strides = [1]} : vector<16xf32> to vector<1xf32>
        %parallel_loop3A_813 = vector.extract %parallel_loop3A_812[0] : f32 from vector<1xf32>
        %parallel_loop3A_814 = vector.broadcast %parallel_loop3A_813 : f32 to vector<16xf32>
        %parallel_loop3A_815 = arith.mulf %mul3A_89, %parallel_loop3A_814 : vector<16xf32>
        %parallel_loop3A_816 = vector.broadcast %parallel_loop3A_811 : f32 to vector<16xf32>
        %parallel_loop3A_817 = arith.addf %parallel_loop3A_816, %parallel_loop3A_815 : vector<16xf32>
        %parallel_loop3A_818 = vector.extract_strided_slice %parallel_loop3A_727 {offsets = [4], sizes = [1], strides = [1]} : vector<16xf32> to vector<1xf32>
        %parallel_loop3A_819 = vector.extract %parallel_loop3A_818[0] : f32 from vector<1xf32>
        %parallel_loop3A_820 = vector.broadcast %parallel_loop3A_819 : f32 to vector<16xf32>
        %parallel_loop3A_821 = arith.mulf %mul3A_92, %parallel_loop3A_820 : vector<16xf32>
        %parallel_loop3A_822 = arith.addf %parallel_loop3A_817, %parallel_loop3A_821 : vector<16xf32>
        %parallel_loop3A_823 = vector.extract_strided_slice %parallel_loop3A_732 {offsets = [4], sizes = [1], strides = [1]} : vector<16xf32> to vector<1xf32>
        %parallel_loop3A_824 = vector.extract %parallel_loop3A_823[0] : f32 from vector<1xf32>
        %parallel_loop3A_825 = vector.broadcast %parallel_loop3A_824 : f32 to vector<16xf32>
        %parallel_loop3A_826 = arith.mulf %mul3A_95, %parallel_loop3A_825 : vector<16xf32>
        %parallel_loop3A_827 = arith.addf %parallel_loop3A_822, %parallel_loop3A_826 : vector<16xf32>
        %parallel_loop3A_828 = vector.extract_strided_slice %parallel_loop3A_737 {offsets = [5], sizes = [1], strides = [1]} : vector<16xf32> to vector<1xf32>
        %parallel_loop3A_829 = vector.extract %parallel_loop3A_828[0] : f32 from vector<1xf32>
        %parallel_loop3A_830 = vector.extract_strided_slice %parallel_loop3A_722 {offsets = [5], sizes = [1], strides = [1]} : vector<16xf32> to vector<1xf32>
        %parallel_loop3A_831 = vector.extract %parallel_loop3A_830[0] : f32 from vector<1xf32>
        %parallel_loop3A_832 = vector.broadcast %parallel_loop3A_831 : f32 to vector<16xf32>
        %parallel_loop3A_833 = arith.mulf %mul3A_89, %parallel_loop3A_832 : vector<16xf32>
        %parallel_loop3A_834 = vector.broadcast %parallel_loop3A_829 : f32 to vector<16xf32>
        %parallel_loop3A_835 = arith.addf %parallel_loop3A_834, %parallel_loop3A_833 : vector<16xf32>
        %parallel_loop3A_836 = vector.extract_strided_slice %parallel_loop3A_727 {offsets = [5], sizes = [1], strides = [1]} : vector<16xf32> to vector<1xf32>
        %parallel_loop3A_837 = vector.extract %parallel_loop3A_836[0] : f32 from vector<1xf32>
        %parallel_loop3A_838 = vector.broadcast %parallel_loop3A_837 : f32 to vector<16xf32>
        %parallel_loop3A_839 = arith.mulf %mul3A_92, %parallel_loop3A_838 : vector<16xf32>
        %parallel_loop3A_840 = arith.addf %parallel_loop3A_835, %parallel_loop3A_839 : vector<16xf32>
        %parallel_loop3A_841 = vector.extract_strided_slice %parallel_loop3A_732 {offsets = [5], sizes = [1], strides = [1]} : vector<16xf32> to vector<1xf32>
        %parallel_loop3A_842 = vector.extract %parallel_loop3A_841[0] : f32 from vector<1xf32>
        %parallel_loop3A_843 = vector.broadcast %parallel_loop3A_842 : f32 to vector<16xf32>
        %parallel_loop3A_844 = arith.mulf %mul3A_95, %parallel_loop3A_843 : vector<16xf32>
        %parallel_loop3A_845 = arith.addf %parallel_loop3A_840, %parallel_loop3A_844 : vector<16xf32>
        %parallel_loop3A_846 = vector.extract_strided_slice %parallel_loop3A_737 {offsets = [6], sizes = [1], strides = [1]} : vector<16xf32> to vector<1xf32>
        %parallel_loop3A_847 = vector.extract %parallel_loop3A_846[0] : f32 from vector<1xf32>
        %parallel_loop3A_848 = vector.extract_strided_slice %parallel_loop3A_722 {offsets = [6], sizes = [1], strides = [1]} : vector<16xf32> to vector<1xf32>
        %parallel_loop3A_849 = vector.extract %parallel_loop3A_848[0] : f32 from vector<1xf32>
        %parallel_loop3A_850 = vector.broadcast %parallel_loop3A_849 : f32 to vector<16xf32>
        %parallel_loop3A_851 = arith.mulf %mul3A_89, %parallel_loop3A_850 : vector<16xf32>
        %parallel_loop3A_852 = vector.broadcast %parallel_loop3A_847 : f32 to vector<16xf32>
        %parallel_loop3A_853 = arith.addf %parallel_loop3A_852, %parallel_loop3A_851 : vector<16xf32>
        %parallel_loop3A_854 = vector.extract_strided_slice %parallel_loop3A_727 {offsets = [6], sizes = [1], strides = [1]} : vector<16xf32> to vector<1xf32>
        %parallel_loop3A_855 = vector.extract %parallel_loop3A_854[0] : f32 from vector<1xf32>
        %parallel_loop3A_856 = vector.broadcast %parallel_loop3A_855 : f32 to vector<16xf32>
        %parallel_loop3A_857 = arith.mulf %mul3A_92, %parallel_loop3A_856 : vector<16xf32>
        %parallel_loop3A_858 = arith.addf %parallel_loop3A_853, %parallel_loop3A_857 : vector<16xf32>
        %parallel_loop3A_859 = vector.extract_strided_slice %parallel_loop3A_732 {offsets = [6], sizes = [1], strides = [1]} : vector<16xf32> to vector<1xf32>
        %parallel_loop3A_860 = vector.extract %parallel_loop3A_859[0] : f32 from vector<1xf32>
        %parallel_loop3A_861 = vector.broadcast %parallel_loop3A_860 : f32 to vector<16xf32>
        %parallel_loop3A_862 = arith.mulf %mul3A_95, %parallel_loop3A_861 : vector<16xf32>
        %parallel_loop3A_863 = arith.addf %parallel_loop3A_858, %parallel_loop3A_862 : vector<16xf32>
        %parallel_loop3A_864 = vector.extract_strided_slice %parallel_loop3A_737 {offsets = [7], sizes = [1], strides = [1]} : vector<16xf32> to vector<1xf32>
        %parallel_loop3A_865 = vector.extract %parallel_loop3A_864[0] : f32 from vector<1xf32>
        %parallel_loop3A_866 = vector.extract_strided_slice %parallel_loop3A_722 {offsets = [7], sizes = [1], strides = [1]} : vector<16xf32> to vector<1xf32>
        %parallel_loop3A_867 = vector.extract %parallel_loop3A_866[0] : f32 from vector<1xf32>
        %parallel_loop3A_868 = vector.broadcast %parallel_loop3A_867 : f32 to vector<16xf32>
        %parallel_loop3A_869 = arith.mulf %mul3A_89, %parallel_loop3A_868 : vector<16xf32>
        %parallel_loop3A_870 = vector.broadcast %parallel_loop3A_865 : f32 to vector<16xf32>
        %parallel_loop3A_871 = arith.addf %parallel_loop3A_870, %parallel_loop3A_869 : vector<16xf32>
        %parallel_loop3A_872 = vector.extract_strided_slice %parallel_loop3A_727 {offsets = [7], sizes = [1], strides = [1]} : vector<16xf32> to vector<1xf32>
        %parallel_loop3A_873 = vector.extract %parallel_loop3A_872[0] : f32 from vector<1xf32>
        %parallel_loop3A_874 = vector.broadcast %parallel_loop3A_873 : f32 to vector<16xf32>
        %parallel_loop3A_875 = arith.mulf %mul3A_92, %parallel_loop3A_874 : vector<16xf32>
        %parallel_loop3A_876 = arith.addf %parallel_loop3A_871, %parallel_loop3A_875 : vector<16xf32>
        %parallel_loop3A_877 = vector.extract_strided_slice %parallel_loop3A_732 {offsets = [7], sizes = [1], strides = [1]} : vector<16xf32> to vector<1xf32>
        %parallel_loop3A_878 = vector.extract %parallel_loop3A_877[0] : f32 from vector<1xf32>
        %parallel_loop3A_879 = vector.broadcast %parallel_loop3A_878 : f32 to vector<16xf32>
        %parallel_loop3A_880 = arith.mulf %mul3A_95, %parallel_loop3A_879 : vector<16xf32>
        %parallel_loop3A_881 = arith.addf %parallel_loop3A_876, %parallel_loop3A_880 : vector<16xf32>
        %parallel_loop3A_882 = vector.extract_strided_slice %parallel_loop3A_737 {offsets = [8], sizes = [1], strides = [1]} : vector<16xf32> to vector<1xf32>
        %parallel_loop3A_883 = vector.extract %parallel_loop3A_882[0] : f32 from vector<1xf32>
        %parallel_loop3A_884 = vector.extract_strided_slice %parallel_loop3A_722 {offsets = [8], sizes = [1], strides = [1]} : vector<16xf32> to vector<1xf32>
        %parallel_loop3A_885 = vector.extract %parallel_loop3A_884[0] : f32 from vector<1xf32>
        %parallel_loop3A_886 = vector.broadcast %parallel_loop3A_885 : f32 to vector<16xf32>
        %parallel_loop3A_887 = arith.mulf %mul3A_89, %parallel_loop3A_886 : vector<16xf32>
        %parallel_loop3A_888 = vector.broadcast %parallel_loop3A_883 : f32 to vector<16xf32>
        %parallel_loop3A_889 = arith.addf %parallel_loop3A_888, %parallel_loop3A_887 : vector<16xf32>
        %parallel_loop3A_890 = vector.extract_strided_slice %parallel_loop3A_727 {offsets = [8], sizes = [1], strides = [1]} : vector<16xf32> to vector<1xf32>
        %parallel_loop3A_891 = vector.extract %parallel_loop3A_890[0] : f32 from vector<1xf32>
        %parallel_loop3A_892 = vector.broadcast %parallel_loop3A_891 : f32 to vector<16xf32>
        %parallel_loop3A_893 = arith.mulf %mul3A_92, %parallel_loop3A_892 : vector<16xf32>
        %parallel_loop3A_894 = arith.addf %parallel_loop3A_889, %parallel_loop3A_893 : vector<16xf32>
        %parallel_loop3A_895 = vector.extract_strided_slice %parallel_loop3A_732 {offsets = [8], sizes = [1], strides = [1]} : vector<16xf32> to vector<1xf32>
        %parallel_loop3A_896 = vector.extract %parallel_loop3A_895[0] : f32 from vector<1xf32>
        %parallel_loop3A_897 = vector.broadcast %parallel_loop3A_896 : f32 to vector<16xf32>
        %parallel_loop3A_898 = arith.mulf %mul3A_95, %parallel_loop3A_897 : vector<16xf32>
        %parallel_loop3A_899 = arith.addf %parallel_loop3A_894, %parallel_loop3A_898 : vector<16xf32>
        %parallel_loop3A_900 = vector.extract_strided_slice %parallel_loop3A_737 {offsets = [9], sizes = [1], strides = [1]} : vector<16xf32> to vector<1xf32>
        %parallel_loop3A_901 = vector.extract %parallel_loop3A_900[0] : f32 from vector<1xf32>
        %parallel_loop3A_902 = vector.extract_strided_slice %parallel_loop3A_722 {offsets = [9], sizes = [1], strides = [1]} : vector<16xf32> to vector<1xf32>
        %parallel_loop3A_903 = vector.extract %parallel_loop3A_902[0] : f32 from vector<1xf32>
        %parallel_loop3A_904 = vector.broadcast %parallel_loop3A_903 : f32 to vector<16xf32>
        %parallel_loop3A_905 = arith.mulf %mul3A_89, %parallel_loop3A_904 : vector<16xf32>
        %parallel_loop3A_906 = vector.broadcast %parallel_loop3A_901 : f32 to vector<16xf32>
        %parallel_loop3A_907 = arith.addf %parallel_loop3A_906, %parallel_loop3A_905 : vector<16xf32>
        %parallel_loop3A_908 = vector.extract_strided_slice %parallel_loop3A_727 {offsets = [9], sizes = [1], strides = [1]} : vector<16xf32> to vector<1xf32>
        %parallel_loop3A_909 = vector.extract %parallel_loop3A_908[0] : f32 from vector<1xf32>
        %parallel_loop3A_910 = vector.broadcast %parallel_loop3A_909 : f32 to vector<16xf32>
        %parallel_loop3A_911 = arith.mulf %mul3A_92, %parallel_loop3A_910 : vector<16xf32>
        %parallel_loop3A_912 = arith.addf %parallel_loop3A_907, %parallel_loop3A_911 : vector<16xf32>
        %parallel_loop3A_913 = vector.extract_strided_slice %parallel_loop3A_732 {offsets = [9], sizes = [1], strides = [1]} : vector<16xf32> to vector<1xf32>
        %parallel_loop3A_914 = vector.extract %parallel_loop3A_913[0] : f32 from vector<1xf32>
        %parallel_loop3A_915 = vector.broadcast %parallel_loop3A_914 : f32 to vector<16xf32>
        %parallel_loop3A_916 = arith.mulf %mul3A_95, %parallel_loop3A_915 : vector<16xf32>
        %parallel_loop3A_917 = arith.addf %parallel_loop3A_912, %parallel_loop3A_916 : vector<16xf32>
        %parallel_loop3A_918 = vector.extract_strided_slice %parallel_loop3A_737 {offsets = [10], sizes = [1], strides = [1]} : vector<16xf32> to vector<1xf32>
        %parallel_loop3A_919 = vector.extract %parallel_loop3A_918[0] : f32 from vector<1xf32>
        %parallel_loop3A_920 = vector.extract_strided_slice %parallel_loop3A_722 {offsets = [10], sizes = [1], strides = [1]} : vector<16xf32> to vector<1xf32>
        %parallel_loop3A_921 = vector.extract %parallel_loop3A_920[0] : f32 from vector<1xf32>
        %parallel_loop3A_922 = vector.broadcast %parallel_loop3A_921 : f32 to vector<16xf32>
        %parallel_loop3A_923 = arith.mulf %mul3A_89, %parallel_loop3A_922 : vector<16xf32>
        %parallel_loop3A_924 = vector.broadcast %parallel_loop3A_919 : f32 to vector<16xf32>
        %parallel_loop3A_925 = arith.addf %parallel_loop3A_924, %parallel_loop3A_923 : vector<16xf32>
        %parallel_loop3A_926 = vector.extract_strided_slice %parallel_loop3A_727 {offsets = [10], sizes = [1], strides = [1]} : vector<16xf32> to vector<1xf32>
        %parallel_loop3A_927 = vector.extract %parallel_loop3A_926[0] : f32 from vector<1xf32>
        %parallel_loop3A_928 = vector.broadcast %parallel_loop3A_927 : f32 to vector<16xf32>
        %parallel_loop3A_929 = arith.mulf %mul3A_92, %parallel_loop3A_928 : vector<16xf32>
        %parallel_loop3A_930 = arith.addf %parallel_loop3A_925, %parallel_loop3A_929 : vector<16xf32>
        %parallel_loop3A_931 = vector.extract_strided_slice %parallel_loop3A_732 {offsets = [10], sizes = [1], strides = [1]} : vector<16xf32> to vector<1xf32>
        %parallel_loop3A_932 = vector.extract %parallel_loop3A_931[0] : f32 from vector<1xf32>
        %parallel_loop3A_933 = vector.broadcast %parallel_loop3A_932 : f32 to vector<16xf32>
        %parallel_loop3A_934 = arith.mulf %mul3A_95, %parallel_loop3A_933 : vector<16xf32>
        %parallel_loop3A_935 = arith.addf %parallel_loop3A_930, %parallel_loop3A_934 : vector<16xf32>
        %parallel_loop3A_936 = vector.extract_strided_slice %parallel_loop3A_737 {offsets = [11], sizes = [1], strides = [1]} : vector<16xf32> to vector<1xf32>
        %parallel_loop3A_937 = vector.extract %parallel_loop3A_936[0] : f32 from vector<1xf32>
        %parallel_loop3A_938 = vector.extract_strided_slice %parallel_loop3A_722 {offsets = [11], sizes = [1], strides = [1]} : vector<16xf32> to vector<1xf32>
        %parallel_loop3A_939 = vector.extract %parallel_loop3A_938[0] : f32 from vector<1xf32>
        %parallel_loop3A_940 = vector.broadcast %parallel_loop3A_939 : f32 to vector<16xf32>
        %parallel_loop3A_941 = arith.mulf %mul3A_89, %parallel_loop3A_940 : vector<16xf32>
        %parallel_loop3A_942 = vector.broadcast %parallel_loop3A_937 : f32 to vector<16xf32>
        %parallel_loop3A_943 = arith.addf %parallel_loop3A_942, %parallel_loop3A_941 : vector<16xf32>
        %parallel_loop3A_944 = vector.extract_strided_slice %parallel_loop3A_727 {offsets = [11], sizes = [1], strides = [1]} : vector<16xf32> to vector<1xf32>
        %parallel_loop3A_945 = vector.extract %parallel_loop3A_944[0] : f32 from vector<1xf32>
        %parallel_loop3A_946 = vector.broadcast %parallel_loop3A_945 : f32 to vector<16xf32>
        %parallel_loop3A_947 = arith.mulf %mul3A_92, %parallel_loop3A_946 : vector<16xf32>
        %parallel_loop3A_948 = arith.addf %parallel_loop3A_943, %parallel_loop3A_947 : vector<16xf32>
        %parallel_loop3A_949 = vector.extract_strided_slice %parallel_loop3A_732 {offsets = [11], sizes = [1], strides = [1]} : vector<16xf32> to vector<1xf32>
        %parallel_loop3A_950 = vector.extract %parallel_loop3A_949[0] : f32 from vector<1xf32>
        %parallel_loop3A_951 = vector.broadcast %parallel_loop3A_950 : f32 to vector<16xf32>
        %parallel_loop3A_952 = arith.mulf %mul3A_95, %parallel_loop3A_951 : vector<16xf32>
        %parallel_loop3A_953 = arith.addf %parallel_loop3A_948, %parallel_loop3A_952 : vector<16xf32>
        %parallel_loop3A_954 = vector.extract_strided_slice %parallel_loop3A_737 {offsets = [12], sizes = [1], strides = [1]} : vector<16xf32> to vector<1xf32>
        %parallel_loop3A_955 = vector.extract %parallel_loop3A_954[0] : f32 from vector<1xf32>
        %parallel_loop3A_956 = vector.extract_strided_slice %parallel_loop3A_722 {offsets = [12], sizes = [1], strides = [1]} : vector<16xf32> to vector<1xf32>
        %parallel_loop3A_957 = vector.extract %parallel_loop3A_956[0] : f32 from vector<1xf32>
        %parallel_loop3A_958 = vector.broadcast %parallel_loop3A_957 : f32 to vector<16xf32>
        %parallel_loop3A_959 = arith.mulf %mul3A_89, %parallel_loop3A_958 : vector<16xf32>
        %parallel_loop3A_960 = vector.broadcast %parallel_loop3A_955 : f32 to vector<16xf32>
        %parallel_loop3A_961 = arith.addf %parallel_loop3A_960, %parallel_loop3A_959 : vector<16xf32>
        %parallel_loop3A_962 = vector.extract_strided_slice %parallel_loop3A_727 {offsets = [12], sizes = [1], strides = [1]} : vector<16xf32> to vector<1xf32>
        %parallel_loop3A_963 = vector.extract %parallel_loop3A_962[0] : f32 from vector<1xf32>
        %parallel_loop3A_964 = vector.broadcast %parallel_loop3A_963 : f32 to vector<16xf32>
        %parallel_loop3A_965 = arith.mulf %mul3A_92, %parallel_loop3A_964 : vector<16xf32>
        %parallel_loop3A_966 = arith.addf %parallel_loop3A_961, %parallel_loop3A_965 : vector<16xf32>
        %parallel_loop3A_967 = vector.extract_strided_slice %parallel_loop3A_732 {offsets = [12], sizes = [1], strides = [1]} : vector<16xf32> to vector<1xf32>
        %parallel_loop3A_968 = vector.extract %parallel_loop3A_967[0] : f32 from vector<1xf32>
        %parallel_loop3A_969 = vector.broadcast %parallel_loop3A_968 : f32 to vector<16xf32>
        %parallel_loop3A_970 = arith.mulf %mul3A_95, %parallel_loop3A_969 : vector<16xf32>
        %parallel_loop3A_971 = arith.addf %parallel_loop3A_966, %parallel_loop3A_970 : vector<16xf32>
        %parallel_loop3A_972 = vector.extract_strided_slice %parallel_loop3A_737 {offsets = [13], sizes = [1], strides = [1]} : vector<16xf32> to vector<1xf32>
        %parallel_loop3A_973 = vector.extract %parallel_loop3A_972[0] : f32 from vector<1xf32>
        %parallel_loop3A_974 = vector.extract_strided_slice %parallel_loop3A_722 {offsets = [13], sizes = [1], strides = [1]} : vector<16xf32> to vector<1xf32>
        %parallel_loop3A_975 = vector.extract %parallel_loop3A_974[0] : f32 from vector<1xf32>
        %parallel_loop3A_976 = vector.broadcast %parallel_loop3A_975 : f32 to vector<16xf32>
        %parallel_loop3A_977 = arith.mulf %mul3A_89, %parallel_loop3A_976 : vector<16xf32>
        %parallel_loop3A_978 = vector.broadcast %parallel_loop3A_973 : f32 to vector<16xf32>
        %parallel_loop3A_979 = arith.addf %parallel_loop3A_978, %parallel_loop3A_977 : vector<16xf32>
        %parallel_loop3A_980 = vector.extract_strided_slice %parallel_loop3A_727 {offsets = [13], sizes = [1], strides = [1]} : vector<16xf32> to vector<1xf32>
        %parallel_loop3A_981 = vector.extract %parallel_loop3A_980[0] : f32 from vector<1xf32>
        %parallel_loop3A_982 = vector.broadcast %parallel_loop3A_981 : f32 to vector<16xf32>
        %parallel_loop3A_983 = arith.mulf %mul3A_92, %parallel_loop3A_982 : vector<16xf32>
        %parallel_loop3A_984 = arith.addf %parallel_loop3A_979, %parallel_loop3A_983 : vector<16xf32>
        %parallel_loop3A_985 = vector.extract_strided_slice %parallel_loop3A_732 {offsets = [13], sizes = [1], strides = [1]} : vector<16xf32> to vector<1xf32>
        %parallel_loop3A_986 = vector.extract %parallel_loop3A_985[0] : f32 from vector<1xf32>
        %parallel_loop3A_987 = vector.broadcast %parallel_loop3A_986 : f32 to vector<16xf32>
        %parallel_loop3A_988 = arith.mulf %mul3A_95, %parallel_loop3A_987 : vector<16xf32>
        %parallel_loop3A_989 = arith.addf %parallel_loop3A_984, %parallel_loop3A_988 : vector<16xf32>
        %parallel_loop3A_990 = vector.extract_strided_slice %parallel_loop3A_737 {offsets = [14], sizes = [1], strides = [1]} : vector<16xf32> to vector<1xf32>
        %parallel_loop3A_991 = vector.extract %parallel_loop3A_990[0] : f32 from vector<1xf32>
        %parallel_loop3A_992 = vector.extract_strided_slice %parallel_loop3A_722 {offsets = [14], sizes = [1], strides = [1]} : vector<16xf32> to vector<1xf32>
        %parallel_loop3A_993 = vector.extract %parallel_loop3A_992[0] : f32 from vector<1xf32>
        %parallel_loop3A_994 = vector.broadcast %parallel_loop3A_993 : f32 to vector<16xf32>
        %parallel_loop3A_995 = arith.mulf %mul3A_89, %parallel_loop3A_994 : vector<16xf32>
        %parallel_loop3A_996 = vector.broadcast %parallel_loop3A_991 : f32 to vector<16xf32>
        %parallel_loop3A_997 = arith.addf %parallel_loop3A_996, %parallel_loop3A_995 : vector<16xf32>
        %parallel_loop3A_998 = vector.extract_strided_slice %parallel_loop3A_727 {offsets = [14], sizes = [1], strides = [1]} : vector<16xf32> to vector<1xf32>
        %parallel_loop3A_999 = vector.extract %parallel_loop3A_998[0] : f32 from vector<1xf32>
        %parallel_loop3A_1000 = vector.broadcast %parallel_loop3A_999 : f32 to vector<16xf32>
        %parallel_loop3A_1001 = arith.mulf %mul3A_92, %parallel_loop3A_1000 : vector<16xf32>
        %parallel_loop3A_1002 = arith.addf %parallel_loop3A_997, %parallel_loop3A_1001 : vector<16xf32>
        %parallel_loop3A_1003 = vector.extract_strided_slice %parallel_loop3A_732 {offsets = [14], sizes = [1], strides = [1]} : vector<16xf32> to vector<1xf32>
        %parallel_loop3A_1004 = vector.extract %parallel_loop3A_1003[0] : f32 from vector<1xf32>
        %parallel_loop3A_1005 = vector.broadcast %parallel_loop3A_1004 : f32 to vector<16xf32>
        %parallel_loop3A_1006 = arith.mulf %mul3A_95, %parallel_loop3A_1005 : vector<16xf32>
        %parallel_loop3A_1007 = arith.addf %parallel_loop3A_1002, %parallel_loop3A_1006 : vector<16xf32>
        %parallel_loop3A_1008 = vector.extract_strided_slice %parallel_loop3A_737 {offsets = [15], sizes = [1], strides = [1]} : vector<16xf32> to vector<1xf32>
        %parallel_loop3A_1009 = vector.extract %parallel_loop3A_1008[0] : f32 from vector<1xf32>
        %parallel_loop3A_1010 = vector.extract_strided_slice %parallel_loop3A_722 {offsets = [15], sizes = [1], strides = [1]} : vector<16xf32> to vector<1xf32>
        %parallel_loop3A_1011 = vector.extract %parallel_loop3A_1010[0] : f32 from vector<1xf32>
        %parallel_loop3A_1012 = vector.broadcast %parallel_loop3A_1011 : f32 to vector<16xf32>
        %parallel_loop3A_1013 = arith.mulf %mul3A_89, %parallel_loop3A_1012 : vector<16xf32>
        %parallel_loop3A_1014 = vector.broadcast %parallel_loop3A_1009 : f32 to vector<16xf32>
        %parallel_loop3A_1015 = arith.addf %parallel_loop3A_1014, %parallel_loop3A_1013 : vector<16xf32>
        %parallel_loop3A_1016 = vector.extract_strided_slice %parallel_loop3A_727 {offsets = [15], sizes = [1], strides = [1]} : vector<16xf32> to vector<1xf32>
        %parallel_loop3A_1017 = vector.extract %parallel_loop3A_1016[0] : f32 from vector<1xf32>
        %parallel_loop3A_1018 = vector.broadcast %parallel_loop3A_1017 : f32 to vector<16xf32>
        %parallel_loop3A_1019 = arith.mulf %mul3A_92, %parallel_loop3A_1018 : vector<16xf32>
        %parallel_loop3A_1020 = arith.addf %parallel_loop3A_1015, %parallel_loop3A_1019 : vector<16xf32>
        %parallel_loop3A_1021 = vector.extract_strided_slice %parallel_loop3A_732 {offsets = [15], sizes = [1], strides = [1]} : vector<16xf32> to vector<1xf32>
        %parallel_loop3A_1022 = vector.extract %parallel_loop3A_1021[0] : f32 from vector<1xf32>
        %parallel_loop3A_1023 = vector.broadcast %parallel_loop3A_1022 : f32 to vector<16xf32>
        %parallel_loop3A_1024 = arith.mulf %mul3A_95, %parallel_loop3A_1023 : vector<16xf32>
        %parallel_loop3A_1025 = arith.addf %parallel_loop3A_1020, %parallel_loop3A_1024 : vector<16xf32>
        %parallel_loop3A_1026 = arith.minimumf %parallel_loop3A_755, %parallel_loop3A_773 : vector<16xf32>
        %parallel_loop3A_1027 = arith.minimumf %parallel_loop3A_791, %parallel_loop3A_809 : vector<16xf32>
        %parallel_loop3A_1028 = arith.minimumf %parallel_loop3A_827, %parallel_loop3A_845 : vector<16xf32>
        %parallel_loop3A_1029 = arith.minimumf %parallel_loop3A_863, %parallel_loop3A_881 : vector<16xf32>
        %parallel_loop3A_1030 = arith.minimumf %parallel_loop3A_899, %parallel_loop3A_917 : vector<16xf32>
        %parallel_loop3A_1031 = arith.minimumf %parallel_loop3A_935, %parallel_loop3A_953 : vector<16xf32>
        %parallel_loop3A_1032 = arith.minimumf %parallel_loop3A_971, %parallel_loop3A_989 : vector<16xf32>
        %parallel_loop3A_1033 = arith.minimumf %parallel_loop3A_1007, %parallel_loop3A_1025 : vector<16xf32>
        %parallel_loop3A_1034 = arith.minimumf %parallel_loop3A_1026, %parallel_loop3A_1027 : vector<16xf32>
        %parallel_loop3A_1035 = arith.minimumf %parallel_loop3A_1028, %parallel_loop3A_1029 : vector<16xf32>
        %parallel_loop3A_1036 = arith.minimumf %parallel_loop3A_1030, %parallel_loop3A_1031 : vector<16xf32>
        %parallel_loop3A_1037 = arith.minimumf %parallel_loop3A_1032, %parallel_loop3A_1033 : vector<16xf32>
        %parallel_loop3A_1038 = arith.minimumf %parallel_loop3A_1034, %parallel_loop3A_1035 : vector<16xf32>
        %parallel_loop3A_1039 = arith.minimumf %parallel_loop3A_1036, %parallel_loop3A_1037 : vector<16xf32>
        %parallel_loop3A_1040 = arith.minimumf %parallel_loop3A_1038, %parallel_loop3A_1039 : vector<16xf32>
        %parallel_loop3A_1041 = arith.minimumf %parallel_loop3A_717, %parallel_loop3A_1040 : vector<16xf32>
        scf.yield %parallel_loop3A_1041 : vector<16xf32>
      } {sc.loop_unroll_factor = 4 : i64, sc.parallel_access}
      %add3A_714 = arith.addf %scan3A_64, %parallel_loop3A_713 : vector<16xf32>
      %add3A_715 = arith.addf %add3A_714, %get3A_86 : vector<16xf32>
      scf.yield %add3A_715 : vector<16xf32>
    }
    %scan3A_48 = arith.constant 32 : i32
    %swap3A = arith.constant 0 : index
    %swap3A_49 = tpu.vector_load %arg7[%swap3A] {strides = array<i32>} : memref<32xf32, #tpu.memory_space<vmem>>, vector<16xf32>,
    %swap3A_50 = vector.shape_cast %swap3A_49 : vector<16xf32> to vector<16xf32>
    %swap3A_51 = vector.shape_cast %scan3A_39 : vector<16xf32> to vector<16xf32>
    tpu.vector_store %arg7[%swap3A], %swap3A_51 {strides = array<i32>} : memref<32xf32, #tpu.memory_space<vmem>>, vector<16xf32>,
    %swap3A_52 = arith.constant 16 : index
    %swap3A_53 = tpu.vector_load %arg7[%swap3A_52] {strides = array<i32>} : memref<32xf32, #tpu.memory_space<vmem>>, vector<16xf32>,
    %swap3A_54 = vector.shape_cast %swap3A_53 : vector<16xf32> to vector<16xf32>
    %swap3A_55 = vector.shape_cast %scan3A_47 : vector<16xf32> to vector<16xf32>
    tpu.vector_store %arg7[%swap3A_52], %swap3A_55 {strides = array<i32>} : memref<32xf32, #tpu.memory_space<vmem>>, vector<16xf32>,
    %mul3A_56 = arith.constant 16 : i32
    %mul3A_57 = arith.muli %arg0, %mul3A_56 : i32
    %add3A_58 = arith.addi %mul3A_57, %arg1 : i32
    %mul3A_59 = arith.constant 2 : i32
    %mul3A_60 = arith.muli %add3A_58, %mul3A_59 : i32
    %mul3A_61 = arith.constant 16 : i32
    %mul3A_62 = arith.muli %mul3A_60, %mul3A_61 : i32
    "tpu.region"() ({
      %run_scoped3A = tpu.sem_alloc : memref<!tpu.dma_semaphore, #tpu.memory_space<semaphore_mem>>
      %dma_start3A = tpu.memref_slice %arg4[%mul3A_62] : memref<1024xf32, #tpu.memory_space<hbm>> -> memref<32xf32, #tpu.memory_space<hbm>>
      %dma_start3A_63 = tpu.memref_slice %arg4[%mul3A_62] : memref<1024xf32, #tpu.memory_space<hbm>> -> memref<32xf32, #tpu.memory_space<hbm>>
      tpu.enqueue_dma source(%arg7 : memref<32xf32, #tpu.memory_space<vmem>>) target(%dma_start3A_63 : memref<32xf32, #tpu.memory_space<hbm>>) target_semaphore(%run_scoped3A : memref<!tpu.dma_semaphore, #tpu.memory_space<semaphore_mem>>)
      %dma_wait3A = tpu.memref_slice %arg4[%mul3A_62] : memref<1024xf32, #tpu.memory_space<hbm>> -> memref<32xf32, #tpu.memory_space<hbm>>
      %dma_wait3A_64 = tpu.memref_slice %arg4[%mul3A_62] : memref<1024xf32, #tpu.memory_space<hbm>> -> memref<32xf32, #tpu.memory_space<hbm>>
      tpu.wait_dma2 semaphore(%run_scoped3A : memref<!tpu.dma_semaphore, #tpu.memory_space<semaphore_mem>>) src(%arg7 : memref<32xf32, #tpu.memory_space<vmem>>) dst(%dma_wait3A_64 : memref<32xf32, #tpu.memory_space<hbm>>)
      tpu.yield
    }) : () -> ()
    return
  }
}

</mosaic_0001>

<sc_bundles>
// kernel: gather_offload_async_start.1
scs
__scs_entry_jumppad:
0x0: {  	(pc) =	sbr.rel $0x88, $3  }
0x1: {  	(tag) =	ssettag $0x0;
	lr =	simm.s32 $0x1  }
0x2: {  	[smem:$0x3F9F] =	sst lr;
	_ =	strace $0xD0000000  }
0x3: {  	_ = 	snop  }
0x4: {  	_ = 	snop  }
0x5: {  	_ = 	snop  }
0x6: {  	_ = 	snop  }
0x7: {  	_ = 	snop  }
__scs_overlays_trampoline_lowered:
0x8: {  	[smem:$0x3FAE] =	sst s0  }
0x9: {  	[smem:$0x3FAF] =	sst s1  }
0xa: {  	[smem:$0x3FB0] =	sst s2  }
0xb: {  	[smem:$0x3FB1] =	sst s3  }
0xc: {  	[smem:$0x3FB2] =	sst s4  }
0xd: {  	[smem:$0x3FB3] =	sst s5  }
0xe: {  	[smem:$0x3FB4] =	sst s6  }
0xf: {  	[smem:$0x3FB5] =	sst s7  }
0x10: {  	[smem:$0x3FB6] =	sst s8  }
0x11: {  	[smem:$0x3FB7] =	sst s9;
	s0 =	simm.s32 @!p0 $0x0  }
0x12: {  	s1 =	sld [smem:$0x3F9D];
	s0 =	simm.s32 @p0 $0x1  }
0x13: {  	[smem:$0x3FB8] =	sst s0;
	s0 =	simm.s32 @!p1 $0x0  }
0x14: {  	s2 =	sld [smem:$0x3F9C];
	s0 =	simm.s32 @p1 $0x1  }
0x15: {  	[smem:$0x3FB9] =	sst s0;
	s0 =	simm.s32 @!p2 $0x0  }
0x16: {  	s3 =	sld [smem:$0x3FDB];
	s0 =	simm.s32 @p2 $0x1  }
0x17: {  	s4 =	simm.s32 $0x1BF5;
	[smem:$0x3FBB] =	sst s0  }
0x18: {  	s0 =	sld [smem:$0x3F9E];
	_ =	swait.ge [sflag:s4], $0x0  }
0x19: {  	s7 =	sld [smem:$0x3F9F]  }
0x1a: {  	s8 =	sadd.s32 $0xFFFFE003, lr  }
0x1b: {  	s9 =	sadd.s32 $0xFFFFFEF7, lr;
	s5 =	simm.s32 $0xFFFFFFFF;
	p2 =	slt.u32 s8, $0xFFFFF086  }
0x1c: {  	p1 =	slt.u32 s9, $0xF7A;
	s5 =	simm.s32 @!p2 $0x0  }
0x1d: {  	s5 =	simm.s32 @p1 $0x1;
	p0 =	seq.s32 s7, s2  }
0x1e: {  	s7 =	smul.u32 @!p0 $0xF7A, s2;
	p2 =	seq.s32 @!p0 s5, $0x0  }
0x1f: {  	s9 =	smul.u32 $0xF7A, s1;
	s8 =	simm.s32 @!p0 $0x1BF5;
	p2 =	por !p2, p0  }
0x20: {  	[sflag:s8] =	ssyncset.s32 @!p0 $0xFFFFF086;
	s6 =	sadd.s32 @!p0 s3, s7;
	s7 =	simm.s32 @!p0 $0x108  }
0x21: {  	s3 =	sadd.s32 s3, s9;
	s6 =	sadd.s32 @!p0 $0x88, s6;
	s7 =	simm.s32 @p2 $0x1082  }
0x22: {  	[simem:s7], [sflag:s8] =	dma.local @!p0 [hbm:s6], $0xF7A  }
0x23: {  	s9 =	sor.u32 $0xD0000000, s2;
	s6 =	simm.s32 $0x108;
	_ =	swait.ge @!p0 [sflag:s8], $0x0  }
0x24: {  	s3 =	sadd.s32 $0x88, s3;
	s6 =	simm.s32 @!p1 $0x1082;
	[sflag:s4] =	ssyncset.s32 $0xFFFFF086  }
0x25: {  	[simem:s6], [sflag:s4] =	dma.local [hbm:s3], $0xF7A  }
0x26: {  	[smem:$0x3F9F] =	sst s1;
	(tag) =	ssettag s2;
	_ =	strace s9  }
0x27: {  	s1 =	sld [smem:$0x3FAF]  }
0x28: {  	s2 =	sld [smem:$0x3FB0]  }
0x29: {  	s4 =	sld [smem:$0x3FB2]  }
0x2a: {  	p0 =	seq.s32 s5, $0x0;
	s5 =	sld [smem:$0x3FB3]  }
0x2b: {  	s6 =	sld [smem:$0x3FB4]  }
0x2c: {  	s7 =	sld [smem:$0x3FB5]  }
0x2d: {  	s3 =	simm.s32 $0x108;
	s8 =	sld [smem:$0x3FB6]  }
0x2e: {  	s3 =	simm.s32 @!p0 $0x1082;
	s9 =	sld [smem:$0x3FB7]  }
0x2f: {  	lr =	sadd.s32 s0, s3;
	s0 =	sld [smem:$0x3FAE]  }
0x30: {  	s3 =	sld [smem:$0x3FB1]  }
0x31: {  	[smem:$0x3FBA] =	sst s10  }
0x32: {  	s10 =	sld [smem:$0x3FB8];
	_ =	sdelay $0x3  }
0x33: {  	p0 =	seq.s32 s10, $0x1;
	s10 =	sld [smem:$0x3FBA];
	_ =	sdelay $0x3  }
0x34: {  	[smem:$0x3FBA] =	sst s10  }
0x35: {  	s10 =	sld [smem:$0x3FB9];
	_ =	sdelay $0x3  }
0x36: {  	p1 =	seq.s32 s10, $0x1;
	s10 =	sld [smem:$0x3FBA];
	_ =	sdelay $0x3  }
0x37: {  	[smem:$0x3FBA] =	sst s10  }
0x38: {  	s10 =	sld [smem:$0x3FBB]  }
0x39: {  	_ = 	snop;
	(pc) =	sbr.ind lr, $3  }
0x3a: {  	_ = 	snop  }
0x3b: {  	_ = 	snop  }
0x3c: {  	p2 =	seq.s32 s10, $0x1;
	s10 =	sld [smem:$0x3FBA]  }
0x3d: {  	_ =	shalt  }
0x3e: {  	_ =	shalt  }
0x3f: {  	_ =	shalt  }
0x40: {  	_ =	shalt  }
0x41: {  	_ =	shalt  }
0x42: {  	_ =	shalt  }
0x43: {  	_ =	shalt  }
0x44: {  	_ =	shalt  }
0x45: {  	_ =	shalt  }
0x46: {  	_ =	shalt  }
0x47: {  	_ =	shalt  }
0x48: {  	_ =	shalt  }
0x49: {  	_ =	shalt  }
0x4a: {  	_ =	shalt  }
0x4b: {  	_ =	shalt  }
0x4c: {  	_ =	shalt  }
0x4d: {  	_ =	shalt  }
0x4e: {  	_ =	shalt  }
0x4f: {  	_ =	shalt  }
0x50: {  	_ =	shalt  }
0x51: {  	_ =	shalt  }
0x52: {  	_ =	shalt  }
0x53: {  	_ =	shalt  }
0x54: {  	_ =	shalt  }
0x55: {  	_ =	shalt  }
0x56: {  	_ =	shalt  }
0x57: {  	_ =	shalt  }
0x58: {  	_ =	shalt  }
0x59: {  	_ =	shalt  }
0x5a: {  	_ =	shalt  }
0x5b: {  	_ =	shalt  }
0x5c: {  	_ =	shalt  }
0x5d: {  	_ =	shalt  }
0x5e: {  	_ =	shalt  }
0x5f: {  	_ =	shalt  }
0x60: {  	_ =	shalt  }
0x61: {  	_ =	shalt  }
0x62: {  	_ =	shalt  }
0x63: {  	_ =	shalt  }
0x64: {  	_ =	shalt  }
0x65: {  	_ =	shalt  }
0x66: {  	_ =	shalt  }
0x67: {  	_ =	shalt  }
0x68: {  	_ =	shalt  }
0x69: {  	_ =	shalt  }
0x6a: {  	_ =	shalt  }
0x6b: {  	_ =	shalt  }
0x6c: {  	_ =	shalt  }
0x6d: {  	_ =	shalt  }
0x6e: {  	_ =	shalt  }
0x6f: {  	_ =	shalt  }
0x70: {  	_ =	shalt  }
0x71: {  	_ =	shalt  }
0x72: {  	_ =	shalt  }
0x73: {  	_ =	shalt  }
0x74: {  	_ =	shalt  }
0x75: {  	_ =	shalt  }
0x76: {  	_ =	shalt  }
0x77: {  	_ =	shalt  }
0x78: {  	_ =	shalt  }
0x79: {  	_ =	shalt  }
0x7a: {  	_ =	shalt  }
0x7b: {  	_ =	shalt  }
0x7c: {  	_ =	shalt  }
0x7d: {  	_ =	shalt  }
0x7e: {  	_ =	shalt  }
0x7f: {  	_ =	shalt  }
0x80: {  	_ =	shalt  }
0x81: {  	_ =	shalt  }
0x82: {  	_ =	shalt  }
0x83: {  	_ =	shalt  }
0x84: {  	_ =	shalt  }
0x85: {  	_ =	shalt  }
0x86: {  	_ =	shalt  }
0x87: {  	_ =	shalt  }
.Lfunc_end0:
.L_simem_size_0:
called_computation.1_lowered:
.L_overlay_start_0:
0x88: {  	s2 =	sld [smem:$0x3FD9]  }
0x89: {  	s3 =	sld [smem:$0x3FFE];
	_ =	sdelay $0x1  }
0x8a: {  	s1 =	srdreg.scid  }
0x8b: {  	s0 =	sand.u32 $0x1, s1  }
0x8c: {  	s16 =	sshll.u32 s0, $0xA;
	s2 =	sadd.s32 s3, s2  }
0x8d: {  	s2 =	sadd.s32 s2, s16  }
0x8e: {  	[smem:$0x3FC6] =	sst s2  }
0x8f: {  	_ = 	snop  }
0x90: {  	(tm) =	ssettm $0x1  }
0x91: {  	s17 =	sld [smem:$0x3FFB];
	_ =	sdelay $0x3  }
0x92: {  	_ =	strace s17  }
0x93: {  	s2 =	sld [smem:$0x3FFC];
	_ =	sdelay $0x3  }
0x94: {  	_ =	strace s2  }
0x95: {  	s2 =	sld [smem:$0x3FFD];
	_ =	sdelay $0x3  }
0x96: {  	_ =	strace s2  }
0x97: {  	_ =	strace $0x8FFFFFFF  }
0x98: {  	s18 =	sld [smem:$0x3FDB];
	_ =	sdelay $0x1  }
0x99: {  	s19 =	simm.s32 $_scs_section_size  }
0x9a: {  	s4 =	simm.s32 $_size__tile_overlayer_lowered;
	s5 =	simm.s32 $_tile_overlayer_lowered  }
0x9b: {  	s22 =	simm.s32 $0x1BFF;
	s21 =	sshll.u32 s5, $0x1;
	s2 =	sadd.s32 s19, s18  }
0x9c: {  	s6 =	simm.s32 $0x0;
	s20 =	sshll.u32 s4, $0x1;
	s4 =	sadd.s32 s21, s2  }
0x9d: {  	[timem:s6], [sflag:s22] =	dma.local [hbm:s4], s20  }
0x9e: {  	_ =	swait.ge [sflag:s22], s20  }
0x9f: {  	s3 =	ssub.s32 $0x0, s20;
	[sflag:s22] =	ssyncset.done $0x0  }
0xa0: {  	[sflag:s22] =	ssyncadd.s32 s3;
	_ =	sdelay $0x1  }
0xa1: {  	s23 =	simm.s32 $0x1B8B  }
0xa2: {  	_ =	swait.ge [sflag:s23], $0x1  }
0xa3: {  	[sflag:s23] =	ssyncset.done $0x0  }
0xa4: {  	s25 =	simm.s32 $0x1B8E;
	s24 =	sld [smem:$0x3FFE];
	[sflag:s23] =	ssyncadd.s32 $0xFFFFFFFF  }
0xa5: {  	s26 =	simm.s32 $execute0_lowered;
	[smem:$0x3FD2] =	sst s25  }
0xa6: {  	s4 =	sshll.u32 s26, $0x1;
	_ =	strace $0x8000004C;
	[dreg:$0x1] =	wrdreg $0xFFFFFFFF  }
0xa7: {  	s28 =	simm.s32 $_size_execute0_lowered;
	s2 =	sadd.s32 s2, s4;
	[dreg:$0x0] =	wrdreg $0x0  }
0xa8: {  	s4 =	sshll.u32 s28, $0x1;
	[dreg:$0x2] =	wrdreg s2  }
0xa9: {  	[dreg:$0x3] =	wrdreg s4  }
0xaa: {  	[dreg:$0x4] =	wrdreg $0xC0  }
0xab: {  	_ =	task [dreg:s6], $0x5FFFF  }
0xac: {  	[dreg:$0x1] =	wrdreg $0xFFFFFFFF  }
0xad: {  	[dreg:$0x0] =	wrdreg $0x60  }
0xae: {  	[dreg:$0x2] =	wrdreg s24  }
0xaf: {  	[dreg:$0x3] =	wrdreg $0x9  }
0xb0: {  	_ =	task.clear_ibuf [dreg:s6], $0x4FFFF;
	_ =	strace $0x9000004C  }
0xb1: {  	s29 =	simm.s32 $0x9;
	_ =	strace $0x8000004E  }
0xb2: {  	_ =	swait.ge [sflag:s29], $0x1  }
0xb3: {  	[sflag:s29] =	ssyncadd.s32 $0xFFFFFFFF  }
0xb4: {  	_ =	strace $0x9000004E  }
0xb5: {  	_ =	sfence  }
0xb6: {  	s30 =	sld [smem:$0x0];
	_ =	sdelay $0x2  }
0xb7: {  	s31 =	sshll.u32 s1, $0xD;
	s1 =	sshrl.u32 s1, $0x2  }
0xb8: {  	s3 =	sand.u32 $0x4000, s31;
	s1 =	sadd.s32 s1, s30  }
0xb9: {  	s0 =	sor.u32 s3, s0;
	s1 =	sshll.u32 s1, $0x11  }
0xba: {  	s0 =	sor.u32 s1, s0  }
0xbb: {  	s0 =	sadd.s32 $0x8F2B, s0  }
0xbc: {  	[sflag:s0] =	ssyncadd.remote.s32 $0x1  }
0xbd: {  	_ =	sfence.sel $0xFFFF  }
0xbe: {  	[dreg:$0x0] =	wrdreg $0xFFFFFFFF;
	(pc) =	sbr.abs _section_cstart, $3  }
0xbf: {  	[dreg:$0x1] =	wrdreg $0xFFFFFFFF  }
0xc0: {  	_ =	task.clear_ibuf [dreg:s6], $0x2FFFF;
	_ =	strace $0x9FFFFFFF  }
0xc1: {  	(tm) =	ssettm $0x7FFFFFFF  }
tec
execute0_lowered:
.L_overlay_start_1:
0x0: {  	(tag) =	ssettag $0x1  }
0x1: {  	s7 =	rddreg [dreg:$0x0]  }
0x2: {  	s0 =	rddreg [dreg:$0x1];
	_ =	strace $0x8000004D  }
0x3: {  	s1 =	srdreg.scid;
	s4 =	simm.s32 $0x1;
	s9 =	simm.s32 $0x3  }
0x4: {  	s11 =	simm.s32 $0x0;
	p0 =	por $0x0, $0x0;
	s5 =	sshll.u32 s1, $0x4  }
.Ltmp0:
0x5: {  	s1 =	stileid.u32;
	s5 =	sand.u32 $0x10, s5;
	(pc) =	sbr.rel .LBB2_1-.Ltmp0, $4  }
0x6: {  	s2 =	sadd.s32 $0x40A00, s7;
	s3 =	sadd.s32 $0x40200, s7;
	s6 =	sor.u32 s1, s5  }
0x7: {  	[sflag:s4] =	ssyncpa.u1 $0x0;
	s5 =	simm.s32 $0x2;
	s6 =	sshll.u32 s6, $0x9  }
0x8: {  	s7 =	sadd.s32 $0x80A00, s7;
	[sflag:s5] =	ssyncpa.u1 $0x0;
	s8 =	sadd.s32 $0x200, s6  }
0x9: {  	vm0 =	vmmov $0xff;
	vm1 =	vcmask $0x3F20;
	[sflag:s9] =	ssyncpa.u1 $0x0;
	s10 =	smov.u32 s6;
	s9 =	simm.s32 $0x0  }
.LBB2_7:
0xa: {  	p1 =	slt.u32 s9, $0x2;
	s11 =	sadd.s32 $0x100, s10  }
0xb: {  	s13 =	smov.u32 s6;
	s9 =	sadd.s32 $0x1, s9;
	p2 =	slt.s32 s11, s8  }
0xc: {  	s13 =	smov.u32 @p2 s11;
	p2 =	sne.s32 s9, $0x4  }
.Ltmp1:
0xd: {  	_ = 	snop;
	(pc) =	sbr.rel @!p2 .LBB2_8-.Ltmp1, $4  }
0xe: {  	s12 =	simm.s32 @!p1 $0x3  }
0xf: {  	_ =	swait.ge @!p1 [sflag:s12], $0x8000  }
0x10: {  	p0 =	por !p0, !p0;
	[sflag:s12] =	ssyncset.done @!p1 $0x0  }
0x11: {  	s11 =	smov.u32 s10;
	s10 =	smov.u32 s13;
	[sflag:s12] =	ssyncadd.s32 @!p1 $0xFFFF8000  }
.LBB2_1:
0x12: {  	p1 =	sgt.u32 s9, $0x1  }
0x13: {  	s12 =	sshll.u32 @!p1 s9, $0x8;
	s13 =	sshrl.u32 @!p1 s10, $0x3  }
0x14: {  	s14 =	sand.u32 @!p1 $0x7, s10;
	s12 =	sxor.u32 @!p1 $0x100, s12;
	s13 =	sadd.s32 @!p1 s3, s13  }
0x15: {  	[tilespmem:s12], [sflag:$0x2] =	stream.linear.gather @!p1 [hbm4b:s13+s14], $0x100, $0x38;
	[tilespmem:$0x10200] =	vst v63  }
0x16: {  	p1 =	seq.s32 s9, $0x0  }
0x17: {  	p2 =	seq.s32 @!p1 s9, $0x3  }
0x18: {  	p1 =	por p1, p2  }
.Ltmp2:
0x19: {  	_ = 	snop;
	(pc) =	sbr.rel @p1 .LBB2_7-.Ltmp2, $1  }
0x1a: {  	_ =	sdelay $0x3  }
0x1b: {  	s12 =	simm.s32 $0x1  }
0x1c: {  	_ =	swait.ge [sflag:s5], $0x100;
	s12 =	simm.s32 @!p0 $0x0  }
0x1d: {  	[sflag:s5] =	ssyncset.done $0x0;
	s14 =	sshll.u32 s12, $0x8  }
0x1e: {  	[sflag:s5] =	ssyncadd.s32 $0xFFFFFF00;
	s13 =	sadd.s32 $0x0, s14  }
0x1f: {  	v0 =	vld.msk [tilespmem:s13+$0x0 ss:$0x1], $0xffff;
	_ =	sdelay $0x4  }
0x20: {  	vm2 =	veq.s32 v0, $0x80000000  }
0x21: {  	v1 =	vshll.u32 v0, $0x13;
	v2 =	vshll.u32 v0, $0xD;
	v0 =	vshll.u32 v0, $0x1  }
0x22: {  	v1 =	vand.u32 $0x180000, v1;
	v2 =	vand.u32 $0x78000, v2;
	v0 =	vand.u32 $0x7F80, v0  }
0x23: {  	v1 =	vor.u32 v2, v1;
	v0 =	vsel vm2, $0xFFFFFF80, v0  }
0x24: {  	v1 =	vsel vm2, $0xFFF78000, v1;
	v2 =	vand.u32 $0xFFFFFC00, v0  }
0x25: {  	v0 =	vand.u32 $0x380, v0;
	v1 =	vadd.s32 v2, v1  }
0x26: {  	v0 =	vor.u32 v0, v1  }
0x27: {  	v0 =	vshrl.u32 v0, $0x3;
	_ =	sdelay $0x2  }
0x28: {  	s12 =	sshll.u32 s12, $0xF  }
0x29: {  	s12 =	sor.u32 $0x200, s12  }
0x2a: {  	[tilespmem:s12], [sflag:$0x1] =	stream.indirect_vreg.gather [hbm:s2], $0x80, v0, vm0, $0x38;
	[tilespmem:$0x10200] =	vst v63  }
0x2b: {  	s15 =	sadd.s32 $0x10, s14;
	s13 =	sadd.s32 $0x400, s12  }
0x2c: {  	[tilespmem:s13], [sflag:$0x1] =	stream.indirect_vreg.gather [hbm:s2], $0x80, v0, vm1, $0x38;
	[tilespmem:$0x10200] =	vst v63  }
0x2d: {  	s16 =	simm.s32 $0x80;
	v0 =	vld.msk [tilespmem:s15+$0x0 ss:$0x1], $0xffff;
	s15 =	smov.u32 s12  }
.LBB2_3:
0x2e: {  	p1 =	sne.s32 s16, $0x3C0;
	_ =	sdelay $0x4  }
0x2f: {  	vm2 =	veq.s32 v0, $0x80000000  }
0x30: {  	v1 =	vshll.u32 v0, $0x13;
	v2 =	vshll.u32 v0, $0xD;
	v0 =	vshll.u32 v0, $0x1  }
0x31: {  	v1 =	vand.u32 $0x180000, v1;
	v2 =	vand.u32 $0x78000, v2;
	v0 =	vand.u32 $0x7F80, v0  }
0x32: {  	v1 =	vor.u32 v2, v1;
	v0 =	vsel vm2, $0xFFFFFF80, v0  }
0x33: {  	v1 =	vsel vm2, $0xFFF78000, v1;
	v2 =	vand.u32 $0xFFFFFC00, v0  }
0x34: {  	v0 =	vand.u32 $0x380, v0;
	v1 =	vadd.s32 v2, v1  }
0x35: {  	v0 =	vor.u32 v0, v1  }
0x36: {  	v0 =	vshrl.u32 v0, $0x3;
	_ =	sdelay $0x3  }
.Ltmp3:
0x37: {  	s17 =	sshra.s32 s16, $0x2;
	s15 =	sadd.s32 $0x800, s15;
	(pc) =	sbr.rel @p1 .LBB2_3-.Ltmp3, $4  }
0x38: {  	[tilespmem:s15], [sflag:$0x1] =	stream.indirect_vreg.gather [hbm:s2], $0x80, v0, vm0, $0x38;
	[tilespmem:$0x10200] =	vst v63  }
0x39: {  	s17 =	sadd.s32 s17, s14;
	s18 =	sadd.s32 $0x400, s15  }
0x3a: {  	[tilespmem:s18], [sflag:$0x1] =	stream.indirect_vreg.gather [hbm:s2], $0x80, v0, vm1, $0x38;
	[tilespmem:$0x10200] =	vst v63  }
0x3b: {  	s16 =	sadd.s32 $0x40, s16;
	v0 =	vld.msk [tilespmem:s17+$0x0 ss:$0x1], $0xffff  }
0x3c: {  	_ =	sdelay $0x3  }
0x3d: {  	vm2 =	veq.s32 v0, $0x80000000  }
0x3e: {  	v1 =	vshll.u32 v0, $0x13;
	v2 =	vshll.u32 v0, $0xD;
	v62 =	vshll.u32 v0, $0x1  }
0x3f: {  	v1 =	vand.u32 $0x180000, v1;
	v2 =	vand.u32 $0x78000, v2;
	v0 =	vand.u32 $0x7F80, v62  }
0x40: {  	v1 =	vor.u32 v2, v1;
	v0 =	vsel vm2, $0xFFFFFF80, v0  }
0x41: {  	v1 =	vsel vm2, $0xFFF78000, v1;
	v63 =	vand.u32 $0xFFFFFC00, v0  }
0x42: {  	v0 =	vand.u32 $0x380, v0;
	v1 =	vadd.s32 v63, v1  }
0x43: {  	v0 =	vor.u32 v0, v1  }
0x44: {  	v0 =	vshrl.u32 v0, $0x3;
	_ =	sdelay $0x3  }
0x45: {  	s14 =	sadd.s32 $0x800, s15  }
0x46: {  	[tilespmem:s14], [sflag:$0x1] =	stream.indirect_vreg.gather [hbm:s2], $0x80, v0, vm0, $0x38;
	[tilespmem:$0x10200] =	vst v63  }
0x47: {  	s14 =	sadd.s32 $0x400, s14  }
0x48: {  	[tilespmem:s14], [sflag:$0x1] =	stream.indirect_vreg.gather [hbm:s2], $0x80, v0, vm1, $0x38;
	[tilespmem:$0x10200] =	vst v63  }
0x49: {  	s11 =	sshll.u32 s11, $0x4;
	_ =	swait.ge [sflag:s4], $0x8000  }
0x4a: {  	s11 =	sadd.s32 s11, s7;
	[sflag:s4] =	ssyncset.done $0x0  }
0x4b: {  	s15 =	sadd.s32 $0x0, s11;
	s14 =	simm.s32 $0x80;
	[sflag:s4] =	ssyncadd.s32 $0xFFFF8000  }
.LBB2_5:
0x4c: {  	[hbm:s15] =	stream.linear.scatter [tilespmem:s12], [sflag:$0x3], $0x400, $0x38;
	[tilespmem:$0x10200] =	vst v63  }
0x4d: {  	s15 =	smov.u32 s14;
	s12 =	smov.u32 s13;
	p1 =	sne.s32 s14, $0xF80  }
.Ltmp4:
0x4e: {  	s14 =	sadd.s32 $0x80, s14;
	(pc) =	sbr.rel @p1 .LBB2_5-.Ltmp4, $2  }
0x4f: {  	_ =	sdelay $0x2  }
0x50: {  	s13 =	sadd.s32 $0x400, s13;
	s15 =	sadd.s32 s15, s11  }
.Ltmp5:
0x51: {  	(pc) =	sbr.rel .LBB2_7-.Ltmp5, $2  }
0x52: {  	_ =	sdelay $0x2  }
0x53: {  	[hbm:s15] =	stream.linear.scatter [tilespmem:s12], [sflag:$0x3], $0x400, $0x38;
	[tilespmem:$0x10200] =	vst v63  }
.LBB2_8:
0x54: {  	_ =	sfence.sel $0x180000  }
0x55: {  	s2 =	simm.s32 $0x2;
	[bflag:$0x0] =	sbarrier.arrive $0xFFFF  }
0x56: {  	s30 =	simm.s32 $0x3;
	[sflag:s2] =	ssyncpa.u1 $0x1  }
0x57: {  	s31 =	simm.s32 $0x1;
	[sflag:s30] =	ssyncpa.u1 $0x1  }
0x58: {  	[sflag:s31] =	ssyncpa.u1 $0x1  }
0x59: {  	p0 =	sne.s32 s1, $0x0;
	_ =	strace $0x9000004D  }
0x5a: {  	s0 =	sadd.s32 @!p0 $0x100000, s0;
	[bflag:$0x2] =	sbarrier.arrive $0xFFFF  }
0x5b: {  	[sflag:s0] =	ssyncadd.tile.s32 @!p0 $0x1;
	_ =	shalt  }
.Lfunc_end2:
_tile_overlayer_lowered:
.L_overlay_start_2:
0x5c: {  	(tag) =	ssettag $0x2  }
0x5d: {  	s0 =	rddreg [dreg:$0x0];
	s2 =	stileid.u32  }
0x5e: {  	s1 =	rddreg [dreg:$0x1];
	p0 =	sne.s32 s2, $0x0  }
0x5f: {  	s3 =	rddreg [dreg:$0x2];
	[bflag:$0x3] =	sbarrier.arrive $0xFFFF;
	s2 =	simm.s32 @!p0 $0x1C01  }
0x60: {  	[timem:s3], [sflag:s2] =	dma.local @!p0 [hbm:s0], s1  }
0x61: {  	s0 =	simm.s32 @!p0 $0x1  }
0x62: {  	_ =	swait.ge @!p0 [sflag:s0], s1  }
0x63: {  	s1 =	ssub.s32 @!p0 $0x0, s1;
	[sflag:s0] =	ssyncset.done @!p0 $0x0  }
0x64: {  	[sflag:s0] =	ssyncadd.s32 @!p0 s1  }
0x65: {  	[bflag:$0x3] =	sbarrier.arrive $0xFFFF  }
0x66: {  	_ =	shalt  }

// kernel: gather_offload_async_start.2
scs
__scs_entry_jumppad:
0x0: {  	(pc) =	sbr.rel $0x88, $3  }
0x1: {  	(tag) =	ssettag $0x0;
	lr =	simm.s32 $0x1  }
0x2: {  	[smem:$0x3F9F] =	sst lr;
	_ =	strace $0xD0000000  }
0x3: {  	_ = 	snop  }
0x4: {  	_ = 	snop  }
0x5: {  	_ = 	snop  }
0x6: {  	_ = 	snop  }
0x7: {  	_ = 	snop  }
__scs_overlays_trampoline_lowered:
0x8: {  	[smem:$0x3FAE] =	sst s0  }
0x9: {  	[smem:$0x3FAF] =	sst s1  }
0xa: {  	[smem:$0x3FB0] =	sst s2  }
0xb: {  	[smem:$0x3FB1] =	sst s3  }
0xc: {  	[smem:$0x3FB2] =	sst s4  }
0xd: {  	[smem:$0x3FB3] =	sst s5  }
0xe: {  	[smem:$0x3FB4] =	sst s6  }
0xf: {  	[smem:$0x3FB5] =	sst s7  }
0x10: {  	[smem:$0x3FB6] =	sst s8  }
0x11: {  	[smem:$0x3FB7] =	sst s9;
	s0 =	simm.s32 @!p0 $0x0  }
0x12: {  	s1 =	sld [smem:$0x3F9D];
	s0 =	simm.s32 @p0 $0x1  }
0x13: {  	[smem:$0x3FB8] =	sst s0;
	s0 =	simm.s32 @!p1 $0x0  }
0x14: {  	s2 =	sld [smem:$0x3F9C];
	s0 =	simm.s32 @p1 $0x1  }
0x15: {  	[smem:$0x3FB9] =	sst s0;
	s0 =	simm.s32 @!p2 $0x0  }
0x16: {  	s3 =	sld [smem:$0x3FDB];
	s0 =	simm.s32 @p2 $0x1  }
0x17: {  	s4 =	simm.s32 $0x1BF5;
	[smem:$0x3FBB] =	sst s0  }
0x18: {  	s0 =	sld [smem:$0x3F9E];
	_ =	swait.ge [sflag:s4], $0x0  }
0x19: {  	s7 =	sld [smem:$0x3F9F]  }
0x1a: {  	s8 =	sadd.s32 $0xFFFFE003, lr  }
0x1b: {  	s9 =	sadd.s32 $0xFFFFFEF7, lr;
	s5 =	simm.s32 $0xFFFFFFFF;
	p2 =	slt.u32 s8, $0xFFFFF086  }
0x1c: {  	p1 =	slt.u32 s9, $0xF7A;
	s5 =	simm.s32 @!p2 $0x0  }
0x1d: {  	s5 =	simm.s32 @p1 $0x1;
	p0 =	seq.s32 s7, s2  }
0x1e: {  	s7 =	smul.u32 @!p0 $0xF7A, s2;
	p2 =	seq.s32 @!p0 s5, $0x0  }
0x1f: {  	s9 =	smul.u32 $0xF7A, s1;
	s8 =	simm.s32 @!p0 $0x1BF5;
	p2 =	por !p2, p0  }
0x20: {  	[sflag:s8] =	ssyncset.s32 @!p0 $0xFFFFF086;
	s6 =	sadd.s32 @!p0 s3, s7;
	s7 =	simm.s32 @!p0 $0x108  }
0x21: {  	s3 =	sadd.s32 s3, s9;
	s6 =	sadd.s32 @!p0 $0x88, s6;
	s7 =	simm.s32 @p2 $0x1082  }
0x22: {  	[simem:s7], [sflag:s8] =	dma.local @!p0 [hbm:s6], $0xF7A  }
0x23: {  	s9 =	sor.u32 $0xD0000000, s2;
	s6 =	simm.s32 $0x108;
	_ =	swait.ge @!p0 [sflag:s8], $0x0  }
0x24: {  	s3 =	sadd.s32 $0x88, s3;
	s6 =	simm.s32 @!p1 $0x1082;
	[sflag:s4] =	ssyncset.s32 $0xFFFFF086  }
0x25: {  	[simem:s6], [sflag:s4] =	dma.local [hbm:s3], $0xF7A  }
0x26: {  	[smem:$0x3F9F] =	sst s1;
	(tag) =	ssettag s2;
	_ =	strace s9  }
0x27: {  	s1 =	sld [smem:$0x3FAF]  }
0x28: {  	s2 =	sld [smem:$0x3FB0]  }
0x29: {  	s4 =	sld [smem:$0x3FB2]  }
0x2a: {  	p0 =	seq.s32 s5, $0x0;
	s5 =	sld [smem:$0x3FB3]  }
0x2b: {  	s6 =	sld [smem:$0x3FB4]  }
0x2c: {  	s7 =	sld [smem:$0x3FB5]  }
0x2d: {  	s3 =	simm.s32 $0x108;
	s8 =	sld [smem:$0x3FB6]  }
0x2e: {  	s3 =	simm.s32 @!p0 $0x1082;
	s9 =	sld [smem:$0x3FB7]  }
0x2f: {  	lr =	sadd.s32 s0, s3;
	s0 =	sld [smem:$0x3FAE]  }
0x30: {  	s3 =	sld [smem:$0x3FB1]  }
0x31: {  	[smem:$0x3FBA] =	sst s10  }
0x32: {  	s10 =	sld [smem:$0x3FB8];
	_ =	sdelay $0x3  }
0x33: {  	p0 =	seq.s32 s10, $0x1;
	s10 =	sld [smem:$0x3FBA];
	_ =	sdelay $0x3  }
0x34: {  	[smem:$0x3FBA] =	sst s10  }
0x35: {  	s10 =	sld [smem:$0x3FB9];
	_ =	sdelay $0x3  }
0x36: {  	p1 =	seq.s32 s10, $0x1;
	s10 =	sld [smem:$0x3FBA];
	_ =	sdelay $0x3  }
0x37: {  	[smem:$0x3FBA] =	sst s10  }
0x38: {  	s10 =	sld [smem:$0x3FBB]  }
0x39: {  	_ = 	snop;
	(pc) =	sbr.ind lr, $3  }
0x3a: {  	_ = 	snop  }
0x3b: {  	_ = 	snop  }
0x3c: {  	p2 =	seq.s32 s10, $0x1;
	s10 =	sld [smem:$0x3FBA]  }
0x3d: {  	_ =	shalt  }
0x3e: {  	_ =	shalt  }
0x3f: {  	_ =	shalt  }
0x40: {  	_ =	shalt  }
0x41: {  	_ =	shalt  }
0x42: {  	_ =	shalt  }
0x43: {  	_ =	shalt  }
0x44: {  	_ =	shalt  }
0x45: {  	_ =	shalt  }
0x46: {  	_ =	shalt  }
0x47: {  	_ =	shalt  }
0x48: {  	_ =	shalt  }
0x49: {  	_ =	shalt  }
0x4a: {  	_ =	shalt  }
0x4b: {  	_ =	shalt  }
0x4c: {  	_ =	shalt  }
0x4d: {  	_ =	shalt  }
0x4e: {  	_ =	shalt  }
0x4f: {  	_ =	shalt  }
0x50: {  	_ =	shalt  }
0x51: {  	_ =	shalt  }
0x52: {  	_ =	shalt  }
0x53: {  	_ =	shalt  }
0x54: {  	_ =	shalt  }
0x55: {  	_ =	shalt  }
0x56: {  	_ =	shalt  }
0x57: {  	_ =	shalt  }
0x58: {  	_ =	shalt  }
0x59: {  	_ =	shalt  }
0x5a: {  	_ =	shalt  }
0x5b: {  	_ =	shalt  }
0x5c: {  	_ =	shalt  }
0x5d: {  	_ =	shalt  }
0x5e: {  	_ =	shalt  }
0x5f: {  	_ =	shalt  }
0x60: {  	_ =	shalt  }
0x61: {  	_ =	shalt  }
0x62: {  	_ =	shalt  }
0x63: {  	_ =	shalt  }
0x64: {  	_ =	shalt  }
0x65: {  	_ =	shalt  }
0x66: {  	_ =	shalt  }
0x67: {  	_ =	shalt  }
0x68: {  	_ =	shalt  }
0x69: {  	_ =	shalt  }
0x6a: {  	_ =	shalt  }
0x6b: {  	_ =	shalt  }
0x6c: {  	_ =	shalt  }
0x6d: {  	_ =	shalt  }
0x6e: {  	_ =	shalt  }
0x6f: {  	_ =	shalt  }
0x70: {  	_ =	shalt  }
0x71: {  	_ =	shalt  }
0x72: {  	_ =	shalt  }
0x73: {  	_ =	shalt  }
0x74: {  	_ =	shalt  }
0x75: {  	_ =	shalt  }
0x76: {  	_ =	shalt  }
0x77: {  	_ =	shalt  }
0x78: {  	_ =	shalt  }
0x79: {  	_ =	shalt  }
0x7a: {  	_ =	shalt  }
0x7b: {  	_ =	shalt  }
0x7c: {  	_ =	shalt  }
0x7d: {  	_ =	shalt  }
0x7e: {  	_ =	shalt  }
0x7f: {  	_ =	shalt  }
0x80: {  	_ =	shalt  }
0x81: {  	_ =	shalt  }
0x82: {  	_ =	shalt  }
0x83: {  	_ =	shalt  }
0x84: {  	_ =	shalt  }
0x85: {  	_ =	shalt  }
0x86: {  	_ =	shalt  }
0x87: {  	_ =	shalt  }
.Lfunc_end0:
.L_simem_size_0:
called_computation.2_lowered:
.L_overlay_start_0:
0x88: {  	s2 =	sld [smem:$0x3FD9]  }
0x89: {  	s3 =	sld [smem:$0x3FFE];
	_ =	sdelay $0x1  }
0x8a: {  	s1 =	srdreg.scid  }
0x8b: {  	s0 =	sand.u32 $0x1, s1  }
0x8c: {  	s16 =	sshll.u32 s0, $0xA;
	s2 =	sadd.s32 s3, s2  }
0x8d: {  	s2 =	sadd.s32 s2, s16  }
0x8e: {  	[smem:$0x3FC6] =	sst s2  }
0x8f: {  	_ = 	snop  }
0x90: {  	(tm) =	ssettm $0x1  }
0x91: {  	s17 =	sld [smem:$0x3FFB];
	_ =	sdelay $0x3  }
0x92: {  	_ =	strace s17  }
0x93: {  	s2 =	sld [smem:$0x3FFC];
	_ =	sdelay $0x3  }
0x94: {  	_ =	strace s2  }
0x95: {  	s2 =	sld [smem:$0x3FFD];
	_ =	sdelay $0x3  }
0x96: {  	_ =	strace s2  }
0x97: {  	_ =	strace $0x8FFFFFFF  }
0x98: {  	s18 =	sld [smem:$0x3FDB];
	_ =	sdelay $0x1  }
0x99: {  	s19 =	simm.s32 $_scs_section_size  }
0x9a: {  	s4 =	simm.s32 $_size__tile_overlayer_lowered;
	s5 =	simm.s32 $_tile_overlayer_lowered  }
0x9b: {  	s22 =	simm.s32 $0x1BFF;
	s21 =	sshll.u32 s5, $0x1;
	s2 =	sadd.s32 s19, s18  }
0x9c: {  	s6 =	simm.s32 $0x0;
	s20 =	sshll.u32 s4, $0x1;
	s4 =	sadd.s32 s21, s2  }
0x9d: {  	[timem:s6], [sflag:s22] =	dma.local [hbm:s4], s20  }
0x9e: {  	_ =	swait.ge [sflag:s22], s20  }
0x9f: {  	s3 =	ssub.s32 $0x0, s20;
	[sflag:s22] =	ssyncset.done $0x0  }
0xa0: {  	[sflag:s22] =	ssyncadd.s32 s3;
	_ =	sdelay $0x1  }
0xa1: {  	s23 =	simm.s32 $0x1B8B  }
0xa2: {  	_ =	swait.ge [sflag:s23], $0x1  }
0xa3: {  	[sflag:s23] =	ssyncset.done $0x0  }
0xa4: {  	s25 =	simm.s32 $0x1B8E;
	s24 =	sld [smem:$0x3FFE];
	[sflag:s23] =	ssyncadd.s32 $0xFFFFFFFF  }
0xa5: {  	s26 =	simm.s32 $execute0_lowered;
	[smem:$0x3FD2] =	sst s25  }
0xa6: {  	s4 =	sshll.u32 s26, $0x1;
	_ =	strace $0x80000049;
	[dreg:$0x1] =	wrdreg $0xFFFFFFFF  }
0xa7: {  	s28 =	simm.s32 $_size_execute0_lowered;
	s2 =	sadd.s32 s2, s4;
	[dreg:$0x0] =	wrdreg $0x0  }
0xa8: {  	s4 =	sshll.u32 s28, $0x1;
	[dreg:$0x2] =	wrdreg s2  }
0xa9: {  	[dreg:$0x3] =	wrdreg s4  }
0xaa: {  	[dreg:$0x4] =	wrdreg $0xC0  }
0xab: {  	_ =	task [dreg:s6], $0x5FFFF  }
0xac: {  	[dreg:$0x1] =	wrdreg $0xFFFFFFFF  }
0xad: {  	[dreg:$0x0] =	wrdreg $0x60  }
0xae: {  	[dreg:$0x2] =	wrdreg s24  }
0xaf: {  	[dreg:$0x3] =	wrdreg $0x9  }
0xb0: {  	_ =	task.clear_ibuf [dreg:s6], $0x4FFFF;
	_ =	strace $0x90000049  }
0xb1: {  	s29 =	simm.s32 $0x9;
	_ =	strace $0x8000004B  }
0xb2: {  	_ =	swait.ge [sflag:s29], $0x1  }
0xb3: {  	[sflag:s29] =	ssyncadd.s32 $0xFFFFFFFF  }
0xb4: {  	_ =	strace $0x9000004B  }
0xb5: {  	_ =	sfence  }
0xb6: {  	s30 =	sld [smem:$0x0];
	_ =	sdelay $0x2  }
0xb7: {  	s31 =	sshll.u32 s1, $0xD;
	s1 =	sshrl.u32 s1, $0x2  }
0xb8: {  	s3 =	sand.u32 $0x4000, s31;
	s1 =	sadd.s32 s1, s30  }
0xb9: {  	s0 =	sor.u32 s3, s0;
	s1 =	sshll.u32 s1, $0x11  }
0xba: {  	s0 =	sor.u32 s1, s0  }
0xbb: {  	s0 =	sadd.s32 $0x8F2B, s0  }
0xbc: {  	[sflag:s0] =	ssyncadd.remote.s32 $0x1  }
0xbd: {  	_ =	sfence.sel $0xFFFF  }
0xbe: {  	[dreg:$0x0] =	wrdreg $0xFFFFFFFF;
	(pc) =	sbr.abs _section_cstart, $3  }
0xbf: {  	[dreg:$0x1] =	wrdreg $0xFFFFFFFF  }
0xc0: {  	_ =	task.clear_ibuf [dreg:s6], $0x2FFFF;
	_ =	strace $0x9FFFFFFF  }
0xc1: {  	(tm) =	ssettm $0x7FFFFFFF  }
tec
execute0_lowered:
.L_overlay_start_1:
0x0: {  	(tag) =	ssettag $0x1  }
0x1: {  	s2 =	rddreg [dreg:$0x0]  }
0x2: {  	s0 =	rddreg [dreg:$0x1]  }
0x3: {  	s1 =	srdreg.scid;
	_ =	strace $0x8000004A;
	s4 =	simm.s32 $0x1  }
0x4: {  	s9 =	simm.s32 $0x3;
	s11 =	simm.s32 $0x0;
	s5 =	sshll.u32 s1, $0x4  }
.Ltmp0:
0x5: {  	s1 =	stileid.u32;
	s5 =	sand.u32 $0x10, s5;
	(pc) =	sbr.rel .LBB2_1-.Ltmp0, $4  }
0x6: {  	p0 =	por $0x0, $0x0;
	s3 =	sadd.s32 $0x80A00, s2;
	s6 =	sor.u32 s1, s5  }
0x7: {  	[sflag:s4] =	ssyncpa.u1 $0x0;
	s5 =	simm.s32 $0x2;
	s6 =	sshll.u32 s6, $0x9  }
0x8: {  	s7 =	sadd.s32 $0xC0A00, s2;
	[sflag:s5] =	ssyncpa.u1 $0x0;
	s8 =	sadd.s32 $0x200, s6  }
0x9: {  	vm0 =	vmmov $0xff;
	vm1 =	vcmask $0x3F20;
	[sflag:s9] =	ssyncpa.u1 $0x0;
	s10 =	smov.u32 s6;
	s9 =	simm.s32 $0x0  }
.LBB2_7:
0xa: {  	p1 =	slt.u32 s9, $0x2;
	s11 =	sadd.s32 $0x100, s10  }
0xb: {  	s13 =	smov.u32 s6;
	s9 =	sadd.s32 $0x1, s9;
	p2 =	slt.s32 s11, s8  }
0xc: {  	s13 =	smov.u32 @p2 s11;
	p2 =	sne.s32 s9, $0x4  }
.Ltmp1:
0xd: {  	_ = 	snop;
	(pc) =	sbr.rel @!p2 .LBB2_8-.Ltmp1, $4  }
0xe: {  	s12 =	simm.s32 @!p1 $0x3  }
0xf: {  	_ =	swait.ge @!p1 [sflag:s12], $0x8000  }
0x10: {  	p0 =	por !p0, !p0;
	[sflag:s12] =	ssyncset.done @!p1 $0x0  }
0x11: {  	s11 =	smov.u32 s10;
	s10 =	smov.u32 s13;
	[sflag:s12] =	ssyncadd.s32 @!p1 $0xFFFF8000  }
.LBB2_1:
0x12: {  	p1 =	sgt.u32 s9, $0x1  }
0x13: {  	s12 =	sshll.u32 @!p1 s9, $0x8;
	s13 =	sshrl.u32 @!p1 s10, $0x3  }
0x14: {  	s14 =	sand.u32 @!p1 $0x7, s10;
	s12 =	sxor.u32 @!p1 $0x100, s12;
	s13 =	sadd.s32 @!p1 s7, s13  }
0x15: {  	[tilespmem:s12], [sflag:$0x2] =	stream.linear.gather @!p1 [hbm4b:s13+s14], $0x100, $0x38;
	[tilespmem:$0x10200] =	vst v63  }
0x16: {  	p1 =	seq.s32 s9, $0x0  }
0x17: {  	p2 =	seq.s32 @!p1 s9, $0x3  }
0x18: {  	p1 =	por p1, p2  }
.Ltmp2:
0x19: {  	_ = 	snop;
	(pc) =	sbr.rel @p1 .LBB2_7-.Ltmp2, $1  }
0x1a: {  	_ =	sdelay $0x3  }
0x1b: {  	s12 =	simm.s32 $0x1  }
0x1c: {  	_ =	swait.ge [sflag:s5], $0x100;
	s12 =	simm.s32 @!p0 $0x0  }
0x1d: {  	[sflag:s5] =	ssyncset.done $0x0;
	s14 =	sshll.u32 s12, $0x8  }
0x1e: {  	[sflag:s5] =	ssyncadd.s32 $0xFFFFFF00;
	s13 =	sadd.s32 $0x0, s14  }
0x1f: {  	v0 =	vld.msk [tilespmem:s13+$0x0 ss:$0x1], $0xffff;
	_ =	sdelay $0x4  }
0x20: {  	v1 =	vshll.u32 v0, $0x5  }
0x21: {  	vm2 =	veq.s32 v0, $0x80000000;
	v0 =	vshll.u32 v0, $0x13;
	v1 =	vand.u32 $0x7FF80, v1  }
0x22: {  	v0 =	vand.u32 $0x180000, v0;
	v1 =	vsel vm2, $0xFFFFFF80, v1  }
0x23: {  	v0 =	vsel vm2, $0xFFF80000, v0;
	v2 =	vand.u32 $0xFFFFFC00, v1  }
0x24: {  	v1 =	vand.u32 $0x380, v1;
	v0 =	vadd.s32 v0, v2  }
0x25: {  	v0 =	vor.u32 v1, v0  }
0x26: {  	v0 =	vshrl.u32 v0, $0x3;
	_ =	sdelay $0x2  }
0x27: {  	s12 =	sshll.u32 s12, $0xF  }
0x28: {  	s12 =	sor.u32 $0x200, s12  }
0x29: {  	[tilespmem:s12], [sflag:$0x1] =	stream.indirect_vreg.gather [hbm:s3], $0x80, v0, vm0, $0x38;
	[tilespmem:$0x10200] =	vst v63  }
0x2a: {  	s15 =	sadd.s32 $0x10, s14;
	s13 =	sadd.s32 $0x400, s12  }
0x2b: {  	[tilespmem:s13], [sflag:$0x1] =	stream.indirect_vreg.gather [hbm:s3], $0x80, v0, vm1, $0x38;
	[tilespmem:$0x10200] =	vst v63  }
0x2c: {  	s16 =	simm.s32 $0x80;
	v0 =	vld.msk [tilespmem:s15+$0x0 ss:$0x1], $0xffff;
	s15 =	smov.u32 s12  }
.LBB2_3:
0x2d: {  	p1 =	sne.s32 s16, $0x3C0;
	_ =	sdelay $0x4  }
0x2e: {  	v1 =	vshll.u32 v0, $0x5  }
0x2f: {  	vm2 =	veq.s32 v0, $0x80000000;
	v0 =	vshll.u32 v0, $0x13;
	v1 =	vand.u32 $0x7FF80, v1  }
0x30: {  	v0 =	vand.u32 $0x180000, v0;
	v1 =	vsel vm2, $0xFFFFFF80, v1  }
0x31: {  	v0 =	vsel vm2, $0xFFF80000, v0;
	v2 =	vand.u32 $0xFFFFFC00, v1  }
0x32: {  	v1 =	vand.u32 $0x380, v1;
	v0 =	vadd.s32 v0, v2  }
0x33: {  	v0 =	vor.u32 v1, v0  }
0x34: {  	v0 =	vshrl.u32 v0, $0x3;
	_ =	sdelay $0x3  }
.Ltmp3:
0x35: {  	s17 =	sshra.s32 s16, $0x2;
	s15 =	sadd.s32 $0x800, s15;
	(pc) =	sbr.rel @p1 .LBB2_3-.Ltmp3, $4  }
0x36: {  	[tilespmem:s15], [sflag:$0x1] =	stream.indirect_vreg.gather [hbm:s3], $0x80, v0, vm0, $0x38;
	[tilespmem:$0x10200] =	vst v63  }
0x37: {  	s17 =	sadd.s32 s17, s14;
	s18 =	sadd.s32 $0x400, s15  }
0x38: {  	[tilespmem:s18], [sflag:$0x1] =	stream.indirect_vreg.gather [hbm:s3], $0x80, v0, vm1, $0x38;
	[tilespmem:$0x10200] =	vst v63  }
0x39: {  	s16 =	sadd.s32 $0x40, s16;
	v0 =	vld.msk [tilespmem:s17+$0x0 ss:$0x1], $0xffff  }
0x3a: {  	_ =	sdelay $0x3  }
0x3b: {  	v1 =	vshll.u32 v0, $0x5  }
0x3c: {  	vm2 =	veq.s32 v0, $0x80000000;
	v63 =	vshll.u32 v0, $0x13;
	v1 =	vand.u32 $0x7FF80, v1  }
0x3d: {  	v0 =	vand.u32 $0x180000, v63;
	v1 =	vsel vm2, $0xFFFFFF80, v1  }
0x3e: {  	v0 =	vsel vm2, $0xFFF80000, v0;
	v2 =	vand.u32 $0xFFFFFC00, v1  }
0x3f: {  	v1 =	vand.u32 $0x380, v1;
	v0 =	vadd.s32 v0, v2  }
0x40: {  	v0 =	vor.u32 v1, v0  }
0x41: {  	v0 =	vshrl.u32 v0, $0x3;
	_ =	sdelay $0x3  }
0x42: {  	s14 =	sadd.s32 $0x800, s15  }
0x43: {  	[tilespmem:s14], [sflag:$0x1] =	stream.indirect_vreg.gather [hbm:s3], $0x80, v0, vm0, $0x38;
	[tilespmem:$0x10200] =	vst v63  }
0x44: {  	s14 =	sadd.s32 $0x400, s14  }
0x45: {  	[tilespmem:s14], [sflag:$0x1] =	stream.indirect_vreg.gather [hbm:s3], $0x80, v0, vm1, $0x38;
	[tilespmem:$0x10200] =	vst v63  }
0x46: {  	s11 =	sshll.u32 s11, $0x4;
	_ =	swait.ge [sflag:s4], $0x8000  }
0x47: {  	s11 =	sadd.s32 s11, s2;
	[sflag:s4] =	ssyncset.done $0x0  }
0x48: {  	s15 =	sadd.s32 $0x0, s11;
	s14 =	simm.s32 $0x80;
	[sflag:s4] =	ssyncadd.s32 $0xFFFF8000  }
.LBB2_5:
0x49: {  	[hbm:s15] =	stream.linear.scatter [tilespmem:s12], [sflag:$0x3], $0x400, $0x38;
	[tilespmem:$0x10200] =	vst v63  }
0x4a: {  	s15 =	smov.u32 s14;
	s12 =	smov.u32 s13;
	p1 =	sne.s32 s14, $0xF80  }
.Ltmp4:
0x4b: {  	s14 =	sadd.s32 $0x80, s14;
	(pc) =	sbr.rel @p1 .LBB2_5-.Ltmp4, $2  }
0x4c: {  	_ =	sdelay $0x2  }
0x4d: {  	s13 =	sadd.s32 $0x400, s13;
	s15 =	sadd.s32 s15, s11  }
.Ltmp5:
0x4e: {  	(pc) =	sbr.rel .LBB2_7-.Ltmp5, $2  }
0x4f: {  	_ =	sdelay $0x2  }
0x50: {  	[hbm:s15] =	stream.linear.scatter [tilespmem:s12], [sflag:$0x3], $0x400, $0x38;
	[tilespmem:$0x10200] =	vst v63  }
.LBB2_8:
0x51: {  	_ =	sfence.sel $0x180000  }
0x52: {  	s2 =	simm.s32 $0x2;
	[bflag:$0x0] =	sbarrier.arrive $0xFFFF  }
0x53: {  	s30 =	simm.s32 $0x3;
	[sflag:s2] =	ssyncpa.u1 $0x1  }
0x54: {  	s31 =	simm.s32 $0x1;
	[sflag:s30] =	ssyncpa.u1 $0x1  }
0x55: {  	[sflag:s31] =	ssyncpa.u1 $0x1  }
0x56: {  	p0 =	sne.s32 s1, $0x0;
	_ =	strace $0x9000004A  }
0x57: {  	s0 =	sadd.s32 @!p0 $0x100000, s0;
	[bflag:$0x2] =	sbarrier.arrive $0xFFFF  }
0x58: {  	[sflag:s0] =	ssyncadd.tile.s32 @!p0 $0x1;
	_ =	shalt  }
.Lfunc_end2:
_tile_overlayer_lowered:
.L_overlay_start_2:
0x59: {  	(tag) =	ssettag $0x2  }
0x5a: {  	s0 =	rddreg [dreg:$0x0];
	s2 =	stileid.u32  }
0x5b: {  	s1 =	rddreg [dreg:$0x1];
	p0 =	sne.s32 s2, $0x0  }
0x5c: {  	s3 =	rddreg [dreg:$0x2];
	[bflag:$0x3] =	sbarrier.arrive $0xFFFF;
	s2 =	simm.s32 @!p0 $0x1C01  }
0x5d: {  	[timem:s3], [sflag:s2] =	dma.local @!p0 [hbm:s0], s1  }
0x5e: {  	s0 =	simm.s32 @!p0 $0x1  }
0x5f: {  	_ =	swait.ge @!p0 [sflag:s0], s1  }
0x60: {  	s1 =	ssub.s32 @!p0 $0x0, s1;
	[sflag:s0] =	ssyncset.done @!p0 $0x0  }
0x61: {  	[sflag:s0] =	ssyncadd.s32 @!p0 s1  }
0x62: {  	[bflag:$0x3] =	sbarrier.arrive $0xFFFF  }
0x63: {  	_ =	shalt  }

// kernel: gather_offload_async_start.3
scs
__scs_entry_jumppad:
0x0: {  	(pc) =	sbr.rel $0x88, $3  }
0x1: {  	(tag) =	ssettag $0x0;
	lr =	simm.s32 $0x1  }
0x2: {  	[smem:$0x3F9F] =	sst lr;
	_ =	strace $0xD0000000  }
0x3: {  	_ = 	snop  }
0x4: {  	_ = 	snop  }
0x5: {  	_ = 	snop  }
0x6: {  	_ = 	snop  }
0x7: {  	_ = 	snop  }
__scs_overlays_trampoline_lowered:
0x8: {  	[smem:$0x3FAE] =	sst s0  }
0x9: {  	[smem:$0x3FAF] =	sst s1  }
0xa: {  	[smem:$0x3FB0] =	sst s2  }
0xb: {  	[smem:$0x3FB1] =	sst s3  }
0xc: {  	[smem:$0x3FB2] =	sst s4  }
0xd: {  	[smem:$0x3FB3] =	sst s5  }
0xe: {  	[smem:$0x3FB4] =	sst s6  }
0xf: {  	[smem:$0x3FB5] =	sst s7  }
0x10: {  	[smem:$0x3FB6] =	sst s8  }
0x11: {  	[smem:$0x3FB7] =	sst s9;
	s0 =	simm.s32 @!p0 $0x0  }
0x12: {  	s1 =	sld [smem:$0x3F9D];
	s0 =	simm.s32 @p0 $0x1  }
0x13: {  	[smem:$0x3FB8] =	sst s0;
	s0 =	simm.s32 @!p1 $0x0  }
0x14: {  	s2 =	sld [smem:$0x3F9C];
	s0 =	simm.s32 @p1 $0x1  }
0x15: {  	[smem:$0x3FB9] =	sst s0;
	s0 =	simm.s32 @!p2 $0x0  }
0x16: {  	s3 =	sld [smem:$0x3FDB];
	s0 =	simm.s32 @p2 $0x1  }
0x17: {  	s4 =	simm.s32 $0x1BF5;
	[smem:$0x3FBB] =	sst s0  }
0x18: {  	s0 =	sld [smem:$0x3F9E];
	_ =	swait.ge [sflag:s4], $0x0  }
0x19: {  	s7 =	sld [smem:$0x3F9F]  }
0x1a: {  	s8 =	sadd.s32 $0xFFFFE003, lr  }
0x1b: {  	s9 =	sadd.s32 $0xFFFFFEF7, lr;
	s5 =	simm.s32 $0xFFFFFFFF;
	p2 =	slt.u32 s8, $0xFFFFF086  }
0x1c: {  	p1 =	slt.u32 s9, $0xF7A;
	s5 =	simm.s32 @!p2 $0x0  }
0x1d: {  	s5 =	simm.s32 @p1 $0x1;
	p0 =	seq.s32 s7, s2  }
0x1e: {  	s7 =	smul.u32 @!p0 $0xF7A, s2;
	p2 =	seq.s32 @!p0 s5, $0x0  }
0x1f: {  	s9 =	smul.u32 $0xF7A, s1;
	s8 =	simm.s32 @!p0 $0x1BF5;
	p2 =	por !p2, p0  }
0x20: {  	[sflag:s8] =	ssyncset.s32 @!p0 $0xFFFFF086;
	s6 =	sadd.s32 @!p0 s3, s7;
	s7 =	simm.s32 @!p0 $0x108  }
0x21: {  	s3 =	sadd.s32 s3, s9;
	s6 =	sadd.s32 @!p0 $0x88, s6;
	s7 =	simm.s32 @p2 $0x1082  }
0x22: {  	[simem:s7], [sflag:s8] =	dma.local @!p0 [hbm:s6], $0xF7A  }
0x23: {  	s9 =	sor.u32 $0xD0000000, s2;
	s6 =	simm.s32 $0x108;
	_ =	swait.ge @!p0 [sflag:s8], $0x0  }
0x24: {  	s3 =	sadd.s32 $0x88, s3;
	s6 =	simm.s32 @!p1 $0x1082;
	[sflag:s4] =	ssyncset.s32 $0xFFFFF086  }
0x25: {  	[simem:s6], [sflag:s4] =	dma.local [hbm:s3], $0xF7A  }
0x26: {  	[smem:$0x3F9F] =	sst s1;
	(tag) =	ssettag s2;
	_ =	strace s9  }
0x27: {  	s1 =	sld [smem:$0x3FAF]  }
0x28: {  	s2 =	sld [smem:$0x3FB0]  }
0x29: {  	s4 =	sld [smem:$0x3FB2]  }
0x2a: {  	p0 =	seq.s32 s5, $0x0;
	s5 =	sld [smem:$0x3FB3]  }
0x2b: {  	s6 =	sld [smem:$0x3FB4]  }
0x2c: {  	s7 =	sld [smem:$0x3FB5]  }
0x2d: {  	s3 =	simm.s32 $0x108;
	s8 =	sld [smem:$0x3FB6]  }
0x2e: {  	s3 =	simm.s32 @!p0 $0x1082;
	s9 =	sld [smem:$0x3FB7]  }
0x2f: {  	lr =	sadd.s32 s0, s3;
	s0 =	sld [smem:$0x3FAE]  }
0x30: {  	s3 =	sld [smem:$0x3FB1]  }
0x31: {  	[smem:$0x3FBA] =	sst s10  }
0x32: {  	s10 =	sld [smem:$0x3FB8];
	_ =	sdelay $0x3  }
0x33: {  	p0 =	seq.s32 s10, $0x1;
	s10 =	sld [smem:$0x3FBA];
	_ =	sdelay $0x3  }
0x34: {  	[smem:$0x3FBA] =	sst s10  }
0x35: {  	s10 =	sld [smem:$0x3FB9];
	_ =	sdelay $0x3  }
0x36: {  	p1 =	seq.s32 s10, $0x1;
	s10 =	sld [smem:$0x3FBA];
	_ =	sdelay $0x3  }
0x37: {  	[smem:$0x3FBA] =	sst s10  }
0x38: {  	s10 =	sld [smem:$0x3FBB]  }
0x39: {  	_ = 	snop;
	(pc) =	sbr.ind lr, $3  }
0x3a: {  	_ = 	snop  }
0x3b: {  	_ = 	snop  }
0x3c: {  	p2 =	seq.s32 s10, $0x1;
	s10 =	sld [smem:$0x3FBA]  }
0x3d: {  	_ =	shalt  }
0x3e: {  	_ =	shalt  }
0x3f: {  	_ =	shalt  }
0x40: {  	_ =	shalt  }
0x41: {  	_ =	shalt  }
0x42: {  	_ =	shalt  }
0x43: {  	_ =	shalt  }
0x44: {  	_ =	shalt  }
0x45: {  	_ =	shalt  }
0x46: {  	_ =	shalt  }
0x47: {  	_ =	shalt  }
0x48: {  	_ =	shalt  }
0x49: {  	_ =	shalt  }
0x4a: {  	_ =	shalt  }
0x4b: {  	_ =	shalt  }
0x4c: {  	_ =	shalt  }
0x4d: {  	_ =	shalt  }
0x4e: {  	_ =	shalt  }
0x4f: {  	_ =	shalt  }
0x50: {  	_ =	shalt  }
0x51: {  	_ =	shalt  }
0x52: {  	_ =	shalt  }
0x53: {  	_ =	shalt  }
0x54: {  	_ =	shalt  }
0x55: {  	_ =	shalt  }
0x56: {  	_ =	shalt  }
0x57: {  	_ =	shalt  }
0x58: {  	_ =	shalt  }
0x59: {  	_ =	shalt  }
0x5a: {  	_ =	shalt  }
0x5b: {  	_ =	shalt  }
0x5c: {  	_ =	shalt  }
0x5d: {  	_ =	shalt  }
0x5e: {  	_ =	shalt  }
0x5f: {  	_ =	shalt  }
0x60: {  	_ =	shalt  }
0x61: {  	_ =	shalt  }
0x62: {  	_ =	shalt  }
0x63: {  	_ =	shalt  }
0x64: {  	_ =	shalt  }
0x65: {  	_ =	shalt  }
0x66: {  	_ =	shalt  }
0x67: {  	_ =	shalt  }
0x68: {  	_ =	shalt  }
0x69: {  	_ =	shalt  }
0x6a: {  	_ =	shalt  }
0x6b: {  	_ =	shalt  }
0x6c: {  	_ =	shalt  }
0x6d: {  	_ =	shalt  }
0x6e: {  	_ =	shalt  }
0x6f: {  	_ =	shalt  }
0x70: {  	_ =	shalt  }
0x71: {  	_ =	shalt  }
0x72: {  	_ =	shalt  }
0x73: {  	_ =	shalt  }
0x74: {  	_ =	shalt  }
0x75: {  	_ =	shalt  }
0x76: {  	_ =	shalt  }
0x77: {  	_ =	shalt  }
0x78: {  	_ =	shalt  }
0x79: {  	_ =	shalt  }
0x7a: {  	_ =	shalt  }
0x7b: {  	_ =	shalt  }
0x7c: {  	_ =	shalt  }
0x7d: {  	_ =	shalt  }
0x7e: {  	_ =	shalt  }
0x7f: {  	_ =	shalt  }
0x80: {  	_ =	shalt  }
0x81: {  	_ =	shalt  }
0x82: {  	_ =	shalt  }
0x83: {  	_ =	shalt  }
0x84: {  	_ =	shalt  }
0x85: {  	_ =	shalt  }
0x86: {  	_ =	shalt  }
0x87: {  	_ =	shalt  }
.Lfunc_end0:
.L_simem_size_0:
called_computation.3_lowered:
.L_overlay_start_0:
0x88: {  	s2 =	sld [smem:$0x3FD9]  }
0x89: {  	s3 =	sld [smem:$0x3FFE];
	_ =	sdelay $0x1  }
0x8a: {  	s1 =	srdreg.scid  }
0x8b: {  	s0 =	sand.u32 $0x1, s1  }
0x8c: {  	s16 =	sshll.u32 s0, $0xA;
	s2 =	sadd.s32 s3, s2  }
0x8d: {  	s2 =	sadd.s32 s2, s16  }
0x8e: {  	[smem:$0x3FC6] =	sst s2  }
0x8f: {  	_ = 	snop  }
0x90: {  	(tm) =	ssettm $0x1  }
0x91: {  	s17 =	sld [smem:$0x3FFB];
	_ =	sdelay $0x3  }
0x92: {  	_ =	strace s17  }
0x93: {  	s2 =	sld [smem:$0x3FFC];
	_ =	sdelay $0x3  }
0x94: {  	_ =	strace s2  }
0x95: {  	s2 =	sld [smem:$0x3FFD];
	_ =	sdelay $0x3  }
0x96: {  	_ =	strace s2  }
0x97: {  	_ =	strace $0x8FFFFFFF  }
0x98: {  	s18 =	sld [smem:$0x3FDB];
	_ =	sdelay $0x1  }
0x99: {  	s19 =	simm.s32 $_scs_section_size  }
0x9a: {  	s4 =	simm.s32 $_size__tile_overlayer_lowered;
	s5 =	simm.s32 $_tile_overlayer_lowered  }
0x9b: {  	s22 =	simm.s32 $0x1BFF;
	s21 =	sshll.u32 s5, $0x1;
	s2 =	sadd.s32 s19, s18  }
0x9c: {  	s6 =	simm.s32 $0x0;
	s20 =	sshll.u32 s4, $0x1;
	s4 =	sadd.s32 s21, s2  }
0x9d: {  	[timem:s6], [sflag:s22] =	dma.local [hbm:s4], s20  }
0x9e: {  	_ =	swait.ge [sflag:s22], s20  }
0x9f: {  	s3 =	ssub.s32 $0x0, s20;
	[sflag:s22] =	ssyncset.done $0x0  }
0xa0: {  	[sflag:s22] =	ssyncadd.s32 s3;
	_ =	sdelay $0x1  }
0xa1: {  	s23 =	simm.s32 $0x1B8B  }
0xa2: {  	_ =	swait.ge [sflag:s23], $0x1  }
0xa3: {  	[sflag:s23] =	ssyncset.done $0x0  }
0xa4: {  	s25 =	simm.s32 $0x1B8E;
	s24 =	sld [smem:$0x3FFE];
	[sflag:s23] =	ssyncadd.s32 $0xFFFFFFFF  }
0xa5: {  	s26 =	simm.s32 $execute0_lowered;
	[smem:$0x3FD2] =	sst s25  }
0xa6: {  	s4 =	sshll.u32 s26, $0x1;
	_ =	strace $0x8000004F;
	[dreg:$0x1] =	wrdreg $0xFFFFFFFF  }
0xa7: {  	s28 =	simm.s32 $_size_execute0_lowered;
	s2 =	sadd.s32 s2, s4;
	[dreg:$0x0] =	wrdreg $0x0  }
0xa8: {  	s4 =	sshll.u32 s28, $0x1;
	[dreg:$0x2] =	wrdreg s2  }
0xa9: {  	[dreg:$0x3] =	wrdreg s4  }
0xaa: {  	[dreg:$0x4] =	wrdreg $0xC0  }
0xab: {  	_ =	task [dreg:s6], $0x5FFFF  }
0xac: {  	[dreg:$0x1] =	wrdreg $0xFFFFFFFF  }
0xad: {  	[dreg:$0x0] =	wrdreg $0x60  }
0xae: {  	[dreg:$0x2] =	wrdreg s24  }
0xaf: {  	[dreg:$0x3] =	wrdreg $0x9  }
0xb0: {  	_ =	task.clear_ibuf [dreg:s6], $0x4FFFF;
	_ =	strace $0x9000004F  }
0xb1: {  	s29 =	simm.s32 $0x9;
	_ =	strace $0x80000051  }
0xb2: {  	_ =	swait.ge [sflag:s29], $0x1  }
0xb3: {  	[sflag:s29] =	ssyncadd.s32 $0xFFFFFFFF  }
0xb4: {  	_ =	strace $0x90000051  }
0xb5: {  	_ =	sfence  }
0xb6: {  	s30 =	sld [smem:$0x0];
	_ =	sdelay $0x2  }
0xb7: {  	s31 =	sshll.u32 s1, $0xD;
	s1 =	sshrl.u32 s1, $0x2  }
0xb8: {  	s3 =	sand.u32 $0x4000, s31;
	s1 =	sadd.s32 s1, s30  }
0xb9: {  	s0 =	sor.u32 s3, s0;
	s1 =	sshll.u32 s1, $0x11  }
0xba: {  	s0 =	sor.u32 s1, s0  }
0xbb: {  	s0 =	sadd.s32 $0x8F2B, s0  }
0xbc: {  	[sflag:s0] =	ssyncadd.remote.s32 $0x1  }
0xbd: {  	_ =	sfence.sel $0xFFFF  }
0xbe: {  	[dreg:$0x0] =	wrdreg $0xFFFFFFFF;
	(pc) =	sbr.abs _section_cstart, $3  }
0xbf: {  	[dreg:$0x1] =	wrdreg $0xFFFFFFFF  }
0xc0: {  	_ =	task.clear_ibuf [dreg:s6], $0x2FFFF;
	_ =	strace $0x9FFFFFFF  }
0xc1: {  	(tm) =	ssettm $0x7FFFFFFF  }
tec
execute0_lowered:
.L_overlay_start_1:
0x0: {  	(tag) =	ssettag $0x1  }
0x1: {  	s2 =	rddreg [dreg:$0x0]  }
0x2: {  	s0 =	rddreg [dreg:$0x1]  }
0x3: {  	s1 =	srdreg.scid;
	_ =	strace $0x80000050;
	s4 =	simm.s32 $0x1  }
0x4: {  	s9 =	simm.s32 $0x3;
	s11 =	simm.s32 $0x0;
	s5 =	sshll.u32 s1, $0x4  }
.Ltmp0:
0x5: {  	s1 =	stileid.u32;
	s5 =	sand.u32 $0x10, s5;
	(pc) =	sbr.rel .LBB2_1-.Ltmp0, $4  }
0x6: {  	p0 =	por $0x0, $0x0;
	s3 =	sadd.s32 $0xC0A00, s2;
	s6 =	sor.u32 s1, s5  }
0x7: {  	[sflag:s4] =	ssyncpa.u1 $0x0;
	s5 =	simm.s32 $0x2;
	s6 =	sshll.u32 s6, $0x9  }
0x8: {  	s7 =	sadd.s32 $0x40200, s2;
	[sflag:s5] =	ssyncpa.u1 $0x0;
	s8 =	sadd.s32 $0x200, s6  }
0x9: {  	vm0 =	vmmov $0xff;
	vm1 =	vcmask $0x3F20;
	[sflag:s9] =	ssyncpa.u1 $0x0;
	s10 =	smov.u32 s6;
	s9 =	simm.s32 $0x0  }
.LBB2_7:
0xa: {  	p1 =	slt.u32 s9, $0x2;
	s11 =	sadd.s32 $0x100, s10  }
0xb: {  	s13 =	smov.u32 s6;
	s9 =	sadd.s32 $0x1, s9;
	p2 =	slt.s32 s11, s8  }
0xc: {  	s13 =	smov.u32 @p2 s11;
	p2 =	sne.s32 s9, $0x4  }
.Ltmp1:
0xd: {  	_ = 	snop;
	(pc) =	sbr.rel @!p2 .LBB2_8-.Ltmp1, $4  }
0xe: {  	s12 =	simm.s32 @!p1 $0x3  }
0xf: {  	_ =	swait.ge @!p1 [sflag:s12], $0x8000  }
0x10: {  	p0 =	por !p0, !p0;
	[sflag:s12] =	ssyncset.done @!p1 $0x0  }
0x11: {  	s11 =	smov.u32 s10;
	s10 =	smov.u32 s13;
	[sflag:s12] =	ssyncadd.s32 @!p1 $0xFFFF8000  }
.LBB2_1:
0x12: {  	p1 =	sgt.u32 s9, $0x1  }
0x13: {  	s12 =	sshll.u32 @!p1 s9, $0x8;
	s13 =	sshrl.u32 @!p1 s10, $0x3  }
0x14: {  	s14 =	sand.u32 @!p1 $0x7, s10;
	s12 =	sxor.u32 @!p1 $0x100, s12;
	s13 =	sadd.s32 @!p1 s3, s13  }
0x15: {  	[tilespmem:s12], [sflag:$0x2] =	stream.linear.gather @!p1 [hbm4b:s13+s14], $0x100, $0x38;
	[tilespmem:$0x10200] =	vst v63  }
0x16: {  	p1 =	seq.s32 s9, $0x0  }
0x17: {  	p2 =	seq.s32 @!p1 s9, $0x3  }
0x18: {  	p1 =	por p1, p2  }
.Ltmp2:
0x19: {  	_ = 	snop;
	(pc) =	sbr.rel @p1 .LBB2_7-.Ltmp2, $1  }
0x1a: {  	_ =	sdelay $0x3  }
0x1b: {  	s12 =	simm.s32 $0x1  }
0x1c: {  	_ =	swait.ge [sflag:s5], $0x100;
	s12 =	simm.s32 @!p0 $0x0  }
0x1d: {  	[sflag:s5] =	ssyncset.done $0x0;
	s14 =	sshll.u32 s12, $0x8  }
0x1e: {  	[sflag:s5] =	ssyncadd.s32 $0xFFFFFF00;
	s13 =	sadd.s32 $0x0, s14  }
0x1f: {  	v0 =	vld.msk [tilespmem:s13+$0x0 ss:$0x1], $0xffff;
	_ =	sdelay $0x4  }
0x20: {  	vm2 =	veq.s32 v0, $0x80000000  }
0x21: {  	v1 =	vshll.u32 v0, $0x13;
	v2 =	vshll.u32 v0, $0xD;
	v0 =	vshll.u32 v0, $0x1  }
0x22: {  	v1 =	vand.u32 $0x180000, v1;
	v2 =	vand.u32 $0x78000, v2;
	v0 =	vand.u32 $0x7F80, v0  }
0x23: {  	v1 =	vor.u32 v2, v1;
	v0 =	vsel vm2, $0xFFFFFF80, v0  }
0x24: {  	v1 =	vsel vm2, $0xFFF78000, v1;
	v2 =	vand.u32 $0xFFFFFC00, v0  }
0x25: {  	v0 =	vand.u32 $0x380, v0;
	v1 =	vadd.s32 v2, v1  }
0x26: {  	v0 =	vor.u32 v0, v1  }
0x27: {  	v0 =	vshrl.u32 v0, $0x3;
	_ =	sdelay $0x2  }
0x28: {  	s12 =	sshll.u32 s12, $0xF  }
0x29: {  	s12 =	sor.u32 $0x200, s12  }
0x2a: {  	[tilespmem:s12], [sflag:$0x1] =	stream.indirect_vreg.gather [hbm:s2], $0x80, v0, vm0, $0x38;
	[tilespmem:$0x10200] =	vst v63  }
0x2b: {  	s15 =	sadd.s32 $0x10, s14;
	s13 =	sadd.s32 $0x400, s12  }
0x2c: {  	[tilespmem:s13], [sflag:$0x1] =	stream.indirect_vreg.gather [hbm:s2], $0x80, v0, vm1, $0x38;
	[tilespmem:$0x10200] =	vst v63  }
0x2d: {  	s16 =	simm.s32 $0x80;
	v0 =	vld.msk [tilespmem:s15+$0x0 ss:$0x1], $0xffff;
	s15 =	smov.u32 s12  }
.LBB2_3:
0x2e: {  	p1 =	sne.s32 s16, $0x3C0;
	_ =	sdelay $0x4  }
0x2f: {  	vm2 =	veq.s32 v0, $0x80000000  }
0x30: {  	v1 =	vshll.u32 v0, $0x13;
	v2 =	vshll.u32 v0, $0xD;
	v0 =	vshll.u32 v0, $0x1  }
0x31: {  	v1 =	vand.u32 $0x180000, v1;
	v2 =	vand.u32 $0x78000, v2;
	v0 =	vand.u32 $0x7F80, v0  }
0x32: {  	v1 =	vor.u32 v2, v1;
	v0 =	vsel vm2, $0xFFFFFF80, v0  }
0x33: {  	v1 =	vsel vm2, $0xFFF78000, v1;
	v2 =	vand.u32 $0xFFFFFC00, v0  }
0x34: {  	v0 =	vand.u32 $0x380, v0;
	v1 =	vadd.s32 v2, v1  }
0x35: {  	v0 =	vor.u32 v0, v1  }
0x36: {  	v0 =	vshrl.u32 v0, $0x3;
	_ =	sdelay $0x3  }
.Ltmp3:
0x37: {  	s17 =	sshra.s32 s16, $0x2;
	s15 =	sadd.s32 $0x800, s15;
	(pc) =	sbr.rel @p1 .LBB2_3-.Ltmp3, $4  }
0x38: {  	[tilespmem:s15], [sflag:$0x1] =	stream.indirect_vreg.gather [hbm:s2], $0x80, v0, vm0, $0x38;
	[tilespmem:$0x10200] =	vst v63  }
0x39: {  	s17 =	sadd.s32 s17, s14;
	s18 =	sadd.s32 $0x400, s15  }
0x3a: {  	[tilespmem:s18], [sflag:$0x1] =	stream.indirect_vreg.gather [hbm:s2], $0x80, v0, vm1, $0x38;
	[tilespmem:$0x10200] =	vst v63  }
0x3b: {  	s16 =	sadd.s32 $0x40, s16;
	v0 =	vld.msk [tilespmem:s17+$0x0 ss:$0x1], $0xffff  }
0x3c: {  	_ =	sdelay $0x3  }
0x3d: {  	vm2 =	veq.s32 v0, $0x80000000  }
0x3e: {  	v1 =	vshll.u32 v0, $0x13;
	v2 =	vshll.u32 v0, $0xD;
	v62 =	vshll.u32 v0, $0x1  }
0x3f: {  	v1 =	vand.u32 $0x180000, v1;
	v2 =	vand.u32 $0x78000, v2;
	v0 =	vand.u32 $0x7F80, v62  }
0x40: {  	v1 =	vor.u32 v2, v1;
	v0 =	vsel vm2, $0xFFFFFF80, v0  }
0x41: {  	v1 =	vsel vm2, $0xFFF78000, v1;
	v63 =	vand.u32 $0xFFFFFC00, v0  }
0x42: {  	v0 =	vand.u32 $0x380, v0;
	v1 =	vadd.s32 v63, v1  }
0x43: {  	v0 =	vor.u32 v0, v1  }
0x44: {  	v0 =	vshrl.u32 v0, $0x3;
	_ =	sdelay $0x3  }
0x45: {  	s14 =	sadd.s32 $0x800, s15  }
0x46: {  	[tilespmem:s14], [sflag:$0x1] =	stream.indirect_vreg.gather [hbm:s2], $0x80, v0, vm0, $0x38;
	[tilespmem:$0x10200] =	vst v63  }
0x47: {  	s14 =	sadd.s32 $0x400, s14  }
0x48: {  	[tilespmem:s14], [sflag:$0x1] =	stream.indirect_vreg.gather [hbm:s2], $0x80, v0, vm1, $0x38;
	[tilespmem:$0x10200] =	vst v63  }
0x49: {  	s11 =	sshll.u32 s11, $0x4;
	_ =	swait.ge [sflag:s4], $0x8000  }
0x4a: {  	s11 =	sadd.s32 s11, s7;
	[sflag:s4] =	ssyncset.done $0x0  }
0x4b: {  	s15 =	sadd.s32 $0x0, s11;
	s14 =	simm.s32 $0x80;
	[sflag:s4] =	ssyncadd.s32 $0xFFFF8000  }
.LBB2_5:
0x4c: {  	[hbm:s15] =	stream.linear.scatter [tilespmem:s12], [sflag:$0x3], $0x400, $0x38;
	[tilespmem:$0x10200] =	vst v63  }
0x4d: {  	s15 =	smov.u32 s14;
	s12 =	smov.u32 s13;
	p1 =	sne.s32 s14, $0xF80  }
.Ltmp4:
0x4e: {  	s14 =	sadd.s32 $0x80, s14;
	(pc) =	sbr.rel @p1 .LBB2_5-.Ltmp4, $2  }
0x4f: {  	_ =	sdelay $0x2  }
0x50: {  	s13 =	sadd.s32 $0x400, s13;
	s15 =	sadd.s32 s15, s11  }
.Ltmp5:
0x51: {  	(pc) =	sbr.rel .LBB2_7-.Ltmp5, $2  }
0x52: {  	_ =	sdelay $0x2  }
0x53: {  	[hbm:s15] =	stream.linear.scatter [tilespmem:s12], [sflag:$0x3], $0x400, $0x38;
	[tilespmem:$0x10200] =	vst v63  }
.LBB2_8:
0x54: {  	_ =	sfence.sel $0x180000  }
0x55: {  	s2 =	simm.s32 $0x2;
	[bflag:$0x0] =	sbarrier.arrive $0xFFFF  }
0x56: {  	s30 =	simm.s32 $0x3;
	[sflag:s2] =	ssyncpa.u1 $0x1  }
0x57: {  	s31 =	simm.s32 $0x1;
	[sflag:s30] =	ssyncpa.u1 $0x1  }
0x58: {  	[sflag:s31] =	ssyncpa.u1 $0x1  }
0x59: {  	p0 =	sne.s32 s1, $0x0;
	_ =	strace $0x90000050  }
0x5a: {  	s0 =	sadd.s32 @!p0 $0x100000, s0;
	[bflag:$0x2] =	sbarrier.arrive $0xFFFF  }
0x5b: {  	[sflag:s0] =	ssyncadd.tile.s32 @!p0 $0x1;
	_ =	shalt  }
.Lfunc_end2:
_tile_overlayer_lowered:
.L_overlay_start_2:
0x5c: {  	(tag) =	ssettag $0x2  }
0x5d: {  	s0 =	rddreg [dreg:$0x0];
	s2 =	stileid.u32  }
0x5e: {  	s1 =	rddreg [dreg:$0x1];
	p0 =	sne.s32 s2, $0x0  }
0x5f: {  	s3 =	rddreg [dreg:$0x2];
	[bflag:$0x3] =	sbarrier.arrive $0xFFFF;
	s2 =	simm.s32 @!p0 $0x1C01  }
0x60: {  	[timem:s3], [sflag:s2] =	dma.local @!p0 [hbm:s0], s1  }
0x61: {  	s0 =	simm.s32 @!p0 $0x1  }
0x62: {  	_ =	swait.ge @!p0 [sflag:s0], s1  }
0x63: {  	s1 =	ssub.s32 @!p0 $0x0, s1;
	[sflag:s0] =	ssyncset.done @!p0 $0x0  }
0x64: {  	[sflag:s0] =	ssyncadd.s32 @!p0 s1  }
0x65: {  	[bflag:$0x3] =	sbarrier.arrive $0xFFFF  }
0x66: {  	_ =	shalt  }

// kernel: gather_offload_async_start
scs
__scs_entry_jumppad:
0x0: {  	(pc) =	sbr.rel $0x88, $3  }
0x1: {  	(tag) =	ssettag $0x0;
	lr =	simm.s32 $0x1  }
0x2: {  	[smem:$0x3F9F] =	sst lr;
	_ =	strace $0xD0000000  }
0x3: {  	_ = 	snop  }
0x4: {  	_ = 	snop  }
0x5: {  	_ = 	snop  }
0x6: {  	_ = 	snop  }
0x7: {  	_ = 	snop  }
__scs_overlays_trampoline_lowered:
0x8: {  	[smem:$0x3FAE] =	sst s0  }
0x9: {  	[smem:$0x3FAF] =	sst s1  }
0xa: {  	[smem:$0x3FB0] =	sst s2  }
0xb: {  	[smem:$0x3FB1] =	sst s3  }
0xc: {  	[smem:$0x3FB2] =	sst s4  }
0xd: {  	[smem:$0x3FB3] =	sst s5  }
0xe: {  	[smem:$0x3FB4] =	sst s6  }
0xf: {  	[smem:$0x3FB5] =	sst s7  }
0x10: {  	[smem:$0x3FB6] =	sst s8  }
0x11: {  	[smem:$0x3FB7] =	sst s9;
	s0 =	simm.s32 @!p0 $0x0  }
0x12: {  	s1 =	sld [smem:$0x3F9D];
	s0 =	simm.s32 @p0 $0x1  }
0x13: {  	[smem:$0x3FB8] =	sst s0;
	s0 =	simm.s32 @!p1 $0x0  }
0x14: {  	s2 =	sld [smem:$0x3F9C];
	s0 =	simm.s32 @p1 $0x1  }
0x15: {  	[smem:$0x3FB9] =	sst s0;
	s0 =	simm.s32 @!p2 $0x0  }
0x16: {  	s3 =	sld [smem:$0x3FDB];
	s0 =	simm.s32 @p2 $0x1  }
0x17: {  	s4 =	simm.s32 $0x1BF5;
	[smem:$0x3FBB] =	sst s0  }
0x18: {  	s0 =	sld [smem:$0x3F9E];
	_ =	swait.ge [sflag:s4], $0x0  }
0x19: {  	s7 =	sld [smem:$0x3F9F]  }
0x1a: {  	s8 =	sadd.s32 $0xFFFFE003, lr  }
0x1b: {  	s9 =	sadd.s32 $0xFFFFFEF7, lr;
	s5 =	simm.s32 $0xFFFFFFFF;
	p2 =	slt.u32 s8, $0xFFFFF086  }
0x1c: {  	p1 =	slt.u32 s9, $0xF7A;
	s5 =	simm.s32 @!p2 $0x0  }
0x1d: {  	s5 =	simm.s32 @p1 $0x1;
	p0 =	seq.s32 s7, s2  }
0x1e: {  	s7 =	smul.u32 @!p0 $0xF7A, s2;
	p2 =	seq.s32 @!p0 s5, $0x0  }
0x1f: {  	s9 =	smul.u32 $0xF7A, s1;
	s8 =	simm.s32 @!p0 $0x1BF5;
	p2 =	por !p2, p0  }
0x20: {  	[sflag:s8] =	ssyncset.s32 @!p0 $0xFFFFF086;
	s6 =	sadd.s32 @!p0 s3, s7;
	s7 =	simm.s32 @!p0 $0x108  }
0x21: {  	s3 =	sadd.s32 s3, s9;
	s6 =	sadd.s32 @!p0 $0x88, s6;
	s7 =	simm.s32 @p2 $0x1082  }
0x22: {  	[simem:s7], [sflag:s8] =	dma.local @!p0 [hbm:s6], $0xF7A  }
0x23: {  	s9 =	sor.u32 $0xD0000000, s2;
	s6 =	simm.s32 $0x108;
	_ =	swait.ge @!p0 [sflag:s8], $0x0  }
0x24: {  	s3 =	sadd.s32 $0x88, s3;
	s6 =	simm.s32 @!p1 $0x1082;
	[sflag:s4] =	ssyncset.s32 $0xFFFFF086  }
0x25: {  	[simem:s6], [sflag:s4] =	dma.local [hbm:s3], $0xF7A  }
0x26: {  	[smem:$0x3F9F] =	sst s1;
	(tag) =	ssettag s2;
	_ =	strace s9  }
0x27: {  	s1 =	sld [smem:$0x3FAF]  }
0x28: {  	s2 =	sld [smem:$0x3FB0]  }
0x29: {  	s4 =	sld [smem:$0x3FB2]  }
0x2a: {  	p0 =	seq.s32 s5, $0x0;
	s5 =	sld [smem:$0x3FB3]  }
0x2b: {  	s6 =	sld [smem:$0x3FB4]  }
0x2c: {  	s7 =	sld [smem:$0x3FB5]  }
0x2d: {  	s3 =	simm.s32 $0x108;
	s8 =	sld [smem:$0x3FB6]  }
0x2e: {  	s3 =	simm.s32 @!p0 $0x1082;
	s9 =	sld [smem:$0x3FB7]  }
0x2f: {  	lr =	sadd.s32 s0, s3;
	s0 =	sld [smem:$0x3FAE]  }
0x30: {  	s3 =	sld [smem:$0x3FB1]  }
0x31: {  	[smem:$0x3FBA] =	sst s10  }
0x32: {  	s10 =	sld [smem:$0x3FB8];
	_ =	sdelay $0x3  }
0x33: {  	p0 =	seq.s32 s10, $0x1;
	s10 =	sld [smem:$0x3FBA];
	_ =	sdelay $0x3  }
0x34: {  	[smem:$0x3FBA] =	sst s10  }
0x35: {  	s10 =	sld [smem:$0x3FB9];
	_ =	sdelay $0x3  }
0x36: {  	p1 =	seq.s32 s10, $0x1;
	s10 =	sld [smem:$0x3FBA];
	_ =	sdelay $0x3  }
0x37: {  	[smem:$0x3FBA] =	sst s10  }
0x38: {  	s10 =	sld [smem:$0x3FBB]  }
0x39: {  	_ = 	snop;
	(pc) =	sbr.ind lr, $3  }
0x3a: {  	_ = 	snop  }
0x3b: {  	_ = 	snop  }
0x3c: {  	p2 =	seq.s32 s10, $0x1;
	s10 =	sld [smem:$0x3FBA]  }
0x3d: {  	_ =	shalt  }
0x3e: {  	_ =	shalt  }
0x3f: {  	_ =	shalt  }
0x40: {  	_ =	shalt  }
0x41: {  	_ =	shalt  }
0x42: {  	_ =	shalt  }
0x43: {  	_ =	shalt  }
0x44: {  	_ =	shalt  }
0x45: {  	_ =	shalt  }
0x46: {  	_ =	shalt  }
0x47: {  	_ =	shalt  }
0x48: {  	_ =	shalt  }
0x49: {  	_ =	shalt  }
0x4a: {  	_ =	shalt  }
0x4b: {  	_ =	shalt  }
0x4c: {  	_ =	shalt  }
0x4d: {  	_ =	shalt  }
0x4e: {  	_ =	shalt  }
0x4f: {  	_ =	shalt  }
0x50: {  	_ =	shalt  }
0x51: {  	_ =	shalt  }
0x52: {  	_ =	shalt  }
0x53: {  	_ =	shalt  }
0x54: {  	_ =	shalt  }
0x55: {  	_ =	shalt  }
0x56: {  	_ =	shalt  }
0x57: {  	_ =	shalt  }
0x58: {  	_ =	shalt  }
0x59: {  	_ =	shalt  }
0x5a: {  	_ =	shalt  }
0x5b: {  	_ =	shalt  }
0x5c: {  	_ =	shalt  }
0x5d: {  	_ =	shalt  }
0x5e: {  	_ =	shalt  }
0x5f: {  	_ =	shalt  }
0x60: {  	_ =	shalt  }
0x61: {  	_ =	shalt  }
0x62: {  	_ =	shalt  }
0x63: {  	_ =	shalt  }
0x64: {  	_ =	shalt  }
0x65: {  	_ =	shalt  }
0x66: {  	_ =	shalt  }
0x67: {  	_ =	shalt  }
0x68: {  	_ =	shalt  }
0x69: {  	_ =	shalt  }
0x6a: {  	_ =	shalt  }
0x6b: {  	_ =	shalt  }
0x6c: {  	_ =	shalt  }
0x6d: {  	_ =	shalt  }
0x6e: {  	_ =	shalt  }
0x6f: {  	_ =	shalt  }
0x70: {  	_ =	shalt  }
0x71: {  	_ =	shalt  }
0x72: {  	_ =	shalt  }
0x73: {  	_ =	shalt  }
0x74: {  	_ =	shalt  }
0x75: {  	_ =	shalt  }
0x76: {  	_ =	shalt  }
0x77: {  	_ =	shalt  }
0x78: {  	_ =	shalt  }
0x79: {  	_ =	shalt  }
0x7a: {  	_ =	shalt  }
0x7b: {  	_ =	shalt  }
0x7c: {  	_ =	shalt  }
0x7d: {  	_ =	shalt  }
0x7e: {  	_ =	shalt  }
0x7f: {  	_ =	shalt  }
0x80: {  	_ =	shalt  }
0x81: {  	_ =	shalt  }
0x82: {  	_ =	shalt  }
0x83: {  	_ =	shalt  }
0x84: {  	_ =	shalt  }
0x85: {  	_ =	shalt  }
0x86: {  	_ =	shalt  }
0x87: {  	_ =	shalt  }
.Lfunc_end0:
.L_simem_size_0:
called_computation_lowered:
.L_overlay_start_0:
0x88: {  	s2 =	sld [smem:$0x3FD9]  }
0x89: {  	s3 =	sld [smem:$0x3FFE];
	_ =	sdelay $0x1  }
0x8a: {  	s1 =	srdreg.scid  }
0x8b: {  	s0 =	sand.u32 $0x1, s1  }
0x8c: {  	s16 =	sshll.u32 s0, $0xA;
	s2 =	sadd.s32 s3, s2  }
0x8d: {  	s2 =	sadd.s32 s2, s16  }
0x8e: {  	[smem:$0x3FC6] =	sst s2  }
0x8f: {  	_ = 	snop  }
0x90: {  	(tm) =	ssettm $0x1  }
0x91: {  	s17 =	sld [smem:$0x3FFB];
	_ =	sdelay $0x3  }
0x92: {  	_ =	strace s17  }
0x93: {  	s2 =	sld [smem:$0x3FFC];
	_ =	sdelay $0x3  }
0x94: {  	_ =	strace s2  }
0x95: {  	s2 =	sld [smem:$0x3FFD];
	_ =	sdelay $0x3  }
0x96: {  	_ =	strace s2  }
0x97: {  	_ =	strace $0x8FFFFFFF  }
0x98: {  	s18 =	sld [smem:$0x3FDB];
	_ =	sdelay $0x1  }
0x99: {  	s19 =	simm.s32 $_scs_section_size  }
0x9a: {  	s4 =	simm.s32 $_size__tile_overlayer_lowered;
	s5 =	simm.s32 $_tile_overlayer_lowered  }
0x9b: {  	s22 =	simm.s32 $0x1BFF;
	s21 =	sshll.u32 s5, $0x1;
	s2 =	sadd.s32 s19, s18  }
0x9c: {  	s6 =	simm.s32 $0x0;
	s20 =	sshll.u32 s4, $0x1;
	s4 =	sadd.s32 s21, s2  }
0x9d: {  	[timem:s6], [sflag:s22] =	dma.local [hbm:s4], s20  }
0x9e: {  	_ =	swait.ge [sflag:s22], s20  }
0x9f: {  	s3 =	ssub.s32 $0x0, s20;
	[sflag:s22] =	ssyncset.done $0x0  }
0xa0: {  	[sflag:s22] =	ssyncadd.s32 s3;
	_ =	sdelay $0x1  }
0xa1: {  	s23 =	simm.s32 $0x1B8B  }
0xa2: {  	_ =	swait.ge [sflag:s23], $0x1  }
0xa3: {  	[sflag:s23] =	ssyncset.done $0x0  }
0xa4: {  	s25 =	simm.s32 $0x1B8E;
	s24 =	sld [smem:$0x3FFE];
	[sflag:s23] =	ssyncadd.s32 $0xFFFFFFFF  }
0xa5: {  	s26 =	simm.s32 $execute0_lowered;
	[smem:$0x3FD2] =	sst s25  }
0xa6: {  	s4 =	sshll.u32 s26, $0x1;
	_ =	strace $0x80000046;
	[dreg:$0x1] =	wrdreg $0xFFFFFFFF  }
0xa7: {  	s28 =	simm.s32 $_size_execute0_lowered;
	s2 =	sadd.s32 s2, s4;
	[dreg:$0x0] =	wrdreg $0x0  }
0xa8: {  	s4 =	sshll.u32 s28, $0x1;
	[dreg:$0x2] =	wrdreg s2  }
0xa9: {  	[dreg:$0x3] =	wrdreg s4  }
0xaa: {  	[dreg:$0x4] =	wrdreg $0xC0  }
0xab: {  	_ =	task [dreg:s6], $0x5FFFF  }
0xac: {  	[dreg:$0x1] =	wrdreg $0xFFFFFFFF  }
0xad: {  	[dreg:$0x0] =	wrdreg $0x60  }
0xae: {  	[dreg:$0x2] =	wrdreg s24  }
0xaf: {  	[dreg:$0x3] =	wrdreg $0x9  }
0xb0: {  	_ =	task.clear_ibuf [dreg:s6], $0x4FFFF;
	_ =	strace $0x90000046  }
0xb1: {  	s29 =	simm.s32 $0x9;
	_ =	strace $0x80000048  }
0xb2: {  	_ =	swait.ge [sflag:s29], $0x1  }
0xb3: {  	[sflag:s29] =	ssyncadd.s32 $0xFFFFFFFF  }
0xb4: {  	_ =	strace $0x90000048  }
0xb5: {  	_ =	sfence  }
0xb6: {  	s30 =	sld [smem:$0x0];
	_ =	sdelay $0x2  }
0xb7: {  	s31 =	sshll.u32 s1, $0xD;
	s1 =	sshrl.u32 s1, $0x2  }
0xb8: {  	s3 =	sand.u32 $0x4000, s31;
	s1 =	sadd.s32 s1, s30  }
0xb9: {  	s0 =	sor.u32 s3, s0;
	s1 =	sshll.u32 s1, $0x11  }
0xba: {  	s0 =	sor.u32 s1, s0  }
0xbb: {  	s0 =	sadd.s32 $0x8F2B, s0  }
0xbc: {  	[sflag:s0] =	ssyncadd.remote.s32 $0x1  }
0xbd: {  	_ =	sfence.sel $0xFFFF  }
0xbe: {  	[dreg:$0x0] =	wrdreg $0xFFFFFFFF;
	(pc) =	sbr.abs _section_cstart, $3  }
0xbf: {  	[dreg:$0x1] =	wrdreg $0xFFFFFFFF  }
0xc0: {  	_ =	task.clear_ibuf [dreg:s6], $0x2FFFF;
	_ =	strace $0x9FFFFFFF  }
0xc1: {  	(tm) =	ssettm $0x7FFFFFFF  }
tec
execute0_lowered:
.L_overlay_start_1:
0x0: {  	(tag) =	ssettag $0x1  }
0x1: {  	s2 =	rddreg [dreg:$0x0]  }
0x2: {  	s0 =	rddreg [dreg:$0x1]  }
0x3: {  	s1 =	srdreg.scid;
	_ =	strace $0x80000047;
	s4 =	simm.s32 $0x1  }
0x4: {  	s9 =	simm.s32 $0x3;
	s11 =	simm.s32 $0x0;
	s5 =	sshll.u32 s1, $0x4  }
.Ltmp0:
0x5: {  	s1 =	stileid.u32;
	s5 =	sand.u32 $0x10, s5;
	(pc) =	sbr.rel .LBB2_1-.Ltmp0, $4  }
0x6: {  	p0 =	por $0x0, $0x0;
	s3 =	sadd.s32 $0x40000, s2;
	s6 =	sor.u32 s1, s5  }
0x7: {  	[sflag:s4] =	ssyncpa.u1 $0x0;
	s5 =	simm.s32 $0x2;
	s6 =	sshll.u32 s6, $0x9  }
0x8: {  	s7 =	sadd.s32 $0x40A00, s2;
	[sflag:s5] =	ssyncpa.u1 $0x0;
	s8 =	sadd.s32 $0x200, s6  }
0x9: {  	vm0 =	vmmov $0xff;
	vm1 =	vcmask $0x3F20;
	[sflag:s9] =	ssyncpa.u1 $0x0;
	s10 =	smov.u32 s6;
	s9 =	simm.s32 $0x0  }
.LBB2_7:
0xa: {  	p1 =	slt.u32 s9, $0x2;
	s11 =	sadd.s32 $0x100, s10  }
0xb: {  	s13 =	smov.u32 s6;
	s9 =	sadd.s32 $0x1, s9;
	p2 =	slt.s32 s11, s8  }
0xc: {  	s13 =	smov.u32 @p2 s11;
	p2 =	sne.s32 s9, $0x4  }
.Ltmp1:
0xd: {  	_ = 	snop;
	(pc) =	sbr.rel @!p2 .LBB2_8-.Ltmp1, $4  }
0xe: {  	s12 =	simm.s32 @!p1 $0x3  }
0xf: {  	_ =	swait.ge @!p1 [sflag:s12], $0x8000  }
0x10: {  	p0 =	por !p0, !p0;
	[sflag:s12] =	ssyncset.done @!p1 $0x0  }
0x11: {  	s11 =	smov.u32 s10;
	s10 =	smov.u32 s13;
	[sflag:s12] =	ssyncadd.s32 @!p1 $0xFFFF8000  }
.LBB2_1:
0x12: {  	p1 =	sgt.u32 s9, $0x1  }
0x13: {  	s12 =	sshll.u32 @!p1 s9, $0x8;
	s13 =	sshrl.u32 @!p1 s10, $0x3  }
0x14: {  	s14 =	sand.u32 @!p1 $0x7, s10;
	s12 =	sxor.u32 @!p1 $0x100, s12;
	s13 =	sadd.s32 @!p1 s3, s13  }
0x15: {  	[tilespmem:s12], [sflag:$0x2] =	stream.linear.gather @!p1 [hbm4b:s13+s14], $0x100, $0x38;
	[tilespmem:$0x10200] =	vst v63  }
0x16: {  	p1 =	seq.s32 s9, $0x0  }
0x17: {  	p2 =	seq.s32 @!p1 s9, $0x3  }
0x18: {  	p1 =	por p1, p2  }
.Ltmp2:
0x19: {  	_ = 	snop;
	(pc) =	sbr.rel @p1 .LBB2_7-.Ltmp2, $1  }
0x1a: {  	_ =	sdelay $0x3  }
0x1b: {  	s12 =	simm.s32 $0x1  }
0x1c: {  	_ =	swait.ge [sflag:s5], $0x100;
	s12 =	simm.s32 @!p0 $0x0  }
0x1d: {  	[sflag:s5] =	ssyncset.done $0x0;
	s14 =	sshll.u32 s12, $0x8  }
0x1e: {  	[sflag:s5] =	ssyncadd.s32 $0xFFFFFF00;
	s13 =	sadd.s32 $0x0, s14  }
0x1f: {  	v0 =	vld.msk [tilespmem:s13+$0x0 ss:$0x1], $0xffff;
	_ =	sdelay $0x4  }
0x20: {  	v1 =	vshll.u32 v0, $0x5  }
0x21: {  	vm2 =	veq.s32 v0, $0x80000000;
	v0 =	vshll.u32 v0, $0x13;
	v1 =	vand.u32 $0x7FF80, v1  }
0x22: {  	v0 =	vand.u32 $0x180000, v0;
	v1 =	vsel vm2, $0xFFFFFF80, v1  }
0x23: {  	v0 =	vsel vm2, $0xFFF80000, v0;
	v2 =	vand.u32 $0xFFFFFC00, v1  }
0x24: {  	v1 =	vand.u32 $0x380, v1;
	v0 =	vadd.s32 v0, v2  }
0x25: {  	v0 =	vor.u32 v1, v0  }
0x26: {  	v0 =	vshrl.u32 v0, $0x3;
	_ =	sdelay $0x2  }
0x27: {  	s12 =	sshll.u32 s12, $0xF  }
0x28: {  	s12 =	sor.u32 $0x200, s12  }
0x29: {  	[tilespmem:s12], [sflag:$0x1] =	stream.indirect_vreg.gather [hbm:s2], $0x80, v0, vm0, $0x38;
	[tilespmem:$0x10200] =	vst v63  }
0x2a: {  	s15 =	sadd.s32 $0x10, s14;
	s13 =	sadd.s32 $0x400, s12  }
0x2b: {  	[tilespmem:s13], [sflag:$0x1] =	stream.indirect_vreg.gather [hbm:s2], $0x80, v0, vm1, $0x38;
	[tilespmem:$0x10200] =	vst v63  }
0x2c: {  	s16 =	simm.s32 $0x80;
	v0 =	vld.msk [tilespmem:s15+$0x0 ss:$0x1], $0xffff;
	s15 =	smov.u32 s12  }
.LBB2_3:
0x2d: {  	p1 =	sne.s32 s16, $0x3C0;
	_ =	sdelay $0x4  }
0x2e: {  	v1 =	vshll.u32 v0, $0x5  }
0x2f: {  	vm2 =	veq.s32 v0, $0x80000000;
	v0 =	vshll.u32 v0, $0x13;
	v1 =	vand.u32 $0x7FF80, v1  }
0x30: {  	v0 =	vand.u32 $0x180000, v0;
	v1 =	vsel vm2, $0xFFFFFF80, v1  }
0x31: {  	v0 =	vsel vm2, $0xFFF80000, v0;
	v2 =	vand.u32 $0xFFFFFC00, v1  }
0x32: {  	v1 =	vand.u32 $0x380, v1;
	v0 =	vadd.s32 v0, v2  }
0x33: {  	v0 =	vor.u32 v1, v0  }
0x34: {  	v0 =	vshrl.u32 v0, $0x3;
	_ =	sdelay $0x3  }
.Ltmp3:
0x35: {  	s17 =	sshra.s32 s16, $0x2;
	s15 =	sadd.s32 $0x800, s15;
	(pc) =	sbr.rel @p1 .LBB2_3-.Ltmp3, $4  }
0x36: {  	[tilespmem:s15], [sflag:$0x1] =	stream.indirect_vreg.gather [hbm:s2], $0x80, v0, vm0, $0x38;
	[tilespmem:$0x10200] =	vst v63  }
0x37: {  	s17 =	sadd.s32 s17, s14;
	s18 =	sadd.s32 $0x400, s15  }
0x38: {  	[tilespmem:s18], [sflag:$0x1] =	stream.indirect_vreg.gather [hbm:s2], $0x80, v0, vm1, $0x38;
	[tilespmem:$0x10200] =	vst v63  }
0x39: {  	s16 =	sadd.s32 $0x40, s16;
	v0 =	vld.msk [tilespmem:s17+$0x0 ss:$0x1], $0xffff  }
0x3a: {  	_ =	sdelay $0x3  }
0x3b: {  	v1 =	vshll.u32 v0, $0x5  }
0x3c: {  	vm2 =	veq.s32 v0, $0x80000000;
	v63 =	vshll.u32 v0, $0x13;
	v1 =	vand.u32 $0x7FF80, v1  }
0x3d: {  	v0 =	vand.u32 $0x180000, v63;
	v1 =	vsel vm2, $0xFFFFFF80, v1  }
0x3e: {  	v0 =	vsel vm2, $0xFFF80000, v0;
	v2 =	vand.u32 $0xFFFFFC00, v1  }
0x3f: {  	v1 =	vand.u32 $0x380, v1;
	v0 =	vadd.s32 v0, v2  }
0x40: {  	v0 =	vor.u32 v1, v0  }
0x41: {  	v0 =	vshrl.u32 v0, $0x3;
	_ =	sdelay $0x3  }
0x42: {  	s14 =	sadd.s32 $0x800, s15  }
0x43: {  	[tilespmem:s14], [sflag:$0x1] =	stream.indirect_vreg.gather [hbm:s2], $0x80, v0, vm0, $0x38;
	[tilespmem:$0x10200] =	vst v63  }
0x44: {  	s14 =	sadd.s32 $0x400, s14  }
0x45: {  	[tilespmem:s14], [sflag:$0x1] =	stream.indirect_vreg.gather [hbm:s2], $0x80, v0, vm1, $0x38;
	[tilespmem:$0x10200] =	vst v63  }
0x46: {  	s11 =	sshll.u32 s11, $0x4;
	_ =	swait.ge [sflag:s4], $0x8000  }
0x47: {  	s11 =	sadd.s32 s11, s7;
	[sflag:s4] =	ssyncset.done $0x0  }
0x48: {  	s15 =	sadd.s32 $0x0, s11;
	s14 =	simm.s32 $0x80;
	[sflag:s4] =	ssyncadd.s32 $0xFFFF8000  }
.LBB2_5:
0x49: {  	[hbm:s15] =	stream.linear.scatter [tilespmem:s12], [sflag:$0x3], $0x400, $0x38;
	[tilespmem:$0x10200] =	vst v63  }
0x4a: {  	s15 =	smov.u32 s14;
	s12 =	smov.u32 s13;
	p1 =	sne.s32 s14, $0xF80  }
.Ltmp4:
0x4b: {  	s14 =	sadd.s32 $0x80, s14;
	(pc) =	sbr.rel @p1 .LBB2_5-.Ltmp4, $2  }
0x4c: {  	_ =	sdelay $0x2  }
0x4d: {  	s13 =	sadd.s32 $0x400, s13;
	s15 =	sadd.s32 s15, s11  }
.Ltmp5:
0x4e: {  	(pc) =	sbr.rel .LBB2_7-.Ltmp5, $2  }
0x4f: {  	_ =	sdelay $0x2  }
0x50: {  	[hbm:s15] =	stream.linear.scatter [tilespmem:s12], [sflag:$0x3], $0x400, $0x38;
	[tilespmem:$0x10200] =	vst v63  }
.LBB2_8:
0x51: {  	_ =	sfence.sel $0x180000  }
0x52: {  	s2 =	simm.s32 $0x2;
	[bflag:$0x0] =	sbarrier.arrive $0xFFFF  }
0x53: {  	s30 =	simm.s32 $0x3;
	[sflag:s2] =	ssyncpa.u1 $0x1  }
0x54: {  	s31 =	simm.s32 $0x1;
	[sflag:s30] =	ssyncpa.u1 $0x1  }
0x55: {  	[sflag:s31] =	ssyncpa.u1 $0x1  }
0x56: {  	p0 =	sne.s32 s1, $0x0;
	_ =	strace $0x90000047  }
0x57: {  	s0 =	sadd.s32 @!p0 $0x100000, s0;
	[bflag:$0x2] =	sbarrier.arrive $0xFFFF  }
0x58: {  	[sflag:s0] =	ssyncadd.tile.s32 @!p0 $0x1;
	_ =	shalt  }
.Lfunc_end2:
_tile_overlayer_lowered:
.L_overlay_start_2:
0x59: {  	(tag) =	ssettag $0x2  }
0x5a: {  	s0 =	rddreg [dreg:$0x0];
	s2 =	stileid.u32  }
0x5b: {  	s1 =	rddreg [dreg:$0x1];
	p0 =	sne.s32 s2, $0x0  }
0x5c: {  	s3 =	rddreg [dreg:$0x2];
	[bflag:$0x3] =	sbarrier.arrive $0xFFFF;
	s2 =	simm.s32 @!p0 $0x1C01  }
0x5d: {  	[timem:s3], [sflag:s2] =	dma.local @!p0 [hbm:s0], s1  }
0x5e: {  	s0 =	simm.s32 @!p0 $0x1  }
0x5f: {  	_ =	swait.ge @!p0 [sflag:s0], s1  }
0x60: {  	s1 =	ssub.s32 @!p0 $0x0, s1;
	[sflag:s0] =	ssyncset.done @!p0 $0x0  }
0x61: {  	[sflag:s0] =	ssyncadd.s32 @!p0 s1  }
0x62: {  	[bflag:$0x3] =	sbarrier.arrive $0xFFFF  }
0x63: {  	_ =	shalt  }

// kernel: kernel.3.cloned.1.call-start
scs
__scs_entry_jumppad:
0x0: {  	(pc) =	sbr.rel $0x88, $3  }
0x1: {  	(tag) =	ssettag $0x0;
	lr =	simm.s32 $0x1  }
0x2: {  	[smem:$0x3F9F] =	sst lr;
	_ =	strace $0xD0000000  }
0x3: {  	_ = 	snop  }
0x4: {  	_ = 	snop  }
0x5: {  	_ = 	snop  }
0x6: {  	_ = 	snop  }
0x7: {  	_ = 	snop  }
__scs_overlays_trampoline_lowered:
0x8: {  	[smem:$0x3FAE] =	sst s0  }
0x9: {  	[smem:$0x3FAF] =	sst s1  }
0xa: {  	[smem:$0x3FB0] =	sst s2  }
0xb: {  	[smem:$0x3FB1] =	sst s3  }
0xc: {  	[smem:$0x3FB2] =	sst s4  }
0xd: {  	[smem:$0x3FB3] =	sst s5  }
0xe: {  	[smem:$0x3FB4] =	sst s6  }
0xf: {  	[smem:$0x3FB5] =	sst s7  }
0x10: {  	[smem:$0x3FB6] =	sst s8  }
0x11: {  	[smem:$0x3FB7] =	sst s9;
	s0 =	simm.s32 @!p0 $0x0  }
0x12: {  	s1 =	sld [smem:$0x3F9D];
	s0 =	simm.s32 @p0 $0x1  }
0x13: {  	[smem:$0x3FB8] =	sst s0;
	s0 =	simm.s32 @!p1 $0x0  }
0x14: {  	s2 =	sld [smem:$0x3F9C];
	s0 =	simm.s32 @p1 $0x1  }
0x15: {  	[smem:$0x3FB9] =	sst s0;
	s0 =	simm.s32 @!p2 $0x0  }
0x16: {  	s3 =	sld [smem:$0x3FDB];
	s0 =	simm.s32 @p2 $0x1  }
0x17: {  	s4 =	simm.s32 $0x1BF5;
	[smem:$0x3FBB] =	sst s0  }
0x18: {  	s0 =	sld [smem:$0x3F9E];
	_ =	swait.ge [sflag:s4], $0x0  }
0x19: {  	s7 =	sld [smem:$0x3F9F]  }
0x1a: {  	s8 =	sadd.s32 $0xFFFFE003, lr  }
0x1b: {  	s9 =	sadd.s32 $0xFFFFFEF7, lr;
	s5 =	simm.s32 $0xFFFFFFFF;
	p2 =	slt.u32 s8, $0xFFFFF086  }
0x1c: {  	p1 =	slt.u32 s9, $0xF7A;
	s5 =	simm.s32 @!p2 $0x0  }
0x1d: {  	s5 =	simm.s32 @p1 $0x1;
	p0 =	seq.s32 s7, s2  }
0x1e: {  	s7 =	smul.u32 @!p0 $0xF7A, s2;
	p2 =	seq.s32 @!p0 s5, $0x0  }
0x1f: {  	s9 =	smul.u32 $0xF7A, s1;
	s8 =	simm.s32 @!p0 $0x1BF5;
	p2 =	por !p2, p0  }
0x20: {  	[sflag:s8] =	ssyncset.s32 @!p0 $0xFFFFF086;
	s6 =	sadd.s32 @!p0 s3, s7;
	s7 =	simm.s32 @!p0 $0x108  }
0x21: {  	s3 =	sadd.s32 s3, s9;
	s6 =	sadd.s32 @!p0 $0x88, s6;
	s7 =	simm.s32 @p2 $0x1082  }
0x22: {  	[simem:s7], [sflag:s8] =	dma.local @!p0 [hbm:s6], $0xF7A  }
0x23: {  	s9 =	sor.u32 $0xD0000000, s2;
	s6 =	simm.s32 $0x108;
	_ =	swait.ge @!p0 [sflag:s8], $0x0  }
0x24: {  	s3 =	sadd.s32 $0x88, s3;
	s6 =	simm.s32 @!p1 $0x1082;
	[sflag:s4] =	ssyncset.s32 $0xFFFFF086  }
0x25: {  	[simem:s6], [sflag:s4] =	dma.local [hbm:s3], $0xF7A  }
0x26: {  	[smem:$0x3F9F] =	sst s1;
	(tag) =	ssettag s2;
	_ =	strace s9  }
0x27: {  	s1 =	sld [smem:$0x3FAF]  }
0x28: {  	s2 =	sld [smem:$0x3FB0]  }
0x29: {  	s4 =	sld [smem:$0x3FB2]  }
0x2a: {  	p0 =	seq.s32 s5, $0x0;
	s5 =	sld [smem:$0x3FB3]  }
0x2b: {  	s6 =	sld [smem:$0x3FB4]  }
0x2c: {  	s7 =	sld [smem:$0x3FB5]  }
0x2d: {  	s3 =	simm.s32 $0x108;
	s8 =	sld [smem:$0x3FB6]  }
0x2e: {  	s3 =	simm.s32 @!p0 $0x1082;
	s9 =	sld [smem:$0x3FB7]  }
0x2f: {  	lr =	sadd.s32 s0, s3;
	s0 =	sld [smem:$0x3FAE]  }
0x30: {  	s3 =	sld [smem:$0x3FB1]  }
0x31: {  	[smem:$0x3FBA] =	sst s10  }
0x32: {  	s10 =	sld [smem:$0x3FB8];
	_ =	sdelay $0x3  }
0x33: {  	p0 =	seq.s32 s10, $0x1;
	s10 =	sld [smem:$0x3FBA];
	_ =	sdelay $0x3  }
0x34: {  	[smem:$0x3FBA] =	sst s10  }
0x35: {  	s10 =	sld [smem:$0x3FB9];
	_ =	sdelay $0x3  }
0x36: {  	p1 =	seq.s32 s10, $0x1;
	s10 =	sld [smem:$0x3FBA];
	_ =	sdelay $0x3  }
0x37: {  	[smem:$0x3FBA] =	sst s10  }
0x38: {  	s10 =	sld [smem:$0x3FBB]  }
0x39: {  	_ = 	snop;
	(pc) =	sbr.ind lr, $3  }
0x3a: {  	_ = 	snop  }
0x3b: {  	_ = 	snop  }
0x3c: {  	p2 =	seq.s32 s10, $0x1;
	s10 =	sld [smem:$0x3FBA]  }
0x3d: {  	_ =	shalt  }
0x3e: {  	_ =	shalt  }
0x3f: {  	_ =	shalt  }
0x40: {  	_ =	shalt  }
0x41: {  	_ =	shalt  }
0x42: {  	_ =	shalt  }
0x43: {  	_ =	shalt  }
0x44: {  	_ =	shalt  }
0x45: {  	_ =	shalt  }
0x46: {  	_ =	shalt  }
0x47: {  	_ =	shalt  }
0x48: {  	_ =	shalt  }
0x49: {  	_ =	shalt  }
0x4a: {  	_ =	shalt  }
0x4b: {  	_ =	shalt  }
0x4c: {  	_ =	shalt  }
0x4d: {  	_ =	shalt  }
0x4e: {  	_ =	shalt  }
0x4f: {  	_ =	shalt  }
0x50: {  	_ =	shalt  }
0x51: {  	_ =	shalt  }
0x52: {  	_ =	shalt  }
0x53: {  	_ =	shalt  }
0x54: {  	_ =	shalt  }
0x55: {  	_ =	shalt  }
0x56: {  	_ =	shalt  }
0x57: {  	_ =	shalt  }
0x58: {  	_ =	shalt  }
0x59: {  	_ =	shalt  }
0x5a: {  	_ =	shalt  }
0x5b: {  	_ =	shalt  }
0x5c: {  	_ =	shalt  }
0x5d: {  	_ =	shalt  }
0x5e: {  	_ =	shalt  }
0x5f: {  	_ =	shalt  }
0x60: {  	_ =	shalt  }
0x61: {  	_ =	shalt  }
0x62: {  	_ =	shalt  }
0x63: {  	_ =	shalt  }
0x64: {  	_ =	shalt  }
0x65: {  	_ =	shalt  }
0x66: {  	_ =	shalt  }
0x67: {  	_ =	shalt  }
0x68: {  	_ =	shalt  }
0x69: {  	_ =	shalt  }
0x6a: {  	_ =	shalt  }
0x6b: {  	_ =	shalt  }
0x6c: {  	_ =	shalt  }
0x6d: {  	_ =	shalt  }
0x6e: {  	_ =	shalt  }
0x6f: {  	_ =	shalt  }
0x70: {  	_ =	shalt  }
0x71: {  	_ =	shalt  }
0x72: {  	_ =	shalt  }
0x73: {  	_ =	shalt  }
0x74: {  	_ =	shalt  }
0x75: {  	_ =	shalt  }
0x76: {  	_ =	shalt  }
0x77: {  	_ =	shalt  }
0x78: {  	_ =	shalt  }
0x79: {  	_ =	shalt  }
0x7a: {  	_ =	shalt  }
0x7b: {  	_ =	shalt  }
0x7c: {  	_ =	shalt  }
0x7d: {  	_ =	shalt  }
0x7e: {  	_ =	shalt  }
0x7f: {  	_ =	shalt  }
0x80: {  	_ =	shalt  }
0x81: {  	_ =	shalt  }
0x82: {  	_ =	shalt  }
0x83: {  	_ =	shalt  }
0x84: {  	_ =	shalt  }
0x85: {  	_ =	shalt  }
0x86: {  	_ =	shalt  }
0x87: {  	_ =	shalt  }
.Lfunc_end0:
.L_simem_size_0:
called_computation.4_lowered:
.L_overlay_start_0:
0x88: {  	s2 =	sld [smem:$0x3FD9]  }
0x89: {  	s3 =	sld [smem:$0x3FFE];
	_ =	sdelay $0x1  }
0x8a: {  	s1 =	srdreg.scid  }
0x8b: {  	s0 =	sand.u32 $0x1, s1  }
0x8c: {  	s16 =	sshll.u32 s0, $0xA;
	s2 =	sadd.s32 s3, s2  }
0x8d: {  	s2 =	sadd.s32 s2, s16  }
0x8e: {  	[smem:$0x3FC6] =	sst s2  }
0x8f: {  	_ = 	snop  }
0x90: {  	(tm) =	ssettm $0x1  }
0x91: {  	s17 =	sld [smem:$0x3FFB];
	_ =	sdelay $0x3  }
0x92: {  	_ =	strace s17  }
0x93: {  	s2 =	sld [smem:$0x3FFC];
	_ =	sdelay $0x3  }
0x94: {  	_ =	strace s2  }
0x95: {  	s2 =	sld [smem:$0x3FFD];
	_ =	sdelay $0x3  }
0x96: {  	_ =	strace s2  }
0x97: {  	_ =	strace $0x8FFFFFFF  }
0x98: {  	s18 =	sld [smem:$0x3FDB];
	_ =	sdelay $0x1  }
0x99: {  	s19 =	simm.s32 $_scs_section_size  }
0x9a: {  	s4 =	simm.s32 $_size__tile_overlayer_lowered;
	s5 =	simm.s32 $_tile_overlayer_lowered  }
0x9b: {  	s22 =	simm.s32 $0x1BFF;
	s21 =	sshll.u32 s5, $0x1;
	s2 =	sadd.s32 s19, s18  }
0x9c: {  	s6 =	simm.s32 $0x0;
	s20 =	sshll.u32 s4, $0x1;
	s4 =	sadd.s32 s21, s2  }
0x9d: {  	[timem:s6], [sflag:s22] =	dma.local [hbm:s4], s20  }
0x9e: {  	_ =	swait.ge [sflag:s22], s20  }
0x9f: {  	s3 =	ssub.s32 $0x0, s20;
	[sflag:s22] =	ssyncset.done $0x0  }
0xa0: {  	[sflag:s22] =	ssyncadd.s32 s3;
	_ =	sdelay $0x1  }
0xa1: {  	s23 =	simm.s32 $0x1B8B  }
0xa2: {  	_ =	swait.ge [sflag:s23], $0x1  }
0xa3: {  	[sflag:s23] =	ssyncset.done $0x0  }
0xa4: {  	s25 =	simm.s32 $0x1B8E;
	s24 =	sld [smem:$0x3FFE];
	[sflag:s23] =	ssyncadd.s32 $0xFFFFFFFF  }
0xa5: {  	s26 =	simm.s32 $execute0_lowered;
	[smem:$0x3FD2] =	sst s25  }
0xa6: {  	s4 =	sshll.u32 s26, $0x1;
	_ =	strace $0x80000052;
	[dreg:$0x1] =	wrdreg $0xFFFFFFFF  }
0xa7: {  	s28 =	simm.s32 $_size_execute0_lowered;
	s2 =	sadd.s32 s2, s4;
	[dreg:$0x0] =	wrdreg $0x0  }
0xa8: {  	s4 =	sshll.u32 s28, $0x1;
	[dreg:$0x2] =	wrdreg s2  }
0xa9: {  	[dreg:$0x3] =	wrdreg s4  }
0xaa: {  	[dreg:$0x4] =	wrdreg $0xC0  }
0xab: {  	_ =	task [dreg:s6], $0x5FFFF  }
0xac: {  	[dreg:$0x1] =	wrdreg $0xFFFFFFFF  }
0xad: {  	[dreg:$0x0] =	wrdreg $0x60  }
0xae: {  	[dreg:$0x2] =	wrdreg s24  }
0xaf: {  	[dreg:$0x3] =	wrdreg $0x9  }
0xb0: {  	_ =	task.clear_ibuf [dreg:s6], $0x4FFFF;
	_ =	strace $0x90000052  }
0xb1: {  	s29 =	simm.s32 $0x9;
	_ =	strace $0x80000054  }
0xb2: {  	_ =	swait.ge [sflag:s29], $0x1  }
0xb3: {  	[sflag:s29] =	ssyncadd.s32 $0xFFFFFFFF  }
0xb4: {  	_ =	strace $0x90000054  }
0xb5: {  	_ =	sfence  }
0xb6: {  	s30 =	sld [smem:$0x0];
	_ =	sdelay $0x2  }
0xb7: {  	s31 =	sshll.u32 s1, $0xD;
	s1 =	sshrl.u32 s1, $0x2  }
0xb8: {  	s3 =	sand.u32 $0x4000, s31;
	s1 =	sadd.s32 s1, s30  }
0xb9: {  	s0 =	sor.u32 s3, s0;
	s1 =	sshll.u32 s1, $0x11  }
0xba: {  	s0 =	sor.u32 s1, s0  }
0xbb: {  	s0 =	sadd.s32 $0x8F2B, s0  }
0xbc: {  	[sflag:s0] =	ssyncadd.remote.s32 $0x1  }
0xbd: {  	_ =	sfence.sel $0xFFFF  }
0xbe: {  	[dreg:$0x0] =	wrdreg $0xFFFFFFFF;
	(pc) =	sbr.abs _section_cstart, $3  }
0xbf: {  	[dreg:$0x1] =	wrdreg $0xFFFFFFFF  }
0xc0: {  	_ =	task.clear_ibuf [dreg:s6], $0x2FFFF;
	_ =	strace $0x9FFFFFFF  }
0xc1: {  	(tm) =	ssettm $0x7FFFFFFF  }
tec
execute0_lowered:
.L_overlay_start_1:
0x0: {  	(tag) =	ssettag $0x1  }
0x1: {  	s0 =	rddreg [dreg:$0x0]  }
0x2: {  	s1 =	srdreg.scid;
	s7 =	simm.s32 $0x0;
	s6 =	stileid.u32  }
0x3: {  	s1 =	sand.u32 $0x1, s1;
	[smem:$0x7FF] =	sst s7;
	s3 =	sshrl.u32 s6, $0x3  }
0x4: {  	s25 =	sshll.u32 s6, $0x2;
	s26 =	sshll.u32 s6, $0x4;
	s2 =	sshll.u32 s1, $0x1  }
0x5: {  	_ =	strace $0x80000053;
	s4 =	ssub.s32 $0x2, s1;
	s28 =	sshll.u32 s1, $0x6  }
0x6: {  	s2 =	sor.u32 s3, s2;
	s5 =	sshrl.u32 s4, $0x1;
	s3 =	sadd.s32 s25, s0  }
0x7: {  	s2 =	smul.u32 $0x820, s2;
	s5 =	ssub.s32 s4, s5;
	s4 =	sand.u32 $0x70, s26  }
.Ltmp0:
0x8: {  	[dreg:$0x3] =	wrdreg s4;
	s31 =	smax.u32 s5, $0x1;
	(pc) =	sbr.rel .LBB2_1-.Ltmp0, $4  }
0x9: {  	s30 =	sor.u32 $0x4100, s4;
	s2 =	sadd.s32 s0, s2;
	[dreg:$0x6] =	wrdreg s31  }
0xa: {  	s0 =	sadd.s32 s28, s3;
	[dreg:$0x2] =	wrdreg s2;
	s29 =	sadd.s32 $0x80200, s2  }
0xb: {  	v0 =	vmov s30;
	s0 =	sadd.s32 $0x2200, s0;
	[dreg:$0x4] =	wrdreg s29  }
0xc: {  	s1 =	simm.s32 $0x0;
	s2 =	simm.s32 $0x1;
	[tilespmem:$0x1FFF0] =	vst v0;
	[dreg:$0x5] =	wrdreg s0  }
.LBB2_26:
0xd: {  	v0 =	vld [tilespmem:$0x1FFE0];
	_ =	sdelay $0x3  }
0xe: {  	[tilespmem:$0x8210] =	vst v1;
	s7 =	simm.s32 $0x0  }
0xf: {  	s0 =	rddreg [dreg:$0x5];
	s1 =	simm.s32 $0x8200;
	s2 =	simm.s32 $0x1;
	[tilespmem:$0x8200] =	vst v0  }
0x10: {  	[hbm4b:s0+s7] =	stream.linear.scatter [tilespmem:s1], [sflag:$0x1], $0x20, $0x38;
	[tilespmem:$0x8280] =	vst v63  }
0x11: {  	_ =	swait.ge [sflag:s2], $0x20  }
0x12: {  	s30 =	rddreg [dreg:$0x7]  }
0x13: {  	s31 =	rddreg [dreg:$0x6];
	s1 =	sadd.s32 $0x1, s30  }
0x14: {  	p0 =	sne.s32 s1, s31  }
.Ltmp1:
0x15: {  	_ = 	snop;
	(pc) =	sbr.rel @!p0 .LBB2_27-.Ltmp1, $3  }
0x16: {  	_ =	sdelay $0x1  }
0x17: {  	[sflag:s2] =	ssyncset.done $0x0  }
0x18: {  	[sflag:s2] =	ssyncadd.s32 $0xFFFFFFE0  }
.LBB2_1:
0x19: {  	[dreg:$0x7] =	wrdreg s1  }
0x1a: {  	s0 =	rddreg [dreg:$0x4]  }
0x1b: {  	[tilespmem:s7], [sflag:$0x1] =	stream.linear.gather [hbm4b:s0+s7], $0x4100, $0x38;
	[tilespmem:$0x8280] =	vst v63  }
0x1c: {  	_ =	swait.ge [sflag:s2], $0x4100  }
0x1d: {  	[sflag:s2] =	ssyncset.done $0x0  }
0x1e: {  	s29 =	simm.s32 $0x4100;
	s28 =	rddreg [dreg:$0x2];
	[sflag:s2] =	ssyncadd.s32 $0xFFFFBF00  }
0x1f: {  	[tilespmem:s29], [sflag:$0x1] =	stream.linear.gather [hbm4b:s28+s7], $0x4100, $0x38;
	[tilespmem:$0x8280] =	vst v63  }
0x20: {  	_ =	swait.ge [sflag:s2], $0x4100  }
0x21: {  	[sflag:s2] =	ssyncset.done $0x0  }
0x22: {  	[sflag:s2] =	ssyncadd.s32 $0xFFFFBF00  }
0x23: {  	v1 =	vld [tilespmem:$0x8100];
	_ =	sdelay $0x1  }
0x24: {  	v2 =	vld [tilespmem:$0x8110];
	_ =	sdelay $0x1  }
0x25: {  	v3 =	vld [tilespmem:$0x8120]  }
0x26: {  	(v2sf) =	vpush v1, $0x0  }
0x27: {  	v51 =	vld [tilespmem:$0x8130];
	(v2sf) =	vpush v1, $0x1  }
0x28: {  	(v2sf) =	vpush v2, $0x0  }
0x29: {  	v52 =	vld [tilespmem:$0x8140];
	(v2sf) =	vpush v2, $0x1  }
0x2a: {  	(v2sf) =	vpush v3, $0x0  }
0x2b: {  	v53 =	vld [tilespmem:$0x8150];
	(v2sf) =	vpush v3, $0x1  }
0x2c: {  	(v2sf) =	vpush v51, $0x0  }
0x2d: {  	v54 =	vld [tilespmem:$0x8160];
	(v2sf) =	vpush v51, $0x1  }
0x2e: {  	(v2sf) =	vpush v52, $0x0  }
0x2f: {  	v55 =	vld [tilespmem:$0x8170];
	(v2sf) =	vpush v52, $0x1  }
0x30: {  	(v2sf) =	vpush v53, $0x0  }
0x31: {  	v56 =	vld [tilespmem:$0x8180];
	(v2sf) =	vpush v53, $0x1  }
0x32: {  	(v2sf) =	vpush v54, $0x0  }
0x33: {  	v57 =	vld [tilespmem:$0x8190];
	(v2sf) =	vpush v54, $0x1  }
0x34: {  	(v2sf) =	vpush v55, $0x0  }
0x35: {  	v58 =	vld [tilespmem:$0x81A0];
	s30 =	spop (v2sf);
	(v2sf) =	vpush v55, $0x1  }
0x36: {  	[dreg:$0x8] =	wrdreg s30;
	s31 =	spop (v2sf);
	(v2sf) =	vpush v56, $0x0  }
0x37: {  	v59 =	vld [tilespmem:$0x81B0];
	[dreg:$0x9] =	wrdreg s31;
	s1 =	spop (v2sf);
	(v2sf) =	vpush v56, $0x1  }
0x38: {  	[dreg:$0xb] =	wrdreg s1;
	s2 =	spop (v2sf);
	(v2sf) =	vpush v57, $0x0  }
0x39: {  	v60 =	vld [tilespmem:$0x81C0];
	[dreg:$0xd] =	wrdreg s2;
	s3 =	spop (v2sf);
	(v2sf) =	vpush v57, $0x1  }
0x3a: {  	[dreg:$0xf] =	wrdreg s3;
	s4 =	spop (v2sf);
	(v2sf) =	vpush v58, $0x0  }
0x3b: {  	v61 =	vld [tilespmem:$0x81D0];
	[dreg:$0x11] =	wrdreg s4;
	s5 =	spop (v2sf);
	(v2sf) =	vpush v58, $0x1  }
0x3c: {  	[dreg:$0x13] =	wrdreg s5;
	s6 =	spop (v2sf);
	(v2sf) =	vpush v59, $0x0  }
0x3d: {  	[dreg:$0x15] =	wrdreg s6;
	s7 =	spop (v2sf);
	(v2sf) =	vpush v59, $0x1  }
0x3e: {  	v62 =	vld [tilespmem:$0x81E0];
	[dreg:$0x17] =	wrdreg s7;
	s8 =	spop (v2sf);
	(v2sf) =	vpush v60, $0x0  }
0x3f: {  	[dreg:$0x19] =	wrdreg s8;
	s9 =	spop (v2sf);
	(v2sf) =	vpush v60, $0x1  }
0x40: {  	v63 =	vld [tilespmem:$0x81F0];
	[dreg:$0x1b] =	wrdreg s9;
	s10 =	spop (v2sf);
	(v2sf) =	vpush v61, $0x0  }
0x41: {  	[dreg:$0x1d] =	wrdreg s10;
	(v2sf) =	vpush v61, $0x1;
	s11 =	spop (v2sf)  }
0x42: {  	[dreg:$0x1f] =	wrdreg s11;
	s12 =	spop (v2sf)  }
0x43: {  	(v2sf) =	vpush v62, $0x0;
	[smem:$0x7EB] =	sst s12;
	s13 =	spop (v2sf)  }
0x44: {  	(v2sf) =	vpush v62, $0x1;
	[smem:$0x7EC] =	sst s13;
	s14 =	spop (v2sf)  }
0x45: {  	(v2sf) =	vpush v63, $0x0;
	[smem:$0x7ED] =	sst s14;
	s15 =	spop (v2sf)  }
0x46: {  	(v2sf) =	vpush v63, $0x1;
	[smem:$0x7EE] =	sst s15;
	s16 =	spop (v2sf)  }
0x47: {  	[smem:$0x7EF] =	sst s16;
	s17 =	spop (v2sf)  }
0x48: {  	[smem:$0x7F0] =	sst s17;
	s18 =	spop (v2sf)  }
0x49: {  	[smem:$0x7F1] =	sst s18;
	s19 =	spop (v2sf)  }
0x4a: {  	[smem:$0x7F2] =	sst s19;
	s20 =	spop (v2sf)  }
0x4b: {  	[smem:$0x7F3] =	sst s20;
	s21 =	spop (v2sf)  }
0x4c: {  	[smem:$0x7F4] =	sst s21;
	s22 =	spop (v2sf)  }
0x4d: {  	[smem:$0x7F5] =	sst s22;
	s23 =	spop (v2sf)  }
0x4e: {  	[smem:$0x7F6] =	sst s23;
	s24 =	spop (v2sf)  }
0x4f: {  	[smem:$0x7F7] =	sst s24;
	s25 =	spop (v2sf)  }
0x50: {  	[smem:$0x7F8] =	sst s25;
	s26 =	spop (v2sf)  }
0x51: {  	[smem:$0x7F9] =	sst s26  }
.Ltmp2:
0x52: {  	s28 =	spop (v2sf);
	(pc) =	sbr.rel .LBB2_2-.Ltmp2, $4  }
0x53: {  	[smem:$0x7FA] =	sst s28;
	s29 =	spop (v2sf)  }
0x54: {  	[smem:$0x7FB] =	sst s29;
	s30 =	spop (v2sf)  }
0x55: {  	v0 =	vimm.f32 $0.0e+00;
	[smem:$0x7FC] =	sst s30;
	s31 =	spop (v2sf)  }
0x56: {  	[tilespmem:$0x1FFE0] =	vst v0;
	s14 =	simm.s32 $0x0;
	s15 =	simm.s32 $0x0;
	[smem:$0x7FD] =	sst s31  }
.LBB2_11:
0x57: {  	v0 =	vadd.f32 v19, v17  }
0x58: {  	v1 =	vadd.f32 v20, v18;
	v2 =	vmul.f32 v41, v56;
	v3 =	vadd.f32 v21, v15  }
0x59: {  	v4 =	vadd.f32 v22, v16;
	v5 =	vmul.f32 v8, v56;
	v6 =	vadd.f32 v23, v32  }
0x5a: {  	v7 =	vadd.f32 v24, v33;
	v54 =	vmul.f32 v10, v56;
	v9 =	vadd.f32 v25, v34  }
0x5b: {  	v55 =	vadd.f32 v26, v11;
	v56 =	vmul.f32 v42, v56;
	v57 =	vmin.f32 v29, v30  }
0x5c: {  	v12 =	vmin.f32 v12, v31;
	v2 =	vadd.f32 v14, v2;
	v5 =	vadd.f32 v27, v5  }
0x5d: {  	v62 =	vmin.f32 v57, v12;
	v8 =	vadd.f32 v13, v54;
	v11 =	vadd.f32 v28, v56  }
0x5e: {  	v0 =	vmin.f32 v0, v1;
	v58 =	vmin.f32 v3, v4;
	v59 =	vmin.f32 v6, v7  }
0x5f: {  	v60 =	vmin.f32 v9, v55;
	v2 =	vmin.f32 v2, v5;
	v61 =	vmin.f32 v8, v11  }
0x60: {  	v0 =	vmin.f32 v0, v58;
	v63 =	vmin.f32 v59, v60;
	v2 =	vmin.f32 v2, v61  }
0x61: {  	v0 =	vmin.f32 v62, v0;
	v1 =	vmin.f32 v63, v2  }
0x62: {  	v0 =	vmin.f32 v0, v1  }
0x63: {  	v35 =	vmin.f32 v35, v0  }
.LBB2_12:
0x64: {  	v0 =	vld [tilespmem:$0x1FFE0];
	_ =	sdelay $0x1  }
0x65: {  	v1 =	vld [tilespmem:$0x1FFC0]  }
0x66: {  	s15 =	sadd.s32 $0x1, s15  }
0x67: {  	p0 =	seq.s32 s15, $0x20  }
.Ltmp3:
0x68: {  	v0 =	vadd.f32 v35, v0;
	(pc) =	sbr.rel @p0 .LBB2_13-.Ltmp3, $3  }
0x69: {  	_ = 	snop  }
0x6a: {  	v0 =	vadd.f32 v0, v1;
	_ =	sdelay $0x1  }
0x6b: {  	s14 =	sadd.s32 $0x8, s14;
	[tilespmem:$0x1FFE0] =	vst v0  }
.LBB2_2:
0x6c: {  	s0 =	sshll.u32 s15, $0x7  }
0x6d: {  	s3 =	rddreg [dreg:$0x3];
	s0 =	sand.u32 $0x3FFFFF80, s0  }
0x6e: {  	s1 =	sor.u32 s0, s3  }
0x6f: {  	s2 =	sshll.u32 s14, $0x4;
	s3 =	sor.u32 s3, s0;
	v0 =	vld [tilespmem:s1+$0x0]  }
0x70: {  	s5 =	sand.u32 $0x3FFFFF00, s2;
	v2 =	vld [tilespmem:s3+$0x1000]  }
0x71: {  	s0 =	sadd.s32 $0x4100, s5;
	v5 =	vld [tilespmem:s3+$0x2000]  }
0x72: {  	v6 =	vld [tilespmem:s0+$0x0];
	_ =	sdelay $0x2  }
0x73: {  	v4 =	vmul.f32 $-2.000000000e+00, v0  }
0x74: {  	v11 =	vmul.f32 $-2.000000000e+00, v2;
	v56 =	vmul.f32 $-2.000000000e+00, v5  }
0x75: {  	[tilespmem:$0x1FF80] =	vst v0;
	v0 =	vbroadcast v6, $0x0;
	v16 =	vbroadcast v6, $0x1  }
0x76: {  	s1 =	sand.u32 $0xFFFFFF00, s2;
	v17 =	vbroadcast v6, $0x2;
	v18 =	vbroadcast v6, $0x3  }
0x77: {  	s2 =	sand.u32 $0xFFFFFFF0, s1;
	v19 =	vbroadcast v6, $0x4;
	v20 =	vbroadcast v6, $0x5  }
0x78: {  	v8 =	vld [tilespmem:s2+$0x6100];
	v21 =	vbroadcast v6, $0x6;
	v22 =	vbroadcast v6, $0x7  }
0x79: {  	v23 =	vbroadcast v6, $0x8;
	v24 =	vbroadcast v6, $0x9  }
0x7a: {  	v25 =	vbroadcast v6, $0xA;
	v28 =	vbroadcast v6, $0xB  }
0x7b: {  	v29 =	vbroadcast v6, $0xC;
	v30 =	vbroadcast v6, $0xD  }
0x7c: {  	v31 =	vbroadcast v6, $0xE;
	v33 =	vbroadcast v6, $0xF  }
0x7d: {  	v32 =	vbroadcast v8, $0x0;
	v35 =	vbroadcast v8, $0x1  }
0x7e: {  	v34 =	vbroadcast v8, $0x2;
	v36 =	vbroadcast v8, $0x3  }
0x7f: {  	v38 =	vld [tilespmem:s2+$0x7100];
	v37 =	vbroadcast v8, $0x4;
	v39 =	vbroadcast v8, $0x5  }
0x80: {  	v40 =	vld [tilespmem:s2+$0x5100];
	v41 =	vbroadcast v8, $0x6;
	v9 =	vbroadcast v8, $0x7  }
0x81: {  	v10 =	vbroadcast v8, $0x8;
	v13 =	vbroadcast v8, $0x9  }
0x82: {  	v1 =	vbroadcast v8, $0xA;
	v47 =	vbroadcast v8, $0xB  }
0x83: {  	v48 =	vbroadcast v8, $0xC;
	v62 =	vbroadcast v8, $0xD  }
0x84: {  	v60 =	vbroadcast v8, $0xE;
	v58 =	vbroadcast v8, $0xF  }
0x85: {  	v26 =	vbroadcast v38, $0x0;
	v42 =	vbroadcast v40, $0x0  }
0x86: {  	v27 =	vbroadcast v38, $0x1;
	v43 =	vbroadcast v40, $0x1  }
0x87: {  	v44 =	vbroadcast v38, $0x2;
	v45 =	vbroadcast v40, $0x2  }
0x88: {  	v46 =	vbroadcast v38, $0x3;
	v6 =	vbroadcast v40, $0x3  }
0x89: {  	v49 =	vbroadcast v40, $0x4;
	v50 =	vbroadcast v38, $0x5  }
0x8a: {  	v51 =	vbroadcast v40, $0x5;
	v52 =	vbroadcast v38, $0x6  }
0x8b: {  	v53 =	vbroadcast v40, $0x6;
	v54 =	vbroadcast v38, $0x7  }
0x8c: {  	v55 =	vbroadcast v40, $0x7;
	v3 =	vbroadcast v38, $0x8  }
0x8d: {  	v57 =	vbroadcast v40, $0x8;
	v8 =	vbroadcast v38, $0x9  }
0x8e: {  	v59 =	vbroadcast v40, $0x9;
	v0 =	vmul.f32 v0, v4  }
0x8f: {  	v5 =	vbroadcast v38, $0xA;
	v16 =	vmul.f32 v16, v4  }
0x90: {  	v61 =	vbroadcast v40, $0xA;
	v17 =	vmul.f32 v17, v4  }
0x91: {  	v63 =	vbroadcast v38, $0xB;
	[tilespmem:$0x1FFB0] =	vst v48;
	v48 =	vbroadcast v38, $0x4  }
0x92: {  	[tilespmem:$0x1FF90] =	vst v1;
	v2 =	vadd.f32 v27, v16;
	v16 =	vmul.f32 v18, v4;
	v1 =	vbroadcast v40, $0xB  }
0x93: {  	v44 =	vadd.f32 v44, v17;
	v17 =	vmul.f32 v19, v4;
	v18 =	vbroadcast v38, $0xC  }
0x94: {  	[tilespmem:$0x1FFA0] =	vst v47;
	v47 =	vbroadcast v40, $0xC;
	v19 =	vbroadcast v38, $0xD  }
0x95: {  	v7 =	vadd.f32 v26, v0;
	v0 =	vbroadcast v40, $0xD;
	v6 =	vmul.f32 v6, v11  }
0x96: {  	v49 =	vmul.f32 v49, v11;
	v53 =	vmul.f32 v53, v11  }
0x97: {  	v55 =	vmul.f32 v55, v11;
	v46 =	vadd.f32 v46, v16;
	v16 =	vmul.f32 v20, v4  }
0x98: {  	v48 =	vadd.f32 v48, v17;
	v17 =	vmul.f32 v21, v4;
	v20 =	vbroadcast v38, $0xE  }
0x99: {  	v21 =	vmul.f32 v24, v4;
	v24 =	vmul.f32 v30, v4  }
0x9a: {  	v50 =	vadd.f32 v50, v16;
	v16 =	vmul.f32 v22, v4;
	v52 =	vadd.f32 v52, v17  }
0x9b: {  	v17 =	vmul.f32 v23, v4;
	v27 =	vadd.f32 v8, v21;
	v21 =	vbroadcast v38, $0xF  }
0x9c: {  	v22 =	vmul.f32 v28, v4;
	v23 =	vmul.f32 v29, v4;
	v38 =	vadd.f32 v48, v49  }
0x9d: {  	v54 =	vadd.f32 v54, v16;
	v26 =	vadd.f32 v3, v17;
	v16 =	vbroadcast v40, $0xE  }
0x9e: {  	v17 =	vmul.f32 v25, v4;
	v29 =	vadd.f32 v63, v22;
	v25 =	vmul.f32 v31, v4  }
0x9f: {  	v30 =	vadd.f32 v18, v23;
	v18 =	vmul.f32 v33, v4;
	v22 =	vmul.f32 v32, v56  }
0xa0: {  	v31 =	vadd.f32 v19, v24;
	v23 =	vmul.f32 v35, v56;
	v19 =	vmul.f32 v34, v56  }
0xa1: {  	s20 =	sand.u32 $0xFFFFFFF0, s14;
	s31 =	sor.u32 $0xF, s14;
	v24 =	vmul.f32 v42, v11;
	v42 =	vmul.f32 v57, v11;
	v28 =	vadd.f32 v5, v17  }
0xa2: {  	s2 =	ssub.s32 s31, s20;
	v17 =	vbroadcast v40, $0xF;
	v32 =	vadd.f32 v20, v25;
	v20 =	vmul.f32 v36, v56  }
0xa3: {  	s2 =	sadd.s32 $0x1, s2;
	v33 =	vadd.f32 v21, v18;
	v18 =	vmul.f32 v37, v56;
	v25 =	vmul.f32 v43, v11  }
0xa4: {  	p0 =	sne.s32 s2, $0x1;
	v63 =	vld [tilespmem:s3+$0x3000];
	v34 =	vadd.f32 v7, v24;
	v21 =	vmul.f32 v39, v56;
	v7 =	vmul.f32 v45, v11  }
.Ltmp4:
0xa5: {  	v24 =	vmul.f32 v41, v56;
	v37 =	vadd.f32 v46, v6;
	v6 =	vmul.f32 v51, v11;
	(pc) =	sbr.rel @!p0 .LBB2_4-.Ltmp4, $4  }
0xa6: {  	v48 =	vimm.f32 $3.000000010e+38;
	v43 =	vmul.f32 v59, v11;
	v45 =	vmul.f32 v1, v11  }
0xa7: {  	s6 =	sshll.u32 s15, $0x3;
	v41 =	vadd.f32 v52, v53;
	v40 =	vadd.f32 v54, v55;
	v46 =	vmul.f32 v47, v11  }
0xa8: {  	s18 =	sand.u32 $0xF0, s6;
	s4 =	sadd.s32 $0x4200, s5;
	[tilespmem:$0x1FFD0] =	vst v11;
	v47 =	vmul.f32 v0, v11;
	v35 =	vadd.f32 v2, v25;
	v36 =	vadd.f32 v44, v7  }
0xa9: {  	[smem:$0x7D5] =	sst s4;
	s16 =	sadd.s32 $0x100, s1;
	s3 =	sadd.s32 $0xFFFFFFFF, s2;
	v25 =	vmul.f32 v9, v56;
	v39 =	vadd.f32 v50, v6;
	v44 =	vmul.f32 v61, v11;
	[tilespmem:$0x1FFC0] =	vst v63  }
.LBB2_3:
0xaa: {  	v0 =	vadd.f32 v26, v42  }
0xab: {  	v1 =	vadd.f32 v27, v43;
	v26 =	vadd.f32 v28, v44  }
0xac: {  	v2 =	vld [tilespmem:$0x1FF90];
	v27 =	vadd.f32 v29, v45;
	v28 =	vadd.f32 v30, v46  }
0xad: {  	v54 =	vld [tilespmem:$0x1FFA0];
	v29 =	vadd.f32 v31, v47;
	v22 =	vadd.f32 v34, v22  }
0xae: {  	s0 =	sadd.s32 $0x10, s0;
	v55 =	vld [tilespmem:$0x1FFB0];
	v16 =	vmul.f32 v16, v11;
	v23 =	vadd.f32 v35, v23;
	v19 =	vadd.f32 v36, v19  }
0xaf: {  	v17 =	vmul.f32 v17, v11;
	v20 =	vadd.f32 v37, v20;
	v30 =	vld [tilespmem:s0+$0x0];
	v18 =	vadd.f32 v38, v18  }
0xb0: {  	v21 =	vadd.f32 v39, v21;
	v15 =	vmul.f32 v10, v56;
	v14 =	vmul.f32 v13, v56  }
0xb1: {  	v24 =	vadd.f32 v41, v24;
	v10 =	vmul.f32 v62, v56;
	v9 =	vmul.f32 v60, v56  }
0xb2: {  	v25 =	vadd.f32 v40, v25;
	v8 =	vmul.f32 v58, v56;
	v13 =	vmul.f32 v2, v56  }
0xb3: {  	v17 =	vadd.f32 v33, v17;
	v12 =	vmul.f32 v54, v56;
	v11 =	vmul.f32 v55, v56  }
0xb4: {  	s1 =	sadd.s32 $0x10, s1;
	v0 =	vadd.f32 v0, v15;
	v1 =	vadd.f32 v1, v14;
	v5 =	vbroadcast v30, $0x1  }
0xb5: {  	s2 =	sand.u32 $0xFFFFFFF0, s1;
	v15 =	vmin.f32 v19, v20;
	v19 =	vbroadcast v30, $0x3;
	v20 =	vbroadcast v30, $0x4  }
0xb6: {  	v59 =	vld [tilespmem:s2+$0x6100];
	v14 =	vmin.f32 v22, v23;
	v6 =	vbroadcast v30, $0x5;
	v22 =	vbroadcast v30, $0x6  }
0xb7: {  	v8 =	vadd.f32 v17, v8;
	v23 =	vbroadcast v30, $0x7;
	v2 =	vbroadcast v30, $0x8  }
0xb8: {  	v17 =	vmin.f32 v24, v25;
	v25 =	vbroadcast v30, $0x9;
	v60 =	vbroadcast v30, $0xA  }
0xb9: {  	v10 =	vadd.f32 v29, v10;
	v3 =	vbroadcast v30, $0xB;
	v29 =	vbroadcast v30, $0xC  }
0xba: {  	v16 =	vadd.f32 v32, v16;
	v31 =	vbroadcast v30, $0xD;
	v32 =	vbroadcast v30, $0xE  }
0xbb: {  	v39 =	vld [tilespmem:s2+$0x7100];
	v13 =	vadd.f32 v26, v13;
	v26 =	vbroadcast v30, $0x0;
	v33 =	vbroadcast v59, $0x0  }
0xbc: {  	v9 =	vadd.f32 v16, v9;
	v34 =	vbroadcast v59, $0x1;
	v35 =	vbroadcast v59, $0x2  }
0xbd: {  	v16 =	vmin.f32 v18, v21;
	v18 =	vbroadcast v59, $0x3;
	v37 =	vbroadcast v59, $0x4  }
0xbe: {  	v21 =	vbroadcast v59, $0x5;
	v24 =	vbroadcast v59, $0x6  }
0xbf: {  	v41 =	vbroadcast v59, $0x7;
	v7 =	vbroadcast v59, $0x8  }
0xc0: {  	v12 =	vadd.f32 v27, v12;
	v27 =	vbroadcast v39, $0x0;
	v43 =	vbroadcast v39, $0x1  }
0xc1: {  	v45 =	vbroadcast v39, $0x2;
	v47 =	vbroadcast v39, $0x3  }
0xc2: {  	v11 =	vadd.f32 v28, v11;
	v49 =	vbroadcast v39, $0x4;
	v51 =	vbroadcast v39, $0x5  }
0xc3: {  	v53 =	vbroadcast v39, $0x6;
	v55 =	vbroadcast v39, $0x7  }
0xc4: {  	v61 =	vbroadcast v39, $0xA;
	v10 =	vmin.f32 v11, v10;
	v11 =	vmin.f32 v16, v17;
	v17 =	vld [tilespmem:s2+$0x5100]  }
0xc5: {  	v63 =	vbroadcast v39, $0xB;
	v26 =	vmul.f32 v26, v4  }
0xc6: {  	v8 =	vmin.f32 v9, v8;
	v9 =	vmin.f32 v14, v15;
	v14 =	vmul.f32 v20, v4  }
0xc7: {  	v20 =	vmul.f32 v18, v56;
	v18 =	vmul.f32 v37, v56;
	v37 =	vadd.f32 v27, v26;
	v26 =	vld [tilespmem:$0x1FFD0]  }
0xc8: {  	v0 =	vmin.f32 v0, v1;
	v1 =	vbroadcast v30, $0x2;
	v30 =	vbroadcast v30, $0xF  }
0xc9: {  	v15 =	vmul.f32 v6, v4;
	v57 =	vmin.f32 v13, v12;
	v62 =	vbroadcast v17, $0xD  }
0xca: {  	v6 =	vmul.f32 v22, v4;
	v0 =	vmin.f32 v0, v57;
	v46 =	vbroadcast v17, $0x2  }
0xcb: {  	v58 =	vmin.f32 v10, v8;
	v8 =	vmin.f32 v9, v11;
	[tilespmem:$0x1FF70] =	vst v62;
	v62 =	vmul.f32 v25, v4  }
0xcc: {  	v0 =	vmin.f32 v0, v58;
	v25 =	vmul.f32 v41, v56;
	v41 =	vmul.f32 v46, v26;
	v26 =	vld [tilespmem:$0x1FFD0]  }
0xcd: {  	v2 =	vmul.f32 v2, v4;
	v31 =	vmul.f32 v31, v4;
	v0 =	vmin.f32 v8, v0  }
0xce: {  	v32 =	vmul.f32 v32, v4;
	[tilespmem:$0x1FF40] =	vst v7;
	v7 =	vbroadcast v59, $0x9;
	v48 =	vmin.f32 v48, v0  }
0xcf: {  	v1 =	vmul.f32 v1, v4;
	[tilespmem:$0x1FF60] =	vst v48;
	v48 =	vbroadcast v17, $0x3  }
0xd0: {  	v12 =	vmul.f32 v5, v4;
	v13 =	vmul.f32 v19, v4  }
0xd1: {  	v5 =	vmul.f32 v60, v4;
	v1 =	vadd.f32 v45, v1;
	v45 =	vmul.f32 v48, v26;
	v26 =	vld [tilespmem:$0x1FFD0]  }
0xd2: {  	v60 =	vmul.f32 v3, v4;
	[tilespmem:$0x1FF50] =	vst v7;
	v7 =	vbroadcast v59, $0xA  }
0xd3: {  	v22 =	vmul.f32 v33, v56;
	v19 =	vmul.f32 v35, v56  }
0xd4: {  	[tilespmem:$0x1FF90] =	vst v7;
	v7 =	vbroadcast v59, $0xB;
	v50 =	vbroadcast v17, $0x4  }
0xd5: {  	v21 =	vmul.f32 v21, v56;
	v24 =	vmul.f32 v24, v56  }
0xd6: {  	[tilespmem:$0x1FFA0] =	vst v7;
	v7 =	vbroadcast v59, $0xC;
	v46 =	vmul.f32 v50, v26;
	v26 =	vld [tilespmem:$0x1FFD0]  }
0xd7: {  	v57 =	vbroadcast v39, $0x8;
	v9 =	vbroadcast v39, $0xD  }
0xd8: {  	v58 =	vmul.f32 v29, v4;
	[tilespmem:$0x1FFB0] =	vst v7;
	v7 =	vbroadcast v59, $0xD  }
0xd9: {  	v0 =	vbroadcast v59, $0xF;
	v52 =	vbroadcast v17, $0x5  }
0xda: {  	v29 =	vld [tilespmem:$0x1FFD0];
	[tilespmem:$0x1FF10] =	vst v7;
	v7 =	vbroadcast v59, $0xE;
	v59 =	vbroadcast v39, $0x9  }
0xdb: {  	v11 =	vbroadcast v39, $0xE;
	v52 =	vmul.f32 v52, v26;
	v26 =	vld [tilespmem:$0x1FFD0]  }
0xdc: {  	v3 =	vmul.f32 v30, v4;
	v14 =	vadd.f32 v49, v14;
	v27 =	vadd.f32 v59, v62;
	v59 =	vld [tilespmem:$0x1FFD0]  }
0xdd: {  	v15 =	vadd.f32 v51, v15;
	v42 =	vbroadcast v17, $0x0;
	v54 =	vbroadcast v17, $0x6  }
0xde: {  	v6 =	vadd.f32 v53, v6;
	v28 =	vbroadcast v17, $0x7;
	[tilespmem:$0x1FF30] =	vst v0;
	v0 =	vmul.f32 v23, v4  }
0xdf: {  	v12 =	vadd.f32 v43, v12;
	v23 =	vmul.f32 v34, v56;
	v34 =	vmul.f32 v42, v29;
	v29 =	vld [tilespmem:$0x1FFD0]  }
0xe0: {  	v44 =	vbroadcast v17, $0x1;
	v0 =	vadd.f32 v55, v0;
	v55 =	vmul.f32 v54, v26  }
0xe1: {  	v26 =	vadd.f32 v57, v2;
	v2 =	vmul.f32 v28, v59;
	v28 =	vadd.f32 v61, v5;
	v5 =	vld [tilespmem:$0x1FFD0]  }
0xe2: {  	v32 =	vadd.f32 v11, v32;
	v11 =	vld [tilespmem:$0x1FFD0];
	v8 =	vbroadcast v17, $0x8;
	v10 =	vbroadcast v17, $0x9  }
0xe3: {  	v13 =	vadd.f32 v47, v13;
	v36 =	vbroadcast v17, $0xA;
	v38 =	vbroadcast v17, $0xB  }
0xe4: {  	v40 =	vbroadcast v17, $0xC;
	v35 =	vmul.f32 v44, v29;
	v29 =	vadd.f32 v63, v60;
	v63 =	vld [tilespmem:$0x1FF70]  }
0xe5: {  	v31 =	vadd.f32 v9, v31;
	v16 =	vbroadcast v17, $0xE;
	[tilespmem:$0x1FF20] =	vst v7;
	v7 =	vbroadcast v39, $0xC;
	v62 =	vld [tilespmem:$0x1FF10]  }
0xe6: {  	p0 =	sne.s32 s3, $0x1;
	v34 =	vadd.f32 v37, v34;
	v39 =	vbroadcast v39, $0xF;
	v42 =	vmul.f32 v8, v5;
	v5 =	vld [tilespmem:$0x1FFD0]  }
.Ltmp5:
0xe7: {  	v44 =	vmul.f32 v36, v11;
	v36 =	vadd.f32 v1, v41;
	v48 =	vld [tilespmem:$0x1FF60];
	v30 =	vadd.f32 v7, v58;
	(pc) =	sbr.rel @p0 .LBB2_3-.Ltmp5, $4  }
0xe8: {  	v17 =	vbroadcast v17, $0xF;
	v60 =	vld [tilespmem:$0x1FF20];
	v33 =	vadd.f32 v39, v3;
	v35 =	vadd.f32 v12, v35  }
0xe9: {  	v58 =	vld [tilespmem:$0x1FF30];
	v37 =	vadd.f32 v13, v45;
	v45 =	vmul.f32 v38, v11;
	v47 =	vmul.f32 v63, v11  }
0xea: {  	v13 =	vld [tilespmem:$0x1FF50];
	v38 =	vadd.f32 v14, v46;
	v46 =	vmul.f32 v40, v11;
	v39 =	vadd.f32 v15, v52  }
0xeb: {  	s3 =	sadd.s32 $0xFFFFFFFF, s3;
	v41 =	vadd.f32 v6, v55;
	v40 =	vadd.f32 v0, v2;
	v43 =	vmul.f32 v10, v5;
	v10 =	vld [tilespmem:$0x1FF40]  }
.LBB2_4:
0xec: {  	v0 =	vadd.f32 v26, v42;
	v5 =	vadd.f32 v29, v45  }
0xed: {  	v7 =	vadd.f32 v30, v46;
	v8 =	vadd.f32 v31, v47  }
0xee: {  	v9 =	vadd.f32 v34, v22;
	v12 =	vadd.f32 v36, v19  }
0xef: {  	v2 =	vmul.f32 v16, v11;
	v14 =	vadd.f32 v37, v20;
	v15 =	vadd.f32 v38, v18  }
0xf0: {  	v6 =	vmul.f32 v17, v11;
	v53 =	vld [tilespmem:$0x1FF80];
	v1 =	vadd.f32 v27, v43;
	v3 =	vadd.f32 v28, v44  }
0xf1: {  	v52 =	vmul.f32 v62, v56;
	v43 =	vadd.f32 v35, v23;
	v45 =	vadd.f32 v39, v21  }
0xf2: {  	v46 =	vadd.f32 v41, v24;
	v50 =	vadd.f32 v40, v25;
	v54 =	vmul.f32 v60, v56  }
0xf3: {  	v49 =	vld [tilespmem:$0x1FFA0];
	v2 =	vadd.f32 v32, v2;
	v6 =	vadd.f32 v33, v6;
	v55 =	vmul.f32 v58, v56  }
0xf4: {  	v44 =	vld [tilespmem:$0x1FF90];
	v8 =	vadd.f32 v8, v52;
	v57 =	vmin.f32 v12, v14;
	v13 =	vmul.f32 v13, v56  }
0xf5: {  	v51 =	vld [tilespmem:$0x1FFB0];
	v9 =	vmin.f32 v9, v43;
	v58 =	vmin.f32 v15, v45;
	(v2sf) =	vpush v53, $0x0  }
0xf6: {  	v59 =	vmin.f32 v46, v50;
	v2 =	vadd.f32 v2, v54;
	(v2sf) =	vpush v53, $0x1  }
0xf7: {  	v10 =	vmul.f32 v10, v56;
	v6 =	vadd.f32 v6, v55;
	(v2sf) =	vpush v53, $0x2  }
0xf8: {  	v19 =	vmul.f32 v49, v56;
	v1 =	vadd.f32 v1, v13;
	(v2sf) =	vpush v53, $0x3  }
0xf9: {  	v16 =	vmul.f32 v44, v56;
	v0 =	vadd.f32 v0, v10;
	(v2sf) =	vpush v53, $0x4  }
0xfa: {  	v10 =	vmul.f32 v51, v56;
	v5 =	vadd.f32 v5, v19;
	(v2sf) =	vpush v53, $0x5  }
0xfb: {  	v2 =	vmin.f32 v2, v6;
	v3 =	vadd.f32 v3, v16;
	(v2sf) =	vpush v53, $0x6  }
0xfc: {  	v6 =	vmin.f32 v58, v59;
	v7 =	vadd.f32 v7, v10;
	(v2sf) =	vpush v53, $0x7  }
0xfd: {  	v0 =	vmin.f32 v0, v1;
	v60 =	vmin.f32 v3, v5;
	(v2sf) =	vpush v53, $0x8  }
0xfe: {  	v63 =	vld [tilespmem:$0x1FFC0];
	v3 =	vmin.f32 v7, v8;
	v5 =	vmin.f32 v9, v57;
	(v2sf) =	vpush v53, $0x9  }
0xff: {  	v0 =	vmin.f32 v0, v60;
	v61 =	vmin.f32 v3, v2;
	(v2sf) =	vpush v53, $0xA  }
0x100: {  	v62 =	vmin.f32 v5, v6;
	v0 =	vmin.f32 v0, v61;
	(v2sf) =	vpush v53, $0xB  }
0x101: {  	v0 =	vmin.f32 v62, v0;
	(v2sf) =	vpush v53, $0xC  }
0x102: {  	v35 =	vmin.f32 v48, v0;
	(v2sf) =	vpush v53, $0xD  }
0x103: {  	v0 =	vadd.f32 v35, v63;
	(v2sf) =	vpush v53, $0xE  }
0x104: {  	s21 =	spop (v2sf);
	(v2sf) =	vpush v53, $0xF  }
0x105: {  	s22 =	spop (v2sf);
	(v2sf) =	vpush v0, $0x0  }
0x106: {  	s23 =	spop (v2sf);
	(v2sf) =	vpush v0, $0x1  }
0x107: {  	s24 =	spop (v2sf);
	(v2sf) =	vpush v0, $0x2  }
0x108: {  	s25 =	spop (v2sf);
	(v2sf) =	vpush v0, $0x3  }
0x109: {  	s26 =	spop (v2sf);
	(v2sf) =	vpush v0, $0x4  }
0x10a: {  	s28 =	spop (v2sf)  }
0x10b: {  	s29 =	spop (v2sf)  }
0x10c: {  	s30 =	spop (v2sf)  }
0x10d: {  	s31 =	spop (v2sf)  }
0x10e: {  	(v2sf) =	vpush v0, $0x5;
	s0 =	spop (v2sf)  }
0x10f: {  	(v2sf) =	vpush v0, $0x6;
	s1 =	spop (v2sf)  }
0x110: {  	(v2sf) =	vpush v0, $0x7;
	s9 =	spop (v2sf)  }
0x111: {  	(v2sf) =	vpush v0, $0x8;
	s10 =	spop (v2sf)  }
0x112: {  	(v2sf) =	vpush v0, $0x9;
	s5 =	spop (v2sf)  }
0x113: {  	s6 =	spop (v2sf);
	(v2sf) =	vpush v0, $0xA  }
0x114: {  	s3 =	smin.f32 s21, s22;
	s2 =	spop (v2sf);
	(v2sf) =	vpush v0, $0xB  }
0x115: {  	s8 =	smin.f32 s23, s24;
	s7 =	spop (v2sf);
	(v2sf) =	vpush v0, $0xC  }
0x116: {  	s3 =	smin.f32 s3, s8;
	s19 =	spop (v2sf);
	(v2sf) =	vpush v0, $0xD  }
0x117: {  	s12 =	smin.f32 s25, s26;
	s11 =	spop (v2sf);
	(v2sf) =	vpush v0, $0xE  }
0x118: {  	s4 =	smin.f32 s28, s29;
	s13 =	spop (v2sf);
	(v2sf) =	vpush v0, $0xF  }
0x119: {  	s17 =	smin.f32 s30, s31;
	s8 =	smin.f32 s0, s1  }
0x11a: {  	s4 =	smin.f32 s12, s4;
	s8 =	smin.f32 s17, s8  }
0x11b: {  	s12 =	smin.f32 s9, s10;
	s17 =	smin.f32 s5, s6  }
0x11c: {  	s3 =	smin.f32 s3, s4;
	s12 =	smin.f32 s12, s17  }
0x11d: {  	s8 =	smin.f32 s8, s12;
	s17 =	spop (v2sf)  }
0x11e: {  	s2 =	smax.f32 s2, s7;
	s4 =	spop (v2sf)  }
0x11f: {  	s3 =	smin.f32 s3, s8;
	s12 =	spop (v2sf)  }
0x120: {  	s11 =	smax.f32 s19, s11;
	s8 =	spop (v2sf)  }
0x121: {  	s2 =	smax.f32 s2, s11;
	s7 =	spop (v2sf)  }
0x122: {  	s13 =	smax.f32 s13, s17;
	s19 =	spop (v2sf)  }
0x123: {  	s4 =	smax.f32 s4, s12;
	s17 =	spop (v2sf)  }
0x124: {  	s4 =	smax.f32 s13, s4;
	s12 =	spop (v2sf)  }
0x125: {  	s7 =	smax.f32 s8, s7;
	s8 =	spop (v2sf)  }
0x126: {  	s17 =	smax.f32 s19, s17;
	s19 =	spop (v2sf)  }
0x127: {  	s8 =	smax.f32 s12, s8;
	s12 =	spop (v2sf)  }
0x128: {  	s12 =	smax.f32 s19, s12;
	s19 =	rddreg [dreg:$0xd]  }
0x129: {  	s8 =	smax.f32 s8, s12;
	s12 =	rddreg [dreg:$0x9]  }
0x12a: {  	s7 =	smax.f32 s7, s17;
	s11 =	ssub.f32 s3, s12  }
0x12b: {  	s13 =	smax.f32 s7, s8;
	s8 =	ssub.f32 s3, s19  }
0x12c: {  	s2 =	smax.f32 s2, s4;
	s12 =	rddreg [dreg:$0x11]  }
0x12d: {  	s19 =	smax.f32 s2, s13;
	s4 =	ssub.f32 s3, s12  }
0x12e: {  	s13 =	rddreg [dreg:$0x15];
	s17 =	smul.f32 s11, s11  }
0x12f: {  	p0 =	sgt.f32 s11, $0.0e+00;
	s11 =	smul.f32 s8, s8  }
0x130: {  	p5 =	sgt.f32 s8, $0.0e+00;
	s8 =	ssub.f32 s3, s13  }
0x131: {  	s13 =	rddreg [dreg:$0x19];
	p1 =	sgt.f32 s17, s19  }
0x132: {  	p2 =	sgt.f32 s11, s19;
	s17 =	smul.f32 s4, s4  }
0x133: {  	s7 =	simm.s32 $0x1;
	s12 =	smul.f32 s8, s8;
	s11 =	ssub.f32 s3, s13  }
0x134: {  	s2 =	simm.s32 $0x1;
	p4 =	sgt.f32 s8, $0.0e+00;
	s8 =	rddreg [dreg:$0x1d]  }
0x135: {  	s13 =	sld [smem:$0x7EB];
	p0 =	por !p0, !p1;
	p1 =	sgt.f32 s4, $0.0e+00  }
0x136: {  	p6 =	por !p5, !p2;
	p2 =	sgt.f32 s17, s19;
	p3 =	sgt.f32 s12, s19  }
0x137: {  	s17 =	smul.f32 s11, s11;
	p5 =	sgt.f32 s11, $0.0e+00;
	p0 =	por !p0, !p0  }
0x138: {  	s11 =	simm.s32 $0x1;
	s2 =	simm.s32 @!p0 $0x0;
	p0 =	por !p6, !p6  }
0x139: {  	s4 =	simm.s32 $0x1;
	p6 =	sgt.f32 s17, s19;
	s7 =	simm.s32 @!p0 $0x0  }
0x13a: {  	s17 =	sld [smem:$0x7ED];
	p0 =	por !p1, !p2;
	s2 =	sadd.s32 s2, s7  }
0x13b: {  	s7 =	ssub.f32 s3, s8;
	p0 =	por !p0, !p0;
	s8 =	simm.s32 $0x1  }
0x13c: {  	p2 =	por !p4, !p3;
	p1 =	por !p5, !p6;
	s8 =	simm.s32 @!p0 $0x0  }
0x13d: {  	p0 =	por !p2, !p2;
	p1 =	por !p1, !p1;
	s12 =	smul.f32 s7, s7  }
0x13e: {  	p4 =	sgt.f32 s7, $0.0e+00;
	s7 =	ssub.f32 s3, s13;
	s11 =	simm.s32 @!p0 $0x0  }
0x13f: {  	s4 =	simm.s32 @!p1 $0x0;
	s2 =	sadd.s32 s8, s2;
	s8 =	ssub.f32 s3, s17  }
0x140: {  	s2 =	sadd.s32 s11, s2;
	p5 =	sgt.f32 s12, s19;
	s13 =	smul.f32 s7, s7  }
0x141: {  	s12 =	simm.s32 $0x1;
	p1 =	sgt.f32 s7, $0.0e+00;
	s11 =	smul.f32 s8, s8  }
0x142: {  	s2 =	sadd.s32 s4, s2;
	p2 =	sgt.f32 s13, s19;
	s13 =	sld [smem:$0x7EF]  }
0x143: {  	p3 =	sgt.f32 s8, $0.0e+00;
	s8 =	simm.s32 $0x1;
	p6 =	por !p4, !p5  }
0x144: {  	p4 =	sgt.f32 s11, s19;
	s11 =	sld [smem:$0x7F1];
	p0 =	por !p6, !p6  }
0x145: {  	s12 =	simm.s32 @!p0 $0x0;
	p0 =	por !p1, !p2;
	s7 =	ssub.f32 s3, s13  }
0x146: {  	s2 =	sadd.s32 s12, s2;
	p0 =	por !p0, !p0;
	s12 =	sld [smem:$0x7F3]  }
0x147: {  	p1 =	por !p3, !p4;
	s8 =	simm.s32 @!p0 $0x0;
	s17 =	smul.f32 s7, s7  }
0x148: {  	p0 =	por !p1, !p1;
	p5 =	sgt.f32 s7, $0.0e+00;
	s7 =	ssub.f32 s3, s11  }
0x149: {  	s11 =	simm.s32 $0x1;
	s2 =	sadd.s32 s8, s2;
	s4 =	ssub.f32 s3, s12  }
0x14a: {  	s12 =	simm.s32 $0x1;
	p6 =	sgt.f32 s17, s19;
	s13 =	smul.f32 s7, s7  }
0x14b: {  	p3 =	sgt.f32 s7, $0.0e+00;
	s7 =	simm.s32 $0x1;
	s17 =	smul.f32 s4, s4  }
0x14c: {  	p4 =	sgt.f32 s4, $0.0e+00;
	p2 =	por !p5, !p6;
	p6 =	sgt.f32 s13, s19  }
0x14d: {  	s12 =	simm.s32 @!p0 $0x0;
	p5 =	sgt.f32 s17, s19;
	s17 =	sld [smem:$0x7F5]  }
0x14e: {  	s4 =	simm.s32 $0x1;
	p1 =	por !p2, !p2;
	p3 =	por !p3, !p6  }
0x14f: {  	s2 =	sadd.s32 s12, s2;
	s7 =	simm.s32 @!p1 $0x0;
	p0 =	por !p3, !p3  }
0x150: {  	p6 =	por !p4, !p5;
	s2 =	sadd.s32 s7, s2;
	s13 =	ssub.f32 s3, s17  }
0x151: {  	p1 =	por !p6, !p6;
	s4 =	simm.s32 @!p0 $0x0;
	s17 =	sld [smem:$0x7F7]  }
0x152: {  	s11 =	simm.s32 @!p1 $0x0;
	s2 =	sadd.s32 s4, s2  }
0x153: {  	s2 =	sadd.s32 s11, s2;
	s11 =	sld [smem:$0x7FB]  }
0x154: {  	s8 =	smul.f32 s13, s13;
	s12 =	ssub.f32 s3, s17  }
0x155: {  	s17 =	sld [smem:$0x7F9]  }
0x156: {  	p1 =	sgt.f32 s13, $0.0e+00;
	p3 =	sgt.f32 s8, s19  }
0x157: {  	s13 =	smul.f32 s12, s12;
	s4 =	ssub.f32 s3, s11  }
0x158: {  	p2 =	sgt.f32 s12, $0.0e+00;
	s7 =	ssub.f32 s3, s17;
	p0 =	por !p1, !p3  }
0x159: {  	p4 =	sgt.f32 s13, s19;
	p3 =	por !p0, !p0;
	s13 =	sld [smem:$0x7FD]  }
0x15a: {  	s12 =	smul.f32 s4, s4;
	p0 =	sgt.f32 s4, $0.0e+00;
	s4 =	simm.s32 $0x1  }
0x15b: {  	s17 =	smul.f32 s7, s7;
	p5 =	sgt.f32 s7, $0.0e+00;
	s7 =	simm.s32 $0x1  }
0x15c: {  	p1 =	por !p2, !p4;
	p2 =	sgt.f32 s12, s19;
	s3 =	ssub.f32 s3, s13  }
0x15d: {  	s7 =	simm.s32 @!p3 $0x0;
	p6 =	sgt.f32 s17, s19;
	p1 =	por !p1, !p1  }
0x15e: {  	s2 =	sadd.s32 s7, s2;
	p0 =	por !p0, !p2;
	s17 =	smul.f32 s3, s3  }
0x15f: {  	p3 =	sgt.f32 s3, $0.0e+00;
	s3 =	simm.s32 $0x1;
	p4 =	por !p5, !p6  }
0x160: {  	p4 =	por !p4, !p4;
	s3 =	simm.s32 @!p1 $0x0;
	p6 =	sgt.f32 s17, s19  }
0x161: {  	p0 =	por !p0, !p0;
	s4 =	simm.s32 @!p4 $0x0;
	s2 =	sadd.s32 s3, s2  }
0x162: {  	s3 =	simm.s32 $0x1;
	s2 =	sadd.s32 s4, s2;
	p6 =	por !p3, !p6  }
0x163: {  	s3 =	simm.s32 @!p0 $0x0;
	s4 =	simm.s32 $0x1;
	p0 =	por !p6, !p6  }
0x164: {  	s2 =	sadd.s32 s3, s2;
	s4 =	simm.s32 @!p0 $0x0  }
0x165: {  	s3 =	sadd.s32 s4, s2  }
0x166: {  	s2 =	sshll.u32 s3, $0x4  }
0x167: {  	p0 =	sge.u32 s2, s18  }
.Ltmp6:
0x168: {  	_ = 	snop;
	(pc) =	sbr.rel @p0 .LBB2_8-.Ltmp6, $2  }
0x169: {  	_ =	sdelay $0x2  }
0x16a: {  	v47 =	vmov v11  }
0x16b: {  	s7 =	sshll.u32 s3, $0x8  }
0x16c: {  	s4 =	sand.u32 $0xFFFFFFF0, s7  }
0x16d: {  	v7 =	vld [tilespmem:s4+$0x6100];
	_ =	sdelay $0x4  }
0x16e: {  	v28 =	vld [tilespmem:s4+$0x5100];
	v31 =	vbroadcast v7, $0x0  }
0x16f: {  	v29 =	vld [tilespmem:s4+$0x7100];
	v32 =	vbroadcast v7, $0x1;
	v33 =	vbroadcast v7, $0x2  }
0x170: {  	[tilespmem:$0x1FEA0] =	vst v35;
	v34 =	vbroadcast v7, $0x3;
	v35 =	vbroadcast v7, $0x4  }
0x171: {  	v36 =	vbroadcast v7, $0x5;
	v37 =	vbroadcast v7, $0x6  }
0x172: {  	v38 =	vbroadcast v7, $0x7;
	v8 =	vbroadcast v7, $0x8  }
0x173: {  	v10 =	vbroadcast v7, $0x9;
	v6 =	vbroadcast v7, $0xA  }
0x174: {  	v25 =	vbroadcast v29, $0x0;
	v39 =	vbroadcast v28, $0x0  }
0x175: {  	v26 =	vbroadcast v29, $0x1;
	v40 =	vbroadcast v28, $0x1  }
0x176: {  	v27 =	vbroadcast v29, $0x2;
	v41 =	vbroadcast v28, $0x2  }
0x177: {  	v42 =	vbroadcast v29, $0x3;
	v43 =	vbroadcast v28, $0x3  }
0x178: {  	v44 =	vbroadcast v29, $0x4;
	v45 =	vbroadcast v28, $0x4  }
0x179: {  	v46 =	vbroadcast v29, $0x5;
	v48 =	vbroadcast v29, $0x6  }
0x17a: {  	s3 =	sand.u32 $0x3FFFFF00, s7;
	v49 =	vbroadcast v28, $0x6;
	v50 =	vbroadcast v29, $0x7  }
0x17b: {  	s3 =	sadd.s32 $0x4100, s3;
	v51 =	vbroadcast v28, $0x7;
	v52 =	vbroadcast v29, $0x8  }
0x17c: {  	v0 =	vld [tilespmem:s3+$0x0];
	v53 =	vbroadcast v28, $0x8;
	v54 =	vbroadcast v29, $0x9  }
0x17d: {  	v55 =	vbroadcast v28, $0x9;
	v57 =	vbroadcast v29, $0xA  }
0x17e: {  	v58 =	vbroadcast v28, $0xA;
	v59 =	vbroadcast v29, $0xB  }
0x17f: {  	v60 =	vbroadcast v28, $0xB;
	v61 =	vbroadcast v28, $0xC  }
0x180: {  	v62 =	vbroadcast v28, $0xD;
	v63 =	vbroadcast v28, $0xE  }
0x181: {  	v1 =	vbroadcast v0, $0x0;
	v2 =	vbroadcast v0, $0x1  }
0x182: {  	v3 =	vbroadcast v0, $0x2;
	v5 =	vbroadcast v0, $0x3  }
0x183: {  	v15 =	vbroadcast v0, $0x4;
	v16 =	vbroadcast v0, $0x5  }
0x184: {  	v17 =	vbroadcast v0, $0x6;
	v18 =	vbroadcast v0, $0x7  }
0x185: {  	v19 =	vbroadcast v0, $0x8;
	v20 =	vbroadcast v0, $0x9  }
0x186: {  	v21 =	vbroadcast v0, $0xA;
	v22 =	vbroadcast v0, $0xB  }
0x187: {  	v23 =	vbroadcast v0, $0xC;
	v24 =	vbroadcast v0, $0xD  }
0x188: {  	v30 =	vbroadcast v0, $0xE;
	v0 =	vbroadcast v0, $0xF  }
0x189: {  	[tilespmem:$0x1FEB0] =	vst v6;
	v6 =	vbroadcast v7, $0xB;
	v40 =	vmul.f32 v40, v47  }
0x18a: {  	v41 =	vmul.f32 v41, v47;
	v1 =	vmul.f32 v1, v4  }
0x18b: {  	v2 =	vmul.f32 v2, v4;
	v3 =	vmul.f32 v3, v4  }
0x18c: {  	v5 =	vmul.f32 v5, v4;
	v15 =	vmul.f32 v15, v4  }
0x18d: {  	v16 =	vmul.f32 v16, v4;
	v0 =	vmul.f32 v0, v4  }
0x18e: {  	[tilespmem:$0x1FEC0] =	vst v6;
	v6 =	vbroadcast v7, $0xC;
	v1 =	vadd.f32 v25, v1;
	v5 =	vadd.f32 v42, v5  }
0x18f: {  	v42 =	vadd.f32 v44, v15;
	v44 =	vbroadcast v29, $0xC;
	v15 =	vmul.f32 v17, v4  }
0x190: {  	v46 =	vadd.f32 v46, v16;
	v16 =	vmul.f32 v18, v4;
	v17 =	vbroadcast v29, $0xD  }
0x191: {  	v18 =	vbroadcast v29, $0xE;
	[tilespmem:$0x1FED0] =	vst v6;
	v6 =	vbroadcast v7, $0xD;
	v48 =	vadd.f32 v48, v15  }
0x192: {  	v15 =	vmul.f32 v19, v4;
	v50 =	vadd.f32 v50, v16;
	v16 =	vmul.f32 v20, v4  }
0x193: {  	v2 =	vadd.f32 v26, v2;
	v19 =	vmul.f32 v21, v4;
	v21 =	vbroadcast v29, $0xF  }
0x194: {  	v3 =	vadd.f32 v27, v3;
	v20 =	vmul.f32 v24, v4;
	v24 =	vmul.f32 v38, v56  }
0x195: {  	[tilespmem:$0x1FEE0] =	vst v6;
	v6 =	vbroadcast v7, $0xE;
	v26 =	vadd.f32 v54, v16;
	v16 =	vmul.f32 v22, v4  }
0x196: {  	v27 =	vadd.f32 v57, v19;
	v19 =	vmul.f32 v23, v4;
	v22 =	vmul.f32 v30, v4  }
0x197: {  	v30 =	vadd.f32 v17, v20;
	v20 =	vmul.f32 v32, v56;
	v17 =	vmul.f32 v33, v56  }
0x198: {  	v32 =	vadd.f32 v21, v0;
	v21 =	vmul.f32 v34, v56;
	v23 =	vmul.f32 v37, v56  }
0x199: {  	v25 =	vadd.f32 v52, v15;
	v52 =	vmul.f32 v45, v47;
	v57 =	vmul.f32 v49, v47  }
0x19a: {  	v34 =	vadd.f32 v2, v40;
	v45 =	vmul.f32 v60, v47;
	[tilespmem:$0x1FEF0] =	vst v6;
	v6 =	vbroadcast v7, $0xF  }
0x19b: {  	v29 =	vadd.f32 v59, v16;
	v16 =	vbroadcast v28, $0xF;
	v59 =	vmul.f32 v51, v47  }
0x19c: {  	s2 =	ssub.s32 s20, s2;
	[tilespmem:$0x1FF00] =	vst v6;
	v6 =	vbroadcast v28, $0x5;
	v28 =	vadd.f32 v44, v19;
	v19 =	vmul.f32 v31, v56  }
0x19d: {  	p0 =	sne.s32 s2, $0x1;
	v31 =	vadd.f32 v18, v22;
	v18 =	vmul.f32 v39, v47;
	v22 =	vmul.f32 v36, v56  }
.Ltmp7:
0x19e: {  	v44 =	vmul.f32 v43, v47;
	v36 =	vadd.f32 v42, v52;
	v42 =	vmul.f32 v55, v47;
	(pc) =	sbr.rel @!p0 .LBB2_7-.Ltmp7, $4  }
0x19f: {  	v39 =	vadd.f32 v48, v57;
	v43 =	vmul.f32 v58, v47;
	v40 =	vadd.f32 v50, v59  }
0x1a0: {  	v33 =	vadd.f32 v1, v18;
	v18 =	vmul.f32 v35, v56;
	v54 =	vmul.f32 v6, v47  }
0x1a1: {  	v35 =	vadd.f32 v3, v41;
	v37 =	vadd.f32 v5, v44;
	v41 =	vmul.f32 v53, v47  }
0x1a2: {  	s20 =	sadd.s32 $0xFFFFFFFF, s2;
	v44 =	vmul.f32 v61, v47;
	v38 =	vadd.f32 v46, v54;
	v46 =	vmul.f32 v62, v47  }
.LBB2_6:
0x1a3: {  	v6 =	vld [tilespmem:$0x1FEB0];
	_ =	sdelay $0x4  }
0x1a4: {  	v12 =	vmul.f32 v6, v56;
	v6 =	vld [tilespmem:$0x1FEC0];
	_ =	sdelay $0x4  }
0x1a5: {  	v11 =	vmul.f32 v6, v56;
	v6 =	vld [tilespmem:$0x1FED0];
	_ =	sdelay $0x4  }
0x1a6: {  	v13 =	vmul.f32 v10, v56;
	v10 =	vmul.f32 v6, v56;
	v6 =	vld [tilespmem:$0x1FEE0];
	_ =	sdelay $0x2  }
0x1a7: {  	v3 =	vadd.f32 v27, v43;
	v5 =	vadd.f32 v29, v45  }
0x1a8: {  	v0 =	vadd.f32 v25, v41;
	v1 =	vadd.f32 v26, v42  }
0x1a9: {  	v15 =	vmul.f32 v16, v47;
	v16 =	vadd.f32 v28, v44;
	v9 =	vmul.f32 v6, v56;
	v6 =	vld [tilespmem:$0x1FEF0]  }
0x1aa: {  	s3 =	sadd.s32 $0x10, s3;
	v25 =	vadd.f32 v30, v46;
	v19 =	vadd.f32 v33, v19  }
0x1ab: {  	v20 =	vadd.f32 v34, v20;
	v17 =	vadd.f32 v35, v17;
	v26 =	vld [tilespmem:s3+$0x0]  }
0x1ac: {  	v21 =	vadd.f32 v37, v21;
	v18 =	vadd.f32 v36, v18  }
0x1ad: {  	s7 =	sadd.s32 $0x10, s7;
	v2 =	vmul.f32 v63, v47;
	v22 =	vadd.f32 v38, v22;
	v23 =	vadd.f32 v39, v23  }
0x1ae: {  	v24 =	vadd.f32 v40, v24;
	s2 =	sand.u32 $0xFFFFFFF0, s7;
	v14 =	vmul.f32 v8, v56;
	v8 =	vmul.f32 v6, v56;
	v6 =	vld [tilespmem:$0x1FF00]  }
0x1af: {  	v63 =	vld [tilespmem:s2+$0x6100];
	v2 =	vadd.f32 v31, v2;
	v15 =	vadd.f32 v32, v15;
	v59 =	vmin.f32 v18, v22  }
0x1b0: {  	v60 =	vmin.f32 v23, v24;
	v18 =	vbroadcast v26, $0x6;
	v22 =	vbroadcast v26, $0xA  }
0x1b1: {  	v0 =	vadd.f32 v0, v14;
	v23 =	vbroadcast v26, $0xB;
	v24 =	vbroadcast v26, $0xC  }
0x1b2: {  	v1 =	vadd.f32 v1, v13;
	v27 =	vbroadcast v26, $0xD;
	v28 =	vbroadcast v26, $0xE  }
0x1b3: {  	v3 =	vadd.f32 v3, v12;
	v5 =	vadd.f32 v5, v11;
	v7 =	vmul.f32 v6, v56  }
0x1b4: {  	v29 =	vbroadcast v63, $0x0;
	v10 =	vadd.f32 v16, v10;
	v9 =	vadd.f32 v25, v9  }
0x1b5: {  	v11 =	vmin.f32 v17, v21;
	v2 =	vadd.f32 v2, v8;
	v7 =	vadd.f32 v15, v7  }
0x1b6: {  	v61 =	vmin.f32 v3, v5;
	v3 =	vmin.f32 v10, v9;
	v8 =	vmin.f32 v19, v20  }
0x1b7: {  	v12 =	vld [tilespmem:s2+$0x7100];
	v5 =	vmin.f32 v8, v11;
	v2 =	vmin.f32 v2, v7;
	v7 =	vmin.f32 v59, v60  }
0x1b8: {  	v32 =	vbroadcast v63, $0x3;
	v62 =	vmin.f32 v3, v2;
	v3 =	vmin.f32 v5, v7;
	v7 =	vld [tilespmem:$0x1FEA0]  }
0x1b9: {  	v33 =	vbroadcast v63, $0x4;
	v0 =	vmin.f32 v0, v1;
	v1 =	vbroadcast v26, $0x2  }
0x1ba: {  	v34 =	vbroadcast v63, $0x5;
	v36 =	vbroadcast v63, $0x6;
	v0 =	vmin.f32 v0, v61  }
0x1bb: {  	v37 =	vbroadcast v63, $0x7;
	v1 =	vmul.f32 v1, v4;
	v0 =	vmin.f32 v0, v62  }
0x1bc: {  	v21 =	vbroadcast v26, $0x9;
	v17 =	vbroadcast v26, $0xF;
	v0 =	vmin.f32 v3, v0  }
0x1bd: {  	v39 =	vbroadcast v12, $0x1;
	v41 =	vbroadcast v12, $0x2;
	v7 =	vmin.f32 v7, v0  }
0x1be: {  	v43 =	vbroadcast v12, $0x3;
	[tilespmem:$0x1FEA0] =	vst v7;
	v7 =	vbroadcast v63, $0x1  }
0x1bf: {  	v45 =	vbroadcast v12, $0x4;
	v47 =	vbroadcast v12, $0x5  }
0x1c0: {  	v49 =	vbroadcast v12, $0x6;
	[tilespmem:$0x1FE40] =	vst v7;
	v7 =	vbroadcast v63, $0x2  }
0x1c1: {  	v51 =	vbroadcast v12, $0x7;
	v25 =	vbroadcast v26, $0x0  }
0x1c2: {  	v53 =	vbroadcast v12, $0x8;
	[tilespmem:$0x1FE50] =	vst v7;
	v7 =	vbroadcast v63, $0x8  }
0x1c3: {  	v25 =	vmul.f32 v25, v4;
	v19 =	vbroadcast v26, $0x7  }
0x1c4: {  	v20 =	vbroadcast v26, $0x8;
	[tilespmem:$0x1FE60] =	vst v7;
	v7 =	vbroadcast v63, $0x9  }
0x1c5: {  	v6 =	vbroadcast v26, $0x5;
	v2 =	vbroadcast v26, $0x1  }
0x1c6: {  	v5 =	vbroadcast v26, $0x3;
	[tilespmem:$0x1FE80] =	vst v7;
	v7 =	vbroadcast v63, $0xA  }
0x1c7: {  	v3 =	vbroadcast v26, $0x4;
	v0 =	vbroadcast v63, $0xF  }
0x1c8: {  	v16 =	vld [tilespmem:s2+$0x5100];
	v26 =	vbroadcast v12, $0x0;
	[tilespmem:$0x1FEB0] =	vst v7;
	v7 =	vbroadcast v63, $0xB  }
0x1c9: {  	v55 =	vbroadcast v12, $0x9;
	[tilespmem:$0x1FF00] =	vst v0;
	v0 =	vmul.f32 v23, v4  }
0x1ca: {  	v23 =	vmul.f32 v36, v56;
	v36 =	vadd.f32 v26, v25;
	v25 =	vld [tilespmem:$0x1FFD0];
	[tilespmem:$0x1FEC0] =	vst v7;
	v7 =	vbroadcast v63, $0xC  }
0x1cb: {  	v58 =	vbroadcast v12, $0xA;
	v30 =	vbroadcast v12, $0xD  }
0x1cc: {  	v31 =	vbroadcast v12, $0xE;
	[tilespmem:$0x1FED0] =	vst v7;
	v7 =	vbroadcast v63, $0xD  }
0x1cd: {  	v42 =	vbroadcast v16, $0x2;
	v9 =	vmul.f32 v6, v4  }
0x1ce: {  	v6 =	vmul.f32 v24, v4;
	[tilespmem:$0x1FEE0] =	vst v7;
	v7 =	vbroadcast v63, $0xE  }
0x1cf: {  	v24 =	vmul.f32 v37, v56;
	v37 =	vmul.f32 v42, v25;
	v25 =	vld [tilespmem:$0x1FFD0]  }
0x1d0: {  	v35 =	vbroadcast v12, $0xF;
	[tilespmem:$0x1FEF0] =	vst v7;
	v7 =	vmul.f32 v27, v4;
	v27 =	vld [tilespmem:$0x1FFD0]  }
0x1d1: {  	v38 =	vbroadcast v16, $0x0;
	v40 =	vbroadcast v16, $0x1  }
0x1d2: {  	v44 =	vbroadcast v16, $0x3;
	v46 =	vbroadcast v16, $0x4  }
0x1d3: {  	v48 =	vbroadcast v16, $0x5;
	v50 =	vbroadcast v16, $0x6  }
0x1d4: {  	v10 =	vmul.f32 v18, v4;
	v18 =	vmul.f32 v33, v56  }
0x1d5: {  	v33 =	vmul.f32 v38, v27;
	v38 =	vmul.f32 v44, v25;
	v25 =	vld [tilespmem:$0x1FFD0]  }
0x1d6: {  	v52 =	vbroadcast v16, $0x7;
	v54 =	vbroadcast v16, $0x8;
	v27 =	vld [tilespmem:$0x1FFD0]  }
0x1d7: {  	v14 =	vbroadcast v16, $0xD;
	v11 =	vmul.f32 v19, v4  }
0x1d8: {  	v57 =	vbroadcast v16, $0x9;
	v2 =	vmul.f32 v2, v4  }
0x1d9: {  	v61 =	vbroadcast v16, $0xB;
	[tilespmem:$0x1FE90] =	vst v14;
	v14 =	vmul.f32 v22, v4;
	v11 =	vadd.f32 v51, v11;
	v51 =	vld [tilespmem:$0x1FFD0]  }
0x1da: {  	v13 =	vbroadcast v16, $0xC;
	v2 =	vadd.f32 v39, v2;
	v39 =	vmul.f32 v46, v25;
	v25 =	vld [tilespmem:$0x1FFD0]  }
0x1db: {  	v22 =	vmul.f32 v34, v56;
	v34 =	vmul.f32 v40, v27;
	v27 =	vadd.f32 v58, v14;
	v58 =	vld [tilespmem:$0x1FFD0]  }
0x1dc: {  	[tilespmem:$0x1FE70] =	vst v13;
	v13 =	vmul.f32 v21, v4;
	v15 =	vmul.f32 v17, v4;
	v17 =	vld [tilespmem:$0x1FE40]  }
0x1dd: {  	v21 =	vmul.f32 v32, v56;
	v8 =	vmul.f32 v28, v4;
	v9 =	vadd.f32 v47, v9;
	v47 =	vld [tilespmem:$0x1FFD0]  }
0x1de: {  	v59 =	vbroadcast v16, $0xA;
	v5 =	vmul.f32 v5, v4;
	v26 =	vadd.f32 v55, v13;
	v55 =	vld [tilespmem:$0x1FFD0]  }
0x1df: {  	v1 =	vadd.f32 v41, v1;
	v60 =	vbroadcast v12, $0xB;
	v48 =	vmul.f32 v48, v25;
	v25 =	vld [tilespmem:$0x1FFD0]  }
0x1e0: {  	v62 =	vbroadcast v12, $0xC;
	v5 =	vadd.f32 v43, v5;
	v43 =	vmul.f32 v59, v58;
	v59 =	vld [tilespmem:$0x1FFD0]  }
0x1e1: {  	v10 =	vadd.f32 v49, v10;
	v12 =	vmul.f32 v20, v4;
	v20 =	vmul.f32 v17, v56;
	v17 =	vld [tilespmem:$0x1FE50]  }
0x1e2: {  	v31 =	vadd.f32 v31, v8;
	v28 =	vadd.f32 v62, v6;
	v62 =	vld [tilespmem:$0x1FE90];
	v3 =	vmul.f32 v3, v4  }
0x1e3: {  	v19 =	vmul.f32 v29, v56;
	v32 =	vadd.f32 v35, v15;
	v29 =	vadd.f32 v60, v0;
	v60 =	vld [tilespmem:$0x1FFD0]  }
0x1e4: {  	v3 =	vadd.f32 v45, v3;
	v50 =	vmul.f32 v50, v25;
	v25 =	vadd.f32 v53, v12;
	v53 =	vld [tilespmem:$0x1FFD0]  }
0x1e5: {  	p0 =	sne.s32 s20, $0x1;
	v42 =	vmul.f32 v57, v55;
	v35 =	vadd.f32 v1, v37;
	v45 =	vmul.f32 v61, v59;
	v61 =	vld [tilespmem:$0x1FE70]  }
.Ltmp8:
0x1e6: {  	v17 =	vmul.f32 v17, v56;
	v63 =	vbroadcast v16, $0xE;
	v30 =	vadd.f32 v30, v7;
	(pc) =	sbr.rel @p0 .LBB2_6-.Ltmp8, $4  }
0x1e7: {  	v16 =	vbroadcast v16, $0xF;
	v33 =	vadd.f32 v36, v33;
	v37 =	vadd.f32 v5, v38  }
0x1e8: {  	v34 =	vadd.f32 v2, v34;
	v36 =	vadd.f32 v3, v39;
	v12 =	vmul.f32 v52, v51  }
0x1e9: {  	v8 =	vld [tilespmem:$0x1FE60];
	v46 =	vmul.f32 v62, v47;
	v38 =	vadd.f32 v9, v48;
	v39 =	vadd.f32 v10, v50  }
0x1ea: {  	s20 =	sadd.s32 $0xFFFFFFFF, s20;
	v10 =	vld [tilespmem:$0x1FE80];
	v40 =	vadd.f32 v11, v12;
	v41 =	vmul.f32 v54, v53;
	v44 =	vmul.f32 v61, v60  }
.LBB2_7:
0x1eb: {  	v1 =	vadd.f32 v26, v42;
	v3 =	vadd.f32 v27, v43  }
0x1ec: {  	v5 =	vadd.f32 v29, v45;
	v11 =	vadd.f32 v33, v19;
	v13 =	vld [tilespmem:$0x1FEB0]  }
0x1ed: {  	v12 =	vadd.f32 v34, v20;
	v14 =	vadd.f32 v35, v17;
	v48 =	vld [tilespmem:$0x1FEC0]  }
0x1ee: {  	v2 =	vmul.f32 v63, v47;
	v15 =	vadd.f32 v37, v21;
	v49 =	vadd.f32 v36, v18;
	v51 =	vld [tilespmem:$0x1FED0]  }
0x1ef: {  	v52 =	vadd.f32 v39, v23;
	v54 =	vld [tilespmem:$0x1FEE0];
	v0 =	vadd.f32 v25, v41;
	v7 =	vmul.f32 v8, v56  }
0x1f0: {  	v6 =	vmul.f32 v16, v47;
	v55 =	vld [tilespmem:$0x1FF00];
	v47 =	vadd.f32 v28, v44;
	v9 =	vadd.f32 v30, v46  }
0x1f1: {  	v50 =	vadd.f32 v38, v22;
	v0 =	vadd.f32 v0, v7;
	v7 =	vld [tilespmem:$0x1FEF0]  }
0x1f2: {  	v53 =	vadd.f32 v40, v24;
	v2 =	vadd.f32 v31, v2  }
0x1f3: {  	v6 =	vadd.f32 v32, v6;
	v10 =	vmul.f32 v10, v56;
	v13 =	vmul.f32 v13, v56  }
0x1f4: {  	v57 =	vmin.f32 v14, v15;
	v16 =	vmul.f32 v48, v56;
	v19 =	vmul.f32 v51, v56  }
0x1f5: {  	v22 =	vmul.f32 v54, v56;
	v1 =	vadd.f32 v1, v10;
	v10 =	vmul.f32 v55, v56  }
0x1f6: {  	v3 =	vadd.f32 v3, v13;
	v5 =	vadd.f32 v5, v16;
	v7 =	vmul.f32 v7, v56  }
0x1f7: {  	v58 =	vmin.f32 v49, v50;
	v8 =	vadd.f32 v47, v19;
	v9 =	vadd.f32 v9, v22  }
0x1f8: {  	v59 =	vmin.f32 v52, v53;
	v6 =	vadd.f32 v6, v10;
	v2 =	vadd.f32 v2, v7  }
0x1f9: {  	v63 =	vld [tilespmem:$0x1FEA0];
	v0 =	vmin.f32 v0, v1;
	v60 =	vmin.f32 v3, v5;
	v3 =	vmin.f32 v8, v9  }
0x1fa: {  	v0 =	vmin.f32 v0, v60;
	v7 =	vmin.f32 v11, v12;
	v2 =	vmin.f32 v2, v6  }
0x1fb: {  	v5 =	vmin.f32 v7, v57;
	v6 =	vmin.f32 v58, v59;
	v61 =	vmin.f32 v3, v2  }
0x1fc: {  	v62 =	vmin.f32 v5, v6;
	v0 =	vmin.f32 v0, v61  }
0x1fd: {  	v0 =	vmin.f32 v62, v0  }
0x1fe: {  	v35 =	vmin.f32 v63, v0  }
.LBB2_8:
0x1ff: {  	s2 =	smax.f32 s21, s22  }
0x200: {  	s3 =	smax.f32 s23, s24;
	s13 =	rddreg [dreg:$0x8]  }
0x201: {  	s4 =	smax.f32 s25, s26;
	s20 =	rddreg [dreg:$0xb]  }
0x202: {  	s7 =	smax.f32 s28, s29;
	s22 =	rddreg [dreg:$0xf]  }
0x203: {  	s8 =	smax.f32 s30, s31;
	s24 =	rddreg [dreg:$0x13]  }
0x204: {  	s0 =	smax.f32 s0, s1;
	s26 =	rddreg [dreg:$0x17]  }
0x205: {  	s11 =	smax.f32 s9, s10;
	s29 =	rddreg [dreg:$0x1b]  }
0x206: {  	s5 =	smax.f32 s5, s6;
	s31 =	rddreg [dreg:$0x1f]  }
0x207: {  	s10 =	sld [smem:$0x7EE];
	s2 =	smax.f32 s2, s3  }
0x208: {  	s12 =	smax.f32 s4, s7;
	s0 =	smax.f32 s8, s0  }
0x209: {  	s1 =	smax.f32 s11, s5;
	s8 =	sld [smem:$0x7EC]  }
0x20a: {  	s2 =	smax.f32 s2, s12;
	s0 =	smax.f32 s0, s1  }
0x20b: {  	s12 =	sld [smem:$0x7F0];
	s0 =	smax.f32 s2, s0  }
0x20c: {  	s1 =	ssub.f32 s13, s0  }
0x20d: {  	s3 =	ssub.f32 s20, s0  }
0x20e: {  	s4 =	ssub.f32 s24, s0  }
0x20f: {  	s5 =	ssub.f32 s26, s0  }
0x210: {  	s6 =	ssub.f32 s29, s0  }
0x211: {  	s7 =	ssub.f32 s31, s0  }
0x212: {  	s24 =	sld [smem:$0x7F8]  }
0x213: {  	s26 =	sld [smem:$0x7FA]  }
0x214: {  	s29 =	sld [smem:$0x7FC]  }
0x215: {  	s17 =	smul.f32 s1, s1;
	p0 =	sgt.f32 s1, $0.0e+00  }
0x216: {  	s21 =	smul.f32 s3, s3;
	p2 =	sgt.f32 s3, $0.0e+00  }
0x217: {  	s1 =	ssub.f32 s22, s0;
	s25 =	smul.f32 s4, s4  }
0x218: {  	p5 =	sgt.f32 s4, $0.0e+00;
	s28 =	smul.f32 s5, s5  }
0x219: {  	s2 =	simm.s32 $0xFFFFFFFF;
	s30 =	smul.f32 s6, s6;
	p1 =	sgt.f32 s17, s19  }
0x21a: {  	s3 =	simm.s32 $0x1;
	p6 =	sgt.f32 s21, s19;
	s17 =	sld [smem:$0x7F2]  }
0x21b: {  	s4 =	simm.s32 $0x1;
	s23 =	smul.f32 s1, s1;
	s21 =	sld [smem:$0x7F4]  }
0x21c: {  	p0 =	por !p0, !p1;
	p1 =	por !p2, !p6;
	p2 =	sgt.f32 s1, $0.0e+00  }
0x21d: {  	s1 =	simm.s32 $0x1;
	p3 =	sgt.f32 s23, s19;
	p0 =	por !p0, !p0  }
0x21e: {  	p6 =	sgt.f32 s25, s19;
	s23 =	sld [smem:$0x7F6];
	s2 =	simm.s32 @!p0 $0x0  }
0x21f: {  	p0 =	por !p1, !p1;
	p4 =	por !p2, !p3;
	p2 =	sgt.f32 s5, $0.0e+00  }
0x220: {  	p1 =	por !p5, !p6;
	p3 =	sgt.f32 s28, s19;
	p5 =	sgt.f32 s30, s19  }
0x221: {  	s5 =	simm.s32 $0x1;
	s1 =	simm.s32 @!p0 $0x0;
	p0 =	por !p4, !p4  }
0x222: {  	p4 =	sgt.f32 s6, $0.0e+00;
	s6 =	smul.f32 s7, s7;
	s3 =	simm.s32 @!p0 $0x0  }
0x223: {  	p0 =	por !p1, !p1;
	s1 =	ssub.s32 s2, s1;
	s2 =	ssub.f32 s8, s0  }
0x224: {  	p1 =	por !p2, !p3;
	p3 =	sgt.f32 s7, $0.0e+00;
	s8 =	ssub.f32 s10, s0  }
0x225: {  	s4 =	simm.s32 @!p0 $0x0;
	p1 =	por !p1, !p1;
	p0 =	por !p4, !p5  }
0x226: {  	p6 =	sgt.f32 s6, s19;
	s6 =	simm.s32 $0x1;
	s1 =	ssub.s32 s1, s3  }
0x227: {  	s3 =	ssub.f32 s12, s0;
	s5 =	simm.s32 @!p1 $0x0;
	s9 =	smul.f32 s2, s2  }
0x228: {  	p0 =	por !p0, !p0;
	p5 =	sgt.f32 s2, $0.0e+00;
	s11 =	smul.f32 s8, s8  }
0x229: {  	s2 =	simm.s32 $0x1;
	p2 =	sgt.f32 s8, $0.0e+00;
	s8 =	ssub.f32 s17, s0  }
0x22a: {  	s1 =	ssub.s32 s1, s4;
	p4 =	por !p3, !p6;
	s6 =	simm.s32 @!p0 $0x0  }
0x22b: {  	s13 =	smul.f32 s3, s3;
	s1 =	ssub.s32 s1, s5;
	s5 =	ssub.f32 s23, s0  }
0x22c: {  	p0 =	por !p4, !p4;
	p6 =	sgt.f32 s9, s19;
	p4 =	sgt.f32 s11, s19  }
0x22d: {  	s9 =	simm.s32 $0x1;
	s20 =	smul.f32 s8, s8;
	s1 =	ssub.s32 s1, s6  }
0x22e: {  	s6 =	ssub.f32 s26, s0;
	s2 =	simm.s32 @!p0 $0x0;
	p0 =	sgt.f32 s8, $0.0e+00  }
0x22f: {  	s8 =	ssub.f32 s21, s0;
	s25 =	smul.f32 s5, s5;
	p1 =	por !p5, !p6  }
0x230: {  	p5 =	por !p2, !p4;
	p6 =	sgt.f32 s3, $0.0e+00;
	p4 =	sgt.f32 s13, s19  }
0x231: {  	s3 =	simm.s32 $0x1;
	s1 =	ssub.s32 s1, s2;
	s2 =	ssub.f32 s24, s0  }
0x232: {  	s0 =	ssub.f32 s29, s0;
	s30 =	smul.f32 s6, s6;
	p3 =	por !p1, !p1  }
0x233: {  	p2 =	por !p5, !p5;
	s22 =	smul.f32 s8, s8;
	s9 =	simm.s32 @!p3 $0x0  }
0x234: {  	s3 =	simm.s32 @!p2 $0x0;
	p3 =	sgt.f32 s20, s19;
	p2 =	sgt.f32 s8, $0.0e+00  }
0x235: {  	p1 =	por !p6, !p4;
	s28 =	smul.f32 s2, s2;
	p6 =	sgt.f32 s25, s19  }
0x236: {  	s8 =	simm.s32 $0x1;
	s31 =	smul.f32 s0, s0;
	p5 =	sgt.f32 s22, s19  }
0x237: {  	s1 =	ssub.s32 s1, s9;
	p1 =	por !p1, !p1;
	p4 =	sgt.f32 s28, s19  }
0x238: {  	s8 =	simm.s32 @!p1 $0x0;
	p1 =	sgt.f32 s30, s19;
	p3 =	por !p0, !p3  }
0x239: {  	p0 =	sgt.f32 s31, s19;
	s1 =	ssub.s32 s1, s3;
	s3 =	simm.s32 $0x1  }
0x23a: {  	p3 =	por !p3, !p3;
	p2 =	por !p2, !p5;
	p5 =	sgt.f32 s5, $0.0e+00  }
0x23b: {  	s1 =	ssub.s32 s1, s8;
	s3 =	simm.s32 @!p3 $0x0;
	p2 =	por !p2, !p2  }
0x23c: {  	p3 =	sgt.f32 s6, $0.0e+00;
	p5 =	por !p5, !p6;
	p6 =	sgt.f32 s2, $0.0e+00  }
0x23d: {  	s2 =	simm.s32 $0x1;
	s1 =	ssub.s32 s1, s3;
	s3 =	simm.s32 $0x1  }
0x23e: {  	s2 =	simm.s32 @!p2 $0x0;
	p2 =	por !p5, !p5;
	p1 =	por !p3, !p1  }
0x23f: {  	p4 =	por !p6, !p4;
	p6 =	sgt.f32 s0, $0.0e+00;
	s0 =	simm.s32 $0x1  }
0x240: {  	s1 =	ssub.s32 s1, s2;
	s3 =	simm.s32 @!p2 $0x0;
	p4 =	por !p4, !p4  }
0x241: {  	p1 =	por !p1, !p1;
	s1 =	ssub.s32 s1, s3;
	s0 =	simm.s32 @!p4 $0x0  }
0x242: {  	p0 =	por !p6, !p0;
	s0 =	ssub.s32 s1, s0;
	s1 =	simm.s32 $0x1  }
0x243: {  	s2 =	simm.s32 $0x1;
	p0 =	por !p0, !p0;
	s1 =	simm.s32 @!p1 $0x0  }
0x244: {  	s2 =	simm.s32 @!p0 $0x0;
	s0 =	ssub.s32 s0, s1  }
0x245: {  	s0 =	ssub.s32 s0, s2  }
0x246: {  	s0 =	sshll.u32 s0, $0x4  }
0x247: {  	s1 =	sadd.s32 $0x10, s18;
	s0 =	sadd.s32 $0x100, s0  }
0x248: {  	p0 =	sge.u32 s1, s0  }
.Ltmp9:
0x249: {  	_ = 	snop;
	(pc) =	sbr.rel @p0 .LBB2_12-.Ltmp9, $1  }
0x24a: {  	_ =	sdelay $0x3  }
0x24b: {  	s2 =	sand.u32 $0x7FFFFFF0, s16  }
0x24c: {  	v11 =	vld [tilespmem:s2+$0x6100];
	_ =	sdelay $0x4  }
0x24d: {  	v28 =	vbroadcast v11, $0x0;
	v29 =	vbroadcast v11, $0x1  }
0x24e: {  	s3 =	sld [smem:$0x7D5];
	v27 =	vld [tilespmem:s2+$0x5100];
	v30 =	vbroadcast v11, $0x2;
	v31 =	vbroadcast v11, $0x3  }
0x24f: {  	v20 =	vld [tilespmem:s2+$0x7100];
	v32 =	vbroadcast v11, $0x4;
	v33 =	vbroadcast v11, $0x5  }
0x250: {  	v34 =	vbroadcast v11, $0x6;
	v7 =	vbroadcast v11, $0x7  }
0x251: {  	v0 =	vld [tilespmem:s3+$0x0];
	v36 =	vbroadcast v11, $0x8;
	v37 =	vbroadcast v11, $0x9  }
0x252: {  	v38 =	vbroadcast v11, $0xA;
	v39 =	vbroadcast v11, $0xB  }
0x253: {  	v41 =	vbroadcast v11, $0xC;
	v8 =	vbroadcast v11, $0xD  }
0x254: {  	v21 =	vbroadcast v20, $0x0;
	v22 =	vbroadcast v27, $0x0  }
0x255: {  	v23 =	vbroadcast v20, $0x1;
	v24 =	vbroadcast v27, $0x1  }
0x256: {  	v42 =	vbroadcast v11, $0xF;
	v1 =	vbroadcast v0, $0x0  }
0x257: {  	v2 =	vbroadcast v0, $0x1;
	v3 =	vbroadcast v0, $0x2  }
0x258: {  	v5 =	vbroadcast v0, $0x3;
	v6 =	vbroadcast v0, $0x4  }
0x259: {  	v9 =	vbroadcast v0, $0x5;
	v10 =	vbroadcast v0, $0x6  }
0x25a: {  	v12 =	vbroadcast v0, $0x7;
	v13 =	vbroadcast v0, $0x8  }
0x25b: {  	v14 =	vbroadcast v0, $0x9;
	v15 =	vbroadcast v0, $0xA  }
0x25c: {  	v16 =	vbroadcast v0, $0xB;
	v17 =	vbroadcast v0, $0xC  }
0x25d: {  	v18 =	vbroadcast v0, $0xD;
	v19 =	vbroadcast v0, $0xE  }
0x25e: {  	v0 =	vbroadcast v0, $0xF;
	v1 =	vmul.f32 v1, v4  }
0x25f: {  	v62 =	vmul.f32 v30, v56;
	v2 =	vmul.f32 v2, v4  }
0x260: {  	v3 =	vmul.f32 v3, v4;
	v1 =	vadd.f32 v21, v1;
	v21 =	vbroadcast v20, $0x2  }
0x261: {  	v5 =	vmul.f32 v5, v4;
	v2 =	vadd.f32 v23, v2;
	v23 =	vbroadcast v20, $0x3  }
0x262: {  	v6 =	vmul.f32 v6, v4;
	v3 =	vadd.f32 v21, v3;
	v21 =	vbroadcast v20, $0x4  }
0x263: {  	v9 =	vmul.f32 v9, v4;
	v5 =	vadd.f32 v23, v5;
	v23 =	vbroadcast v20, $0x5  }
0x264: {  	v10 =	vmul.f32 v10, v4;
	v6 =	vadd.f32 v21, v6;
	v21 =	vbroadcast v20, $0x6  }
0x265: {  	v12 =	vmul.f32 v12, v4;
	v9 =	vadd.f32 v23, v9;
	v23 =	vbroadcast v20, $0x7  }
0x266: {  	v13 =	vmul.f32 v13, v4;
	v10 =	vadd.f32 v21, v10;
	v21 =	vbroadcast v20, $0x8  }
0x267: {  	v14 =	vmul.f32 v14, v4;
	v12 =	vadd.f32 v23, v12;
	v23 =	vbroadcast v20, $0x9  }
0x268: {  	v15 =	vmul.f32 v15, v4;
	v13 =	vadd.f32 v21, v13;
	v21 =	vbroadcast v20, $0xA  }
0x269: {  	v63 =	vld [tilespmem:$0x1FFD0];
	v16 =	vmul.f32 v16, v4;
	v14 =	vadd.f32 v23, v14;
	v23 =	vbroadcast v20, $0xB  }
0x26a: {  	v17 =	vmul.f32 v17, v4;
	v15 =	vadd.f32 v21, v15;
	v21 =	vbroadcast v20, $0xC  }
0x26b: {  	v18 =	vmul.f32 v18, v4;
	v16 =	vadd.f32 v23, v16;
	v23 =	vbroadcast v20, $0xD  }
0x26c: {  	v19 =	vmul.f32 v19, v4;
	v17 =	vadd.f32 v21, v17;
	v21 =	vbroadcast v20, $0xE  }
0x26d: {  	v0 =	vmul.f32 v0, v4;
	v18 =	vadd.f32 v23, v18;
	v20 =	vbroadcast v20, $0xF  }
0x26e: {  	v40 =	vadd.f32 v21, v19;
	v19 =	vbroadcast v27, $0x2;
	v21 =	vmul.f32 v22, v63  }
0x26f: {  	v0 =	vadd.f32 v20, v0;
	v20 =	vbroadcast v27, $0x3;
	v22 =	vmul.f32 v24, v63  }
0x270: {  	v1 =	vadd.f32 v1, v21;
	v21 =	vbroadcast v27, $0x4;
	v19 =	vmul.f32 v19, v63  }
0x271: {  	v2 =	vadd.f32 v2, v22;
	v22 =	vbroadcast v27, $0x5;
	v20 =	vmul.f32 v20, v63  }
0x272: {  	v23 =	vbroadcast v27, $0x6;
	v3 =	vadd.f32 v3, v19;
	v19 =	vmul.f32 v21, v63  }
0x273: {  	v5 =	vadd.f32 v5, v20;
	v21 =	vbroadcast v27, $0x7;
	v20 =	vmul.f32 v22, v63  }
0x274: {  	v22 =	vmul.f32 v23, v63;
	v19 =	vadd.f32 v6, v19;
	v6 =	vbroadcast v27, $0x8  }
0x275: {  	v20 =	vadd.f32 v9, v20;
	v9 =	vbroadcast v27, $0x9;
	v23 =	vmul.f32 v21, v63  }
0x276: {  	v21 =	vadd.f32 v10, v22;
	v10 =	vbroadcast v27, $0xA;
	v6 =	vmul.f32 v6, v63  }
0x277: {  	v22 =	vadd.f32 v12, v23;
	v12 =	vbroadcast v27, $0xB;
	v9 =	vmul.f32 v9, v63  }
0x278: {  	v10 =	vmul.f32 v10, v63;
	v23 =	vadd.f32 v13, v6;
	v6 =	vbroadcast v27, $0xC  }
0x279: {  	v24 =	vadd.f32 v14, v9;
	v9 =	vbroadcast v27, $0xD;
	v12 =	vmul.f32 v12, v63  }
0x27a: {  	v25 =	vadd.f32 v15, v10;
	v13 =	vbroadcast v27, $0xE;
	v10 =	vbroadcast v11, $0xE  }
0x27b: {  	v15 =	vmul.f32 v34, v56;
	v34 =	vmul.f32 v38, v56  }
0x27c: {  	v6 =	vmul.f32 v6, v63;
	v26 =	vadd.f32 v16, v12;
	v12 =	vbroadcast v27, $0xF  }
0x27d: {  	s1 =	sadd.s32 $0x1, s1;
	v9 =	vmul.f32 v9, v63;
	v16 =	vmul.f32 v7, v56  }
0x27e: {  	p0 =	slt.u32 s1, s0;
	v14 =	vadd.f32 v17, v6;
	v6 =	vmul.f32 v13, v63;
	v11 =	vmul.f32 v12, v63  }
.Ltmp10:
0x27f: {  	v27 =	vadd.f32 v18, v9;
	v12 =	vmul.f32 v29, v56;
	v17 =	vmul.f32 v32, v56;
	(pc) =	sbr.rel @!p0 .LBB2_11-.Ltmp10, $4  }
0x280: {  	v18 =	vmul.f32 v33, v56;
	v32 =	vmul.f32 v36, v56;
	v13 =	vadd.f32 v40, v6  }
0x281: {  	v6 =	vmul.f32 v28, v56;
	v28 =	vadd.f32 v0, v11;
	v11 =	vmul.f32 v31, v56  }
0x282: {  	v33 =	vmul.f32 v37, v56;
	v30 =	vadd.f32 v2, v12;
	v12 =	vadd.f32 v3, v62  }
0x283: {  	s3 =	sadd.s32 $0x10, s3;
	v29 =	vadd.f32 v1, v6;
	v31 =	vadd.f32 v5, v11;
	v11 =	vmul.f32 v39, v56  }
.LBB2_10:
0x284: {  	v1 =	vadd.f32 v19, v17  }
0x285: {  	v2 =	vadd.f32 v20, v18;
	v3 =	vmul.f32 v41, v56;
	v5 =	vadd.f32 v21, v15  }
0x286: {  	v6 =	vadd.f32 v22, v16;
	v7 =	vmul.f32 v8, v56;
	v8 =	vadd.f32 v23, v32  }
0x287: {  	v0 =	vld [tilespmem:s3+$0x0];
	v15 =	vadd.f32 v24, v33;
	v10 =	vmul.f32 v10, v56;
	v16 =	vadd.f32 v25, v34  }
0x288: {  	v11 =	vadd.f32 v26, v11;
	v9 =	vmul.f32 v42, v56;
	v3 =	vadd.f32 v14, v3  }
0x289: {  	v12 =	vmin.f32 v12, v31;
	v7 =	vadd.f32 v27, v7;
	v10 =	vadd.f32 v13, v10  }
0x28a: {  	v9 =	vadd.f32 v28, v9;
	v13 =	vmin.f32 v29, v30;
	v1 =	vmin.f32 v1, v2  }
0x28b: {  	v60 =	vmin.f32 v5, v6;
	v5 =	vmin.f32 v8, v15;
	v6 =	vmin.f32 v16, v11  }
0x28c: {  	v8 =	vmin.f32 v13, v12;
	v17 =	vbroadcast v0, $0x0;
	v11 =	vbroadcast v0, $0x1  }
0x28d: {  	s16 =	sadd.s32 $0x10, s16;
	v61 =	vmin.f32 v5, v6;
	v5 =	vbroadcast v0, $0x2;
	v6 =	vbroadcast v0, $0x3  }
0x28e: {  	s2 =	sand.u32 $0x7FFFFFF0, s16;
	v1 =	vmin.f32 v1, v60;
	v15 =	vbroadcast v0, $0x5;
	v16 =	vbroadcast v0, $0x6  }
0x28f: {  	v62 =	vld [tilespmem:s2+$0x6100];
	v3 =	vmin.f32 v3, v7;
	v18 =	vbroadcast v0, $0x7;
	v19 =	vbroadcast v0, $0x8  }
0x290: {  	v7 =	vmin.f32 v10, v9;
	v20 =	vbroadcast v0, $0x9;
	v21 =	vbroadcast v0, $0xA  }
0x291: {  	v1 =	vmin.f32 v8, v1;
	v22 =	vbroadcast v0, $0xB;
	v23 =	vbroadcast v0, $0xC  }
0x292: {  	v3 =	vmin.f32 v3, v7;
	v24 =	vbroadcast v0, $0xD;
	v25 =	vbroadcast v0, $0xE  }
0x293: {  	v12 =	vbroadcast v0, $0xF;
	v2 =	vmin.f32 v61, v3;
	v3 =	vbroadcast v0, $0x4  }
0x294: {  	v1 =	vmin.f32 v1, v2;
	v2 =	vbroadcast v62, $0x0;
	v31 =	vbroadcast v62, $0x1  }
0x295: {  	v28 =	vbroadcast v62, $0x2;
	v29 =	vbroadcast v62, $0x3  }
0x296: {  	v30 =	vld [tilespmem:s2+$0x5100];
	v14 =	vbroadcast v62, $0x4;
	v32 =	vbroadcast v62, $0x5  }
0x297: {  	v33 =	vld [tilespmem:s2+$0x7100];
	v34 =	vbroadcast v62, $0x6;
	v13 =	vbroadcast v62, $0x7  }
0x298: {  	v36 =	vbroadcast v62, $0x8;
	v37 =	vbroadcast v62, $0x9  }
0x299: {  	v38 =	vbroadcast v62, $0xA;
	v39 =	vbroadcast v62, $0xB  }
0x29a: {  	v40 =	vbroadcast v62, $0xC;
	v41 =	vbroadcast v62, $0xD  }
0x29b: {  	v42 =	vbroadcast v62, $0xE;
	v43 =	vbroadcast v62, $0xF  }
0x29c: {  	v26 =	vbroadcast v33, $0x0;
	v27 =	vbroadcast v30, $0x4  }
0x29d: {  	v45 =	vbroadcast v33, $0x5;
	v46 =	vbroadcast v30, $0x5  }
0x29e: {  	v47 =	vbroadcast v33, $0x6;
	v48 =	vbroadcast v30, $0x6  }
0x29f: {  	v49 =	vbroadcast v33, $0x7;
	v50 =	vbroadcast v30, $0x7  }
0x2a0: {  	v51 =	vbroadcast v33, $0x8;
	v52 =	vbroadcast v30, $0x8  }
0x2a1: {  	v53 =	vbroadcast v33, $0x9;
	v54 =	vbroadcast v30, $0x9  }
0x2a2: {  	v55 =	vbroadcast v33, $0xA;
	v57 =	vbroadcast v30, $0xA  }
0x2a3: {  	v58 =	vbroadcast v33, $0xB;
	v59 =	vbroadcast v30, $0xB  }
0x2a4: {  	v60 =	vbroadcast v33, $0xC;
	v61 =	vbroadcast v30, $0xC  }
0x2a5: {  	v62 =	vbroadcast v33, $0xD;
	v44 =	vbroadcast v30, $0xD  }
0x2a6: {  	v7 =	vbroadcast v33, $0xE;
	v0 =	vmul.f32 v17, v4  }
0x2a7: {  	v11 =	vmul.f32 v11, v4;
	v5 =	vmul.f32 v5, v4  }
0x2a8: {  	v6 =	vmul.f32 v6, v4;
	v9 =	vmul.f32 v15, v4  }
0x2a9: {  	v10 =	vmul.f32 v16, v4;
	v19 =	vmul.f32 v19, v4  }
0x2aa: {  	v20 =	vmul.f32 v20, v4;
	v21 =	vmul.f32 v21, v4;
	[tilespmem:$0x1FDD0] =	vst v36  }
0x2ab: {  	v22 =	vmul.f32 v22, v4;
	v23 =	vmul.f32 v23, v4;
	[tilespmem:$0x1FDF0] =	vst v37  }
0x2ac: {  	v24 =	vmul.f32 v24, v4;
	v25 =	vmul.f32 v25, v4;
	[tilespmem:$0x1FE20] =	vst v38  }
0x2ad: {  	v12 =	vmul.f32 v12, v4;
	v3 =	vmul.f32 v3, v4;
	[tilespmem:$0x1FE30] =	vst v39  }
0x2ae: {  	[tilespmem:$0x1FDB0] =	vst v40;
	v36 =	vbroadcast v30, $0x0;
	v37 =	vbroadcast v33, $0x1  }
0x2af: {  	[tilespmem:$0x1FE10] =	vst v41;
	v38 =	vbroadcast v30, $0x1;
	v39 =	vbroadcast v33, $0x2  }
0x2b0: {  	[tilespmem:$0x1FE00] =	vst v42;
	v40 =	vbroadcast v30, $0x2;
	v41 =	vbroadcast v33, $0x3  }
0x2b1: {  	[tilespmem:$0x1FDE0] =	vst v43;
	v42 =	vbroadcast v30, $0x3;
	v43 =	vbroadcast v33, $0x4  }
0x2b2: {  	[tilespmem:$0x1FDA0] =	vst v44;
	v44 =	vbroadcast v30, $0xE;
	v33 =	vbroadcast v33, $0xF  }
0x2b3: {  	v30 =	vbroadcast v30, $0xF;
	v8 =	vmul.f32 v2, v56  }
0x2b4: {  	v35 =	vmin.f32 v35, v1;
	v2 =	vmul.f32 v31, v56;
	v31 =	vmul.f32 v29, v56  }
0x2b5: {  	v17 =	vmul.f32 v14, v56;
	v16 =	vmul.f32 v13, v56;
	v0 =	vadd.f32 v26, v0  }
0x2b6: {  	v29 =	vmul.f32 v27, v63;
	v9 =	vadd.f32 v45, v9;
	v10 =	vadd.f32 v47, v10  }
0x2b7: {  	v47 =	vadd.f32 v51, v19;
	v51 =	vadd.f32 v58, v22;
	v52 =	vmul.f32 v52, v63  }
0x2b8: {  	v7 =	vadd.f32 v7, v25;
	v1 =	vmovc v35;
	v35 =	vmul.f32 v18, v4;
	v18 =	vmul.f32 v32, v56  }
0x2b9: {  	v32 =	vmul.f32 v46, v63;
	v46 =	vmul.f32 v48, v63;
	v48 =	vadd.f32 v53, v20  }
0x2ba: {  	v53 =	vadd.f32 v60, v23;
	[tilespmem:$0x1FDC0] =	vst v44;
	v44 =	vmul.f32 v28, v56;
	v11 =	vadd.f32 v37, v11  }
0x2bb: {  	v13 =	vmul.f32 v36, v63;
	v5 =	vadd.f32 v39, v5;
	v6 =	vadd.f32 v41, v6  }
0x2bc: {  	v14 =	vmul.f32 v38, v63;
	v3 =	vadd.f32 v43, v3;
	v12 =	vadd.f32 v33, v12  }
0x2bd: {  	v26 =	vmul.f32 v40, v63;
	v23 =	vadd.f32 v47, v52;
	v45 =	vadd.f32 v49, v35  }
0x2be: {  	v49 =	vmul.f32 v50, v63;
	v50 =	vadd.f32 v55, v21;
	v55 =	vadd.f32 v62, v24  }
0x2bf: {  	v60 =	vld [tilespmem:$0x1FDF0];
	v28 =	vmul.f32 v42, v63;
	v20 =	vadd.f32 v9, v32;
	v21 =	vadd.f32 v10, v46  }
0x2c0: {  	v24 =	vmul.f32 v54, v63;
	v58 =	vld [tilespmem:$0x1FDC0];
	v0 =	vadd.f32 v0, v13;
	v11 =	vadd.f32 v11, v14  }
0x2c1: {  	v62 =	vld [tilespmem:$0x1FE30];
	v13 =	vmul.f32 v57, v63;
	v5 =	vadd.f32 v5, v26;
	v6 =	vadd.f32 v6, v28  }
0x2c2: {  	v14 =	vmul.f32 v59, v63;
	v19 =	vadd.f32 v3, v29;
	v3 =	vmul.f32 v61, v63;
	v57 =	vld [tilespmem:$0x1FDA0]  }
0x2c3: {  	s1 =	sadd.s32 $0x1, s1;
	v28 =	vmul.f32 v30, v63;
	v59 =	vld [tilespmem:$0x1FDD0];
	v22 =	vadd.f32 v45, v49;
	v24 =	vadd.f32 v48, v24  }
0x2c4: {  	p0 =	slt.u32 s1, s0;
	v61 =	vld [tilespmem:$0x1FE20];
	v25 =	vadd.f32 v50, v13;
	v26 =	vadd.f32 v51, v14  }
.Ltmp11:
0x2c5: {  	v15 =	vmul.f32 v34, v56;
	v14 =	vadd.f32 v53, v3;
	v28 =	vadd.f32 v12, v28;
	(pc) =	sbr.rel @p0 .LBB2_10-.Ltmp11, $4  }
0x2c6: {  	v41 =	vld [tilespmem:$0x1FDB0];
	v33 =	vmul.f32 v60, v56;
	v29 =	vadd.f32 v0, v8;
	v30 =	vadd.f32 v11, v2  }
0x2c7: {  	v42 =	vld [tilespmem:$0x1FDE0];
	v12 =	vadd.f32 v5, v44;
	v10 =	vmul.f32 v58, v63;
	v9 =	vmul.f32 v57, v63  }
0x2c8: {  	v8 =	vld [tilespmem:$0x1FE10];
	v31 =	vadd.f32 v6, v31;
	v11 =	vmul.f32 v62, v56;
	v32 =	vmul.f32 v59, v56  }
0x2c9: {  	s3 =	sadd.s32 $0x10, s3;
	v35 =	vmovc v1;
	v34 =	vmul.f32 v61, v56;
	v13 =	vadd.f32 v7, v10;
	v10 =	vld [tilespmem:$0x1FE00];
	v27 =	vadd.f32 v55, v9  }
.Ltmp12:
0x2ca: {  	_ = 	snop;
	(pc) =	sbr.rel .LBB2_11-.Ltmp12, $1  }
0x2cb: {  	_ =	sdelay $0x3  }
.LBB2_13:
0x2cc: {  	v2 =	vld [tilespmem:$0x4000];
	_ =	sdelay $0x1  }
0x2cd: {  	v3 =	vld [tilespmem:$0x4010];
	_ =	sdelay $0x1  }
0x2ce: {  	v4 =	vld [tilespmem:$0x4020]  }
0x2cf: {  	(v2sf) =	vpush v2, $0x0  }
0x2d0: {  	(v2sf) =	vpush v2, $0x1;
	v2 =	vld [tilespmem:$0x4030]  }
0x2d1: {  	(v2sf) =	vpush v3, $0x0  }
0x2d2: {  	(v2sf) =	vpush v3, $0x1;
	v3 =	vld [tilespmem:$0x4040]  }
0x2d3: {  	(v2sf) =	vpush v4, $0x0  }
0x2d4: {  	v60 =	vld [tilespmem:$0x4050];
	(v2sf) =	vpush v4, $0x1  }
0x2d5: {  	(v2sf) =	vpush v2, $0x0  }
0x2d6: {  	(v2sf) =	vpush v2, $0x1;
	v2 =	vld [tilespmem:$0x4060]  }
0x2d7: {  	(v2sf) =	vpush v3, $0x0  }
0x2d8: {  	(v2sf) =	vpush v3, $0x1;
	v3 =	vld [tilespmem:$0x4070]  }
0x2d9: {  	(v2sf) =	vpush v60, $0x0  }
0x2da: {  	v61 =	vld [tilespmem:$0x4080];
	(v2sf) =	vpush v60, $0x1  }
0x2db: {  	(v2sf) =	vpush v2, $0x0  }
0x2dc: {  	(v2sf) =	vpush v2, $0x1;
	v2 =	vld [tilespmem:$0x4090]  }
0x2dd: {  	(v2sf) =	vpush v3, $0x0  }
0x2de: {  	s0 =	spop (v2sf);
	(v2sf) =	vpush v3, $0x1;
	v3 =	vld [tilespmem:$0x40A0]  }
0x2df: {  	[dreg:$0xa] =	wrdreg s0;
	s31 =	spop (v2sf);
	(v2sf) =	vpush v61, $0x0  }
0x2e0: {  	v62 =	vld [tilespmem:$0x40B0];
	[dreg:$0xc] =	wrdreg s31;
	s1 =	spop (v2sf);
	(v2sf) =	vpush v61, $0x1  }
0x2e1: {  	[dreg:$0xe] =	wrdreg s1;
	s2 =	spop (v2sf);
	(v2sf) =	vpush v2, $0x0  }
0x2e2: {  	[dreg:$0x10] =	wrdreg s2;
	s3 =	spop (v2sf);
	(v2sf) =	vpush v2, $0x1;
	v2 =	vld [tilespmem:$0x40C0]  }
0x2e3: {  	[dreg:$0x12] =	wrdreg s3;
	s4 =	spop (v2sf);
	(v2sf) =	vpush v3, $0x0  }
0x2e4: {  	[dreg:$0x14] =	wrdreg s4;
	s5 =	spop (v2sf);
	(v2sf) =	vpush v3, $0x1;
	v3 =	vld [tilespmem:$0x40D0]  }
0x2e5: {  	[dreg:$0x16] =	wrdreg s5;
	s6 =	spop (v2sf);
	(v2sf) =	vpush v62, $0x0  }
0x2e6: {  	[dreg:$0x18] =	wrdreg s6;
	s7 =	spop (v2sf);
	(v2sf) =	vpush v62, $0x1  }
0x2e7: {  	v63 =	vld [tilespmem:$0x40E0];
	[dreg:$0x1a] =	wrdreg s7;
	s8 =	spop (v2sf);
	(v2sf) =	vpush v2, $0x0  }
0x2e8: {  	[dreg:$0x1c] =	wrdreg s8;
	s9 =	spop (v2sf);
	(v2sf) =	vpush v2, $0x1  }
0x2e9: {  	v2 =	vld [tilespmem:$0x40F0];
	[dreg:$0x1e] =	wrdreg s9;
	s10 =	spop (v2sf);
	(v2sf) =	vpush v3, $0x0  }
0x2ea: {  	[smem:$0x7D6] =	sst s10;
	(v2sf) =	vpush v3, $0x1;
	s11 =	spop (v2sf)  }
0x2eb: {  	[smem:$0x7D7] =	sst s11;
	s12 =	spop (v2sf)  }
0x2ec: {  	(v2sf) =	vpush v63, $0x0;
	[smem:$0x7D8] =	sst s12;
	s13 =	spop (v2sf)  }
0x2ed: {  	(v2sf) =	vpush v63, $0x1;
	[smem:$0x7D9] =	sst s13;
	s14 =	spop (v2sf)  }
0x2ee: {  	(v2sf) =	vpush v2, $0x0;
	[smem:$0x7DA] =	sst s14;
	s15 =	spop (v2sf)  }
0x2ef: {  	(v2sf) =	vpush v2, $0x1;
	[smem:$0x7DB] =	sst s15;
	s16 =	spop (v2sf)  }
0x2f0: {  	[smem:$0x7DC] =	sst s16;
	s17 =	spop (v2sf)  }
0x2f1: {  	[smem:$0x7DD] =	sst s17;
	s18 =	spop (v2sf)  }
0x2f2: {  	[smem:$0x7DE] =	sst s18;
	s19 =	spop (v2sf)  }
0x2f3: {  	[smem:$0x7DF] =	sst s19;
	s20 =	spop (v2sf)  }
0x2f4: {  	[smem:$0x7E0] =	sst s20;
	s21 =	spop (v2sf)  }
0x2f5: {  	[smem:$0x7E1] =	sst s21;
	s22 =	spop (v2sf)  }
0x2f6: {  	[smem:$0x7E2] =	sst s22;
	s23 =	spop (v2sf)  }
0x2f7: {  	[smem:$0x7E3] =	sst s23;
	s24 =	spop (v2sf)  }
0x2f8: {  	[smem:$0x7E4] =	sst s24;
	s25 =	spop (v2sf)  }
0x2f9: {  	[smem:$0x7E5] =	sst s25;
	s26 =	spop (v2sf)  }
0x2fa: {  	[smem:$0x7E6] =	sst s26  }
.Ltmp13:
0x2fb: {  	s28 =	spop (v2sf);
	(pc) =	sbr.rel .LBB2_14-.Ltmp13, $4  }
0x2fc: {  	[smem:$0x7E7] =	sst s28;
	s29 =	spop (v2sf)  }
0x2fd: {  	[smem:$0x7E8] =	sst s29;
	s30 =	spop (v2sf)  }
0x2fe: {  	[smem:$0x7E9] =	sst s30;
	s31 =	spop (v2sf)  }
0x2ff: {  	v1 =	vimm.f32 $0.0e+00;
	s14 =	simm.s32 $0x0;
	s15 =	simm.s32 $0x0;
	[smem:$0x7EA] =	sst s31  }
.LBB2_21:
0x300: {  	v0 =	vld [tilespmem:$0x1FD30]  }
.LBB2_25:
0x301: {  	s15 =	sadd.s32 $0x1, s15  }
0x302: {  	v1 =	vld [tilespmem:$0x1FD80];
	p0 =	sne.s32 s15, $0x20  }
.Ltmp14:
0x303: {  	_ = 	snop;
	(pc) =	sbr.rel @!p0 .LBB2_26-.Ltmp14, $3  }
0x304: {  	_ = 	snop  }
0x305: {  	v0 =	vadd.f32 v63, v0;
	_ =	sdelay $0x1  }
0x306: {  	s14 =	sadd.s32 $0x8, s14;
	v1 =	vadd.f32 v0, v1  }
.LBB2_14:
0x307: {  	s0 =	sshll.u32 s15, $0x7  }
0x308: {  	s1 =	rddreg [dreg:$0x3];
	s0 =	sand.u32 $0x3FFFFF80, s0  }
0x309: {  	s30 =	sshll.u32 s14, $0x4;
	s2 =	sor.u32 s1, s0  }
0x30a: {  	s1 =	sand.u32 $0xFFFFFF00, s30;
	v40 =	vld [tilespmem:s2+$0x5100]  }
0x30b: {  	v41 =	vld [tilespmem:s2+$0x6100];
	s3 =	sand.u32 $0xFFFFFFF0, s1  }
0x30c: {  	v9 =	vld [tilespmem:s3+$0x2000];
	_ =	sdelay $0x3  }
0x30d: {  	v12 =	vmul.f32 $-2.000000000e+00, v40  }
0x30e: {  	v5 =	vmul.f32 $-2.000000000e+00, v41;
	v33 =	vbroadcast v9, $0x0  }
0x30f: {  	v34 =	vbroadcast v9, $0x1;
	v35 =	vbroadcast v9, $0x2  }
0x310: {  	v36 =	vbroadcast v9, $0x3;
	v37 =	vbroadcast v9, $0x4  }
0x311: {  	v29 =	vld [tilespmem:s3+$0x3000];
	v38 =	vbroadcast v9, $0x5;
	v39 =	vbroadcast v9, $0x6  }
0x312: {  	v30 =	vld [tilespmem:s3+$0x1000];
	v40 =	vbroadcast v9, $0x7;
	v10 =	vbroadcast v9, $0x8  }
0x313: {  	v13 =	vbroadcast v9, $0x9;
	v42 =	vbroadcast v9, $0xA  }
0x314: {  	v43 =	vbroadcast v9, $0xB;
	v44 =	vbroadcast v9, $0xC  }
0x315: {  	v62 =	vbroadcast v9, $0xD;
	v60 =	vbroadcast v9, $0xE  }
0x316: {  	v0 =	vld [tilespmem:$0x1FFF0];
	v58 =	vbroadcast v9, $0xF;
	v27 =	vbroadcast v29, $0x0  }
0x317: {  	v41 =	vbroadcast v30, $0x0;
	v28 =	vbroadcast v29, $0x1  }
0x318: {  	v45 =	vbroadcast v29, $0x3;
	v46 =	vbroadcast v30, $0x3  }
0x319: {  	v47 =	vbroadcast v29, $0x4;
	v48 =	vbroadcast v30, $0x4  }
0x31a: {  	v49 =	vbroadcast v29, $0x5;
	v50 =	vbroadcast v30, $0x5  }
0x31b: {  	v51 =	vbroadcast v29, $0x6;
	v52 =	vbroadcast v30, $0x6  }
0x31c: {  	v53 =	vbroadcast v29, $0x7;
	v54 =	vbroadcast v30, $0x7  }
0x31d: {  	v55 =	vbroadcast v29, $0x8;
	v4 =	vbroadcast v30, $0x8  }
0x31e: {  	v3 =	vld.idx.msk [tilespmem:v0+s0+$0x0 ss:$0x1], $0xffff;
	s0 =	sand.u32 $0x3FFFFF00, s30;
	v57 =	vbroadcast v29, $0x9;
	v9 =	vbroadcast v30, $0x9  }
0x31f: {  	v2 =	vld [tilespmem:s0+$0x0];
	v59 =	vbroadcast v29, $0xA;
	v6 =	vbroadcast v30, $0xA  }
0x320: {  	v61 =	vbroadcast v29, $0xB;
	v63 =	vbroadcast v30, $0xC;
	[tilespmem:$0x1FD50] =	vst v42  }
0x321: {  	v11 =	vbroadcast v30, $0xE;
	[tilespmem:$0x1FD60] =	vst v43;
	v42 =	vbroadcast v30, $0x1  }
0x322: {  	[tilespmem:$0x1FD70] =	vst v44;
	v43 =	vbroadcast v29, $0x2;
	v44 =	vbroadcast v30, $0x2  }
0x323: {  	v46 =	vmul.f32 v46, v12;
	v56 =	vmul.f32 $-2.000000000e+00, v3  }
0x324: {  	[tilespmem:$0x1FD40] =	vst v3;
	v3 =	vbroadcast v30, $0xB;
	v0 =	vbroadcast v2, $0x0  }
0x325: {  	[tilespmem:$0x1FD30] =	vst v1;
	v1 =	vbroadcast v2, $0x1;
	v7 =	vbroadcast v2, $0x2  }
0x326: {  	v17 =	vbroadcast v2, $0x3;
	v18 =	vbroadcast v2, $0x4  }
0x327: {  	v19 =	vbroadcast v2, $0x5;
	v20 =	vbroadcast v2, $0x6  }
0x328: {  	v21 =	vbroadcast v2, $0x7;
	v22 =	vbroadcast v2, $0x8  }
0x329: {  	v23 =	vbroadcast v2, $0x9;
	v24 =	vbroadcast v2, $0xA  }
0x32a: {  	v25 =	vbroadcast v2, $0xB;
	v26 =	vbroadcast v2, $0xC  }
0x32b: {  	v31 =	vbroadcast v2, $0xD;
	v32 =	vbroadcast v2, $0xE  }
0x32c: {  	v8 =	vbroadcast v2, $0xF;
	v2 =	vbroadcast v30, $0xD  }
0x32d: {  	v0 =	vmul.f32 v0, v56;
	v7 =	vmul.f32 v7, v56  }
0x32e: {  	v1 =	vmul.f32 v1, v56;
	v17 =	vmul.f32 v17, v56  }
0x32f: {  	v18 =	vmul.f32 v18, v56;
	v8 =	vmul.f32 v8, v56;
	v7 =	vadd.f32 v43, v7  }
0x330: {  	v43 =	vadd.f32 v45, v17;
	v45 =	vbroadcast v29, $0xC;
	v17 =	vmul.f32 v19, v56  }
0x331: {  	v47 =	vadd.f32 v47, v18;
	v18 =	vmul.f32 v20, v56;
	v19 =	vbroadcast v29, $0xD  }
0x332: {  	v1 =	vadd.f32 v28, v1;
	v20 =	vmul.f32 v23, v56;
	v23 =	vmul.f32 v26, v56  }
0x333: {  	v26 =	vmul.f32 v40, v5;
	v49 =	vadd.f32 v49, v17;
	v17 =	vmul.f32 v21, v56  }
0x334: {  	v51 =	vadd.f32 v51, v18;
	v18 =	vmul.f32 v22, v56;
	v21 =	vbroadcast v29, $0xE  }
0x335: {  	v28 =	vadd.f32 v57, v20;
	v22 =	vbroadcast v29, $0xF;
	v20 =	vmul.f32 v25, v56  }
0x336: {  	v0 =	vadd.f32 v27, v0;
	v25 =	vmul.f32 v32, v56;
	v57 =	vmul.f32 v50, v12  }
0x337: {  	v53 =	vadd.f32 v53, v17;
	v27 =	vadd.f32 v55, v18;
	v18 =	vmul.f32 v24, v56  }
0x338: {  	v24 =	vmul.f32 v34, v5;
	v34 =	vadd.f32 v22, v8;
	v8 =	vmul.f32 v42, v12  }
0x339: {  	v22 =	vmul.f32 v38, v5;
	v55 =	vmul.f32 v48, v12;
	v38 =	vadd.f32 v43, v46  }
0x33a: {  	v43 =	vmul.f32 v4, v12;
	v40 =	vadd.f32 v49, v57;
	v46 =	vmul.f32 v3, v12  }
0x33b: {  	s20 =	sand.u32 $0xFFFFFFF0, s14;
	s31 =	sor.u32 $0xF, s14;
	v48 =	vmul.f32 v2, v12;
	v29 =	vadd.f32 v59, v18;
	v18 =	vbroadcast v30, $0xF  }
0x33c: {  	s3 =	ssub.s32 s31, s20;
	v30 =	vadd.f32 v61, v20;
	v20 =	vmul.f32 v31, v56;
	v31 =	vadd.f32 v45, v23  }
0x33d: {  	s3 =	sadd.s32 $0x1, s3;
	v23 =	vmul.f32 v33, v5;
	v33 =	vadd.f32 v21, v25;
	v21 =	vmul.f32 v36, v5  }
0x33e: {  	p0 =	sne.s32 s3, $0x1;
	v49 =	vimm.f32 $3.000000010e+38;
	v25 =	vmul.f32 v41, v12;
	v45 =	vmul.f32 v44, v12;
	v61 =	vld [tilespmem:s2+$0x7100]  }
.Ltmp15:
0x33f: {  	v36 =	vadd.f32 v1, v8;
	v59 =	vmul.f32 v54, v12;
	v44 =	vmul.f32 v9, v12;
	(pc) =	sbr.rel @!p0 .LBB2_16-.Ltmp15, $4  }
0x340: {  	v32 =	vadd.f32 v19, v20;
	v20 =	vmul.f32 v35, v5;
	v19 =	vmul.f32 v37, v5  }
0x341: {  	s4 =	sshll.u32 s15, $0x3;
	v35 =	vadd.f32 v0, v25;
	v37 =	vadd.f32 v7, v45;
	v7 =	vmul.f32 v52, v12  }
0x342: {  	s18 =	sand.u32 $0xF0, s4;
	s5 =	sadd.s32 $0x100, s0;
	[tilespmem:$0x1FD90] =	vst v12;
	v25 =	vmul.f32 v39, v5;
	v39 =	vadd.f32 v47, v55;
	v45 =	vmul.f32 v6, v12  }
0x343: {  	s16 =	sadd.s32 $0x100, s1;
	[smem:$0x7D4] =	sst s5;
	s2 =	sadd.s32 $0xFFFFFFFF, s3;
	v41 =	vadd.f32 v53, v59;
	v47 =	vmul.f32 v63, v12;
	v42 =	vadd.f32 v51, v7;
	[tilespmem:$0x1FD80] =	vst v61  }
.LBB2_15:
0x344: {  	v0 =	vadd.f32 v27, v43  }
0x345: {  	v1 =	vadd.f32 v28, v44;
	v17 =	vadd.f32 v29, v45  }
0x346: {  	v3 =	vld [tilespmem:$0x1FD50];
	v27 =	vadd.f32 v30, v46;
	v23 =	vadd.f32 v35, v23  }
0x347: {  	s0 =	sadd.s32 $0x10, s0;
	v2 =	vmul.f32 v11, v12;
	v24 =	vadd.f32 v36, v24;
	v20 =	vadd.f32 v37, v20  }
0x348: {  	v18 =	vmul.f32 v18, v12;
	v21 =	vadd.f32 v38, v21;
	v30 =	vld [tilespmem:s0+$0x0];
	v19 =	vadd.f32 v39, v19  }
0x349: {  	v22 =	vadd.f32 v40, v22;
	v16 =	vmul.f32 v10, v5;
	v15 =	vmul.f32 v13, v5  }
0x34a: {  	v2 =	vadd.f32 v33, v2;
	v11 =	vmul.f32 v62, v5;
	v10 =	vmul.f32 v60, v5  }
0x34b: {  	s1 =	sadd.s32 $0x10, s1;
	v9 =	vmul.f32 v58, v5;
	v14 =	vmul.f32 v3, v5;
	v0 =	vadd.f32 v0, v16  }
0x34c: {  	s3 =	sand.u32 $0xFFFFFFF0, s1;
	v1 =	vadd.f32 v1, v15;
	v2 =	vadd.f32 v2, v10;
	v10 =	vmin.f32 v23, v24  }
0x34d: {  	v57 =	vld [tilespmem:s3+$0x2000];
	v15 =	vmin.f32 v20, v21;
	v7 =	vbroadcast v30, $0x4;
	v21 =	vbroadcast v30, $0x5  }
0x34e: {  	v16 =	vmin.f32 v19, v22;
	v22 =	vbroadcast v30, $0x6;
	v23 =	vbroadcast v30, $0x7  }
0x34f: {  	v28 =	vadd.f32 v31, v47;
	v24 =	vbroadcast v30, $0x8;
	v62 =	vbroadcast v30, $0x9  }
0x350: {  	v29 =	vadd.f32 v32, v48;
	v6 =	vbroadcast v30, $0xA;
	v60 =	vbroadcast v30, $0xB  }
0x351: {  	v25 =	vadd.f32 v42, v25;
	v4 =	vbroadcast v30, $0xC;
	v31 =	vbroadcast v30, $0xD  }
0x352: {  	v26 =	vadd.f32 v41, v26;
	v39 =	vld [tilespmem:s3+$0x3000];
	v32 =	vbroadcast v30, $0xE;
	v20 =	vbroadcast v57, $0x0  }
0x353: {  	v18 =	vadd.f32 v34, v18;
	v34 =	vbroadcast v57, $0x1;
	v35 =	vbroadcast v57, $0x2  }
0x354: {  	v14 =	vadd.f32 v17, v14;
	v36 =	vbroadcast v57, $0x3;
	v19 =	vbroadcast v57, $0x4  }
0x355: {  	v17 =	vmin.f32 v25, v26;
	v38 =	vbroadcast v57, $0x5;
	v25 =	vbroadcast v57, $0x6  }
0x356: {  	v26 =	vbroadcast v57, $0x7;
	v8 =	vbroadcast v57, $0x8  }
0x357: {  	v43 =	vbroadcast v39, $0x1;
	v45 =	vbroadcast v39, $0x2  }
0x358: {  	v3 =	vld [tilespmem:$0x1FD60];
	v47 =	vbroadcast v39, $0x3;
	v51 =	vbroadcast v39, $0x5  }
0x359: {  	v9 =	vadd.f32 v18, v9;
	v53 =	vbroadcast v39, $0x6;
	v59 =	vbroadcast v39, $0x9  }
0x35a: {  	v61 =	vbroadcast v39, $0xA;
	v63 =	vbroadcast v39, $0xB;
	v0 =	vmin.f32 v0, v1  }
0x35b: {  	v2 =	vmin.f32 v2, v9;
	v9 =	vmin.f32 v10, v15;
	v1 =	vbroadcast v30, $0x2  }
0x35c: {  	v18 =	vld [tilespmem:s3+$0x1000];
	v10 =	vmin.f32 v16, v17;
	v15 =	vmul.f32 v21, v56;
	v16 =	vmul.f32 v22, v56  }
0x35d: {  	[tilespmem:$0x1FCE0] =	vst v8;
	v8 =	vbroadcast v57, $0x9;
	v13 =	vmul.f32 v3, v5;
	v3 =	vld [tilespmem:$0x1FD70]  }
0x35e: {  	v9 =	vmin.f32 v9, v10;
	v10 =	vbroadcast v39, $0xD;
	v21 =	vmul.f32 v36, v5  }
0x35f: {  	v19 =	vmul.f32 v19, v5;
	v22 =	vmul.f32 v38, v5  }
0x360: {  	v25 =	vmul.f32 v25, v5;
	v26 =	vmul.f32 v26, v5  }
0x361: {  	v1 =	vmul.f32 v1, v56;
	[tilespmem:$0x1FD00] =	vst v8;
	v8 =	vbroadcast v57, $0xA  }
0x362: {  	v11 =	vadd.f32 v29, v11;
	v42 =	vbroadcast v18, $0x0;
	v12 =	vmul.f32 v3, v5  }
0x363: {  	v44 =	vbroadcast v18, $0x1;
	v13 =	vadd.f32 v27, v13;
	v27 =	vbroadcast v30, $0x0  }
0x364: {  	v46 =	vbroadcast v18, $0x2;
	v48 =	vbroadcast v18, $0x3;
	v12 =	vadd.f32 v28, v12  }
0x365: {  	v50 =	vbroadcast v18, $0x4;
	v27 =	vmul.f32 v27, v56  }
0x366: {  	v3 =	vbroadcast v30, $0x3;
	v28 =	vbroadcast v39, $0x0;
	v11 =	vmin.f32 v12, v11  }
0x367: {  	v55 =	vmin.f32 v11, v2;
	v2 =	vbroadcast v30, $0x1;
	v30 =	vbroadcast v30, $0xF  }
0x368: {  	v52 =	vbroadcast v18, $0x5;
	v29 =	vbroadcast v18, $0x7;
	v38 =	vadd.f32 v28, v27;
	v27 =	vld [tilespmem:$0x1FD90]  }
0x369: {  	v33 =	vbroadcast v18, $0x9;
	v17 =	vmul.f32 v30, v56;
	v30 =	vld [tilespmem:$0x1FD90]  }
0x36a: {  	v37 =	vbroadcast v18, $0xA;
	v58 =	vbroadcast v18, $0xD  }
0x36b: {  	v54 =	vmin.f32 v14, v13;
	v14 =	vmul.f32 v7, v56;
	v7 =	vmul.f32 v23, v56  }
0x36c: {  	v23 =	vmul.f32 v20, v5;
	v20 =	vmul.f32 v35, v5  }
0x36d: {  	v13 =	vmul.f32 v3, v56;
	v3 =	vmul.f32 v62, v56  }
0x36e: {  	v35 =	vmul.f32 v42, v30;
	v42 =	vmul.f32 v46, v27;
	v27 =	vld [tilespmem:$0x1FD90]  }
0x36f: {  	v40 =	vbroadcast v18, $0xB;
	[tilespmem:$0x1FD50] =	vst v8;
	v8 =	vbroadcast v57, $0xB  }
0x370: {  	v41 =	vbroadcast v18, $0xC;
	[tilespmem:$0x1FD20] =	vst v58;
	v0 =	vmin.f32 v0, v54;
	v28 =	vadd.f32 v59, v3;
	v3 =	vld [tilespmem:$0x1FD90]  }
0x371: {  	v58 =	vmul.f32 v31, v56;
	[tilespmem:$0x1FD60] =	vst v8;
	v8 =	vbroadcast v57, $0xC;
	v0 =	vmin.f32 v0, v55  }
0x372: {  	v54 =	vbroadcast v18, $0x6;
	v0 =	vmin.f32 v9, v0;
	v9 =	vbroadcast v18, $0x8  }
0x373: {  	v2 =	vmul.f32 v2, v56;
	v46 =	vmul.f32 v48, v27;
	v27 =	vld [tilespmem:$0x1FD90]  }
0x374: {  	v15 =	vadd.f32 v51, v15;
	[tilespmem:$0x1FD70] =	vst v8;
	v8 =	vbroadcast v57, $0xD;
	v62 =	vmul.f32 v6, v56  }
0x375: {  	v6 =	vmul.f32 v60, v56;
	v2 =	vadd.f32 v43, v2;
	v43 =	vmul.f32 v9, v3;
	v3 =	vld [tilespmem:$0x1FD90]  }
0x376: {  	v16 =	vadd.f32 v53, v16;
	v60 =	vmul.f32 v4, v56;
	v4 =	vmul.f32 v32, v56;
	v30 =	vld [tilespmem:$0x1FD90]  }
0x377: {  	v1 =	vadd.f32 v45, v1;
	[tilespmem:$0x1FCC0] =	vst v8;
	v8 =	vbroadcast v57, $0xE;
	v12 =	vbroadcast v39, $0xE  }
0x378: {  	v13 =	vadd.f32 v47, v13;
	v11 =	vbroadcast v18, $0xE;
	v47 =	vmul.f32 v50, v27;
	v27 =	vld [tilespmem:$0x1FD90]  }
0x379: {  	v32 =	vadd.f32 v10, v58;
	[tilespmem:$0x1FCD0] =	vst v8;
	v55 =	vbroadcast v39, $0x7;
	v8 =	vbroadcast v39, $0xC  }
0x37a: {  	v18 =	vbroadcast v18, $0xF;
	v49 =	vmin.f32 v49, v0;
	v0 =	vbroadcast v57, $0xF  }
0x37b: {  	v36 =	vmul.f32 v44, v30;
	v44 =	vmul.f32 v33, v3;
	v33 =	vadd.f32 v12, v4;
	v12 =	vld [tilespmem:$0x1FD90]  }
0x37c: {  	v59 =	vld [tilespmem:$0x1FD90];
	v57 =	vbroadcast v39, $0x8;
	v7 =	vadd.f32 v55, v7;
	[tilespmem:$0x1FD10] =	vst v49;
	v49 =	vbroadcast v39, $0x4  }
0x37d: {  	v31 =	vadd.f32 v8, v60;
	v39 =	vbroadcast v39, $0xF;
	v52 =	vmul.f32 v52, v27;
	v27 =	vld [tilespmem:$0x1FD90]  }
0x37e: {  	[tilespmem:$0x1FCF0] =	vst v0;
	v0 =	vmul.f32 v24, v56;
	v14 =	vadd.f32 v49, v14;
	v30 =	vadd.f32 v63, v6;
	v63 =	vld [tilespmem:$0x1FD20]  }
0x37f: {  	p0 =	sne.s32 s2, $0x1;
	v10 =	vld [tilespmem:$0x1FCE0];
	v24 =	vmul.f32 v34, v5;
	v34 =	vadd.f32 v39, v17;
	v35 =	vadd.f32 v38, v35  }
.Ltmp16:
0x380: {  	v60 =	vld [tilespmem:$0x1FCD0];
	v36 =	vadd.f32 v2, v36;
	v38 =	vadd.f32 v13, v46;
	v45 =	vmul.f32 v37, v12;
	(pc) =	sbr.rel @p0 .LBB2_15-.Ltmp16, $4  }
0x381: {  	v58 =	vld [tilespmem:$0x1FCF0];
	v37 =	vadd.f32 v1, v42;
	v46 =	vmul.f32 v40, v12;
	v39 =	vadd.f32 v14, v47  }
0x382: {  	v49 =	vld [tilespmem:$0x1FD10];
	v55 =	vmul.f32 v54, v27;
	v27 =	vadd.f32 v57, v0;
	v0 =	vmul.f32 v29, v59  }
0x383: {  	v13 =	vld [tilespmem:$0x1FD00];
	v48 =	vmul.f32 v63, v12;
	v40 =	vadd.f32 v15, v52;
	v29 =	vadd.f32 v61, v62  }
0x384: {  	s2 =	sadd.s32 $0xFFFFFFFF, s2;
	v47 =	vmul.f32 v41, v12;
	v62 =	vld [tilespmem:$0x1FCC0];
	v42 =	vadd.f32 v16, v55;
	v41 =	vadd.f32 v7, v0  }
.LBB2_16:
0x385: {  	v0 =	vadd.f32 v27, v43;
	v1 =	vadd.f32 v28, v44  }
0x386: {  	v3 =	vadd.f32 v29, v45;
	v4 =	vadd.f32 v30, v46  }
0x387: {  	v8 =	vadd.f32 v32, v48;
	v9 =	vadd.f32 v35, v23  }
0x388: {  	v2 =	vmul.f32 v11, v12;
	v36 =	vadd.f32 v36, v24;
	v37 =	vadd.f32 v37, v20  }
0x389: {  	v6 =	vmul.f32 v18, v12;
	v14 =	vadd.f32 v38, v21;
	v7 =	vadd.f32 v31, v47;
	v47 =	vld [tilespmem:$0x1FD40]  }
0x38a: {  	v10 =	vmul.f32 v10, v5;
	v15 =	vadd.f32 v39, v19;
	v17 =	vadd.f32 v40, v22  }
0x38b: {  	v48 =	vmul.f32 v60, v5;
	v42 =	vadd.f32 v42, v25;
	v44 =	vadd.f32 v41, v26  }
0x38c: {  	v16 =	vld [tilespmem:$0x1FD50];
	v50 =	vmul.f32 v58, v5;
	v2 =	vadd.f32 v33, v2;
	v6 =	vadd.f32 v34, v6  }
0x38d: {  	v43 =	vld [tilespmem:$0x1FD60];
	v0 =	vadd.f32 v0, v10;
	v9 =	vmin.f32 v9, v36;
	v51 =	vmin.f32 v37, v14  }
0x38e: {  	v45 =	vld [tilespmem:$0x1FD70];
	v52 =	vmin.f32 v15, v17;
	v13 =	vmul.f32 v13, v5;
	(v2sf) =	vpush v47, $0x0  }
0x38f: {  	v53 =	vmin.f32 v42, v44;
	v2 =	vadd.f32 v2, v48;
	(v2sf) =	vpush v47, $0x1  }
0x390: {  	v46 =	vmul.f32 v62, v5;
	v6 =	vadd.f32 v6, v50;
	(v2sf) =	vpush v47, $0x2  }
0x391: {  	v16 =	vmul.f32 v16, v5;
	v1 =	vadd.f32 v1, v13;
	(v2sf) =	vpush v47, $0x3  }
0x392: {  	v19 =	vmul.f32 v43, v5;
	v8 =	vadd.f32 v8, v46;
	(v2sf) =	vpush v47, $0x4  }
0x393: {  	v10 =	vmul.f32 v45, v5;
	v3 =	vadd.f32 v3, v16;
	(v2sf) =	vpush v47, $0x5  }
0x394: {  	v57 =	vmin.f32 v9, v51;
	v4 =	vadd.f32 v4, v19;
	(v2sf) =	vpush v47, $0x6  }
0x395: {  	v58 =	vmin.f32 v52, v53;
	v7 =	vadd.f32 v7, v10;
	(v2sf) =	vpush v47, $0x7  }
0x396: {  	v2 =	vmin.f32 v2, v6;
	v0 =	vmin.f32 v0, v1;
	(v2sf) =	vpush v47, $0x8  }
0x397: {  	v62 =	vld [tilespmem:$0x1FD80];
	v54 =	vmin.f32 v3, v4;
	v55 =	vmin.f32 v7, v8;
	(v2sf) =	vpush v47, $0x9  }
0x398: {  	v0 =	vmin.f32 v0, v54;
	v59 =	vmin.f32 v55, v2;
	(v2sf) =	vpush v47, $0xA  }
0x399: {  	v60 =	vmin.f32 v57, v58;
	v0 =	vmin.f32 v0, v59;
	(v2sf) =	vpush v47, $0xB  }
0x39a: {  	v0 =	vmin.f32 v60, v0;
	(v2sf) =	vpush v47, $0xC  }
0x39b: {  	v63 =	vmin.f32 v49, v0;
	(v2sf) =	vpush v47, $0xD  }
0x39c: {  	v0 =	vadd.f32 v63, v62;
	(v2sf) =	vpush v47, $0xE  }
0x39d: {  	s21 =	spop (v2sf);
	(v2sf) =	vpush v47, $0xF  }
0x39e: {  	s22 =	spop (v2sf);
	(v2sf) =	vpush v0, $0x0  }
0x39f: {  	s23 =	spop (v2sf);
	(v2sf) =	vpush v0, $0x1  }
0x3a0: {  	s24 =	spop (v2sf);
	(v2sf) =	vpush v0, $0x2  }
0x3a1: {  	s25 =	spop (v2sf);
	(v2sf) =	vpush v0, $0x3  }
0x3a2: {  	s26 =	spop (v2sf);
	(v2sf) =	vpush v0, $0x4  }
0x3a3: {  	s28 =	spop (v2sf)  }
0x3a4: {  	s29 =	spop (v2sf)  }
0x3a5: {  	s0 =	spop (v2sf)  }
0x3a6: {  	s1 =	spop (v2sf)  }
0x3a7: {  	(v2sf) =	vpush v0, $0x5;
	s9 =	spop (v2sf)  }
0x3a8: {  	(v2sf) =	vpush v0, $0x6;
	s5 =	spop (v2sf)  }
0x3a9: {  	(v2sf) =	vpush v0, $0x7;
	s6 =	spop (v2sf)  }
0x3aa: {  	(v2sf) =	vpush v0, $0x8;
	s7 =	spop (v2sf)  }
0x3ab: {  	(v2sf) =	vpush v0, $0x9;
	s3 =	spop (v2sf)  }
0x3ac: {  	s2 =	spop (v2sf);
	(v2sf) =	vpush v0, $0xA  }
0x3ad: {  	s8 =	smin.f32 s21, s22;
	s4 =	spop (v2sf);
	(v2sf) =	vpush v0, $0xB  }
0x3ae: {  	s19 =	smin.f32 s23, s24;
	s10 =	spop (v2sf);
	(v2sf) =	vpush v0, $0xC  }
0x3af: {  	s8 =	smin.f32 s8, s19;
	s11 =	spop (v2sf);
	(v2sf) =	vpush v0, $0xD  }
0x3b0: {  	s31 =	smin.f32 s25, s26;
	s30 =	spop (v2sf);
	(v2sf) =	vpush v0, $0xE  }
0x3b1: {  	s13 =	smin.f32 s28, s29;
	s12 =	spop (v2sf);
	(v2sf) =	vpush v0, $0xF  }
0x3b2: {  	s17 =	smin.f32 s0, s1;
	s19 =	smin.f32 s9, s5  }
0x3b3: {  	s13 =	smin.f32 s31, s13;
	s17 =	smin.f32 s17, s19  }
0x3b4: {  	s31 =	smin.f32 s6, s7;
	s19 =	smin.f32 s3, s2  }
0x3b5: {  	s8 =	smin.f32 s8, s13;
	s19 =	smin.f32 s31, s19  }
0x3b6: {  	s17 =	smin.f32 s17, s19;
	s31 =	spop (v2sf)  }
0x3b7: {  	s4 =	smax.f32 s4, s10;
	s13 =	spop (v2sf)  }
0x3b8: {  	s8 =	smin.f32 s8, s17;
	s19 =	spop (v2sf)  }
0x3b9: {  	s11 =	smax.f32 s11, s30;
	s17 =	spop (v2sf)  }
0x3ba: {  	s4 =	smax.f32 s4, s11;
	s10 =	spop (v2sf)  }
0x3bb: {  	s12 =	smax.f32 s12, s31;
	s30 =	spop (v2sf)  }
0x3bc: {  	s13 =	smax.f32 s13, s19;
	s31 =	spop (v2sf)  }
0x3bd: {  	s12 =	smax.f32 s12, s13;
	s19 =	spop (v2sf)  }
0x3be: {  	s10 =	smax.f32 s17, s10;
	s17 =	spop (v2sf)  }
0x3bf: {  	s30 =	smax.f32 s30, s31;
	s31 =	spop (v2sf)  }
0x3c0: {  	s17 =	smax.f32 s19, s17;
	s19 =	spop (v2sf)  }
0x3c1: {  	s19 =	smax.f32 s31, s19;
	s31 =	rddreg [dreg:$0x10]  }
0x3c2: {  	s17 =	smax.f32 s17, s19;
	s19 =	rddreg [dreg:$0xc]  }
0x3c3: {  	s4 =	smax.f32 s4, s12;
	s12 =	ssub.f32 s8, s31  }
0x3c4: {  	s10 =	smax.f32 s10, s30;
	s13 =	ssub.f32 s8, s19  }
0x3c5: {  	s10 =	smax.f32 s10, s17;
	s17 =	rddreg [dreg:$0x14]  }
0x3c6: {  	s19 =	smax.f32 s4, s10;
	p5 =	sgt.f32 s12, $0.0e+00  }
0x3c7: {  	s10 =	ssub.f32 s8, s17;
	s30 =	smul.f32 s13, s13  }
0x3c8: {  	p0 =	sgt.f32 s13, $0.0e+00;
	s13 =	smul.f32 s12, s12  }
0x3c9: {  	p1 =	sgt.f32 s30, s19;
	s30 =	rddreg [dreg:$0x18]  }
0x3ca: {  	s11 =	simm.s32 $0x1;
	p2 =	sgt.f32 s13, s19;
	s12 =	ssub.f32 s8, s30  }
0x3cb: {  	s4 =	simm.s32 $0x1;
	s31 =	smul.f32 s10, s10;
	s30 =	rddreg [dreg:$0x1c]  }
0x3cc: {  	p0 =	por !p0, !p1;
	p6 =	por !p5, !p2;
	p1 =	sgt.f32 s10, $0.0e+00  }
0x3cd: {  	p2 =	sgt.f32 s31, s19;
	s13 =	ssub.f32 s8, s30;
	s10 =	simm.s32 $0x1  }
0x3ce: {  	s30 =	sld [smem:$0x7D8];
	p0 =	por !p0, !p0;
	s17 =	smul.f32 s12, s12  }
0x3cf: {  	p4 =	sgt.f32 s12, $0.0e+00;
	s12 =	sld [smem:$0x7D6];
	s4 =	simm.s32 @!p0 $0x0  }
0x3d0: {  	p0 =	por !p6, !p6;
	s31 =	smul.f32 s13, s13;
	p5 =	sgt.f32 s13, $0.0e+00  }
0x3d1: {  	s13 =	simm.s32 $0x1;
	s11 =	simm.s32 @!p0 $0x0;
	p3 =	sgt.f32 s17, s19  }
0x3d2: {  	p0 =	por !p1, !p2;
	s4 =	sadd.s32 s4, s11;
	s11 =	ssub.f32 s8, s12  }
0x3d3: {  	p0 =	por !p0, !p0;
	p6 =	sgt.f32 s31, s19;
	s31 =	sld [smem:$0x7DA]  }
0x3d4: {  	s12 =	simm.s32 $0x1;
	p2 =	por !p4, !p3;
	s17 =	smul.f32 s11, s11  }
0x3d5: {  	s12 =	simm.s32 @!p0 $0x0;
	p4 =	sgt.f32 s11, $0.0e+00;
	s11 =	ssub.f32 s8, s30  }
0x3d6: {  	p1 =	por !p5, !p6;
	s4 =	sadd.s32 s12, s4;
	s12 =	ssub.f32 s8, s31  }
0x3d7: {  	p0 =	por !p2, !p2;
	p1 =	por !p1, !p1;
	s31 =	sld [smem:$0x7DC]  }
0x3d8: {  	s13 =	simm.s32 @!p0 $0x0;
	p5 =	sgt.f32 s17, s19;
	s30 =	smul.f32 s11, s11  }
0x3d9: {  	s10 =	simm.s32 @!p1 $0x0;
	s17 =	simm.s32 $0x1;
	p1 =	sgt.f32 s11, $0.0e+00  }
0x3da: {  	s4 =	sadd.s32 s13, s4;
	p2 =	sgt.f32 s30, s19;
	s30 =	smul.f32 s12, s12  }
0x3db: {  	s4 =	sadd.s32 s10, s4;
	p6 =	por !p4, !p5;
	s11 =	ssub.f32 s8, s31  }
0x3dc: {  	p0 =	por !p6, !p6;
	p4 =	sgt.f32 s30, s19;
	s30 =	sld [smem:$0x7E0]  }
0x3dd: {  	p3 =	sgt.f32 s12, $0.0e+00;
	s12 =	simm.s32 $0x1;
	s17 =	simm.s32 @!p0 $0x0  }
0x3de: {  	s13 =	smul.f32 s11, s11;
	s4 =	sadd.s32 s17, s4;
	s17 =	sld [smem:$0x7DE]  }
0x3df: {  	p0 =	por !p1, !p2;
	p5 =	sgt.f32 s11, $0.0e+00;
	s10 =	ssub.f32 s8, s30  }
0x3e0: {  	p0 =	por !p0, !p0;
	p1 =	por !p3, !p4;
	p6 =	sgt.f32 s13, s19  }
0x3e1: {  	s12 =	simm.s32 @!p0 $0x0;
	p0 =	por !p1, !p1;
	s31 =	smul.f32 s10, s10  }
0x3e2: {  	s4 =	sadd.s32 s12, s4;
	s11 =	ssub.f32 s8, s17;
	s17 =	simm.s32 $0x1  }
0x3e3: {  	p2 =	por !p5, !p6;
	p5 =	sgt.f32 s31, s19;
	s31 =	sld [smem:$0x7E2]  }
0x3e4: {  	p1 =	por !p2, !p2;
	p4 =	sgt.f32 s10, $0.0e+00;
	s13 =	smul.f32 s11, s11  }
0x3e5: {  	s17 =	simm.s32 @!p0 $0x0;
	s10 =	simm.s32 $0x1;
	p3 =	sgt.f32 s11, $0.0e+00  }
0x3e6: {  	s11 =	simm.s32 $0x1;
	p6 =	sgt.f32 s13, s19;
	s30 =	ssub.f32 s8, s31  }
0x3e7: {  	s4 =	sadd.s32 s17, s4;
	s11 =	simm.s32 @!p1 $0x0;
	s31 =	sld [smem:$0x7E4]  }
0x3e8: {  	s13 =	simm.s32 $0x1;
	p3 =	por !p3, !p6;
	p6 =	por !p4, !p5  }
0x3e9: {  	s4 =	sadd.s32 s11, s4;
	p0 =	por !p3, !p3;
	p1 =	por !p6, !p6  }
0x3ea: {  	s10 =	simm.s32 @!p0 $0x0;
	s13 =	simm.s32 @!p1 $0x0;
	s17 =	ssub.f32 s8, s31  }
0x3eb: {  	s12 =	smul.f32 s30, s30;
	s31 =	sld [smem:$0x7E6];
	s4 =	sadd.s32 s10, s4  }
0x3ec: {  	s4 =	sadd.s32 s13, s4;
	s13 =	sld [smem:$0x7E8]  }
0x3ed: {  	p1 =	sgt.f32 s30, $0.0e+00;
	p3 =	sgt.f32 s12, s19  }
0x3ee: {  	s30 =	smul.f32 s17, s17;
	s11 =	ssub.f32 s8, s31  }
0x3ef: {  	p2 =	sgt.f32 s17, $0.0e+00;
	p0 =	por !p1, !p3;
	s10 =	ssub.f32 s8, s13  }
0x3f0: {  	p4 =	sgt.f32 s30, s19;
	p3 =	por !p0, !p0;
	s30 =	sld [smem:$0x7EA]  }
0x3f1: {  	s31 =	smul.f32 s11, s11;
	p5 =	sgt.f32 s11, $0.0e+00;
	s11 =	simm.s32 $0x1  }
0x3f2: {  	s17 =	smul.f32 s10, s10;
	p0 =	sgt.f32 s10, $0.0e+00;
	s11 =	simm.s32 @!p3 $0x0  }
0x3f3: {  	p1 =	por !p2, !p4;
	p6 =	sgt.f32 s31, s19;
	s8 =	ssub.f32 s8, s30  }
0x3f4: {  	s10 =	simm.s32 $0x1;
	p1 =	por !p1, !p1;
	s4 =	sadd.s32 s11, s4  }
0x3f5: {  	p2 =	sgt.f32 s17, s19;
	s31 =	smul.f32 s8, s8;
	p4 =	por !p5, !p6  }
0x3f6: {  	p3 =	sgt.f32 s8, $0.0e+00;
	s8 =	simm.s32 $0x1;
	p4 =	por !p4, !p4  }
0x3f7: {  	s8 =	simm.s32 @!p1 $0x0;
	p0 =	por !p0, !p2;
	p6 =	sgt.f32 s31, s19  }
0x3f8: {  	s10 =	simm.s32 @!p4 $0x0;
	s4 =	sadd.s32 s8, s4;
	p0 =	por !p0, !p0  }
0x3f9: {  	s8 =	simm.s32 $0x1;
	s4 =	sadd.s32 s10, s4;
	p6 =	por !p3, !p6  }
0x3fa: {  	s8 =	simm.s32 @!p0 $0x0;
	s10 =	simm.s32 $0x1;
	p0 =	por !p6, !p6  }
0x3fb: {  	s4 =	sadd.s32 s8, s4;
	s10 =	simm.s32 @!p0 $0x0  }
0x3fc: {  	s8 =	sadd.s32 s10, s4  }
0x3fd: {  	s11 =	sshll.u32 s8, $0x4  }
0x3fe: {  	p0 =	sge.u32 s11, s18  }
.Ltmp17:
0x3ff: {  	_ = 	snop;
	(pc) =	sbr.rel @p0 .LBB2_20-.Ltmp17, $2  }
0x400: {  	_ =	sdelay $0x2  }
0x401: {  	v61 =	vmov v12;
	v43 =	vmov v5  }
0x402: {  	s8 =	sshll.u32 s8, $0x8  }
0x403: {  	s10 =	sand.u32 $0x3FFFFF00, s8  }
0x404: {  	v0 =	vld [tilespmem:s10+$0x0];
	_ =	sdelay $0x4  }
0x405: {  	v1 =	vbroadcast v0, $0x0  }
0x406: {  	v2 =	vbroadcast v0, $0x1;
	v3 =	vbroadcast v0, $0x2  }
0x407: {  	s4 =	sand.u32 $0xFFFFFFF0, s8;
	v4 =	vbroadcast v0, $0x3;
	v6 =	vbroadcast v0, $0x4  }
0x408: {  	v8 =	vld [tilespmem:s4+$0x2000];
	v16 =	vbroadcast v0, $0x5;
	v17 =	vbroadcast v0, $0x6  }
0x409: {  	v18 =	vbroadcast v0, $0x7;
	v19 =	vbroadcast v0, $0x8  }
0x40a: {  	v20 =	vbroadcast v0, $0x9;
	v21 =	vbroadcast v0, $0xA  }
0x40b: {  	v22 =	vbroadcast v0, $0xB;
	v23 =	vbroadcast v0, $0xC  }
0x40c: {  	v24 =	vbroadcast v0, $0xD;
	v25 =	vbroadcast v0, $0xE  }
0x40d: {  	v0 =	vbroadcast v0, $0xF;
	v32 =	vbroadcast v8, $0x0  }
0x40e: {  	v29 =	vld [tilespmem:s4+$0x1000];
	v33 =	vbroadcast v8, $0x1;
	v34 =	vbroadcast v8, $0x2  }
0x40f: {  	v30 =	vld [tilespmem:s4+$0x3000];
	v35 =	vbroadcast v8, $0x3;
	v36 =	vbroadcast v8, $0x4  }
0x410: {  	v37 =	vbroadcast v8, $0x5;
	v38 =	vbroadcast v8, $0x6  }
0x411: {  	v39 =	vbroadcast v8, $0x7;
	v9 =	vbroadcast v8, $0x8  }
0x412: {  	v10 =	vbroadcast v8, $0x9;
	v13 =	vbroadcast v8, $0xA  }
0x413: {  	v5 =	vbroadcast v8, $0xB;
	v62 =	vbroadcast v8, $0xF  }
0x414: {  	v26 =	vbroadcast v30, $0x0;
	v40 =	vbroadcast v29, $0x0  }
0x415: {  	v27 =	vbroadcast v30, $0x1;
	v41 =	vbroadcast v29, $0x1  }
0x416: {  	v28 =	vbroadcast v30, $0x2;
	v42 =	vbroadcast v29, $0x2  }
0x417: {  	v31 =	vbroadcast v30, $0x3;
	v44 =	vbroadcast v30, $0x4  }
0x418: {  	v45 =	vbroadcast v29, $0x4;
	v46 =	vbroadcast v30, $0x5  }
0x419: {  	v47 =	vbroadcast v29, $0x5;
	v48 =	vbroadcast v30, $0x6  }
0x41a: {  	v49 =	vbroadcast v29, $0x6;
	v50 =	vbroadcast v30, $0x7  }
0x41b: {  	v51 =	vbroadcast v29, $0x7;
	v52 =	vbroadcast v30, $0x8  }
0x41c: {  	v53 =	vbroadcast v29, $0x8;
	v54 =	vbroadcast v30, $0x9  }
0x41d: {  	v55 =	vbroadcast v29, $0x9;
	v7 =	vbroadcast v30, $0xA  }
0x41e: {  	v57 =	vbroadcast v29, $0xA;
	v58 =	vbroadcast v30, $0xB  }
0x41f: {  	v59 =	vbroadcast v29, $0xB;
	v60 =	vbroadcast v29, $0xC  }
0x420: {  	[tilespmem:$0x1FC80] =	vst v5;
	v5 =	vbroadcast v8, $0xC;
	v1 =	vmul.f32 v1, v56  }
0x421: {  	v2 =	vmul.f32 v2, v56;
	v3 =	vmul.f32 v3, v56  }
0x422: {  	v4 =	vmul.f32 v4, v56;
	v6 =	vmul.f32 v6, v56  }
0x423: {  	v16 =	vmul.f32 v16, v56;
	v17 =	vmul.f32 v17, v56  }
0x424: {  	v0 =	vmul.f32 v0, v56;
	v41 =	vmul.f32 v41, v61  }
0x425: {  	v42 =	vmul.f32 v42, v61;
	v45 =	vmul.f32 v45, v61  }
0x426: {  	[tilespmem:$0x1FC90] =	vst v5;
	v5 =	vbroadcast v8, $0xD;
	v4 =	vadd.f32 v31, v4;
	v6 =	vadd.f32 v44, v6  }
0x427: {  	v31 =	vbroadcast v30, $0xC;
	v44 =	vadd.f32 v46, v16;
	v16 =	vmul.f32 v18, v56  }
0x428: {  	v46 =	vadd.f32 v48, v17;
	v18 =	vbroadcast v30, $0xD;
	v17 =	vmul.f32 v19, v56  }
0x429: {  	v1 =	vadd.f32 v26, v1;
	v19 =	vbroadcast v30, $0xE;
	[tilespmem:$0x1FCA0] =	vst v5;
	v5 =	vbroadcast v8, $0xE  }
0x42a: {  	v48 =	vadd.f32 v50, v16;
	v50 =	vbroadcast v29, $0xD;
	v16 =	vmul.f32 v20, v56  }
0x42b: {  	v26 =	vadd.f32 v52, v17;
	v17 =	vmul.f32 v21, v56;
	v20 =	vmul.f32 v22, v56  }
0x42c: {  	v2 =	vadd.f32 v27, v2;
	v22 =	vbroadcast v30, $0xF;
	v21 =	vmul.f32 v23, v56  }
0x42d: {  	v3 =	vadd.f32 v28, v3;
	v23 =	vmul.f32 v25, v56;
	v52 =	vmul.f32 v47, v61  }
0x42e: {  	v27 =	vadd.f32 v54, v16;
	v16 =	vbroadcast v29, $0xE;
	v28 =	vadd.f32 v7, v17  }
0x42f: {  	v30 =	vadd.f32 v58, v20;
	v17 =	vbroadcast v29, $0xF;
	v20 =	vmul.f32 v24, v56  }
0x430: {  	v54 =	vmul.f32 v49, v61;
	v58 =	vmul.f32 v51, v61  }
0x431: {  	[tilespmem:$0x1FCB0] =	vst v5;
	v47 =	vmul.f32 v50, v61;
	v5 =	vmov v43;
	v43 =	vbroadcast v29, $0x3  }
0x432: {  	v29 =	vadd.f32 v31, v21;
	v31 =	vadd.f32 v18, v20;
	v20 =	vmul.f32 v32, v5  }
0x433: {  	v21 =	vmul.f32 v33, v5;
	v32 =	vadd.f32 v19, v23;
	v18 =	vmul.f32 v34, v5  }
0x434: {  	s31 =	ssub.s32 s20, s11;
	v19 =	vmul.f32 v40, v61;
	v33 =	vadd.f32 v22, v0;
	v22 =	vmul.f32 v35, v5  }
0x435: {  	p0 =	sne.s32 s31, $0x1;
	v35 =	vadd.f32 v2, v41;
	v23 =	vmul.f32 v37, v5;
	v24 =	vmul.f32 v38, v5  }
.Ltmp18:
0x436: {  	v25 =	vmul.f32 v39, v5;
	v37 =	vadd.f32 v6, v45;
	v39 =	vadd.f32 v44, v52;
	(pc) =	sbr.rel @!p0 .LBB2_19-.Ltmp18, $4  }
0x437: {  	v40 =	vadd.f32 v46, v54;
	v44 =	vmul.f32 v57, v61;
	v46 =	vmul.f32 v59, v61  }
0x438: {  	v41 =	vadd.f32 v48, v58;
	v43 =	vmul.f32 v43, v61;
	v34 =	vadd.f32 v1, v19  }
0x439: {  	v19 =	vmul.f32 v36, v5;
	v36 =	vadd.f32 v3, v42;
	v42 =	vmul.f32 v53, v61  }
0x43a: {  	v12 =	vmovc v61;
	s20 =	sadd.s32 $0xFFFFFFFF, s31;
	v45 =	vmul.f32 v60, v61;
	v38 =	vadd.f32 v4, v43;
	v43 =	vmul.f32 v55, v61  }
.LBB2_18:
0x43b: {  	v0 =	vadd.f32 v26, v42  }
0x43c: {  	v7 =	vld [tilespmem:$0x1FC80];
	s10 =	sadd.s32 $0x10, s10;
	v1 =	vadd.f32 v27, v43;
	v3 =	vadd.f32 v28, v44  }
0x43d: {  	v4 =	vadd.f32 v30, v46;
	v20 =	vadd.f32 v34, v20;
	v26 =	vld [tilespmem:s10+$0x0]  }
0x43e: {  	v2 =	vmul.f32 v16, v12;
	v21 =	vadd.f32 v35, v21;
	v19 =	vadd.f32 v37, v19  }
0x43f: {  	s8 =	sadd.s32 $0x10, s8;
	v6 =	vmul.f32 v17, v12;
	v23 =	vadd.f32 v39, v23;
	v24 =	vadd.f32 v40, v24  }
0x440: {  	v25 =	vadd.f32 v41, v25;
	s4 =	sand.u32 $0xFFFFFFF0, s8;
	v15 =	vmul.f32 v9, v5;
	v13 =	vmul.f32 v13, v5  }
0x441: {  	v35 =	vld [tilespmem:s4+$0x3000];
	v6 =	vadd.f32 v33, v6;
	v14 =	vmul.f32 v10, v5;
	v8 =	vmul.f32 v62, v5  }
0x442: {  	v12 =	vmul.f32 v7, v5;
	v3 =	vadd.f32 v3, v13;
	v27 =	vbroadcast v26, $0x0  }
0x443: {  	v6 =	vadd.f32 v6, v8;
	v8 =	vmin.f32 v20, v21;
	v20 =	vbroadcast v26, $0x8  }
0x444: {  	v13 =	vmin.f32 v24, v25;
	v21 =	vbroadcast v26, $0x9;
	v24 =	vbroadcast v26, $0xC  }
0x445: {  	v25 =	vbroadcast v26, $0xD;
	v28 =	vbroadcast v26, $0xE;
	v4 =	vadd.f32 v4, v12  }
0x446: {  	v7 =	vld [tilespmem:$0x1FC90];
	v12 =	vmin.f32 v19, v23;
	v23 =	vbroadcast v26, $0xB;
	v39 =	vbroadcast v35, $0x1  }
0x447: {  	v16 =	vadd.f32 v29, v45;
	v41 =	vbroadcast v35, $0x2;
	v43 =	vbroadcast v35, $0x3  }
0x448: {  	v17 =	vadd.f32 v31, v47;
	v45 =	vbroadcast v35, $0x4;
	v47 =	vbroadcast v35, $0x5  }
0x449: {  	v62 =	vld [tilespmem:s4+$0x2000];
	v0 =	vadd.f32 v0, v15;
	v49 =	vbroadcast v35, $0x6;
	v51 =	vbroadcast v35, $0x7  }
0x44a: {  	v1 =	vadd.f32 v1, v14;
	v53 =	vbroadcast v35, $0x8;
	v55 =	vbroadcast v35, $0x9  }
0x44b: {  	v57 =	vbroadcast v35, $0xA;
	v11 =	vmul.f32 v7, v5;
	v7 =	vld [tilespmem:$0x1FCA0]  }
0x44c: {  	v59 =	vbroadcast v35, $0xB;
	v0 =	vmin.f32 v0, v1;
	v1 =	vbroadcast v26, $0x2  }
0x44d: {  	v27 =	vmul.f32 v27, v56;
	v15 =	vmul.f32 v24, v56  }
0x44e: {  	v29 =	vbroadcast v62, $0x0;
	v30 =	vbroadcast v62, $0x1  }
0x44f: {  	v31 =	vbroadcast v62, $0x2;
	v19 =	vbroadcast v62, $0x4  }
0x450: {  	v18 =	vadd.f32 v36, v18;
	v34 =	vbroadcast v62, $0x5;
	v10 =	vmul.f32 v7, v5;
	v7 =	vld [tilespmem:$0x1FCB0]  }
0x451: {  	v22 =	vadd.f32 v38, v22;
	v36 =	vbroadcast v62, $0x6;
	v37 =	vbroadcast v62, $0x7  }
0x452: {  	v2 =	vadd.f32 v32, v2;
	v14 =	vmul.f32 v23, v56;
	v1 =	vmul.f32 v1, v56  }
0x453: {  	v19 =	vmul.f32 v19, v5;
	v11 =	vadd.f32 v16, v11;
	v10 =	vadd.f32 v17, v10;
	v17 =	vld [tilespmem:s4+$0x1000]  }
0x454: {  	v60 =	vmin.f32 v3, v4;
	v23 =	vmul.f32 v34, v5;
	v24 =	vmul.f32 v36, v5  }
0x455: {  	v3 =	vmin.f32 v11, v10;
	v11 =	vmul.f32 v20, v56;
	v9 =	vmul.f32 v7, v5  }
0x456: {  	v20 =	vmul.f32 v29, v5;
	v7 =	vbroadcast v26, $0x7  }
0x457: {  	v2 =	vadd.f32 v2, v9;
	v9 =	vmin.f32 v18, v22;
	v18 =	vbroadcast v26, $0x6  }
0x458: {  	v22 =	vbroadcast v26, $0xA;
	v38 =	vbroadcast v17, $0x0  }
0x459: {  	v0 =	vmin.f32 v0, v60;
	v40 =	vbroadcast v17, $0x1;
	v42 =	vbroadcast v17, $0x2  }
0x45a: {  	v4 =	vmin.f32 v8, v9;
	v8 =	vbroadcast v26, $0xF;
	v2 =	vmin.f32 v2, v6  }
0x45b: {  	v6 =	vmin.f32 v12, v13;
	v61 =	vmin.f32 v3, v2;
	v2 =	vbroadcast v26, $0x1  }
0x45c: {  	v3 =	vmin.f32 v4, v6;
	v4 =	vbroadcast v26, $0x3;
	v0 =	vmin.f32 v0, v61  }
0x45d: {  	v6 =	vbroadcast v26, $0x5;
	v0 =	vmin.f32 v3, v0;
	v3 =	vbroadcast v26, $0x4  }
0x45e: {  	v26 =	vbroadcast v35, $0x0;
	v33 =	vmin.f32 v63, v0;
	v0 =	vbroadcast v62, $0xF  }
0x45f: {  	v10 =	vmul.f32 v7, v56;
	v7 =	vmul.f32 v28, v56;
	v28 =	vld [tilespmem:$0x1FD90]  }
0x460: {  	[tilespmem:$0x1FC30] =	vst v0;
	v0 =	vmul.f32 v25, v56;
	v25 =	vmul.f32 v37, v5;
	v37 =	vadd.f32 v26, v27;
	v26 =	vld [tilespmem:$0x1FD90]  }
0x461: {  	v44 =	vbroadcast v17, $0x3;
	v46 =	vbroadcast v17, $0x4  }
0x462: {  	v48 =	vbroadcast v17, $0x5;
	[tilespmem:$0x1FC00] =	vst v8;
	v8 =	vbroadcast v62, $0x3  }
0x463: {  	v50 =	vbroadcast v17, $0x6;
	v52 =	vbroadcast v17, $0x7  }
0x464: {  	v54 =	vbroadcast v17, $0x8;
	[tilespmem:$0x1FC10] =	vst v8;
	v8 =	vbroadcast v62, $0x8  }
0x465: {  	v34 =	vmul.f32 v38, v28;
	v38 =	vmul.f32 v42, v26;
	v26 =	vld [tilespmem:$0x1FD90]  }
0x466: {  	v58 =	vbroadcast v17, $0x9;
	[tilespmem:$0x1FC50] =	vst v8;
	v8 =	vbroadcast v62, $0x9  }
0x467: {  	v60 =	vbroadcast v17, $0xA;
	v32 =	vbroadcast v17, $0xD  }
0x468: {  	v2 =	vmul.f32 v2, v56;
	[tilespmem:$0x1FC60] =	vst v8;
	v8 =	vbroadcast v62, $0xA  }
0x469: {  	v16 =	vbroadcast v17, $0xE;
	[tilespmem:$0x1FC70] =	vst v32;
	v32 =	vbroadcast v35, $0xE;
	v28 =	vld [tilespmem:$0x1FD90]  }
0x46a: {  	v2 =	vadd.f32 v39, v2;
	[tilespmem:$0x1FC20] =	vst v8;
	v8 =	vbroadcast v62, $0xB;
	v39 =	vmul.f32 v44, v26;
	v26 =	vld [tilespmem:$0x1FD90]  }
0x46b: {  	v9 =	vmul.f32 v18, v56;
	v12 =	vmul.f32 v21, v56  }
0x46c: {  	v13 =	vmul.f32 v22, v56;
	[tilespmem:$0x1FC80] =	vst v8;
	v8 =	vbroadcast v62, $0xC  }
0x46d: {  	v1 =	vadd.f32 v41, v1;
	v21 =	vmul.f32 v30, v5;
	v18 =	vmul.f32 v31, v5  }
0x46e: {  	v10 =	vadd.f32 v51, v10;
	v61 =	vbroadcast v35, $0xC;
	v22 =	vld [tilespmem:$0x1FC10];
	[tilespmem:$0x1FC90] =	vst v8;
	v8 =	vbroadcast v62, $0xD  }
0x46f: {  	v30 =	vadd.f32 v59, v14;
	v36 =	vmul.f32 v40, v28;
	v40 =	vmul.f32 v46, v26;
	v26 =	vld [tilespmem:$0x1FD90]  }
0x470: {  	v4 =	vmul.f32 v4, v56;
	v27 =	vadd.f32 v55, v12;
	v12 =	vld [tilespmem:$0x1FD90];
	[tilespmem:$0x1FCA0] =	vst v8;
	v8 =	vbroadcast v62, $0xE  }
0x471: {  	v9 =	vadd.f32 v49, v9;
	v6 =	vmul.f32 v6, v56;
	v63 =	vbroadcast v17, $0xC  }
0x472: {  	v32 =	vadd.f32 v32, v7;
	v29 =	vadd.f32 v61, v15;
	v3 =	vmul.f32 v3, v56;
	[tilespmem:$0x1FCB0] =	vst v8;
	v8 =	vld [tilespmem:$0x1FC00]  }
0x473: {  	v61 =	vld [tilespmem:$0x1FC70];
	v4 =	vadd.f32 v43, v4;
	v6 =	vadd.f32 v47, v6;
	[tilespmem:$0x1FC40] =	vst v63;
	v63 =	vbroadcast v35, $0xD  }
0x474: {  	v35 =	vbroadcast v35, $0xF;
	v3 =	vadd.f32 v45, v3;
	v48 =	vmul.f32 v48, v26;
	v26 =	vld [tilespmem:$0x1FD90]  }
0x475: {  	v28 =	vadd.f32 v57, v13;
	v22 =	vmul.f32 v22, v5;
	v42 =	vmul.f32 v54, v12  }
0x476: {  	v31 =	vadd.f32 v63, v0;
	v43 =	vmul.f32 v58, v12;
	v62 =	vbroadcast v17, $0xB  }
0x477: {  	p0 =	sne.s32 s20, $0x1;
	v34 =	vadd.f32 v37, v34;
	v44 =	vmul.f32 v60, v12;
	v60 =	vld [tilespmem:$0x1FC40];
	v8 =	vmul.f32 v8, v56  }
.Ltmp19:
0x478: {  	v47 =	vmul.f32 v61, v12;
	v46 =	vmul.f32 v62, v12;
	v37 =	vadd.f32 v3, v40;
	(pc) =	sbr.rel @p0 .LBB2_18-.Ltmp19, $4  }
0x479: {  	v13 =	vld [tilespmem:$0x1FC20];
	v63 =	vmovc v33;
	v33 =	vadd.f32 v35, v8;
	v35 =	vadd.f32 v2, v36;
	v51 =	vmul.f32 v50, v26  }
0x47a: {  	v62 =	vld [tilespmem:$0x1FC30];
	v36 =	vadd.f32 v1, v38;
	v26 =	vadd.f32 v53, v11;
	v11 =	vmul.f32 v52, v12  }
0x47b: {  	v17 =	vbroadcast v17, $0xF;
	v38 =	vadd.f32 v4, v39;
	v40 =	vadd.f32 v9, v51;
	v9 =	vld [tilespmem:$0x1FC50]  }
0x47c: {  	s20 =	sadd.s32 $0xFFFFFFFF, s20;
	v45 =	vmul.f32 v60, v12;
	v39 =	vadd.f32 v6, v48;
	v41 =	vadd.f32 v10, v11;
	v10 =	vld [tilespmem:$0x1FC60]  }
.LBB2_19:
0x47d: {  	v0 =	vadd.f32 v26, v42  }
0x47e: {  	v3 =	vadd.f32 v28, v44;
	v4 =	vadd.f32 v30, v46  }
0x47f: {  	v31 =	vadd.f32 v31, v47;
	v11 =	vadd.f32 v34, v20  }
0x480: {  	v42 =	vadd.f32 v35, v21;
	v14 =	vadd.f32 v36, v18;
	v46 =	vld [tilespmem:$0x1FC90]  }
0x481: {  	v2 =	vmul.f32 v16, v12;
	v44 =	vadd.f32 v37, v19;
	v47 =	vadd.f32 v40, v24;
	v49 =	vld [tilespmem:$0x1FCA0]  }
0x482: {  	v6 =	vmul.f32 v17, v12;
	v50 =	vld [tilespmem:$0x1FCB0];
	v1 =	vadd.f32 v27, v43;
	v8 =	vadd.f32 v29, v45  }
0x483: {  	v13 =	vmul.f32 v13, v5;
	v15 =	vadd.f32 v38, v22;
	v43 =	vld [tilespmem:$0x1FC80];
	v45 =	vadd.f32 v39, v23  }
0x484: {  	v48 =	vadd.f32 v41, v25;
	v6 =	vadd.f32 v33, v6;
	v51 =	vmul.f32 v62, v5  }
0x485: {  	v2 =	vadd.f32 v32, v2;
	v52 =	vmin.f32 v11, v42;
	v7 =	vmul.f32 v9, v5  }
0x486: {  	v3 =	vadd.f32 v3, v13;
	v10 =	vmul.f32 v10, v5;
	v6 =	vadd.f32 v6, v51  }
0x487: {  	v19 =	vmul.f32 v46, v5;
	v22 =	vmul.f32 v49, v5;
	v0 =	vadd.f32 v0, v7  }
0x488: {  	v7 =	vmul.f32 v50, v5;
	v16 =	vmul.f32 v43, v5;
	v1 =	vadd.f32 v1, v10  }
0x489: {  	v53 =	vmin.f32 v14, v15;
	v8 =	vadd.f32 v8, v19;
	v9 =	vadd.f32 v31, v22  }
0x48a: {  	v54 =	vmin.f32 v44, v45;
	v2 =	vadd.f32 v2, v7;
	v4 =	vadd.f32 v4, v16  }
0x48b: {  	v55 =	vmin.f32 v47, v48;
	v59 =	vmin.f32 v52, v53;
	v0 =	vmin.f32 v0, v1  }
0x48c: {  	v58 =	vmin.f32 v8, v9;
	v2 =	vmin.f32 v2, v6;
	v57 =	vmin.f32 v3, v4  }
0x48d: {  	v60 =	vmin.f32 v54, v55;
	v61 =	vmin.f32 v58, v2;
	v0 =	vmin.f32 v0, v57  }
0x48e: {  	v62 =	vmin.f32 v59, v60;
	v0 =	vmin.f32 v0, v61  }
0x48f: {  	v0 =	vmin.f32 v62, v0  }
0x490: {  	v43 =	vmov v5;
	v63 =	vmin.f32 v63, v0  }
.LBB2_20:
0x491: {  	s4 =	smax.f32 s21, s22  }
0x492: {  	s8 =	smax.f32 s23, s24;
	s13 =	rddreg [dreg:$0xa]  }
0x493: {  	s10 =	smax.f32 s25, s26;
	s20 =	rddreg [dreg:$0xe]  }
0x494: {  	s11 =	smax.f32 s28, s29;
	s22 =	rddreg [dreg:$0x12]  }
0x495: {  	s0 =	smax.f32 s0, s1;
	s24 =	rddreg [dreg:$0x16]  }
0x496: {  	s5 =	smax.f32 s9, s5;
	s26 =	rddreg [dreg:$0x1a]  }
0x497: {  	s7 =	smax.f32 s6, s7;
	s29 =	rddreg [dreg:$0x1e]  }
0x498: {  	s2 =	smax.f32 s3, s2;
	s31 =	sld [smem:$0x7D7]  }
0x499: {  	s9 =	smax.f32 s4, s8;
	s10 =	smax.f32 s10, s11  }
0x49a: {  	s0 =	smax.f32 s0, s5;
	s11 =	smax.f32 s7, s2  }
0x49b: {  	s8 =	sld [smem:$0x7D9];
	s12 =	smax.f32 s9, s10  }
0x49c: {  	s0 =	smax.f32 s0, s11;
	s10 =	sld [smem:$0x7DB]  }
0x49d: {  	s0 =	smax.f32 s12, s0;
	s12 =	sld [smem:$0x7DD]  }
0x49e: {  	s1 =	ssub.f32 s13, s0  }
0x49f: {  	s3 =	ssub.f32 s20, s0  }
0x4a0: {  	s4 =	ssub.f32 s24, s0  }
0x4a1: {  	s5 =	ssub.f32 s26, s0  }
0x4a2: {  	s6 =	ssub.f32 s29, s0  }
0x4a3: {  	s7 =	ssub.f32 s31, s0  }
0x4a4: {  	s24 =	sld [smem:$0x7E5]  }
0x4a5: {  	s26 =	sld [smem:$0x7E7]  }
0x4a6: {  	s29 =	sld [smem:$0x7E9]  }
0x4a7: {  	s17 =	smul.f32 s1, s1;
	p0 =	sgt.f32 s1, $0.0e+00  }
0x4a8: {  	s21 =	smul.f32 s3, s3;
	p2 =	sgt.f32 s3, $0.0e+00  }
0x4a9: {  	s1 =	ssub.f32 s22, s0;
	s25 =	smul.f32 s4, s4  }
0x4aa: {  	p5 =	sgt.f32 s4, $0.0e+00;
	s28 =	smul.f32 s5, s5  }
0x4ab: {  	s2 =	simm.s32 $0xFFFFFFFF;
	s30 =	smul.f32 s6, s6;
	p1 =	sgt.f32 s17, s19  }
0x4ac: {  	s3 =	simm.s32 $0x1;
	p6 =	sgt.f32 s21, s19;
	s17 =	sld [smem:$0x7DF]  }
0x4ad: {  	s4 =	simm.s32 $0x1;
	s23 =	smul.f32 s1, s1;
	s21 =	sld [smem:$0x7E1]  }
0x4ae: {  	p0 =	por !p0, !p1;
	p1 =	por !p2, !p6;
	p2 =	sgt.f32 s1, $0.0e+00  }
0x4af: {  	s1 =	simm.s32 $0x1;
	p3 =	sgt.f32 s23, s19;
	p0 =	por !p0, !p0  }
0x4b0: {  	p6 =	sgt.f32 s25, s19;
	s23 =	sld [smem:$0x7E3];
	s2 =	simm.s32 @!p0 $0x0  }
0x4b1: {  	p0 =	por !p1, !p1;
	p4 =	por !p2, !p3;
	p2 =	sgt.f32 s5, $0.0e+00  }
0x4b2: {  	p1 =	por !p5, !p6;
	p3 =	sgt.f32 s28, s19;
	p5 =	sgt.f32 s30, s19  }
0x4b3: {  	s5 =	simm.s32 $0x1;
	s1 =	simm.s32 @!p0 $0x0;
	p0 =	por !p4, !p4  }
0x4b4: {  	p4 =	sgt.f32 s6, $0.0e+00;
	s6 =	smul.f32 s7, s7;
	s3 =	simm.s32 @!p0 $0x0  }
0x4b5: {  	p0 =	por !p1, !p1;
	s1 =	ssub.s32 s2, s1;
	s2 =	ssub.f32 s8, s0  }
0x4b6: {  	p1 =	por !p2, !p3;
	p3 =	sgt.f32 s7, $0.0e+00;
	s8 =	ssub.f32 s10, s0  }
0x4b7: {  	s4 =	simm.s32 @!p0 $0x0;
	p1 =	por !p1, !p1;
	p0 =	por !p4, !p5  }
0x4b8: {  	p6 =	sgt.f32 s6, s19;
	s6 =	simm.s32 $0x1;
	s1 =	ssub.s32 s1, s3  }
0x4b9: {  	s3 =	ssub.f32 s12, s0;
	s5 =	simm.s32 @!p1 $0x0;
	s9 =	smul.f32 s2, s2  }
0x4ba: {  	p0 =	por !p0, !p0;
	p5 =	sgt.f32 s2, $0.0e+00;
	s11 =	smul.f32 s8, s8  }
0x4bb: {  	s2 =	simm.s32 $0x1;
	p2 =	sgt.f32 s8, $0.0e+00;
	s8 =	ssub.f32 s17, s0  }
0x4bc: {  	s1 =	ssub.s32 s1, s4;
	p4 =	por !p3, !p6;
	s6 =	simm.s32 @!p0 $0x0  }
0x4bd: {  	s13 =	smul.f32 s3, s3;
	s1 =	ssub.s32 s1, s5;
	s5 =	ssub.f32 s23, s0  }
0x4be: {  	p0 =	por !p4, !p4;
	p6 =	sgt.f32 s9, s19;
	p4 =	sgt.f32 s11, s19  }
0x4bf: {  	s9 =	simm.s32 $0x1;
	s20 =	smul.f32 s8, s8;
	s1 =	ssub.s32 s1, s6  }
0x4c0: {  	s6 =	ssub.f32 s26, s0;
	s2 =	simm.s32 @!p0 $0x0;
	p0 =	sgt.f32 s8, $0.0e+00  }
0x4c1: {  	s8 =	ssub.f32 s21, s0;
	s25 =	smul.f32 s5, s5;
	p1 =	por !p5, !p6  }
0x4c2: {  	p5 =	por !p2, !p4;
	p6 =	sgt.f32 s3, $0.0e+00;
	p4 =	sgt.f32 s13, s19  }
0x4c3: {  	s3 =	simm.s32 $0x1;
	s1 =	ssub.s32 s1, s2;
	s2 =	ssub.f32 s24, s0  }
0x4c4: {  	s0 =	ssub.f32 s29, s0;
	s30 =	smul.f32 s6, s6;
	p3 =	por !p1, !p1  }
0x4c5: {  	p2 =	por !p5, !p5;
	s22 =	smul.f32 s8, s8;
	s9 =	simm.s32 @!p3 $0x0  }
0x4c6: {  	s3 =	simm.s32 @!p2 $0x0;
	p3 =	sgt.f32 s20, s19;
	p2 =	sgt.f32 s8, $0.0e+00  }
0x4c7: {  	p1 =	por !p6, !p4;
	s28 =	smul.f32 s2, s2;
	p6 =	sgt.f32 s25, s19  }
0x4c8: {  	s8 =	simm.s32 $0x1;
	s31 =	smul.f32 s0, s0;
	p5 =	sgt.f32 s22, s19  }
0x4c9: {  	s1 =	ssub.s32 s1, s9;
	p1 =	por !p1, !p1;
	p4 =	sgt.f32 s28, s19  }
0x4ca: {  	s8 =	simm.s32 @!p1 $0x0;
	p1 =	sgt.f32 s30, s19;
	p3 =	por !p0, !p3  }
0x4cb: {  	p0 =	sgt.f32 s31, s19;
	s1 =	ssub.s32 s1, s3;
	s3 =	simm.s32 $0x1  }
0x4cc: {  	p3 =	por !p3, !p3;
	p2 =	por !p2, !p5;
	p5 =	sgt.f32 s5, $0.0e+00  }
0x4cd: {  	s1 =	ssub.s32 s1, s8;
	s3 =	simm.s32 @!p3 $0x0;
	p2 =	por !p2, !p2  }
0x4ce: {  	p3 =	sgt.f32 s6, $0.0e+00;
	p5 =	por !p5, !p6;
	p6 =	sgt.f32 s2, $0.0e+00  }
0x4cf: {  	s2 =	simm.s32 $0x1;
	s1 =	ssub.s32 s1, s3;
	s3 =	simm.s32 $0x1  }
0x4d0: {  	s2 =	simm.s32 @!p2 $0x0;
	p2 =	por !p5, !p5;
	p1 =	por !p3, !p1  }
0x4d1: {  	p4 =	por !p6, !p4;
	p6 =	sgt.f32 s0, $0.0e+00;
	s0 =	simm.s32 $0x1  }
0x4d2: {  	s1 =	ssub.s32 s1, s2;
	s3 =	simm.s32 @!p2 $0x0;
	p4 =	por !p4, !p4  }
0x4d3: {  	p1 =	por !p1, !p1;
	s1 =	ssub.s32 s1, s3;
	s0 =	simm.s32 @!p4 $0x0  }
0x4d4: {  	p0 =	por !p6, !p0;
	s0 =	ssub.s32 s1, s0;
	s1 =	simm.s32 $0x1  }
0x4d5: {  	s2 =	simm.s32 $0x1;
	p0 =	por !p0, !p0;
	s1 =	simm.s32 @!p1 $0x0  }
0x4d6: {  	s2 =	simm.s32 @!p0 $0x0;
	s0 =	ssub.s32 s0, s1  }
0x4d7: {  	s0 =	ssub.s32 s0, s2  }
0x4d8: {  	s0 =	sshll.u32 s0, $0x4  }
0x4d9: {  	s1 =	sadd.s32 $0x10, s18;
	s0 =	sadd.s32 $0x100, s0  }
0x4da: {  	p0 =	sge.u32 s1, s0  }
.Ltmp20:
0x4db: {  	_ = 	snop;
	(pc) =	sbr.rel @p0 .LBB2_21-.Ltmp20, $1  }
0x4dc: {  	_ =	sdelay $0x3  }
0x4dd: {  	s2 =	sand.u32 $0x7FFFFFF0, s16  }
0x4de: {  	v10 =	vld [tilespmem:s2+$0x2000];
	_ =	sdelay $0x4  }
0x4df: {  	v29 =	vbroadcast v10, $0x0;
	v30 =	vbroadcast v10, $0x1  }
0x4e0: {  	s3 =	sld [smem:$0x7D4];
	v28 =	vld [tilespmem:s2+$0x1000];
	v31 =	vbroadcast v10, $0x2;
	v32 =	vbroadcast v10, $0x3  }
0x4e1: {  	v20 =	vld [tilespmem:s2+$0x3000];
	v33 =	vbroadcast v10, $0x4;
	v34 =	vbroadcast v10, $0x5  }
0x4e2: {  	v35 =	vbroadcast v10, $0x6;
	v36 =	vbroadcast v10, $0x7  }
0x4e3: {  	v0 =	vld [tilespmem:s3+$0x0];
	v37 =	vbroadcast v10, $0x8;
	v38 =	vbroadcast v10, $0x9  }
0x4e4: {  	v39 =	vbroadcast v10, $0xA;
	v40 =	vbroadcast v10, $0xB  }
0x4e5: {  	v8 =	vbroadcast v10, $0xC;
	v5 =	vbroadcast v10, $0xD  }
0x4e6: {  	v21 =	vbroadcast v20, $0x0;
	v22 =	vbroadcast v28, $0x0  }
0x4e7: {  	v23 =	vbroadcast v20, $0x1;
	v24 =	vbroadcast v28, $0x1  }
0x4e8: {  	v41 =	vbroadcast v10, $0xF;
	v1 =	vbroadcast v0, $0x0  }
0x4e9: {  	v2 =	vbroadcast v0, $0x1;
	v3 =	vbroadcast v0, $0x2  }
0x4ea: {  	v4 =	vbroadcast v0, $0x3;
	v6 =	vbroadcast v0, $0x4  }
0x4eb: {  	v7 =	vbroadcast v0, $0x5;
	v11 =	vbroadcast v0, $0x6  }
0x4ec: {  	v62 =	vld [tilespmem:$0x1FD90];
	v12 =	vbroadcast v0, $0x7;
	v13 =	vbroadcast v0, $0x8  }
0x4ed: {  	v14 =	vbroadcast v0, $0x9;
	v15 =	vbroadcast v0, $0xA  }
0x4ee: {  	v16 =	vbroadcast v0, $0xB;
	v17 =	vbroadcast v0, $0xC  }
0x4ef: {  	v18 =	vbroadcast v0, $0xD;
	v19 =	vbroadcast v0, $0xE  }
0x4f0: {  	v0 =	vbroadcast v0, $0xF;
	v1 =	vmul.f32 v1, v56  }
0x4f1: {  	v22 =	vmul.f32 v22, v62;
	v2 =	vmul.f32 v2, v56  }
0x4f2: {  	v3 =	vmul.f32 v3, v56;
	v1 =	vadd.f32 v21, v1;
	v21 =	vbroadcast v20, $0x2  }
0x4f3: {  	v4 =	vmul.f32 v4, v56;
	v2 =	vadd.f32 v23, v2;
	v23 =	vbroadcast v20, $0x3  }
0x4f4: {  	v6 =	vmul.f32 v6, v56;
	v3 =	vadd.f32 v21, v3;
	v21 =	vbroadcast v20, $0x4  }
0x4f5: {  	v7 =	vmul.f32 v7, v56;
	v4 =	vadd.f32 v23, v4;
	v23 =	vbroadcast v20, $0x5  }
0x4f6: {  	v11 =	vmul.f32 v11, v56;
	v6 =	vadd.f32 v21, v6;
	v21 =	vbroadcast v20, $0x6  }
0x4f7: {  	v12 =	vmul.f32 v12, v56;
	v7 =	vadd.f32 v23, v7;
	v23 =	vbroadcast v20, $0x7  }
0x4f8: {  	v13 =	vmul.f32 v13, v56;
	v11 =	vadd.f32 v21, v11;
	v21 =	vbroadcast v20, $0x8  }
0x4f9: {  	v14 =	vmul.f32 v14, v56;
	v12 =	vadd.f32 v23, v12;
	v23 =	vbroadcast v20, $0x9  }
0x4fa: {  	v15 =	vmul.f32 v15, v56;
	v13 =	vadd.f32 v21, v13;
	v21 =	vbroadcast v20, $0xA  }
0x4fb: {  	v16 =	vmul.f32 v16, v56;
	v14 =	vadd.f32 v23, v14;
	v23 =	vbroadcast v20, $0xB  }
0x4fc: {  	v17 =	vmul.f32 v17, v56;
	v15 =	vadd.f32 v21, v15;
	v21 =	vbroadcast v20, $0xC  }
0x4fd: {  	v18 =	vmul.f32 v18, v56;
	v19 =	vmul.f32 v19, v56;
	v16 =	vadd.f32 v23, v16  }
0x4fe: {  	v23 =	vbroadcast v20, $0xD;
	v17 =	vadd.f32 v21, v17;
	v21 =	vbroadcast v20, $0xE  }
0x4ff: {  	v0 =	vmul.f32 v0, v56;
	v20 =	vbroadcast v20, $0xF  }
0x500: {  	v18 =	vadd.f32 v23, v18;
	v19 =	vadd.f32 v21, v19;
	v21 =	vbroadcast v28, $0x2  }
0x501: {  	v23 =	vmul.f32 v24, v62;
	v0 =	vadd.f32 v20, v0;
	v20 =	vbroadcast v28, $0x3  }
0x502: {  	v1 =	vadd.f32 v1, v22;
	v22 =	vbroadcast v28, $0x4;
	v21 =	vmul.f32 v21, v62  }
0x503: {  	v2 =	vadd.f32 v2, v23;
	v23 =	vbroadcast v28, $0x5;
	v20 =	vmul.f32 v20, v62  }
0x504: {  	v22 =	vmul.f32 v22, v62;
	v3 =	vadd.f32 v3, v21;
	v21 =	vbroadcast v28, $0x6  }
0x505: {  	v24 =	vbroadcast v28, $0x7;
	v23 =	vmul.f32 v23, v62;
	v4 =	vadd.f32 v4, v20  }
0x506: {  	v20 =	vadd.f32 v6, v22;
	v6 =	vbroadcast v28, $0x8;
	v22 =	vmul.f32 v21, v62  }
0x507: {  	v61 =	vmul.f32 v31, v43;
	v21 =	vadd.f32 v7, v23;
	v23 =	vmul.f32 v24, v62  }
0x508: {  	v7 =	vbroadcast v28, $0x9;
	v6 =	vmul.f32 v6, v62;
	v22 =	vadd.f32 v11, v22  }
0x509: {  	v11 =	vbroadcast v28, $0xA;
	v23 =	vadd.f32 v12, v23;
	v12 =	vbroadcast v28, $0xB  }
0x50a: {  	v7 =	vmul.f32 v7, v62;
	v24 =	vadd.f32 v13, v6;
	v6 =	vbroadcast v28, $0xC  }
0x50b: {  	v13 =	vbroadcast v28, $0xE;
	v12 =	vmul.f32 v12, v62  }
0x50c: {  	v11 =	vmul.f32 v11, v62;
	v25 =	vadd.f32 v14, v7;
	v7 =	vbroadcast v28, $0xD  }
0x50d: {  	v6 =	vmul.f32 v6, v62;
	v27 =	vadd.f32 v16, v12;
	v12 =	vbroadcast v28, $0xF  }
0x50e: {  	v26 =	vadd.f32 v15, v11;
	v7 =	vmul.f32 v7, v62;
	v11 =	vbroadcast v10, $0xE  }
0x50f: {  	s1 =	sadd.s32 $0x1, s1;
	v15 =	vadd.f32 v17, v6;
	v6 =	vmul.f32 v13, v62;
	v16 =	vmul.f32 v35, v43  }
0x510: {  	p0 =	slt.u32 s1, s0;
	v17 =	vmul.f32 v36, v43;
	v35 =	vmul.f32 v39, v43;
	v28 =	vadd.f32 v18, v7  }
.Ltmp21:
0x511: {  	v7 =	vmul.f32 v12, v62;
	v14 =	vadd.f32 v19, v6;
	v6 =	vmul.f32 v29, v43;
	(pc) =	sbr.rel @!p0 .LBB2_24-.Ltmp21, $4  }
0x512: {  	v13 =	vadd.f32 v3, v61;
	v12 =	vmul.f32 v30, v43;
	v18 =	vmul.f32 v33, v43  }
0x513: {  	v19 =	vmul.f32 v34, v43;
	v29 =	vadd.f32 v0, v7;
	v7 =	vmul.f32 v32, v43  }
0x514: {  	v33 =	vmul.f32 v37, v43;
	v34 =	vmul.f32 v38, v43;
	v30 =	vadd.f32 v1, v6  }
0x515: {  	s2 =	sadd.s32 $0x10, s3;
	v31 =	vadd.f32 v2, v12;
	v12 =	vmul.f32 v40, v43;
	v32 =	vadd.f32 v4, v7  }
.LBB2_23:
0x516: {  	v0 =	vld [tilespmem:s2+$0x0]  }
0x517: {  	v2 =	vadd.f32 v21, v19  }
0x518: {  	v4 =	vadd.f32 v22, v16;
	v1 =	vadd.f32 v20, v18  }
0x519: {  	v6 =	vadd.f32 v23, v17;
	v16 =	vadd.f32 v26, v35;
	v3 =	vmul.f32 v8, v43  }
0x51a: {  	v12 =	vadd.f32 v27, v12;
	v7 =	vmul.f32 v5, v43;
	v11 =	vmul.f32 v11, v43  }
0x51b: {  	s16 =	sadd.s32 $0x10, s16;
	v58 =	vmin.f32 v4, v6;
	v10 =	vmul.f32 v41, v43;
	v17 =	vbroadcast v0, $0x0  }
0x51c: {  	s3 =	sand.u32 $0x7FFFFFF0, s16;
	v6 =	vmin.f32 v16, v12;
	v16 =	vbroadcast v0, $0x6;
	v18 =	vbroadcast v0, $0x7  }
0x51d: {  	v9 =	vadd.f32 v25, v34;
	v60 =	vld [tilespmem:s3+$0x2000];
	v19 =	vbroadcast v0, $0x8;
	v20 =	vbroadcast v0, $0x9  }
0x51e: {  	v8 =	vadd.f32 v24, v33;
	v21 =	vbroadcast v0, $0xA;
	v22 =	vbroadcast v0, $0xB  }
0x51f: {  	v13 =	vmin.f32 v13, v32;
	v23 =	vbroadcast v0, $0xC;
	v24 =	vbroadcast v0, $0xD  }
0x520: {  	v25 =	vbroadcast v0, $0xE;
	v12 =	vbroadcast v0, $0xF;
	v4 =	vmin.f32 v8, v9  }
0x521: {  	v3 =	vadd.f32 v15, v3;
	v59 =	vmin.f32 v4, v6;
	v4 =	vbroadcast v0, $0x1  }
0x522: {  	v7 =	vadd.f32 v28, v7;
	v6 =	vbroadcast v0, $0x3;
	v27 =	vbroadcast v60, $0x1  }
0x523: {  	v11 =	vadd.f32 v14, v11;
	v28 =	vbroadcast v60, $0x2;
	v32 =	vbroadcast v60, $0x3  }
0x524: {  	v14 =	vmin.f32 v30, v31;
	v31 =	vbroadcast v60, $0x4;
	v15 =	vbroadcast v60, $0x5  }
0x525: {  	v34 =	vbroadcast v60, $0x6;
	v35 =	vbroadcast v60, $0x7  }
0x526: {  	v61 =	vbroadcast v60, $0x8;
	v36 =	vbroadcast v60, $0x9  }
0x527: {  	v37 =	vbroadcast v60, $0xA;
	v38 =	vbroadcast v60, $0xB  }
0x528: {  	v39 =	vbroadcast v60, $0xC;
	v40 =	vbroadcast v60, $0xD  }
0x529: {  	v41 =	vbroadcast v60, $0xE;
	v42 =	vbroadcast v60, $0xF  }
0x52a: {  	v1 =	vmin.f32 v1, v2;
	v9 =	vmul.f32 v17, v56;
	v20 =	vmul.f32 v20, v56  }
0x52b: {  	v1 =	vmin.f32 v1, v58;
	v33 =	vld [tilespmem:s3+$0x3000];
	v21 =	vmul.f32 v21, v56;
	v22 =	vmul.f32 v22, v56  }
0x52c: {  	v10 =	vadd.f32 v29, v10;
	v23 =	vmul.f32 v23, v56;
	v24 =	vmul.f32 v24, v56  }
0x52d: {  	v8 =	vmin.f32 v14, v13;
	v25 =	vmul.f32 v25, v56;
	v12 =	vmul.f32 v12, v56  }
0x52e: {  	v3 =	vmin.f32 v3, v7;
	v1 =	vmin.f32 v8, v1;
	v8 =	vbroadcast v60, $0x0  }
0x52f: {  	v7 =	vmin.f32 v11, v10;
	v10 =	vmul.f32 v18, v56;
	v11 =	vmul.f32 v19, v56  }
0x530: {  	v3 =	vmin.f32 v3, v7;
	v7 =	vbroadcast v0, $0x5;
	[tilespmem:$0x1FBE0] =	vst v37;
	v26 =	vbroadcast v33, $0x0  }
0x531: {  	[tilespmem:$0x1FBD0] =	vst v39;
	v37 =	vbroadcast v33, $0x1;
	v39 =	vbroadcast v33, $0x2  }
0x532: {  	v5 =	vmov v43;
	[tilespmem:$0x1FB70] =	vst v41;
	v41 =	vbroadcast v33, $0x3;
	v43 =	vbroadcast v33, $0x4  }
0x533: {  	v45 =	vbroadcast v33, $0x5;
	v47 =	vbroadcast v33, $0x6  }
0x534: {  	v49 =	vbroadcast v33, $0x7;
	v51 =	vbroadcast v33, $0x8  }
0x535: {  	v53 =	vbroadcast v33, $0x9;
	v55 =	vbroadcast v33, $0xA  }
0x536: {  	[tilespmem:$0x1FB90] =	vst v61;
	v57 =	vbroadcast v33, $0xB;
	v61 =	vbroadcast v33, $0xD  }
0x537: {  	v30 =	vld [tilespmem:s3+$0x1000];
	v4 =	vmul.f32 v4, v56;
	v6 =	vmul.f32 v6, v56  }
0x538: {  	v32 =	vmul.f32 v32, v5;
	v18 =	vmul.f32 v31, v5  }
0x539: {  	v19 =	vmul.f32 v15, v5;
	v2 =	vmin.f32 v59, v3;
	v3 =	vbroadcast v0, $0x2  }
0x53a: {  	[tilespmem:$0x1FBB0] =	vst v36;
	v59 =	vbroadcast v33, $0xC;
	v13 =	vmul.f32 v8, v5  }
0x53b: {  	[tilespmem:$0x1FBF0] =	vst v38;
	v8 =	vmul.f32 v27, v5;
	v1 =	vmin.f32 v1, v2;
	v2 =	vbroadcast v0, $0x4  }
0x53c: {  	[tilespmem:$0x1FBC0] =	vst v40;
	v36 =	vbroadcast v30, $0x0;
	v38 =	vbroadcast v30, $0x1  }
0x53d: {  	[tilespmem:$0x1FBA0] =	vst v42;
	v40 =	vbroadcast v30, $0x2;
	v42 =	vbroadcast v30, $0x3  }
0x53e: {  	v29 =	vbroadcast v30, $0x4;
	v46 =	vbroadcast v30, $0x5  }
0x53f: {  	v48 =	vbroadcast v30, $0x6;
	v50 =	vbroadcast v30, $0x7  }
0x540: {  	v52 =	vbroadcast v30, $0x8;
	v54 =	vbroadcast v30, $0x9  }
0x541: {  	v14 =	vbroadcast v30, $0xA;
	v58 =	vbroadcast v30, $0xB  }
0x542: {  	v60 =	vbroadcast v30, $0xC;
	v44 =	vbroadcast v30, $0xD  }
0x543: {  	v7 =	vmul.f32 v7, v56;
	v0 =	vmul.f32 v16, v56  }
0x544: {  	v16 =	vmul.f32 v34, v5;
	v9 =	vadd.f32 v26, v9;
	v4 =	vadd.f32 v37, v4  }
0x545: {  	v6 =	vadd.f32 v41, v6;
	v10 =	vadd.f32 v49, v10;
	v3 =	vmul.f32 v3, v56  }
0x546: {  	v11 =	vadd.f32 v51, v11;
	[tilespmem:$0x1FB60] =	vst v44;
	v44 =	vbroadcast v30, $0xE;
	v2 =	vmul.f32 v2, v56  }
0x547: {  	v51 =	vadd.f32 v61, v24;
	v15 =	vmul.f32 v36, v62;
	v27 =	vmul.f32 v38, v62  }
0x548: {  	v63 =	vmin.f32 v63, v1;
	v26 =	vmul.f32 v40, v62;
	v29 =	vmul.f32 v29, v62  }
0x549: {  	v7 =	vadd.f32 v45, v7;
	v31 =	vmul.f32 v46, v62;
	v0 =	vadd.f32 v47, v0  }
0x54a: {  	v34 =	vmul.f32 v48, v62;
	v45 =	vadd.f32 v53, v20;
	v46 =	vmul.f32 v50, v62  }
0x54b: {  	v47 =	vadd.f32 v55, v21;
	v48 =	vadd.f32 v57, v22;
	v49 =	vmul.f32 v52, v62  }
0x54c: {  	v50 =	vadd.f32 v59, v23;
	v52 =	vmul.f32 v54, v62;
	v54 =	vmul.f32 v60, v62  }
0x54d: {  	v1 =	vmovc v63;
	v63 =	vbroadcast v33, $0xE;
	v3 =	vadd.f32 v39, v3;
	v2 =	vadd.f32 v43, v2  }
0x54e: {  	v33 =	vbroadcast v33, $0xF;
	v9 =	vadd.f32 v9, v15;
	v4 =	vadd.f32 v4, v27  }
0x54f: {  	v59 =	vld [tilespmem:$0x1FBB0];
	[tilespmem:$0x1FB80] =	vst v44;
	v44 =	vmul.f32 v28, v5;
	v21 =	vadd.f32 v7, v31;
	v22 =	vadd.f32 v0, v34  }
0x550: {  	v60 =	vld [tilespmem:$0x1FBE0];
	v28 =	vmul.f32 v42, v62;
	v23 =	vadd.f32 v10, v46;
	v24 =	vadd.f32 v11, v49  }
0x551: {  	v55 =	vld [tilespmem:$0x1FB60];
	v15 =	vmul.f32 v14, v62;
	v53 =	vadd.f32 v63, v25;
	v12 =	vadd.f32 v33, v12  }
0x552: {  	v27 =	vmul.f32 v58, v62;
	v3 =	vadd.f32 v3, v26;
	v25 =	vadd.f32 v45, v52;
	v57 =	vld [tilespmem:$0x1FB80]  }
0x553: {  	s1 =	sadd.s32 $0x1, s1;
	v61 =	vld [tilespmem:$0x1FBF0];
	v30 =	vbroadcast v30, $0xF;
	v6 =	vadd.f32 v6, v28;
	v20 =	vadd.f32 v2, v29  }
0x554: {  	p0 =	slt.u32 s1, s0;
	v17 =	vmul.f32 v35, v5;
	v58 =	vld [tilespmem:$0x1FB90];
	v26 =	vadd.f32 v47, v15;
	v27 =	vadd.f32 v48, v27  }
.Ltmp22:
0x555: {  	v10 =	vmul.f32 v30, v62;
	v43 =	vmovc v5;
	v15 =	vadd.f32 v50, v54;
	v30 =	vadd.f32 v9, v13;
	(pc) =	sbr.rel @p0 .LBB2_23-.Ltmp22, $4  }
0x556: {  	v41 =	vld [tilespmem:$0x1FBA0];
	v31 =	vadd.f32 v4, v8;
	v34 =	vmul.f32 v59, v5;
	v35 =	vmul.f32 v60, v43  }
0x557: {  	v11 =	vld [tilespmem:$0x1FB70];
	v29 =	vadd.f32 v12, v10;
	v0 =	vmul.f32 v55, v62;
	v7 =	vmul.f32 v57, v62  }
0x558: {  	v8 =	vld [tilespmem:$0x1FBD0];
	v13 =	vadd.f32 v3, v44;
	v12 =	vmul.f32 v61, v43;
	v32 =	vadd.f32 v6, v32  }
0x559: {  	s2 =	sadd.s32 $0x10, s2;
	v63 =	vmovc v1;
	v33 =	vmul.f32 v58, v5;
	v5 =	vld [tilespmem:$0x1FBC0];
	v28 =	vadd.f32 v51, v0;
	v14 =	vadd.f32 v53, v7  }
.LBB2_24:
0x55a: {  	v0 =	vadd.f32 v20, v18  }
0x55b: {  	v1 =	vadd.f32 v21, v19;
	v3 =	vadd.f32 v22, v16  }
0x55c: {  	v4 =	vadd.f32 v23, v17;
	v7 =	vadd.f32 v25, v34  }
0x55d: {  	v9 =	vadd.f32 v26, v35;
	v6 =	vadd.f32 v24, v33  }
0x55e: {  	v10 =	vadd.f32 v27, v12;
	v58 =	vmul.f32 v41, v43;
	v57 =	vmul.f32 v11, v43  }
0x55f: {  	v59 =	vmin.f32 v30, v31;
	v2 =	vmul.f32 v8, v43;
	v5 =	vmul.f32 v5, v43  }
0x560: {  	v13 =	vmin.f32 v13, v32;
	v11 =	vadd.f32 v29, v58;
	v8 =	vadd.f32 v14, v57  }
0x561: {  	v0 =	vmin.f32 v0, v1;
	v2 =	vadd.f32 v15, v2;
	v5 =	vadd.f32 v28, v5  }
0x562: {  	v1 =	vmin.f32 v3, v4;
	v62 =	vmin.f32 v59, v13;
	v3 =	vmin.f32 v6, v7  }
.Ltmp23:
0x563: {  	v60 =	vmin.f32 v9, v10;
	v61 =	vmin.f32 v8, v11;
	v2 =	vmin.f32 v2, v5;
	(pc) =	sbr.rel .LBB2_25-.Ltmp23, $4  }
0x564: {  	v0 =	vmin.f32 v0, v1;
	v1 =	vmin.f32 v3, v60;
	v2 =	vmin.f32 v2, v61  }
0x565: {  	v0 =	vmin.f32 v62, v0;
	v1 =	vmin.f32 v1, v2  }
0x566: {  	v0 =	vmin.f32 v0, v1  }
0x567: {  	v63 =	vmin.f32 v63, v0;
	v0 =	vld [tilespmem:$0x1FD30]  }
.LBB2_27:
0x568: {  	_ =	sfence.sel $0x180000  }
0x569: {  	[bflag:$0x0] =	sbarrier.arrive $0xFFFF  }
0x56a: {  	_ =	strace $0x90000053  }
0x56b: {  	s0 =	stileid.u32;
	[bflag:$0x2] =	sbarrier.arrive $0xFFFF  }
0x56c: {  	p0 =	sne.s32 s0, $0x0;
	s0 =	rddreg [dreg:$0x1]  }
0x56d: {  	s0 =	sadd.s32 @!p0 $0x100000, s0  }
0x56e: {  	[sflag:s0] =	ssyncadd.tile.s32 @!p0 $0x1;
	_ =	shalt  }
.Lfunc_end2:
_tile_overlayer_lowered:
.L_overlay_start_2:
0x56f: {  	(tag) =	ssettag $0x2  }
0x570: {  	s0 =	rddreg [dreg:$0x0];
	s2 =	stileid.u32  }
0x571: {  	s1 =	rddreg [dreg:$0x1];
	p0 =	sne.s32 s2, $0x0  }
0x572: {  	s3 =	rddreg [dreg:$0x2];
	[bflag:$0x3] =	sbarrier.arrive $0xFFFF;
	s2 =	simm.s32 @!p0 $0x1C01  }
0x573: {  	[timem:s3], [sflag:s2] =	dma.local @!p0 [hbm:s0], s1  }
0x574: {  	s0 =	simm.s32 @!p0 $0x1  }
0x575: {  	_ =	swait.ge @!p0 [sflag:s0], s1  }
0x576: {  	s1 =	ssub.s32 @!p0 $0x0, s1;
	[sflag:s0] =	ssyncset.done @!p0 $0x0  }
0x577: {  	[sflag:s0] =	ssyncadd.s32 @!p0 s1  }
0x578: {  	[bflag:$0x3] =	sbarrier.arrive $0xFFFF  }
0x579: {  	_ =	shalt  }

</sc_bundles>
